<compile_context>
chip_gen: v7x
topology: tpu7x:2x2x1
jax: 0.10.2.dev20260603
libtpu: 0.0.44.dev20260713+nightly
codegen_flags: <defaults>
</compile_context>

<pallas_src>
import functools

import jax
import jax.numpy as jnp
from jax import lax
from jax.experimental import pallas as pl
from jax.experimental.pallas import tpu as pltpu
from jax.experimental.pallas import tpu_sc as plsc

N = 10000
E = 320000
D = 128
NC = 2
NS = 16
NW = NC * NS
EPT = E // NW
C = 40
NCH = EPT // C
NPAD = 10240
RPT = NPAD // NS

def _hist_body(edge_hbm, ones_hbm, z2_hbm, out_hbm,
               sidx, didx, ones_s, ones_d, stage, deg_sh,
               hs0, hs1, hs2, hs3, hs4, hd0, hd1, hd2, hd3, hd4):
    ssems = (hs0, hs1, hs2, hs3, hs4)
    dsems = (hd0, hd1, hd2, hd3, hd4)
    cid = lax.axis_index("c")
    sid = lax.axis_index("s")
    gid = cid * NS + sid
    pltpu.sync_copy(edge_hbm.at[0, gid], sidx)
    pltpu.sync_copy(edge_hbm.at[1, gid], didx)
    pltpu.sync_copy(ones_hbm.at[0], ones_s)
    pltpu.sync_copy(ones_hbm.at[1], ones_d)
    pltpu.sync_copy(z2_hbm, stage)
    pltpu.sync_copy(stage, deg_sh.at[pl.ds(sid * RPT, RPT), :])
    plsc.subcore_barrier()

    def body(i, carry):
        for b in range(NB):
            j = NB * i + b

            @pl.when(i >= 1)
            def _(b=b, j=j):
                pltpu.make_async_copy(
                    ones_s, deg_sh.at[sidx.at[j]], ssems[b]).wait()
                pltpu.make_async_copy(
                    ones_d, deg_sh.at[didx.at[j]], dsems[b]).wait()

            pltpu.async_copy(ones_s, deg_sh.at[sidx.at[j]], ssems[b], add=True)
            pltpu.async_copy(ones_d, deg_sh.at[didx.at[j]], dsems[b], add=True)
        return carry

    lax.fori_loop(0, NCH // NB, body, 0)
    for b in range(NB):
        pltpu.make_async_copy(ones_s, deg_sh.at[sidx.at[0]], ssems[b]).wait()
        pltpu.make_async_copy(ones_d, deg_sh.at[didx.at[0]], dsems[b]).wait()
    plsc.subcore_barrier()
    pltpu.sync_copy(deg_sh.at[pl.ds(sid * RPT, RPT), :], stage)
    pltpu.sync_copy(stage, out_hbm.at[cid, pl.ds(sid * RPT, RPT), :])


NB = 5


def _agg_body(h_hbm, edge_hbm, zd_hbm, out_hbm,
              sidx, didx, b0, b1, b2, b3, b4, acc_sh,
              g0, g1, g2, g3, g4, s0, s1, s2, s3, s4, ws):
    bufs = (b0, b1, b2, b3, b4)
    gsem = (g0, g1, g2, g3, g4)
    ssem = (s0, s1, s2, s3, s4)
    cid = lax.axis_index("c")
    sid = lax.axis_index("s")
    gid = cid * NS + sid
    pltpu.sync_copy(edge_hbm.at[0, gid], sidx)
    pltpu.sync_copy(edge_hbm.at[1, gid], didx)
    pltpu.sync_copy(zd_hbm, b4)
    for k in range(RPT // C):
        pltpu.async_copy(b4, acc_sh.at[pl.ds(sid * RPT + k * C, C), :], ws)
    pltpu.async_copy(h_hbm.at[sidx.at[0]], bufs[0], gsem[0])
    pltpu.async_copy(h_hbm.at[sidx.at[1]], bufs[1], gsem[1])
    for k in range(RPT // C):
        pltpu.make_async_copy(b4, acc_sh.at[pl.ds(sid * RPT, C), :], ws).wait()
    plsc.subcore_barrier()

    def body(i, carry):
        for b in range(NB):
            j = NB * i + b
            buf = bufs[b]
            pltpu.make_async_copy(h_hbm.at[sidx.at[j]], buf, gsem[b]).wait()
            pltpu.async_copy(buf, acc_sh.at[didx.at[j]], ssem[b], add=True)
            jn = j + 2
            bn = (b + 2) % NB
            if b <= 2:
                @pl.when(i >= 1)
                def _(bn=bn, jn=jn):
                    pltpu.make_async_copy(
                        bufs[bn], acc_sh.at[didx.at[jn]], ssem[bn]).wait()
                pltpu.async_copy(h_hbm.at[sidx.at[jn]], bufs[bn], gsem[bn])
            else:
                pltpu.make_async_copy(
                    bufs[bn], acc_sh.at[didx.at[jn]], ssem[bn]).wait()

                @pl.when(i < NCH // NB - 1)
                def _(bn=bn, jn=jn):
                    pltpu.async_copy(h_hbm.at[sidx.at[jn]], bufs[bn], gsem[bn])
        return carry

    lax.fori_loop(0, NCH // NB, body, 0)
    for b in (2, 3, 4):
        pltpu.make_async_copy(bufs[b], acc_sh.at[didx.at[0]], ssem[b]).wait()
    plsc.subcore_barrier()

    for k in range(RPT // C):
        pltpu.async_copy(acc_sh.at[pl.ds(sid * RPT + k * C, C), :],
                         out_hbm.at[cid, pl.ds(sid * RPT + k * C, C), :], ws)
    for k in range(RPT // C):
        pltpu.make_async_copy(acc_sh.at[pl.ds(sid * RPT, C), :],
                              out_hbm.at[cid, pl.ds(sid * RPT, C), :], ws).wait()


@functools.lru_cache(maxsize=None)
def _sc_kernels():
    mesh = plsc.VectorSubcoreMesh(
        core_axis_name="c", subcore_axis_name="s",
        num_cores=NC, num_subcores=NS)
    hist = pl.kernel(
        _hist_body,
        out_type=jax.ShapeDtypeStruct((NC, NPAD, 8), jnp.float32),
        mesh=mesh,
        compiler_params=pltpu.CompilerParams(use_tc_tiling_on_sc=False),
        scratch_types=[
            pltpu.VMEM((NCH, C), jnp.int32),
            pltpu.VMEM((NCH, C), jnp.int32),
            pltpu.VMEM((C, 8), jnp.float32),
            pltpu.VMEM((C, 8), jnp.float32),
            pltpu.VMEM((RPT, 8), jnp.float32),
            pltpu.VMEM_SHARED((NPAD, 8), jnp.float32),
        ] + [pltpu.SemaphoreType.DMA] * 10,
    )
    agg = pl.kernel(
        _agg_body,
        out_type=jax.ShapeDtypeStruct((NC, NPAD, D), jnp.float32),
        mesh=mesh,
        compiler_params=pltpu.CompilerParams(use_tc_tiling_on_sc=False),
        scratch_types=(
            [pltpu.VMEM((NCH, C), jnp.int32)] * 2
            + [pltpu.VMEM((C, D), jnp.float32)] * NB
            + [pltpu.VMEM_SHARED((NPAD, D), jnp.float32)]
            + [pltpu.SemaphoreType.DMA] * (2 * NB + 1)
        ),
    )
    return hist, agg


BR = 2000


def _prep_body(x_ref, hist_ref, hs_ref, norm_ref):
    deg = (hist_ref[0] + hist_ref[1])[:, 0:2]
    nrm = lax.rsqrt(jnp.maximum(deg, 1.0))
    norm_ref[...] = nrm
    hs_ref[...] = x_ref[...] * nrm[:, 0:1]


def _dense_body(p_ref, norm_ref, w_ref, b_ref, o_ref, *, scale_out):
    nrm = norm_ref[...]
    agg = (p_ref[0] + p_ref[1]) * nrm[:, 1:2]
    h = jnp.dot(agg, w_ref[...], preferred_element_type=jnp.float32)
    h = jnp.maximum(h + b_ref[...], 0.0)
    if scale_out:
        h = h * nrm[:, 0:1]
    o_ref[...] = h


_prep = pl.pallas_call(
    _prep_body,
    grid=(N // BR,),
    in_specs=[
        pl.BlockSpec((BR, D), lambda i: (i, 0)),
        pl.BlockSpec((2, BR, 8), lambda i: (0, i, 0)),
    ],
    out_specs=(pl.BlockSpec((BR, D), lambda i: (i, 0)),
               pl.BlockSpec((BR, 2), lambda i: (i, 0))),
    out_shape=(jax.ShapeDtypeStruct((N, D), jnp.float32),
               jax.ShapeDtypeStruct((N, 2), jnp.float32)),
)


def _make_dense(scale_out):
    return pl.pallas_call(
        functools.partial(_dense_body, scale_out=scale_out),
        grid=(N // BR,),
        in_specs=[
            pl.BlockSpec((2, BR, D), lambda i: (0, i, 0)),
            pl.BlockSpec((BR, 2), lambda i: (i, 0)),
            pl.BlockSpec((D, D), lambda i: (0, 0)),
            pl.BlockSpec((1, D), lambda i: (0, 0)),
        ],
        out_specs=pl.BlockSpec((BR, D), lambda i: (i, 0)),
        out_shape=jax.ShapeDtypeStruct((N, D), jnp.float32),
    )


_dense_scaled = _make_dense(True)
_dense_plain = _make_dense(False)


def kernel(x, edge_index, W1, b1, W2, b2):
    edge4 = edge_index.reshape(2, NW, NCH, C)
    ones2 = jnp.stack([
        jnp.tile(jnp.eye(8, dtype=jnp.float32)[0], (C, 1)),
        jnp.tile(jnp.eye(8, dtype=jnp.float32)[1], (C, 1)),
    ])
    z2 = jnp.zeros((RPT, 8), jnp.float32)
    zd = jnp.zeros((C, D), jnp.float32)

    hist_kernel, agg_kernel = _sc_kernels()
    hist = hist_kernel(edge4, ones2, z2)
    hs, nrm = _prep(x, hist)
    p1 = agg_kernel(hs, edge4, zd)
    h1s = _dense_scaled(p1, nrm, W1, b1.reshape(1, D))
    p2 = agg_kernel(h1s, edge4, zd)
    out = _dense_plain(p2, nrm, W2, b2.reshape(1, D))
    return out

# --- scband reference (transcript-rebuilt; emitter-appended) ---
"""Pipeline reference for scband-stochastic-two-layer-gcn-292057776847 (READ-ONLY COPY).

The authoritative reference and input builder live on the scoring server;
editing this copy changes nothing except your own understanding.
"""

import jax, jax.numpy as jnp
import numpy as np

N = 10000
E = 320000
D_IN = 128
D_HID = 128
D_OUT = 128


def setup_inputs(seed: int = 0) -> dict:
    key = jax.random.key(seed)
    k1, k2, k3, k4, k5, k6 = jax.random.split(key, 6)
    x = jax.random.normal(k1, (N, D_IN), dtype=jnp.float32)
    edge_index = jax.random.randint(k2, (2, E), 0, N, dtype=jnp.int32)
    # GraphConv weights (Glorot-like init)
    W1 = jax.random.normal(k3, (D_IN, D_HID), dtype=jnp.float32) * (1.0 / np.sqrt(D_IN))
    b1 = jnp.zeros((D_HID,), dtype=jnp.float32)
    W2 = jax.random.normal(k4, (D_HID, D_OUT), dtype=jnp.float32) * (1.0 / np.sqrt(D_HID))
    b2 = jnp.zeros((D_OUT,), dtype=jnp.float32)
    return {"x": x, "edge_index": edge_index, "W1": W1, "b1": b1, "W2": W2, "b2": b2}


def _graph_conv(x, src, dst, W, b):
    # DGL GraphConv with norm='both':
    #   h = D_dst^{-1/2} * A^T * (D_src^{-1/2} * x) @ W + b
    deg_out = jnp.zeros((N,), jnp.float32).at[src].add(1.0)
    deg_in = jnp.zeros((N,), jnp.float32).at[dst].add(1.0)
    norm_src = jnp.power(jnp.maximum(deg_out, 1.0), -0.5)
    norm_dst = jnp.power(jnp.maximum(deg_in, 1.0), -0.5)
    h = x * norm_src[:, None]
    msgs = jnp.take(h, src, axis=0)
    agg = jnp.zeros((N, h.shape[1]), jnp.float32).at[dst].add(msgs)
    agg = agg * norm_dst[:, None]
    return agg @ W + b


def reference(x, edge_index, W1, b1, W2, b2):
    src = edge_index[0]
    dst = edge_index[1]
    # Layer 1 (block 0): dst nodes = all N nodes, x_dst = x[:N] = x
    h = jax.nn.relu(_graph_conv(x, src, dst, W1, b1))
    # Layer 2 (block 1)
    out = jax.nn.relu(_graph_conv(h, src, dst, W2, b2))
    return out

if __name__ == "__main__":
    import jax
    _d = setup_inputs()
    print(jax.jit(kernel)(*tuple(_d.values())))

</pallas_src>

<mosaic_0001>
#map = affine_map<(d0, d1) -> (0, 0)>
#map1 = affine_map<(d0, d1) -> (0, 0, 0, 0)>
#map2 = affine_map<(d0, d1) -> (0, 0, 0)>
module attributes {stable_mosaic.version = 14 : i64} {
  func.func @_agg_body(%arg0: i32, %arg1: i32, %arg2: memref<10000x128xf32, #tpu.memory_space<hbm>>, %arg3: memref<2x32x250x40xi32, #tpu.memory_space<hbm>>, %arg4: memref<40x128xf32, #tpu.memory_space<hbm>>, %arg5: memref<2x10240x128xf32, #tpu.memory_space<hbm>>, %arg6: memref<250x40xi32, #tpu.memory_space<vmem>>, %arg7: memref<250x40xi32, #tpu.memory_space<vmem>>, %arg8: memref<40x128xf32, #tpu.memory_space<vmem>>, %arg9: memref<40x128xf32, #tpu.memory_space<vmem>>, %arg10: memref<40x128xf32, #tpu.memory_space<vmem>>, %arg11: memref<40x128xf32, #tpu.memory_space<vmem>>, %arg12: memref<40x128xf32, #tpu.memory_space<vmem>>, %arg13: memref<10240x128xf32, #tpu.memory_space<vmem_shared>>, %arg14: memref<!tpu.dma_semaphore, #tpu.memory_space<semaphore_mem>>, %arg15: memref<!tpu.dma_semaphore, #tpu.memory_space<semaphore_mem>>, %arg16: memref<!tpu.dma_semaphore, #tpu.memory_space<semaphore_mem>>, %arg17: memref<!tpu.dma_semaphore, #tpu.memory_space<semaphore_mem>>, %arg18: memref<!tpu.dma_semaphore, #tpu.memory_space<semaphore_mem>>, %arg19: memref<!tpu.dma_semaphore, #tpu.memory_space<semaphore_mem>>, %arg20: memref<!tpu.dma_semaphore, #tpu.memory_space<semaphore_mem>>, %arg21: memref<!tpu.dma_semaphore, #tpu.memory_space<semaphore_mem>>, %arg22: memref<!tpu.dma_semaphore, #tpu.memory_space<semaphore_mem>>, %arg23: memref<!tpu.dma_semaphore, #tpu.memory_space<semaphore_mem>>, %arg24: memref<!tpu.dma_semaphore, #tpu.memory_space<semaphore_mem>>) attributes {dimension_semantics = [#tpu.dimension_semantics<core_parallel>, #tpu.dimension_semantics<subcore_parallel>], iteration_bounds = array<i64: 2, 16>, scalar_prefetch = 0 : i64, scratch_operands = 19 : i64, tpu.core_type = #tpu.core_type<sc_vector_subcore>, window_params = [{transform_indices = #map}, {transform_indices = #map1}, {transform_indices = #map}, {transform_indices = #map2}]} {
    %mul3A = arith.constant 16 : i32
    %mul3A_0 = arith.muli %arg0, %mul3A : i32
    %add3A = arith.addi %mul3A_0, %arg1 : i32
    %run_scoped3A = arith.constant 0 : i32
    "tpu.region"() ({
      %run_scoped3A_617 = tpu.sem_alloc : memref<!tpu.dma_semaphore, #tpu.memory_space<semaphore_mem>>
      %dma_start3A_618 = arith.constant 0 : i32
      %dma_start3A_619 = arith.constant 0 : i32
      %dma_start3A_620 = tpu.memref_slice %arg3[%run_scoped3A, %add3A, %dma_start3A_618, %dma_start3A_619] : memref<2x32x250x40xi32, #tpu.memory_space<hbm>> -> memref<1x1x250x40xi32, #tpu.memory_space<hbm>>
      %dma_start3A_621 = tpu.memref_squeeze %dma_start3A_620 : memref<1x1x250x40xi32, #tpu.memory_space<hbm>> -> memref<250x40xi32, #tpu.memory_space<hbm>>
      %dma_start3A_622 = arith.constant 0 : i32
      %dma_start3A_623 = arith.constant 0 : i32
      %dma_start3A_624 = tpu.memref_slice %arg3[%run_scoped3A, %add3A, %dma_start3A_622, %dma_start3A_623] : memref<2x32x250x40xi32, #tpu.memory_space<hbm>> -> memref<1x1x250x40xi32, #tpu.memory_space<hbm>>
      %dma_start3A_625 = tpu.memref_squeeze %dma_start3A_624 : memref<1x1x250x40xi32, #tpu.memory_space<hbm>> -> memref<250x40xi32, #tpu.memory_space<hbm>>
      tpu.enqueue_dma source(%dma_start3A_625 : memref<250x40xi32, #tpu.memory_space<hbm>>) target(%arg6 : memref<250x40xi32, #tpu.memory_space<vmem>>) target_semaphore(%run_scoped3A_617 : memref<!tpu.dma_semaphore, #tpu.memory_space<semaphore_mem>>)
      %dma_wait3A_626 = arith.constant 0 : i32
      %dma_wait3A_627 = arith.constant 0 : i32
      %dma_wait3A_628 = tpu.memref_slice %arg3[%run_scoped3A, %add3A, %dma_wait3A_626, %dma_wait3A_627] : memref<2x32x250x40xi32, #tpu.memory_space<hbm>> -> memref<1x1x250x40xi32, #tpu.memory_space<hbm>>
      %dma_wait3A_629 = tpu.memref_squeeze %dma_wait3A_628 : memref<1x1x250x40xi32, #tpu.memory_space<hbm>> -> memref<250x40xi32, #tpu.memory_space<hbm>>
      %dma_wait3A_630 = arith.constant 0 : i32
      %dma_wait3A_631 = arith.constant 0 : i32
      %dma_wait3A_632 = tpu.memref_slice %arg3[%run_scoped3A, %add3A, %dma_wait3A_630, %dma_wait3A_631] : memref<2x32x250x40xi32, #tpu.memory_space<hbm>> -> memref<1x1x250x40xi32, #tpu.memory_space<hbm>>
      %dma_wait3A_633 = tpu.memref_squeeze %dma_wait3A_632 : memref<1x1x250x40xi32, #tpu.memory_space<hbm>> -> memref<250x40xi32, #tpu.memory_space<hbm>>
      tpu.wait_dma2 semaphore(%run_scoped3A_617 : memref<!tpu.dma_semaphore, #tpu.memory_space<semaphore_mem>>) src(%dma_wait3A_633 : memref<250x40xi32, #tpu.memory_space<hbm>>) dst(%arg6 : memref<250x40xi32, #tpu.memory_space<vmem>>)
      tpu.yield
    }) : () -> ()
    %run_scoped3A_1 = arith.constant 1 : i32
    "tpu.region"() ({
      %run_scoped3A_617 = tpu.sem_alloc : memref<!tpu.dma_semaphore, #tpu.memory_space<semaphore_mem>>
      %dma_start3A_618 = arith.constant 0 : i32
      %dma_start3A_619 = arith.constant 0 : i32
      %dma_start3A_620 = tpu.memref_slice %arg3[%run_scoped3A_1, %add3A, %dma_start3A_618, %dma_start3A_619] : memref<2x32x250x40xi32, #tpu.memory_space<hbm>> -> memref<1x1x250x40xi32, #tpu.memory_space<hbm>>
      %dma_start3A_621 = tpu.memref_squeeze %dma_start3A_620 : memref<1x1x250x40xi32, #tpu.memory_space<hbm>> -> memref<250x40xi32, #tpu.memory_space<hbm>>
      %dma_start3A_622 = arith.constant 0 : i32
      %dma_start3A_623 = arith.constant 0 : i32
      %dma_start3A_624 = tpu.memref_slice %arg3[%run_scoped3A_1, %add3A, %dma_start3A_622, %dma_start3A_623] : memref<2x32x250x40xi32, #tpu.memory_space<hbm>> -> memref<1x1x250x40xi32, #tpu.memory_space<hbm>>
      %dma_start3A_625 = tpu.memref_squeeze %dma_start3A_624 : memref<1x1x250x40xi32, #tpu.memory_space<hbm>> -> memref<250x40xi32, #tpu.memory_space<hbm>>
      tpu.enqueue_dma source(%dma_start3A_625 : memref<250x40xi32, #tpu.memory_space<hbm>>) target(%arg7 : memref<250x40xi32, #tpu.memory_space<vmem>>) target_semaphore(%run_scoped3A_617 : memref<!tpu.dma_semaphore, #tpu.memory_space<semaphore_mem>>)
      %dma_wait3A_626 = arith.constant 0 : i32
      %dma_wait3A_627 = arith.constant 0 : i32
      %dma_wait3A_628 = tpu.memref_slice %arg3[%run_scoped3A_1, %add3A, %dma_wait3A_626, %dma_wait3A_627] : memref<2x32x250x40xi32, #tpu.memory_space<hbm>> -> memref<1x1x250x40xi32, #tpu.memory_space<hbm>>
      %dma_wait3A_629 = tpu.memref_squeeze %dma_wait3A_628 : memref<1x1x250x40xi32, #tpu.memory_space<hbm>> -> memref<250x40xi32, #tpu.memory_space<hbm>>
      %dma_wait3A_630 = arith.constant 0 : i32
      %dma_wait3A_631 = arith.constant 0 : i32
      %dma_wait3A_632 = tpu.memref_slice %arg3[%run_scoped3A_1, %add3A, %dma_wait3A_630, %dma_wait3A_631] : memref<2x32x250x40xi32, #tpu.memory_space<hbm>> -> memref<1x1x250x40xi32, #tpu.memory_space<hbm>>
      %dma_wait3A_633 = tpu.memref_squeeze %dma_wait3A_632 : memref<1x1x250x40xi32, #tpu.memory_space<hbm>> -> memref<250x40xi32, #tpu.memory_space<hbm>>
      tpu.wait_dma2 semaphore(%run_scoped3A_617 : memref<!tpu.dma_semaphore, #tpu.memory_space<semaphore_mem>>) src(%dma_wait3A_633 : memref<250x40xi32, #tpu.memory_space<hbm>>) dst(%arg7 : memref<250x40xi32, #tpu.memory_space<vmem>>)
      tpu.yield
    }) : () -> ()
    "tpu.region"() ({
      %run_scoped3A_617 = tpu.sem_alloc : memref<!tpu.dma_semaphore, #tpu.memory_space<semaphore_mem>>
      tpu.enqueue_dma source(%arg4 : memref<40x128xf32, #tpu.memory_space<hbm>>) target(%arg12 : memref<40x128xf32, #tpu.memory_space<vmem>>) target_semaphore(%run_scoped3A_617 : memref<!tpu.dma_semaphore, #tpu.memory_space<semaphore_mem>>)
      tpu.wait_dma2 semaphore(%run_scoped3A_617 : memref<!tpu.dma_semaphore, #tpu.memory_space<semaphore_mem>>) src(%arg4 : memref<40x128xf32, #tpu.memory_space<hbm>>) dst(%arg12 : memref<40x128xf32, #tpu.memory_space<vmem>>)
      tpu.yield
    }) : () -> ()
    %mul3A_2 = arith.constant 640 : i32
    %mul3A_3 = arith.muli %arg1, %mul3A_2 : i32
    %add3A_4 = arith.constant 0 : i32
    %add3A_5 = arith.addi %mul3A_3, %add3A_4 : i32
    %dma_start3A = arith.constant 0 : i32
    %dma_start3A_6 = tpu.memref_slice %arg13[%add3A_5, %dma_start3A] : memref<10240x128xf32, #tpu.memory_space<vmem_shared>> -> memref<40x128xf32, #tpu.memory_space<vmem_shared>>
    %dma_start3A_7 = arith.constant 0 : i32
    %dma_start3A_8 = tpu.memref_slice %arg13[%add3A_5, %dma_start3A_7] : memref<10240x128xf32, #tpu.memory_space<vmem_shared>> -> memref<40x128xf32, #tpu.memory_space<vmem_shared>>
    tpu.enqueue_dma source(%arg12 : memref<40x128xf32, #tpu.memory_space<vmem>>) target(%dma_start3A_8 : memref<40x128xf32, #tpu.memory_space<vmem_shared>>) target_semaphore(%arg24 : memref<!tpu.dma_semaphore, #tpu.memory_space<semaphore_mem>>)
    %mul3A_9 = arith.constant 640 : i32
    %mul3A_10 = arith.muli %arg1, %mul3A_9 : i32
    %add3A_11 = arith.constant 40 : i32
    %add3A_12 = arith.addi %mul3A_10, %add3A_11 : i32
    %dma_start3A_13 = arith.constant 0 : i32
    %dma_start3A_14 = tpu.memref_slice %arg13[%add3A_12, %dma_start3A_13] : memref<10240x128xf32, #tpu.memory_space<vmem_shared>> -> memref<40x128xf32, #tpu.memory_space<vmem_shared>>
    %dma_start3A_15 = arith.constant 0 : i32
    %dma_start3A_16 = tpu.memref_slice %arg13[%add3A_12, %dma_start3A_15] : memref<10240x128xf32, #tpu.memory_space<vmem_shared>> -> memref<40x128xf32, #tpu.memory_space<vmem_shared>>
    tpu.enqueue_dma source(%arg12 : memref<40x128xf32, #tpu.memory_space<vmem>>) target(%dma_start3A_16 : memref<40x128xf32, #tpu.memory_space<vmem_shared>>) target_semaphore(%arg24 : memref<!tpu.dma_semaphore, #tpu.memory_space<semaphore_mem>>)
    %mul3A_17 = arith.constant 640 : i32
    %mul3A_18 = arith.muli %arg1, %mul3A_17 : i32
    %add3A_19 = arith.constant 80 : i32
    %add3A_20 = arith.addi %mul3A_18, %add3A_19 : i32
    %dma_start3A_21 = arith.constant 0 : i32
    %dma_start3A_22 = tpu.memref_slice %arg13[%add3A_20, %dma_start3A_21] : memref<10240x128xf32, #tpu.memory_space<vmem_shared>> -> memref<40x128xf32, #tpu.memory_space<vmem_shared>>
    %dma_start3A_23 = arith.constant 0 : i32
    %dma_start3A_24 = tpu.memref_slice %arg13[%add3A_20, %dma_start3A_23] : memref<10240x128xf32, #tpu.memory_space<vmem_shared>> -> memref<40x128xf32, #tpu.memory_space<vmem_shared>>
    tpu.enqueue_dma source(%arg12 : memref<40x128xf32, #tpu.memory_space<vmem>>) target(%dma_start3A_24 : memref<40x128xf32, #tpu.memory_space<vmem_shared>>) target_semaphore(%arg24 : memref<!tpu.dma_semaphore, #tpu.memory_space<semaphore_mem>>)
    %mul3A_25 = arith.constant 640 : i32
    %mul3A_26 = arith.muli %arg1, %mul3A_25 : i32
    %add3A_27 = arith.constant 120 : i32
    %add3A_28 = arith.addi %mul3A_26, %add3A_27 : i32
    %dma_start3A_29 = arith.constant 0 : i32
    %dma_start3A_30 = tpu.memref_slice %arg13[%add3A_28, %dma_start3A_29] : memref<10240x128xf32, #tpu.memory_space<vmem_shared>> -> memref<40x128xf32, #tpu.memory_space<vmem_shared>>
    %dma_start3A_31 = arith.constant 0 : i32
    %dma_start3A_32 = tpu.memref_slice %arg13[%add3A_28, %dma_start3A_31] : memref<10240x128xf32, #tpu.memory_space<vmem_shared>> -> memref<40x128xf32, #tpu.memory_space<vmem_shared>>
    tpu.enqueue_dma source(%arg12 : memref<40x128xf32, #tpu.memory_space<vmem>>) target(%dma_start3A_32 : memref<40x128xf32, #tpu.memory_space<vmem_shared>>) target_semaphore(%arg24 : memref<!tpu.dma_semaphore, #tpu.memory_space<semaphore_mem>>)
    %mul3A_33 = arith.constant 640 : i32
    %mul3A_34 = arith.muli %arg1, %mul3A_33 : i32
    %add3A_35 = arith.constant 160 : i32
    %add3A_36 = arith.addi %mul3A_34, %add3A_35 : i32
    %dma_start3A_37 = arith.constant 0 : i32
    %dma_start3A_38 = tpu.memref_slice %arg13[%add3A_36, %dma_start3A_37] : memref<10240x128xf32, #tpu.memory_space<vmem_shared>> -> memref<40x128xf32, #tpu.memory_space<vmem_shared>>
    %dma_start3A_39 = arith.constant 0 : i32
    %dma_start3A_40 = tpu.memref_slice %arg13[%add3A_36, %dma_start3A_39] : memref<10240x128xf32, #tpu.memory_space<vmem_shared>> -> memref<40x128xf32, #tpu.memory_space<vmem_shared>>
    tpu.enqueue_dma source(%arg12 : memref<40x128xf32, #tpu.memory_space<vmem>>) target(%dma_start3A_40 : memref<40x128xf32, #tpu.memory_space<vmem_shared>>) target_semaphore(%arg24 : memref<!tpu.dma_semaphore, #tpu.memory_space<semaphore_mem>>)
    %mul3A_41 = arith.constant 640 : i32
    %mul3A_42 = arith.muli %arg1, %mul3A_41 : i32
    %add3A_43 = arith.constant 200 : i32
    %add3A_44 = arith.addi %mul3A_42, %add3A_43 : i32
    %dma_start3A_45 = arith.constant 0 : i32
    %dma_start3A_46 = tpu.memref_slice %arg13[%add3A_44, %dma_start3A_45] : memref<10240x128xf32, #tpu.memory_space<vmem_shared>> -> memref<40x128xf32, #tpu.memory_space<vmem_shared>>
    %dma_start3A_47 = arith.constant 0 : i32
    %dma_start3A_48 = tpu.memref_slice %arg13[%add3A_44, %dma_start3A_47] : memref<10240x128xf32, #tpu.memory_space<vmem_shared>> -> memref<40x128xf32, #tpu.memory_space<vmem_shared>>
    tpu.enqueue_dma source(%arg12 : memref<40x128xf32, #tpu.memory_space<vmem>>) target(%dma_start3A_48 : memref<40x128xf32, #tpu.memory_space<vmem_shared>>) target_semaphore(%arg24 : memref<!tpu.dma_semaphore, #tpu.memory_space<semaphore_mem>>)
    %mul3A_49 = arith.constant 640 : i32
    %mul3A_50 = arith.muli %arg1, %mul3A_49 : i32
    %add3A_51 = arith.constant 240 : i32
    %add3A_52 = arith.addi %mul3A_50, %add3A_51 : i32
    %dma_start3A_53 = arith.constant 0 : i32
    %dma_start3A_54 = tpu.memref_slice %arg13[%add3A_52, %dma_start3A_53] : memref<10240x128xf32, #tpu.memory_space<vmem_shared>> -> memref<40x128xf32, #tpu.memory_space<vmem_shared>>
    %dma_start3A_55 = arith.constant 0 : i32
    %dma_start3A_56 = tpu.memref_slice %arg13[%add3A_52, %dma_start3A_55] : memref<10240x128xf32, #tpu.memory_space<vmem_shared>> -> memref<40x128xf32, #tpu.memory_space<vmem_shared>>
    tpu.enqueue_dma source(%arg12 : memref<40x128xf32, #tpu.memory_space<vmem>>) target(%dma_start3A_56 : memref<40x128xf32, #tpu.memory_space<vmem_shared>>) target_semaphore(%arg24 : memref<!tpu.dma_semaphore, #tpu.memory_space<semaphore_mem>>)
    %mul3A_57 = arith.constant 640 : i32
    %mul3A_58 = arith.muli %arg1, %mul3A_57 : i32
    %add3A_59 = arith.constant 280 : i32
    %add3A_60 = arith.addi %mul3A_58, %add3A_59 : i32
    %dma_start3A_61 = arith.constant 0 : i32
    %dma_start3A_62 = tpu.memref_slice %arg13[%add3A_60, %dma_start3A_61] : memref<10240x128xf32, #tpu.memory_space<vmem_shared>> -> memref<40x128xf32, #tpu.memory_space<vmem_shared>>
    %dma_start3A_63 = arith.constant 0 : i32
    %dma_start3A_64 = tpu.memref_slice %arg13[%add3A_60, %dma_start3A_63] : memref<10240x128xf32, #tpu.memory_space<vmem_shared>> -> memref<40x128xf32, #tpu.memory_space<vmem_shared>>
    tpu.enqueue_dma source(%arg12 : memref<40x128xf32, #tpu.memory_space<vmem>>) target(%dma_start3A_64 : memref<40x128xf32, #tpu.memory_space<vmem_shared>>) target_semaphore(%arg24 : memref<!tpu.dma_semaphore, #tpu.memory_space<semaphore_mem>>)
    %mul3A_65 = arith.constant 640 : i32
    %mul3A_66 = arith.muli %arg1, %mul3A_65 : i32
    %add3A_67 = arith.constant 320 : i32
    %add3A_68 = arith.addi %mul3A_66, %add3A_67 : i32
    %dma_start3A_69 = arith.constant 0 : i32
    %dma_start3A_70 = tpu.memref_slice %arg13[%add3A_68, %dma_start3A_69] : memref<10240x128xf32, #tpu.memory_space<vmem_shared>> -> memref<40x128xf32, #tpu.memory_space<vmem_shared>>
    %dma_start3A_71 = arith.constant 0 : i32
    %dma_start3A_72 = tpu.memref_slice %arg13[%add3A_68, %dma_start3A_71] : memref<10240x128xf32, #tpu.memory_space<vmem_shared>> -> memref<40x128xf32, #tpu.memory_space<vmem_shared>>
    tpu.enqueue_dma source(%arg12 : memref<40x128xf32, #tpu.memory_space<vmem>>) target(%dma_start3A_72 : memref<40x128xf32, #tpu.memory_space<vmem_shared>>) target_semaphore(%arg24 : memref<!tpu.dma_semaphore, #tpu.memory_space<semaphore_mem>>)
    %mul3A_73 = arith.constant 640 : i32
    %mul3A_74 = arith.muli %arg1, %mul3A_73 : i32
    %add3A_75 = arith.constant 360 : i32
    %add3A_76 = arith.addi %mul3A_74, %add3A_75 : i32
    %dma_start3A_77 = arith.constant 0 : i32
    %dma_start3A_78 = tpu.memref_slice %arg13[%add3A_76, %dma_start3A_77] : memref<10240x128xf32, #tpu.memory_space<vmem_shared>> -> memref<40x128xf32, #tpu.memory_space<vmem_shared>>
    %dma_start3A_79 = arith.constant 0 : i32
    %dma_start3A_80 = tpu.memref_slice %arg13[%add3A_76, %dma_start3A_79] : memref<10240x128xf32, #tpu.memory_space<vmem_shared>> -> memref<40x128xf32, #tpu.memory_space<vmem_shared>>
    tpu.enqueue_dma source(%arg12 : memref<40x128xf32, #tpu.memory_space<vmem>>) target(%dma_start3A_80 : memref<40x128xf32, #tpu.memory_space<vmem_shared>>) target_semaphore(%arg24 : memref<!tpu.dma_semaphore, #tpu.memory_space<semaphore_mem>>)
    %mul3A_81 = arith.constant 640 : i32
    %mul3A_82 = arith.muli %arg1, %mul3A_81 : i32
    %add3A_83 = arith.constant 400 : i32
    %add3A_84 = arith.addi %mul3A_82, %add3A_83 : i32
    %dma_start3A_85 = arith.constant 0 : i32
    %dma_start3A_86 = tpu.memref_slice %arg13[%add3A_84, %dma_start3A_85] : memref<10240x128xf32, #tpu.memory_space<vmem_shared>> -> memref<40x128xf32, #tpu.memory_space<vmem_shared>>
    %dma_start3A_87 = arith.constant 0 : i32
    %dma_start3A_88 = tpu.memref_slice %arg13[%add3A_84, %dma_start3A_87] : memref<10240x128xf32, #tpu.memory_space<vmem_shared>> -> memref<40x128xf32, #tpu.memory_space<vmem_shared>>
    tpu.enqueue_dma source(%arg12 : memref<40x128xf32, #tpu.memory_space<vmem>>) target(%dma_start3A_88 : memref<40x128xf32, #tpu.memory_space<vmem_shared>>) target_semaphore(%arg24 : memref<!tpu.dma_semaphore, #tpu.memory_space<semaphore_mem>>)
    %mul3A_89 = arith.constant 640 : i32
    %mul3A_90 = arith.muli %arg1, %mul3A_89 : i32
    %add3A_91 = arith.constant 440 : i32
    %add3A_92 = arith.addi %mul3A_90, %add3A_91 : i32
    %dma_start3A_93 = arith.constant 0 : i32
    %dma_start3A_94 = tpu.memref_slice %arg13[%add3A_92, %dma_start3A_93] : memref<10240x128xf32, #tpu.memory_space<vmem_shared>> -> memref<40x128xf32, #tpu.memory_space<vmem_shared>>
    %dma_start3A_95 = arith.constant 0 : i32
    %dma_start3A_96 = tpu.memref_slice %arg13[%add3A_92, %dma_start3A_95] : memref<10240x128xf32, #tpu.memory_space<vmem_shared>> -> memref<40x128xf32, #tpu.memory_space<vmem_shared>>
    tpu.enqueue_dma source(%arg12 : memref<40x128xf32, #tpu.memory_space<vmem>>) target(%dma_start3A_96 : memref<40x128xf32, #tpu.memory_space<vmem_shared>>) target_semaphore(%arg24 : memref<!tpu.dma_semaphore, #tpu.memory_space<semaphore_mem>>)
    %mul3A_97 = arith.constant 640 : i32
    %mul3A_98 = arith.muli %arg1, %mul3A_97 : i32
    %add3A_99 = arith.constant 480 : i32
    %add3A_100 = arith.addi %mul3A_98, %add3A_99 : i32
    %dma_start3A_101 = arith.constant 0 : i32
    %dma_start3A_102 = tpu.memref_slice %arg13[%add3A_100, %dma_start3A_101] : memref<10240x128xf32, #tpu.memory_space<vmem_shared>> -> memref<40x128xf32, #tpu.memory_space<vmem_shared>>
    %dma_start3A_103 = arith.constant 0 : i32
    %dma_start3A_104 = tpu.memref_slice %arg13[%add3A_100, %dma_start3A_103] : memref<10240x128xf32, #tpu.memory_space<vmem_shared>> -> memref<40x128xf32, #tpu.memory_space<vmem_shared>>
    tpu.enqueue_dma source(%arg12 : memref<40x128xf32, #tpu.memory_space<vmem>>) target(%dma_start3A_104 : memref<40x128xf32, #tpu.memory_space<vmem_shared>>) target_semaphore(%arg24 : memref<!tpu.dma_semaphore, #tpu.memory_space<semaphore_mem>>)
    %mul3A_105 = arith.constant 640 : i32
    %mul3A_106 = arith.muli %arg1, %mul3A_105 : i32
    %add3A_107 = arith.constant 520 : i32
    %add3A_108 = arith.addi %mul3A_106, %add3A_107 : i32
    %dma_start3A_109 = arith.constant 0 : i32
    %dma_start3A_110 = tpu.memref_slice %arg13[%add3A_108, %dma_start3A_109] : memref<10240x128xf32, #tpu.memory_space<vmem_shared>> -> memref<40x128xf32, #tpu.memory_space<vmem_shared>>
    %dma_start3A_111 = arith.constant 0 : i32
    %dma_start3A_112 = tpu.memref_slice %arg13[%add3A_108, %dma_start3A_111] : memref<10240x128xf32, #tpu.memory_space<vmem_shared>> -> memref<40x128xf32, #tpu.memory_space<vmem_shared>>
    tpu.enqueue_dma source(%arg12 : memref<40x128xf32, #tpu.memory_space<vmem>>) target(%dma_start3A_112 : memref<40x128xf32, #tpu.memory_space<vmem_shared>>) target_semaphore(%arg24 : memref<!tpu.dma_semaphore, #tpu.memory_space<semaphore_mem>>)
    %mul3A_113 = arith.constant 640 : i32
    %mul3A_114 = arith.muli %arg1, %mul3A_113 : i32
    %add3A_115 = arith.constant 560 : i32
    %add3A_116 = arith.addi %mul3A_114, %add3A_115 : i32
    %dma_start3A_117 = arith.constant 0 : i32
    %dma_start3A_118 = tpu.memref_slice %arg13[%add3A_116, %dma_start3A_117] : memref<10240x128xf32, #tpu.memory_space<vmem_shared>> -> memref<40x128xf32, #tpu.memory_space<vmem_shared>>
    %dma_start3A_119 = arith.constant 0 : i32
    %dma_start3A_120 = tpu.memref_slice %arg13[%add3A_116, %dma_start3A_119] : memref<10240x128xf32, #tpu.memory_space<vmem_shared>> -> memref<40x128xf32, #tpu.memory_space<vmem_shared>>
    tpu.enqueue_dma source(%arg12 : memref<40x128xf32, #tpu.memory_space<vmem>>) target(%dma_start3A_120 : memref<40x128xf32, #tpu.memory_space<vmem_shared>>) target_semaphore(%arg24 : memref<!tpu.dma_semaphore, #tpu.memory_space<semaphore_mem>>)
    %mul3A_121 = arith.constant 640 : i32
    %mul3A_122 = arith.muli %arg1, %mul3A_121 : i32
    %add3A_123 = arith.constant 600 : i32
    %add3A_124 = arith.addi %mul3A_122, %add3A_123 : i32
    %dma_start3A_125 = arith.constant 0 : i32
    %dma_start3A_126 = tpu.memref_slice %arg13[%add3A_124, %dma_start3A_125] : memref<10240x128xf32, #tpu.memory_space<vmem_shared>> -> memref<40x128xf32, #tpu.memory_space<vmem_shared>>
    %dma_start3A_127 = arith.constant 0 : i32
    %dma_start3A_128 = tpu.memref_slice %arg13[%add3A_124, %dma_start3A_127] : memref<10240x128xf32, #tpu.memory_space<vmem_shared>> -> memref<40x128xf32, #tpu.memory_space<vmem_shared>>
    tpu.enqueue_dma source(%arg12 : memref<40x128xf32, #tpu.memory_space<vmem>>) target(%dma_start3A_128 : memref<40x128xf32, #tpu.memory_space<vmem_shared>>) target_semaphore(%arg24 : memref<!tpu.dma_semaphore, #tpu.memory_space<semaphore_mem>>)
    %dma_start3A_129 = arith.constant 0 : i32
    %dma_start3A_130 = arith.constant 0 : i32
    %dma_start3A_131 = tpu.memref_slice %arg6[%dma_start3A_129, %dma_start3A_130] : memref<250x40xi32, #tpu.memory_space<vmem>> -> memref<1x40xi32, #tpu.memory_space<vmem>>
    %dma_start3A_132 = tpu.memref_squeeze %dma_start3A_131 : memref<1x40xi32, #tpu.memory_space<vmem>> -> memref<40xi32, #tpu.memory_space<vmem>>
    %dma_start3A_133 = arith.constant 0 : i32
    %dma_start3A_134 = arith.constant 0 : i32
    %dma_start3A_135 = tpu.memref_slice %arg2[%dma_start3A_133, %dma_start3A_134] : memref<10000x128xf32, #tpu.memory_space<hbm>> -> memref<10000x128xf32, #tpu.memory_space<hbm>>
    tpu.enqueue_indirect_dma source(%dma_start3A_135 : memref<10000x128xf32, #tpu.memory_space<hbm>>) target(%arg8 : memref<40x128xf32, #tpu.memory_space<vmem>>) offsets(%dma_start3A_132 : memref<40xi32, #tpu.memory_space<vmem>>) semaphore(%arg14 : memref<!tpu.dma_semaphore, #tpu.memory_space<semaphore_mem>>)
    %dma_start3A_136 = arith.constant 1 : i32
    %dma_start3A_137 = arith.constant 0 : i32
    %dma_start3A_138 = tpu.memref_slice %arg6[%dma_start3A_136, %dma_start3A_137] : memref<250x40xi32, #tpu.memory_space<vmem>> -> memref<1x40xi32, #tpu.memory_space<vmem>>
    %dma_start3A_139 = tpu.memref_squeeze %dma_start3A_138 : memref<1x40xi32, #tpu.memory_space<vmem>> -> memref<40xi32, #tpu.memory_space<vmem>>
    %dma_start3A_140 = arith.constant 0 : i32
    %dma_start3A_141 = arith.constant 0 : i32
    %dma_start3A_142 = tpu.memref_slice %arg2[%dma_start3A_140, %dma_start3A_141] : memref<10000x128xf32, #tpu.memory_space<hbm>> -> memref<10000x128xf32, #tpu.memory_space<hbm>>
    tpu.enqueue_indirect_dma source(%dma_start3A_142 : memref<10000x128xf32, #tpu.memory_space<hbm>>) target(%arg9 : memref<40x128xf32, #tpu.memory_space<vmem>>) offsets(%dma_start3A_139 : memref<40xi32, #tpu.memory_space<vmem>>) semaphore(%arg15 : memref<!tpu.dma_semaphore, #tpu.memory_space<semaphore_mem>>)
    %mul3A_143 = arith.constant 640 : i32
    %mul3A_144 = arith.muli %arg1, %mul3A_143 : i32
    %dma_wait3A = arith.constant 0 : i32
    %dma_wait3A_145 = tpu.memref_slice %arg13[%mul3A_144, %dma_wait3A] : memref<10240x128xf32, #tpu.memory_space<vmem_shared>> -> memref<40x128xf32, #tpu.memory_space<vmem_shared>>
    %dma_wait3A_146 = arith.constant 0 : i32
    %dma_wait3A_147 = tpu.memref_slice %arg13[%mul3A_144, %dma_wait3A_146] : memref<10240x128xf32, #tpu.memory_space<vmem_shared>> -> memref<40x128xf32, #tpu.memory_space<vmem_shared>>
    tpu.wait_dma2 semaphore(%arg24 : memref<!tpu.dma_semaphore, #tpu.memory_space<semaphore_mem>>) src(%arg12 : memref<40x128xf32, #tpu.memory_space<vmem>>) dst(%dma_wait3A_147 : memref<40x128xf32, #tpu.memory_space<vmem_shared>>)
    %mul3A_148 = arith.constant 640 : i32
    %mul3A_149 = arith.muli %arg1, %mul3A_148 : i32
    %dma_wait3A_150 = arith.constant 0 : i32
    %dma_wait3A_151 = tpu.memref_slice %arg13[%mul3A_149, %dma_wait3A_150] : memref<10240x128xf32, #tpu.memory_space<vmem_shared>> -> memref<40x128xf32, #tpu.memory_space<vmem_shared>>
    %dma_wait3A_152 = arith.constant 0 : i32
    %dma_wait3A_153 = tpu.memref_slice %arg13[%mul3A_149, %dma_wait3A_152] : memref<10240x128xf32, #tpu.memory_space<vmem_shared>> -> memref<40x128xf32, #tpu.memory_space<vmem_shared>>
    tpu.wait_dma2 semaphore(%arg24 : memref<!tpu.dma_semaphore, #tpu.memory_space<semaphore_mem>>) src(%arg12 : memref<40x128xf32, #tpu.memory_space<vmem>>) dst(%dma_wait3A_153 : memref<40x128xf32, #tpu.memory_space<vmem_shared>>)
    %mul3A_154 = arith.constant 640 : i32
    %mul3A_155 = arith.muli %arg1, %mul3A_154 : i32
    %dma_wait3A_156 = arith.constant 0 : i32
    %dma_wait3A_157 = tpu.memref_slice %arg13[%mul3A_155, %dma_wait3A_156] : memref<10240x128xf32, #tpu.memory_space<vmem_shared>> -> memref<40x128xf32, #tpu.memory_space<vmem_shared>>
    %dma_wait3A_158 = arith.constant 0 : i32
    %dma_wait3A_159 = tpu.memref_slice %arg13[%mul3A_155, %dma_wait3A_158] : memref<10240x128xf32, #tpu.memory_space<vmem_shared>> -> memref<40x128xf32, #tpu.memory_space<vmem_shared>>
    tpu.wait_dma2 semaphore(%arg24 : memref<!tpu.dma_semaphore, #tpu.memory_space<semaphore_mem>>) src(%arg12 : memref<40x128xf32, #tpu.memory_space<vmem>>) dst(%dma_wait3A_159 : memref<40x128xf32, #tpu.memory_space<vmem_shared>>)
    %mul3A_160 = arith.constant 640 : i32
    %mul3A_161 = arith.muli %arg1, %mul3A_160 : i32
    %dma_wait3A_162 = arith.constant 0 : i32
    %dma_wait3A_163 = tpu.memref_slice %arg13[%mul3A_161, %dma_wait3A_162] : memref<10240x128xf32, #tpu.memory_space<vmem_shared>> -> memref<40x128xf32, #tpu.memory_space<vmem_shared>>
    %dma_wait3A_164 = arith.constant 0 : i32
    %dma_wait3A_165 = tpu.memref_slice %arg13[%mul3A_161, %dma_wait3A_164] : memref<10240x128xf32, #tpu.memory_space<vmem_shared>> -> memref<40x128xf32, #tpu.memory_space<vmem_shared>>
    tpu.wait_dma2 semaphore(%arg24 : memref<!tpu.dma_semaphore, #tpu.memory_space<semaphore_mem>>) src(%arg12 : memref<40x128xf32, #tpu.memory_space<vmem>>) dst(%dma_wait3A_165 : memref<40x128xf32, #tpu.memory_space<vmem_shared>>)
    %mul3A_166 = arith.constant 640 : i32
    %mul3A_167 = arith.muli %arg1, %mul3A_166 : i32
    %dma_wait3A_168 = arith.constant 0 : i32
    %dma_wait3A_169 = tpu.memref_slice %arg13[%mul3A_167, %dma_wait3A_168] : memref<10240x128xf32, #tpu.memory_space<vmem_shared>> -> memref<40x128xf32, #tpu.memory_space<vmem_shared>>
    %dma_wait3A_170 = arith.constant 0 : i32
    %dma_wait3A_171 = tpu.memref_slice %arg13[%mul3A_167, %dma_wait3A_170] : memref<10240x128xf32, #tpu.memory_space<vmem_shared>> -> memref<40x128xf32, #tpu.memory_space<vmem_shared>>
    tpu.wait_dma2 semaphore(%arg24 : memref<!tpu.dma_semaphore, #tpu.memory_space<semaphore_mem>>) src(%arg12 : memref<40x128xf32, #tpu.memory_space<vmem>>) dst(%dma_wait3A_171 : memref<40x128xf32, #tpu.memory_space<vmem_shared>>)
    %mul3A_172 = arith.constant 640 : i32
    %mul3A_173 = arith.muli %arg1, %mul3A_172 : i32
    %dma_wait3A_174 = arith.constant 0 : i32
    %dma_wait3A_175 = tpu.memref_slice %arg13[%mul3A_173, %dma_wait3A_174] : memref<10240x128xf32, #tpu.memory_space<vmem_shared>> -> memref<40x128xf32, #tpu.memory_space<vmem_shared>>
    %dma_wait3A_176 = arith.constant 0 : i32
    %dma_wait3A_177 = tpu.memref_slice %arg13[%mul3A_173, %dma_wait3A_176] : memref<10240x128xf32, #tpu.memory_space<vmem_shared>> -> memref<40x128xf32, #tpu.memory_space<vmem_shared>>
    tpu.wait_dma2 semaphore(%arg24 : memref<!tpu.dma_semaphore, #tpu.memory_space<semaphore_mem>>) src(%arg12 : memref<40x128xf32, #tpu.memory_space<vmem>>) dst(%dma_wait3A_177 : memref<40x128xf32, #tpu.memory_space<vmem_shared>>)
    %mul3A_178 = arith.constant 640 : i32
    %mul3A_179 = arith.muli %arg1, %mul3A_178 : i32
    %dma_wait3A_180 = arith.constant 0 : i32
    %dma_wait3A_181 = tpu.memref_slice %arg13[%mul3A_179, %dma_wait3A_180] : memref<10240x128xf32, #tpu.memory_space<vmem_shared>> -> memref<40x128xf32, #tpu.memory_space<vmem_shared>>
    %dma_wait3A_182 = arith.constant 0 : i32
    %dma_wait3A_183 = tpu.memref_slice %arg13[%mul3A_179, %dma_wait3A_182] : memref<10240x128xf32, #tpu.memory_space<vmem_shared>> -> memref<40x128xf32, #tpu.memory_space<vmem_shared>>
    tpu.wait_dma2 semaphore(%arg24 : memref<!tpu.dma_semaphore, #tpu.memory_space<semaphore_mem>>) src(%arg12 : memref<40x128xf32, #tpu.memory_space<vmem>>) dst(%dma_wait3A_183 : memref<40x128xf32, #tpu.memory_space<vmem_shared>>)
    %mul3A_184 = arith.constant 640 : i32
    %mul3A_185 = arith.muli %arg1, %mul3A_184 : i32
    %dma_wait3A_186 = arith.constant 0 : i32
    %dma_wait3A_187 = tpu.memref_slice %arg13[%mul3A_185, %dma_wait3A_186] : memref<10240x128xf32, #tpu.memory_space<vmem_shared>> -> memref<40x128xf32, #tpu.memory_space<vmem_shared>>
    %dma_wait3A_188 = arith.constant 0 : i32
    %dma_wait3A_189 = tpu.memref_slice %arg13[%mul3A_185, %dma_wait3A_188] : memref<10240x128xf32, #tpu.memory_space<vmem_shared>> -> memref<40x128xf32, #tpu.memory_space<vmem_shared>>
    tpu.wait_dma2 semaphore(%arg24 : memref<!tpu.dma_semaphore, #tpu.memory_space<semaphore_mem>>) src(%arg12 : memref<40x128xf32, #tpu.memory_space<vmem>>) dst(%dma_wait3A_189 : memref<40x128xf32, #tpu.memory_space<vmem_shared>>)
    %mul3A_190 = arith.constant 640 : i32
    %mul3A_191 = arith.muli %arg1, %mul3A_190 : i32
    %dma_wait3A_192 = arith.constant 0 : i32
    %dma_wait3A_193 = tpu.memref_slice %arg13[%mul3A_191, %dma_wait3A_192] : memref<10240x128xf32, #tpu.memory_space<vmem_shared>> -> memref<40x128xf32, #tpu.memory_space<vmem_shared>>
    %dma_wait3A_194 = arith.constant 0 : i32
    %dma_wait3A_195 = tpu.memref_slice %arg13[%mul3A_191, %dma_wait3A_194] : memref<10240x128xf32, #tpu.memory_space<vmem_shared>> -> memref<40x128xf32, #tpu.memory_space<vmem_shared>>
    tpu.wait_dma2 semaphore(%arg24 : memref<!tpu.dma_semaphore, #tpu.memory_space<semaphore_mem>>) src(%arg12 : memref<40x128xf32, #tpu.memory_space<vmem>>) dst(%dma_wait3A_195 : memref<40x128xf32, #tpu.memory_space<vmem_shared>>)
    %mul3A_196 = arith.constant 640 : i32
    %mul3A_197 = arith.muli %arg1, %mul3A_196 : i32
    %dma_wait3A_198 = arith.constant 0 : i32
    %dma_wait3A_199 = tpu.memref_slice %arg13[%mul3A_197, %dma_wait3A_198] : memref<10240x128xf32, #tpu.memory_space<vmem_shared>> -> memref<40x128xf32, #tpu.memory_space<vmem_shared>>
    %dma_wait3A_200 = arith.constant 0 : i32
    %dma_wait3A_201 = tpu.memref_slice %arg13[%mul3A_197, %dma_wait3A_200] : memref<10240x128xf32, #tpu.memory_space<vmem_shared>> -> memref<40x128xf32, #tpu.memory_space<vmem_shared>>
    tpu.wait_dma2 semaphore(%arg24 : memref<!tpu.dma_semaphore, #tpu.memory_space<semaphore_mem>>) src(%arg12 : memref<40x128xf32, #tpu.memory_space<vmem>>) dst(%dma_wait3A_201 : memref<40x128xf32, #tpu.memory_space<vmem_shared>>)
    %mul3A_202 = arith.constant 640 : i32
    %mul3A_203 = arith.muli %arg1, %mul3A_202 : i32
    %dma_wait3A_204 = arith.constant 0 : i32
    %dma_wait3A_205 = tpu.memref_slice %arg13[%mul3A_203, %dma_wait3A_204] : memref<10240x128xf32, #tpu.memory_space<vmem_shared>> -> memref<40x128xf32, #tpu.memory_space<vmem_shared>>
    %dma_wait3A_206 = arith.constant 0 : i32
    %dma_wait3A_207 = tpu.memref_slice %arg13[%mul3A_203, %dma_wait3A_206] : memref<10240x128xf32, #tpu.memory_space<vmem_shared>> -> memref<40x128xf32, #tpu.memory_space<vmem_shared>>
    tpu.wait_dma2 semaphore(%arg24 : memref<!tpu.dma_semaphore, #tpu.memory_space<semaphore_mem>>) src(%arg12 : memref<40x128xf32, #tpu.memory_space<vmem>>) dst(%dma_wait3A_207 : memref<40x128xf32, #tpu.memory_space<vmem_shared>>)
    %mul3A_208 = arith.constant 640 : i32
    %mul3A_209 = arith.muli %arg1, %mul3A_208 : i32
    %dma_wait3A_210 = arith.constant 0 : i32
    %dma_wait3A_211 = tpu.memref_slice %arg13[%mul3A_209, %dma_wait3A_210] : memref<10240x128xf32, #tpu.memory_space<vmem_shared>> -> memref<40x128xf32, #tpu.memory_space<vmem_shared>>
    %dma_wait3A_212 = arith.constant 0 : i32
    %dma_wait3A_213 = tpu.memref_slice %arg13[%mul3A_209, %dma_wait3A_212] : memref<10240x128xf32, #tpu.memory_space<vmem_shared>> -> memref<40x128xf32, #tpu.memory_space<vmem_shared>>
    tpu.wait_dma2 semaphore(%arg24 : memref<!tpu.dma_semaphore, #tpu.memory_space<semaphore_mem>>) src(%arg12 : memref<40x128xf32, #tpu.memory_space<vmem>>) dst(%dma_wait3A_213 : memref<40x128xf32, #tpu.memory_space<vmem_shared>>)
    %mul3A_214 = arith.constant 640 : i32
    %mul3A_215 = arith.muli %arg1, %mul3A_214 : i32
    %dma_wait3A_216 = arith.constant 0 : i32
    %dma_wait3A_217 = tpu.memref_slice %arg13[%mul3A_215, %dma_wait3A_216] : memref<10240x128xf32, #tpu.memory_space<vmem_shared>> -> memref<40x128xf32, #tpu.memory_space<vmem_shared>>
    %dma_wait3A_218 = arith.constant 0 : i32
    %dma_wait3A_219 = tpu.memref_slice %arg13[%mul3A_215, %dma_wait3A_218] : memref<10240x128xf32, #tpu.memory_space<vmem_shared>> -> memref<40x128xf32, #tpu.memory_space<vmem_shared>>
    tpu.wait_dma2 semaphore(%arg24 : memref<!tpu.dma_semaphore, #tpu.memory_space<semaphore_mem>>) src(%arg12 : memref<40x128xf32, #tpu.memory_space<vmem>>) dst(%dma_wait3A_219 : memref<40x128xf32, #tpu.memory_space<vmem_shared>>)
    %mul3A_220 = arith.constant 640 : i32
    %mul3A_221 = arith.muli %arg1, %mul3A_220 : i32
    %dma_wait3A_222 = arith.constant 0 : i32
    %dma_wait3A_223 = tpu.memref_slice %arg13[%mul3A_221, %dma_wait3A_222] : memref<10240x128xf32, #tpu.memory_space<vmem_shared>> -> memref<40x128xf32, #tpu.memory_space<vmem_shared>>
    %dma_wait3A_224 = arith.constant 0 : i32
    %dma_wait3A_225 = tpu.memref_slice %arg13[%mul3A_221, %dma_wait3A_224] : memref<10240x128xf32, #tpu.memory_space<vmem_shared>> -> memref<40x128xf32, #tpu.memory_space<vmem_shared>>
    tpu.wait_dma2 semaphore(%arg24 : memref<!tpu.dma_semaphore, #tpu.memory_space<semaphore_mem>>) src(%arg12 : memref<40x128xf32, #tpu.memory_space<vmem>>) dst(%dma_wait3A_225 : memref<40x128xf32, #tpu.memory_space<vmem_shared>>)
    %mul3A_226 = arith.constant 640 : i32
    %mul3A_227 = arith.muli %arg1, %mul3A_226 : i32
    %dma_wait3A_228 = arith.constant 0 : i32
    %dma_wait3A_229 = tpu.memref_slice %arg13[%mul3A_227, %dma_wait3A_228] : memref<10240x128xf32, #tpu.memory_space<vmem_shared>> -> memref<40x128xf32, #tpu.memory_space<vmem_shared>>
    %dma_wait3A_230 = arith.constant 0 : i32
    %dma_wait3A_231 = tpu.memref_slice %arg13[%mul3A_227, %dma_wait3A_230] : memref<10240x128xf32, #tpu.memory_space<vmem_shared>> -> memref<40x128xf32, #tpu.memory_space<vmem_shared>>
    tpu.wait_dma2 semaphore(%arg24 : memref<!tpu.dma_semaphore, #tpu.memory_space<semaphore_mem>>) src(%arg12 : memref<40x128xf32, #tpu.memory_space<vmem>>) dst(%dma_wait3A_231 : memref<40x128xf32, #tpu.memory_space<vmem_shared>>)
    %mul3A_232 = arith.constant 640 : i32
    %mul3A_233 = arith.muli %arg1, %mul3A_232 : i32
    %dma_wait3A_234 = arith.constant 0 : i32
    %dma_wait3A_235 = tpu.memref_slice %arg13[%mul3A_233, %dma_wait3A_234] : memref<10240x128xf32, #tpu.memory_space<vmem_shared>> -> memref<40x128xf32, #tpu.memory_space<vmem_shared>>
    %dma_wait3A_236 = arith.constant 0 : i32
    %dma_wait3A_237 = tpu.memref_slice %arg13[%mul3A_233, %dma_wait3A_236] : memref<10240x128xf32, #tpu.memory_space<vmem_shared>> -> memref<40x128xf32, #tpu.memory_space<vmem_shared>>
    tpu.wait_dma2 semaphore(%arg24 : memref<!tpu.dma_semaphore, #tpu.memory_space<semaphore_mem>>) src(%arg12 : memref<40x128xf32, #tpu.memory_space<vmem>>) dst(%dma_wait3A_237 : memref<40x128xf32, #tpu.memory_space<vmem_shared>>)
    %barrier3A = arith.constant 0 : index
    tpu.barrier barrier_id(%barrier3A)
    %scan3A = arith.constant 0 : i32
    %scan3A_238 = arith.constant 0 : i32
    %scan3A_239 = arith.constant 50 : i32
    %scan3A_240 = arith.addi %scan3A_238, %scan3A_239 : i32
    %scan3A_241 = arith.constant 1 : i32
    scf.for %scan3A_617 = %scan3A_238 to %scan3A_240 step %scan3A_241  : i32 {
      %mul3A_618 = arith.constant 5 : i32
      %mul3A_619 = arith.muli %mul3A_618, %scan3A_617 : i32
      %add3A_620 = arith.constant 0 : i32
      %add3A_621 = arith.addi %mul3A_619, %add3A_620 : i32
      %dma_wait3A_622 = arith.constant 0 : i32
      %dma_wait3A_623 = tpu.memref_slice %arg6[%add3A_621, %dma_wait3A_622] : memref<250x40xi32, #tpu.memory_space<vmem>> -> memref<1x40xi32, #tpu.memory_space<vmem>>
      %dma_wait3A_624 = tpu.memref_squeeze %dma_wait3A_623 : memref<1x40xi32, #tpu.memory_space<vmem>> -> memref<40xi32, #tpu.memory_space<vmem>>
      %dma_wait3A_625 = arith.constant 0 : i32
      %dma_wait3A_626 = arith.constant 0 : i32
      %dma_wait3A_627 = tpu.memref_slice %arg2[%dma_wait3A_625, %dma_wait3A_626] : memref<10000x128xf32, #tpu.memory_space<hbm>> -> memref<10000x128xf32, #tpu.memory_space<hbm>>
      tpu.wait_indirect_dma semaphore(%arg14 : memref<!tpu.dma_semaphore, #tpu.memory_space<semaphore_mem>>) src(%dma_wait3A_627 : memref<10000x128xf32, #tpu.memory_space<hbm>>) dst(%arg8 : memref<40x128xf32, #tpu.memory_space<vmem>>)
      %dma_start3A_628 = arith.constant 0 : i32
      %dma_start3A_629 = tpu.memref_slice %arg7[%add3A_621, %dma_start3A_628] : memref<250x40xi32, #tpu.memory_space<vmem>> -> memref<1x40xi32, #tpu.memory_space<vmem>>
      %dma_start3A_630 = tpu.memref_squeeze %dma_start3A_629 : memref<1x40xi32, #tpu.memory_space<vmem>> -> memref<40xi32, #tpu.memory_space<vmem>>
      %dma_start3A_631 = arith.constant 0 : i32
      %dma_start3A_632 = arith.constant 0 : i32
      %dma_start3A_633 = tpu.memref_slice %arg13[%dma_start3A_631, %dma_start3A_632] : memref<10240x128xf32, #tpu.memory_space<vmem_shared>> -> memref<10240x128xf32, #tpu.memory_space<vmem_shared>>
      tpu.enqueue_indirect_dma source(%arg8 : memref<40x128xf32, #tpu.memory_space<vmem>>) target(%dma_start3A_633 : memref<10240x128xf32, #tpu.memory_space<vmem_shared>>) offsets(%dma_start3A_630 : memref<40xi32, #tpu.memory_space<vmem>>) semaphore(%arg19 : memref<!tpu.dma_semaphore, #tpu.memory_space<semaphore_mem>>) {add = true}
      %add3A_634 = arith.constant 2 : i32
      %add3A_635 = arith.addi %add3A_621, %add3A_634 : i32
      %ge3A = arith.constant 1 : i32
      %ge3A_636 = arith.cmpi sge, %scan3A_617, %ge3A : i32
      %convert_element_type3A = arith.extui %ge3A_636 : i1 to i32
      %cond3A = arith.constant 0 : i32
      %cond3A_637 = arith.cmpi ne, %convert_element_type3A, %cond3A : i32
      scf.if %cond3A_637 {
        %dma_wait3A_759 = arith.constant 0 : i32
        %dma_wait3A_760 = tpu.memref_slice %arg7[%add3A_635, %dma_wait3A_759] : memref<250x40xi32, #tpu.memory_space<vmem>> -> memref<1x40xi32, #tpu.memory_space<vmem>>
        %dma_wait3A_761 = tpu.memref_squeeze %dma_wait3A_760 : memref<1x40xi32, #tpu.memory_space<vmem>> -> memref<40xi32, #tpu.memory_space<vmem>>
        %dma_wait3A_762 = arith.constant 0 : i32
        %dma_wait3A_763 = arith.constant 0 : i32
        %dma_wait3A_764 = tpu.memref_slice %arg13[%dma_wait3A_762, %dma_wait3A_763] : memref<10240x128xf32, #tpu.memory_space<vmem_shared>> -> memref<10240x128xf32, #tpu.memory_space<vmem_shared>>
        tpu.wait_indirect_dma semaphore(%arg21 : memref<!tpu.dma_semaphore, #tpu.memory_space<semaphore_mem>>) src(%arg10 : memref<40x128xf32, #tpu.memory_space<vmem>>) dst(%dma_wait3A_764 : memref<10240x128xf32, #tpu.memory_space<vmem_shared>>)
      } else {
      }
      %dma_start3A_638 = arith.constant 0 : i32
      %dma_start3A_639 = tpu.memref_slice %arg6[%add3A_635, %dma_start3A_638] : memref<250x40xi32, #tpu.memory_space<vmem>> -> memref<1x40xi32, #tpu.memory_space<vmem>>
      %dma_start3A_640 = tpu.memref_squeeze %dma_start3A_639 : memref<1x40xi32, #tpu.memory_space<vmem>> -> memref<40xi32, #tpu.memory_space<vmem>>
      %dma_start3A_641 = arith.constant 0 : i32
      %dma_start3A_642 = arith.constant 0 : i32
      %dma_start3A_643 = tpu.memref_slice %arg2[%dma_start3A_641, %dma_start3A_642] : memref<10000x128xf32, #tpu.memory_space<hbm>> -> memref<10000x128xf32, #tpu.memory_space<hbm>>
      tpu.enqueue_indirect_dma source(%dma_start3A_643 : memref<10000x128xf32, #tpu.memory_space<hbm>>) target(%arg10 : memref<40x128xf32, #tpu.memory_space<vmem>>) offsets(%dma_start3A_640 : memref<40xi32, #tpu.memory_space<vmem>>) semaphore(%arg16 : memref<!tpu.dma_semaphore, #tpu.memory_space<semaphore_mem>>)
      %mul3A_644 = arith.constant 5 : i32
      %mul3A_645 = arith.muli %mul3A_644, %scan3A_617 : i32
      %add3A_646 = arith.constant 1 : i32
      %add3A_647 = arith.addi %mul3A_645, %add3A_646 : i32
      %dma_wait3A_648 = arith.constant 0 : i32
      %dma_wait3A_649 = tpu.memref_slice %arg6[%add3A_647, %dma_wait3A_648] : memref<250x40xi32, #tpu.memory_space<vmem>> -> memref<1x40xi32, #tpu.memory_space<vmem>>
      %dma_wait3A_650 = tpu.memref_squeeze %dma_wait3A_649 : memref<1x40xi32, #tpu.memory_space<vmem>> -> memref<40xi32, #tpu.memory_space<vmem>>
      %dma_wait3A_651 = arith.constant 0 : i32
      %dma_wait3A_652 = arith.constant 0 : i32
      %dma_wait3A_653 = tpu.memref_slice %arg2[%dma_wait3A_651, %dma_wait3A_652] : memref<10000x128xf32, #tpu.memory_space<hbm>> -> memref<10000x128xf32, #tpu.memory_space<hbm>>
      tpu.wait_indirect_dma semaphore(%arg15 : memref<!tpu.dma_semaphore, #tpu.memory_space<semaphore_mem>>) src(%dma_wait3A_653 : memref<10000x128xf32, #tpu.memory_space<hbm>>) dst(%arg9 : memref<40x128xf32, #tpu.memory_space<vmem>>)
      %dma_start3A_654 = arith.constant 0 : i32
      %dma_start3A_655 = tpu.memref_slice %arg7[%add3A_647, %dma_start3A_654] : memref<250x40xi32, #tpu.memory_space<vmem>> -> memref<1x40xi32, #tpu.memory_space<vmem>>
      %dma_start3A_656 = tpu.memref_squeeze %dma_start3A_655 : memref<1x40xi32, #tpu.memory_space<vmem>> -> memref<40xi32, #tpu.memory_space<vmem>>
      %dma_start3A_657 = arith.constant 0 : i32
      %dma_start3A_658 = arith.constant 0 : i32
      %dma_start3A_659 = tpu.memref_slice %arg13[%dma_start3A_657, %dma_start3A_658] : memref<10240x128xf32, #tpu.memory_space<vmem_shared>> -> memref<10240x128xf32, #tpu.memory_space<vmem_shared>>
      tpu.enqueue_indirect_dma source(%arg9 : memref<40x128xf32, #tpu.memory_space<vmem>>) target(%dma_start3A_659 : memref<10240x128xf32, #tpu.memory_space<vmem_shared>>) offsets(%dma_start3A_656 : memref<40xi32, #tpu.memory_space<vmem>>) semaphore(%arg20 : memref<!tpu.dma_semaphore, #tpu.memory_space<semaphore_mem>>) {add = true}
      %add3A_660 = arith.constant 2 : i32
      %add3A_661 = arith.addi %add3A_647, %add3A_660 : i32
      %ge3A_662 = arith.constant 1 : i32
      %ge3A_663 = arith.cmpi sge, %scan3A_617, %ge3A_662 : i32
      %convert_element_type3A_664 = arith.extui %ge3A_663 : i1 to i32
      %cond3A_665 = arith.constant 0 : i32
      %cond3A_666 = arith.cmpi ne, %convert_element_type3A_664, %cond3A_665 : i32
      scf.if %cond3A_666 {
        %dma_wait3A_759 = arith.constant 0 : i32
        %dma_wait3A_760 = tpu.memref_slice %arg7[%add3A_661, %dma_wait3A_759] : memref<250x40xi32, #tpu.memory_space<vmem>> -> memref<1x40xi32, #tpu.memory_space<vmem>>
        %dma_wait3A_761 = tpu.memref_squeeze %dma_wait3A_760 : memref<1x40xi32, #tpu.memory_space<vmem>> -> memref<40xi32, #tpu.memory_space<vmem>>
        %dma_wait3A_762 = arith.constant 0 : i32
        %dma_wait3A_763 = arith.constant 0 : i32
        %dma_wait3A_764 = tpu.memref_slice %arg13[%dma_wait3A_762, %dma_wait3A_763] : memref<10240x128xf32, #tpu.memory_space<vmem_shared>> -> memref<10240x128xf32, #tpu.memory_space<vmem_shared>>
        tpu.wait_indirect_dma semaphore(%arg22 : memref<!tpu.dma_semaphore, #tpu.memory_space<semaphore_mem>>) src(%arg11 : memref<40x128xf32, #tpu.memory_space<vmem>>) dst(%dma_wait3A_764 : memref<10240x128xf32, #tpu.memory_space<vmem_shared>>)
      } else {
      }
      %dma_start3A_667 = arith.constant 0 : i32
      %dma_start3A_668 = tpu.memref_slice %arg6[%add3A_661, %dma_start3A_667] : memref<250x40xi32, #tpu.memory_space<vmem>> -> memref<1x40xi32, #tpu.memory_space<vmem>>
      %dma_start3A_669 = tpu.memref_squeeze %dma_start3A_668 : memref<1x40xi32, #tpu.memory_space<vmem>> -> memref<40xi32, #tpu.memory_space<vmem>>
      %dma_start3A_670 = arith.constant 0 : i32
      %dma_start3A_671 = arith.constant 0 : i32
      %dma_start3A_672 = tpu.memref_slice %arg2[%dma_start3A_670, %dma_start3A_671] : memref<10000x128xf32, #tpu.memory_space<hbm>> -> memref<10000x128xf32, #tpu.memory_space<hbm>>
      tpu.enqueue_indirect_dma source(%dma_start3A_672 : memref<10000x128xf32, #tpu.memory_space<hbm>>) target(%arg11 : memref<40x128xf32, #tpu.memory_space<vmem>>) offsets(%dma_start3A_669 : memref<40xi32, #tpu.memory_space<vmem>>) semaphore(%arg17 : memref<!tpu.dma_semaphore, #tpu.memory_space<semaphore_mem>>)
      %mul3A_673 = arith.constant 5 : i32
      %mul3A_674 = arith.muli %mul3A_673, %scan3A_617 : i32
      %add3A_675 = arith.constant 2 : i32
      %add3A_676 = arith.addi %mul3A_674, %add3A_675 : i32
      %dma_wait3A_677 = arith.constant 0 : i32
      %dma_wait3A_678 = tpu.memref_slice %arg6[%add3A_676, %dma_wait3A_677] : memref<250x40xi32, #tpu.memory_space<vmem>> -> memref<1x40xi32, #tpu.memory_space<vmem>>
      %dma_wait3A_679 = tpu.memref_squeeze %dma_wait3A_678 : memref<1x40xi32, #tpu.memory_space<vmem>> -> memref<40xi32, #tpu.memory_space<vmem>>
      %dma_wait3A_680 = arith.constant 0 : i32
      %dma_wait3A_681 = arith.constant 0 : i32
      %dma_wait3A_682 = tpu.memref_slice %arg2[%dma_wait3A_680, %dma_wait3A_681] : memref<10000x128xf32, #tpu.memory_space<hbm>> -> memref<10000x128xf32, #tpu.memory_space<hbm>>
      tpu.wait_indirect_dma semaphore(%arg16 : memref<!tpu.dma_semaphore, #tpu.memory_space<semaphore_mem>>) src(%dma_wait3A_682 : memref<10000x128xf32, #tpu.memory_space<hbm>>) dst(%arg10 : memref<40x128xf32, #tpu.memory_space<vmem>>)
      %dma_start3A_683 = arith.constant 0 : i32
      %dma_start3A_684 = tpu.memref_slice %arg7[%add3A_676, %dma_start3A_683] : memref<250x40xi32, #tpu.memory_space<vmem>> -> memref<1x40xi32, #tpu.memory_space<vmem>>
      %dma_start3A_685 = tpu.memref_squeeze %dma_start3A_684 : memref<1x40xi32, #tpu.memory_space<vmem>> -> memref<40xi32, #tpu.memory_space<vmem>>
      %dma_start3A_686 = arith.constant 0 : i32
      %dma_start3A_687 = arith.constant 0 : i32
      %dma_start3A_688 = tpu.memref_slice %arg13[%dma_start3A_686, %dma_start3A_687] : memref<10240x128xf32, #tpu.memory_space<vmem_shared>> -> memref<10240x128xf32, #tpu.memory_space<vmem_shared>>
      tpu.enqueue_indirect_dma source(%arg10 : memref<40x128xf32, #tpu.memory_space<vmem>>) target(%dma_start3A_688 : memref<10240x128xf32, #tpu.memory_space<vmem_shared>>) offsets(%dma_start3A_685 : memref<40xi32, #tpu.memory_space<vmem>>) semaphore(%arg21 : memref<!tpu.dma_semaphore, #tpu.memory_space<semaphore_mem>>) {add = true}
      %add3A_689 = arith.constant 2 : i32
      %add3A_690 = arith.addi %add3A_676, %add3A_689 : i32
      %ge3A_691 = arith.constant 1 : i32
      %ge3A_692 = arith.cmpi sge, %scan3A_617, %ge3A_691 : i32
      %convert_element_type3A_693 = arith.extui %ge3A_692 : i1 to i32
      %cond3A_694 = arith.constant 0 : i32
      %cond3A_695 = arith.cmpi ne, %convert_element_type3A_693, %cond3A_694 : i32
      scf.if %cond3A_695 {
        %dma_wait3A_759 = arith.constant 0 : i32
        %dma_wait3A_760 = tpu.memref_slice %arg7[%add3A_690, %dma_wait3A_759] : memref<250x40xi32, #tpu.memory_space<vmem>> -> memref<1x40xi32, #tpu.memory_space<vmem>>
        %dma_wait3A_761 = tpu.memref_squeeze %dma_wait3A_760 : memref<1x40xi32, #tpu.memory_space<vmem>> -> memref<40xi32, #tpu.memory_space<vmem>>
        %dma_wait3A_762 = arith.constant 0 : i32
        %dma_wait3A_763 = arith.constant 0 : i32
        %dma_wait3A_764 = tpu.memref_slice %arg13[%dma_wait3A_762, %dma_wait3A_763] : memref<10240x128xf32, #tpu.memory_space<vmem_shared>> -> memref<10240x128xf32, #tpu.memory_space<vmem_shared>>
        tpu.wait_indirect_dma semaphore(%arg23 : memref<!tpu.dma_semaphore, #tpu.memory_space<semaphore_mem>>) src(%arg12 : memref<40x128xf32, #tpu.memory_space<vmem>>) dst(%dma_wait3A_764 : memref<10240x128xf32, #tpu.memory_space<vmem_shared>>)
      } else {
      }
      %dma_start3A_696 = arith.constant 0 : i32
      %dma_start3A_697 = tpu.memref_slice %arg6[%add3A_690, %dma_start3A_696] : memref<250x40xi32, #tpu.memory_space<vmem>> -> memref<1x40xi32, #tpu.memory_space<vmem>>
      %dma_start3A_698 = tpu.memref_squeeze %dma_start3A_697 : memref<1x40xi32, #tpu.memory_space<vmem>> -> memref<40xi32, #tpu.memory_space<vmem>>
      %dma_start3A_699 = arith.constant 0 : i32
      %dma_start3A_700 = arith.constant 0 : i32
      %dma_start3A_701 = tpu.memref_slice %arg2[%dma_start3A_699, %dma_start3A_700] : memref<10000x128xf32, #tpu.memory_space<hbm>> -> memref<10000x128xf32, #tpu.memory_space<hbm>>
      tpu.enqueue_indirect_dma source(%dma_start3A_701 : memref<10000x128xf32, #tpu.memory_space<hbm>>) target(%arg12 : memref<40x128xf32, #tpu.memory_space<vmem>>) offsets(%dma_start3A_698 : memref<40xi32, #tpu.memory_space<vmem>>) semaphore(%arg18 : memref<!tpu.dma_semaphore, #tpu.memory_space<semaphore_mem>>)
      %mul3A_702 = arith.constant 5 : i32
      %mul3A_703 = arith.muli %mul3A_702, %scan3A_617 : i32
      %add3A_704 = arith.constant 3 : i32
      %add3A_705 = arith.addi %mul3A_703, %add3A_704 : i32
      %dma_wait3A_706 = arith.constant 0 : i32
      %dma_wait3A_707 = tpu.memref_slice %arg6[%add3A_705, %dma_wait3A_706] : memref<250x40xi32, #tpu.memory_space<vmem>> -> memref<1x40xi32, #tpu.memory_space<vmem>>
      %dma_wait3A_708 = tpu.memref_squeeze %dma_wait3A_707 : memref<1x40xi32, #tpu.memory_space<vmem>> -> memref<40xi32, #tpu.memory_space<vmem>>
      %dma_wait3A_709 = arith.constant 0 : i32
      %dma_wait3A_710 = arith.constant 0 : i32
      %dma_wait3A_711 = tpu.memref_slice %arg2[%dma_wait3A_709, %dma_wait3A_710] : memref<10000x128xf32, #tpu.memory_space<hbm>> -> memref<10000x128xf32, #tpu.memory_space<hbm>>
      tpu.wait_indirect_dma semaphore(%arg17 : memref<!tpu.dma_semaphore, #tpu.memory_space<semaphore_mem>>) src(%dma_wait3A_711 : memref<10000x128xf32, #tpu.memory_space<hbm>>) dst(%arg11 : memref<40x128xf32, #tpu.memory_space<vmem>>)
      %dma_start3A_712 = arith.constant 0 : i32
      %dma_start3A_713 = tpu.memref_slice %arg7[%add3A_705, %dma_start3A_712] : memref<250x40xi32, #tpu.memory_space<vmem>> -> memref<1x40xi32, #tpu.memory_space<vmem>>
      %dma_start3A_714 = tpu.memref_squeeze %dma_start3A_713 : memref<1x40xi32, #tpu.memory_space<vmem>> -> memref<40xi32, #tpu.memory_space<vmem>>
      %dma_start3A_715 = arith.constant 0 : i32
      %dma_start3A_716 = arith.constant 0 : i32
      %dma_start3A_717 = tpu.memref_slice %arg13[%dma_start3A_715, %dma_start3A_716] : memref<10240x128xf32, #tpu.memory_space<vmem_shared>> -> memref<10240x128xf32, #tpu.memory_space<vmem_shared>>
      tpu.enqueue_indirect_dma source(%arg11 : memref<40x128xf32, #tpu.memory_space<vmem>>) target(%dma_start3A_717 : memref<10240x128xf32, #tpu.memory_space<vmem_shared>>) offsets(%dma_start3A_714 : memref<40xi32, #tpu.memory_space<vmem>>) semaphore(%arg22 : memref<!tpu.dma_semaphore, #tpu.memory_space<semaphore_mem>>) {add = true}
      %add3A_718 = arith.constant 2 : i32
      %add3A_719 = arith.addi %add3A_705, %add3A_718 : i32
      %dma_wait3A_720 = arith.constant 0 : i32
      %dma_wait3A_721 = tpu.memref_slice %arg7[%add3A_719, %dma_wait3A_720] : memref<250x40xi32, #tpu.memory_space<vmem>> -> memref<1x40xi32, #tpu.memory_space<vmem>>
      %dma_wait3A_722 = tpu.memref_squeeze %dma_wait3A_721 : memref<1x40xi32, #tpu.memory_space<vmem>> -> memref<40xi32, #tpu.memory_space<vmem>>
      %dma_wait3A_723 = arith.constant 0 : i32
      %dma_wait3A_724 = arith.constant 0 : i32
      %dma_wait3A_725 = tpu.memref_slice %arg13[%dma_wait3A_723, %dma_wait3A_724] : memref<10240x128xf32, #tpu.memory_space<vmem_shared>> -> memref<10240x128xf32, #tpu.memory_space<vmem_shared>>
      tpu.wait_indirect_dma semaphore(%arg19 : memref<!tpu.dma_semaphore, #tpu.memory_space<semaphore_mem>>) src(%arg8 : memref<40x128xf32, #tpu.memory_space<vmem>>) dst(%dma_wait3A_725 : memref<10240x128xf32, #tpu.memory_space<vmem_shared>>)
      %lt3A = arith.constant 49 : i32
      %lt3A_726 = arith.cmpi slt, %scan3A_617, %lt3A : i32
      %convert_element_type3A_727 = arith.extui %lt3A_726 : i1 to i32
      %cond3A_728 = arith.constant 0 : i32
      %cond3A_729 = arith.cmpi ne, %convert_element_type3A_727, %cond3A_728 : i32
      scf.if %cond3A_729 {
        %dma_start3A_759 = arith.constant 0 : i32
        %dma_start3A_760 = tpu.memref_slice %arg6[%add3A_719, %dma_start3A_759] : memref<250x40xi32, #tpu.memory_space<vmem>> -> memref<1x40xi32, #tpu.memory_space<vmem>>
        %dma_start3A_761 = tpu.memref_squeeze %dma_start3A_760 : memref<1x40xi32, #tpu.memory_space<vmem>> -> memref<40xi32, #tpu.memory_space<vmem>>
        %dma_start3A_762 = arith.constant 0 : i32
        %dma_start3A_763 = arith.constant 0 : i32
        %dma_start3A_764 = tpu.memref_slice %arg2[%dma_start3A_762, %dma_start3A_763] : memref<10000x128xf32, #tpu.memory_space<hbm>> -> memref<10000x128xf32, #tpu.memory_space<hbm>>
        tpu.enqueue_indirect_dma source(%dma_start3A_764 : memref<10000x128xf32, #tpu.memory_space<hbm>>) target(%arg8 : memref<40x128xf32, #tpu.memory_space<vmem>>) offsets(%dma_start3A_761 : memref<40xi32, #tpu.memory_space<vmem>>) semaphore(%arg14 : memref<!tpu.dma_semaphore, #tpu.memory_space<semaphore_mem>>)
      } else {
      }
      %mul3A_730 = arith.constant 5 : i32
      %mul3A_731 = arith.muli %mul3A_730, %scan3A_617 : i32
      %add3A_732 = arith.constant 4 : i32
      %add3A_733 = arith.addi %mul3A_731, %add3A_732 : i32
      %dma_wait3A_734 = arith.constant 0 : i32
      %dma_wait3A_735 = tpu.memref_slice %arg6[%add3A_733, %dma_wait3A_734] : memref<250x40xi32, #tpu.memory_space<vmem>> -> memref<1x40xi32, #tpu.memory_space<vmem>>
      %dma_wait3A_736 = tpu.memref_squeeze %dma_wait3A_735 : memref<1x40xi32, #tpu.memory_space<vmem>> -> memref<40xi32, #tpu.memory_space<vmem>>
      %dma_wait3A_737 = arith.constant 0 : i32
      %dma_wait3A_738 = arith.constant 0 : i32
      %dma_wait3A_739 = tpu.memref_slice %arg2[%dma_wait3A_737, %dma_wait3A_738] : memref<10000x128xf32, #tpu.memory_space<hbm>> -> memref<10000x128xf32, #tpu.memory_space<hbm>>
      tpu.wait_indirect_dma semaphore(%arg18 : memref<!tpu.dma_semaphore, #tpu.memory_space<semaphore_mem>>) src(%dma_wait3A_739 : memref<10000x128xf32, #tpu.memory_space<hbm>>) dst(%arg12 : memref<40x128xf32, #tpu.memory_space<vmem>>)
      %dma_start3A_740 = arith.constant 0 : i32
      %dma_start3A_741 = tpu.memref_slice %arg7[%add3A_733, %dma_start3A_740] : memref<250x40xi32, #tpu.memory_space<vmem>> -> memref<1x40xi32, #tpu.memory_space<vmem>>
      %dma_start3A_742 = tpu.memref_squeeze %dma_start3A_741 : memref<1x40xi32, #tpu.memory_space<vmem>> -> memref<40xi32, #tpu.memory_space<vmem>>
      %dma_start3A_743 = arith.constant 0 : i32
      %dma_start3A_744 = arith.constant 0 : i32
      %dma_start3A_745 = tpu.memref_slice %arg13[%dma_start3A_743, %dma_start3A_744] : memref<10240x128xf32, #tpu.memory_space<vmem_shared>> -> memref<10240x128xf32, #tpu.memory_space<vmem_shared>>
      tpu.enqueue_indirect_dma source(%arg12 : memref<40x128xf32, #tpu.memory_space<vmem>>) target(%dma_start3A_745 : memref<10240x128xf32, #tpu.memory_space<vmem_shared>>) offsets(%dma_start3A_742 : memref<40xi32, #tpu.memory_space<vmem>>) semaphore(%arg23 : memref<!tpu.dma_semaphore, #tpu.memory_space<semaphore_mem>>) {add = true}
      %add3A_746 = arith.constant 2 : i32
      %add3A_747 = arith.addi %add3A_733, %add3A_746 : i32
      %dma_wait3A_748 = arith.constant 0 : i32
      %dma_wait3A_749 = tpu.memref_slice %arg7[%add3A_747, %dma_wait3A_748] : memref<250x40xi32, #tpu.memory_space<vmem>> -> memref<1x40xi32, #tpu.memory_space<vmem>>
      %dma_wait3A_750 = tpu.memref_squeeze %dma_wait3A_749 : memref<1x40xi32, #tpu.memory_space<vmem>> -> memref<40xi32, #tpu.memory_space<vmem>>
      %dma_wait3A_751 = arith.constant 0 : i32
      %dma_wait3A_752 = arith.constant 0 : i32
      %dma_wait3A_753 = tpu.memref_slice %arg13[%dma_wait3A_751, %dma_wait3A_752] : memref<10240x128xf32, #tpu.memory_space<vmem_shared>> -> memref<10240x128xf32, #tpu.memory_space<vmem_shared>>
      tpu.wait_indirect_dma semaphore(%arg20 : memref<!tpu.dma_semaphore, #tpu.memory_space<semaphore_mem>>) src(%arg9 : memref<40x128xf32, #tpu.memory_space<vmem>>) dst(%dma_wait3A_753 : memref<10240x128xf32, #tpu.memory_space<vmem_shared>>)
      %lt3A_754 = arith.constant 49 : i32
      %lt3A_755 = arith.cmpi slt, %scan3A_617, %lt3A_754 : i32
      %convert_element_type3A_756 = arith.extui %lt3A_755 : i1 to i32
      %cond3A_757 = arith.constant 0 : i32
      %cond3A_758 = arith.cmpi ne, %convert_element_type3A_756, %cond3A_757 : i32
      scf.if %cond3A_758 {
        %dma_start3A_759 = arith.constant 0 : i32
        %dma_start3A_760 = tpu.memref_slice %arg6[%add3A_747, %dma_start3A_759] : memref<250x40xi32, #tpu.memory_space<vmem>> -> memref<1x40xi32, #tpu.memory_space<vmem>>
        %dma_start3A_761 = tpu.memref_squeeze %dma_start3A_760 : memref<1x40xi32, #tpu.memory_space<vmem>> -> memref<40xi32, #tpu.memory_space<vmem>>
        %dma_start3A_762 = arith.constant 0 : i32
        %dma_start3A_763 = arith.constant 0 : i32
        %dma_start3A_764 = tpu.memref_slice %arg2[%dma_start3A_762, %dma_start3A_763] : memref<10000x128xf32, #tpu.memory_space<hbm>> -> memref<10000x128xf32, #tpu.memory_space<hbm>>
        tpu.enqueue_indirect_dma source(%dma_start3A_764 : memref<10000x128xf32, #tpu.memory_space<hbm>>) target(%arg9 : memref<40x128xf32, #tpu.memory_space<vmem>>) offsets(%dma_start3A_761 : memref<40xi32, #tpu.memory_space<vmem>>) semaphore(%arg15 : memref<!tpu.dma_semaphore, #tpu.memory_space<semaphore_mem>>)
      } else {
      }
    }
    %scan3A_242 = arith.constant 50 : i32
    %dma_wait3A_243 = arith.constant 0 : i32
    %dma_wait3A_244 = arith.constant 0 : i32
    %dma_wait3A_245 = tpu.memref_slice %arg7[%dma_wait3A_243, %dma_wait3A_244] : memref<250x40xi32, #tpu.memory_space<vmem>> -> memref<1x40xi32, #tpu.memory_space<vmem>>
    %dma_wait3A_246 = tpu.memref_squeeze %dma_wait3A_245 : memref<1x40xi32, #tpu.memory_space<vmem>> -> memref<40xi32, #tpu.memory_space<vmem>>
    %dma_wait3A_247 = arith.constant 0 : i32
    %dma_wait3A_248 = arith.constant 0 : i32
    %dma_wait3A_249 = tpu.memref_slice %arg13[%dma_wait3A_247, %dma_wait3A_248] : memref<10240x128xf32, #tpu.memory_space<vmem_shared>> -> memref<10240x128xf32, #tpu.memory_space<vmem_shared>>
    tpu.wait_indirect_dma semaphore(%arg21 : memref<!tpu.dma_semaphore, #tpu.memory_space<semaphore_mem>>) src(%arg10 : memref<40x128xf32, #tpu.memory_space<vmem>>) dst(%dma_wait3A_249 : memref<10240x128xf32, #tpu.memory_space<vmem_shared>>)
    %dma_wait3A_250 = arith.constant 0 : i32
    %dma_wait3A_251 = arith.constant 0 : i32
    %dma_wait3A_252 = tpu.memref_slice %arg7[%dma_wait3A_250, %dma_wait3A_251] : memref<250x40xi32, #tpu.memory_space<vmem>> -> memref<1x40xi32, #tpu.memory_space<vmem>>
    %dma_wait3A_253 = tpu.memref_squeeze %dma_wait3A_252 : memref<1x40xi32, #tpu.memory_space<vmem>> -> memref<40xi32, #tpu.memory_space<vmem>>
    %dma_wait3A_254 = arith.constant 0 : i32
    %dma_wait3A_255 = arith.constant 0 : i32
    %dma_wait3A_256 = tpu.memref_slice %arg13[%dma_wait3A_254, %dma_wait3A_255] : memref<10240x128xf32, #tpu.memory_space<vmem_shared>> -> memref<10240x128xf32, #tpu.memory_space<vmem_shared>>
    tpu.wait_indirect_dma semaphore(%arg22 : memref<!tpu.dma_semaphore, #tpu.memory_space<semaphore_mem>>) src(%arg11 : memref<40x128xf32, #tpu.memory_space<vmem>>) dst(%dma_wait3A_256 : memref<10240x128xf32, #tpu.memory_space<vmem_shared>>)
    %dma_wait3A_257 = arith.constant 0 : i32
    %dma_wait3A_258 = arith.constant 0 : i32
    %dma_wait3A_259 = tpu.memref_slice %arg7[%dma_wait3A_257, %dma_wait3A_258] : memref<250x40xi32, #tpu.memory_space<vmem>> -> memref<1x40xi32, #tpu.memory_space<vmem>>
    %dma_wait3A_260 = tpu.memref_squeeze %dma_wait3A_259 : memref<1x40xi32, #tpu.memory_space<vmem>> -> memref<40xi32, #tpu.memory_space<vmem>>
    %dma_wait3A_261 = arith.constant 0 : i32
    %dma_wait3A_262 = arith.constant 0 : i32
    %dma_wait3A_263 = tpu.memref_slice %arg13[%dma_wait3A_261, %dma_wait3A_262] : memref<10240x128xf32, #tpu.memory_space<vmem_shared>> -> memref<10240x128xf32, #tpu.memory_space<vmem_shared>>
    tpu.wait_indirect_dma semaphore(%arg23 : memref<!tpu.dma_semaphore, #tpu.memory_space<semaphore_mem>>) src(%arg12 : memref<40x128xf32, #tpu.memory_space<vmem>>) dst(%dma_wait3A_263 : memref<10240x128xf32, #tpu.memory_space<vmem_shared>>)
    %barrier3A_264 = arith.constant 0 : index
    tpu.barrier barrier_id(%barrier3A_264)
    %mul3A_265 = arith.constant 640 : i32
    %mul3A_266 = arith.muli %arg1, %mul3A_265 : i32
    %add3A_267 = arith.constant 0 : i32
    %add3A_268 = arith.addi %mul3A_266, %add3A_267 : i32
    %mul3A_269 = arith.constant 640 : i32
    %mul3A_270 = arith.muli %arg1, %mul3A_269 : i32
    %add3A_271 = arith.constant 0 : i32
    %add3A_272 = arith.addi %mul3A_270, %add3A_271 : i32
    %dma_start3A_273 = arith.constant 0 : i32
    %dma_start3A_274 = tpu.memref_slice %arg5[%arg0, %add3A_272, %dma_start3A_273] : memref<2x10240x128xf32, #tpu.memory_space<hbm>> -> memref<1x40x128xf32, #tpu.memory_space<hbm>>
    %dma_start3A_275 = tpu.memref_squeeze %dma_start3A_274 : memref<1x40x128xf32, #tpu.memory_space<hbm>> -> memref<40x128xf32, #tpu.memory_space<hbm>>
    %dma_start3A_276 = arith.constant 0 : i32
    %dma_start3A_277 = tpu.memref_slice %arg13[%add3A_268, %dma_start3A_276] : memref<10240x128xf32, #tpu.memory_space<vmem_shared>> -> memref<40x128xf32, #tpu.memory_space<vmem_shared>>
    tpu.enqueue_dma source(%dma_start3A_277 : memref<40x128xf32, #tpu.memory_space<vmem_shared>>) target(%dma_start3A_275 : memref<40x128xf32, #tpu.memory_space<hbm>>) target_semaphore(%arg24 : memref<!tpu.dma_semaphore, #tpu.memory_space<semaphore_mem>>)
    %mul3A_278 = arith.constant 640 : i32
    %mul3A_279 = arith.muli %arg1, %mul3A_278 : i32
    %add3A_280 = arith.constant 40 : i32
    %add3A_281 = arith.addi %mul3A_279, %add3A_280 : i32
    %mul3A_282 = arith.constant 640 : i32
    %mul3A_283 = arith.muli %arg1, %mul3A_282 : i32
    %add3A_284 = arith.constant 40 : i32
    %add3A_285 = arith.addi %mul3A_283, %add3A_284 : i32
    %dma_start3A_286 = arith.constant 0 : i32
    %dma_start3A_287 = tpu.memref_slice %arg5[%arg0, %add3A_285, %dma_start3A_286] : memref<2x10240x128xf32, #tpu.memory_space<hbm>> -> memref<1x40x128xf32, #tpu.memory_space<hbm>>
    %dma_start3A_288 = tpu.memref_squeeze %dma_start3A_287 : memref<1x40x128xf32, #tpu.memory_space<hbm>> -> memref<40x128xf32, #tpu.memory_space<hbm>>
    %dma_start3A_289 = arith.constant 0 : i32
    %dma_start3A_290 = tpu.memref_slice %arg13[%add3A_281, %dma_start3A_289] : memref<10240x128xf32, #tpu.memory_space<vmem_shared>> -> memref<40x128xf32, #tpu.memory_space<vmem_shared>>
    tpu.enqueue_dma source(%dma_start3A_290 : memref<40x128xf32, #tpu.memory_space<vmem_shared>>) target(%dma_start3A_288 : memref<40x128xf32, #tpu.memory_space<hbm>>) target_semaphore(%arg24 : memref<!tpu.dma_semaphore, #tpu.memory_space<semaphore_mem>>)
    %mul3A_291 = arith.constant 640 : i32
    %mul3A_292 = arith.muli %arg1, %mul3A_291 : i32
    %add3A_293 = arith.constant 80 : i32
    %add3A_294 = arith.addi %mul3A_292, %add3A_293 : i32
    %mul3A_295 = arith.constant 640 : i32
    %mul3A_296 = arith.muli %arg1, %mul3A_295 : i32
    %add3A_297 = arith.constant 80 : i32
    %add3A_298 = arith.addi %mul3A_296, %add3A_297 : i32
    %dma_start3A_299 = arith.constant 0 : i32
    %dma_start3A_300 = tpu.memref_slice %arg5[%arg0, %add3A_298, %dma_start3A_299] : memref<2x10240x128xf32, #tpu.memory_space<hbm>> -> memref<1x40x128xf32, #tpu.memory_space<hbm>>
    %dma_start3A_301 = tpu.memref_squeeze %dma_start3A_300 : memref<1x40x128xf32, #tpu.memory_space<hbm>> -> memref<40x128xf32, #tpu.memory_space<hbm>>
    %dma_start3A_302 = arith.constant 0 : i32
    %dma_start3A_303 = tpu.memref_slice %arg13[%add3A_294, %dma_start3A_302] : memref<10240x128xf32, #tpu.memory_space<vmem_shared>> -> memref<40x128xf32, #tpu.memory_space<vmem_shared>>
    tpu.enqueue_dma source(%dma_start3A_303 : memref<40x128xf32, #tpu.memory_space<vmem_shared>>) target(%dma_start3A_301 : memref<40x128xf32, #tpu.memory_space<hbm>>) target_semaphore(%arg24 : memref<!tpu.dma_semaphore, #tpu.memory_space<semaphore_mem>>)
    %mul3A_304 = arith.constant 640 : i32
    %mul3A_305 = arith.muli %arg1, %mul3A_304 : i32
    %add3A_306 = arith.constant 120 : i32
    %add3A_307 = arith.addi %mul3A_305, %add3A_306 : i32
    %mul3A_308 = arith.constant 640 : i32
    %mul3A_309 = arith.muli %arg1, %mul3A_308 : i32
    %add3A_310 = arith.constant 120 : i32
    %add3A_311 = arith.addi %mul3A_309, %add3A_310 : i32
    %dma_start3A_312 = arith.constant 0 : i32
    %dma_start3A_313 = tpu.memref_slice %arg5[%arg0, %add3A_311, %dma_start3A_312] : memref<2x10240x128xf32, #tpu.memory_space<hbm>> -> memref<1x40x128xf32, #tpu.memory_space<hbm>>
    %dma_start3A_314 = tpu.memref_squeeze %dma_start3A_313 : memref<1x40x128xf32, #tpu.memory_space<hbm>> -> memref<40x128xf32, #tpu.memory_space<hbm>>
    %dma_start3A_315 = arith.constant 0 : i32
    %dma_start3A_316 = tpu.memref_slice %arg13[%add3A_307, %dma_start3A_315] : memref<10240x128xf32, #tpu.memory_space<vmem_shared>> -> memref<40x128xf32, #tpu.memory_space<vmem_shared>>
    tpu.enqueue_dma source(%dma_start3A_316 : memref<40x128xf32, #tpu.memory_space<vmem_shared>>) target(%dma_start3A_314 : memref<40x128xf32, #tpu.memory_space<hbm>>) target_semaphore(%arg24 : memref<!tpu.dma_semaphore, #tpu.memory_space<semaphore_mem>>)
    %mul3A_317 = arith.constant 640 : i32
    %mul3A_318 = arith.muli %arg1, %mul3A_317 : i32
    %add3A_319 = arith.constant 160 : i32
    %add3A_320 = arith.addi %mul3A_318, %add3A_319 : i32
    %mul3A_321 = arith.constant 640 : i32
    %mul3A_322 = arith.muli %arg1, %mul3A_321 : i32
    %add3A_323 = arith.constant 160 : i32
    %add3A_324 = arith.addi %mul3A_322, %add3A_323 : i32
    %dma_start3A_325 = arith.constant 0 : i32
    %dma_start3A_326 = tpu.memref_slice %arg5[%arg0, %add3A_324, %dma_start3A_325] : memref<2x10240x128xf32, #tpu.memory_space<hbm>> -> memref<1x40x128xf32, #tpu.memory_space<hbm>>
    %dma_start3A_327 = tpu.memref_squeeze %dma_start3A_326 : memref<1x40x128xf32, #tpu.memory_space<hbm>> -> memref<40x128xf32, #tpu.memory_space<hbm>>
    %dma_start3A_328 = arith.constant 0 : i32
    %dma_start3A_329 = tpu.memref_slice %arg13[%add3A_320, %dma_start3A_328] : memref<10240x128xf32, #tpu.memory_space<vmem_shared>> -> memref<40x128xf32, #tpu.memory_space<vmem_shared>>
    tpu.enqueue_dma source(%dma_start3A_329 : memref<40x128xf32, #tpu.memory_space<vmem_shared>>) target(%dma_start3A_327 : memref<40x128xf32, #tpu.memory_space<hbm>>) target_semaphore(%arg24 : memref<!tpu.dma_semaphore, #tpu.memory_space<semaphore_mem>>)
    %mul3A_330 = arith.constant 640 : i32
    %mul3A_331 = arith.muli %arg1, %mul3A_330 : i32
    %add3A_332 = arith.constant 200 : i32
    %add3A_333 = arith.addi %mul3A_331, %add3A_332 : i32
    %mul3A_334 = arith.constant 640 : i32
    %mul3A_335 = arith.muli %arg1, %mul3A_334 : i32
    %add3A_336 = arith.constant 200 : i32
    %add3A_337 = arith.addi %mul3A_335, %add3A_336 : i32
    %dma_start3A_338 = arith.constant 0 : i32
    %dma_start3A_339 = tpu.memref_slice %arg5[%arg0, %add3A_337, %dma_start3A_338] : memref<2x10240x128xf32, #tpu.memory_space<hbm>> -> memref<1x40x128xf32, #tpu.memory_space<hbm>>
    %dma_start3A_340 = tpu.memref_squeeze %dma_start3A_339 : memref<1x40x128xf32, #tpu.memory_space<hbm>> -> memref<40x128xf32, #tpu.memory_space<hbm>>
    %dma_start3A_341 = arith.constant 0 : i32
    %dma_start3A_342 = tpu.memref_slice %arg13[%add3A_333, %dma_start3A_341] : memref<10240x128xf32, #tpu.memory_space<vmem_shared>> -> memref<40x128xf32, #tpu.memory_space<vmem_shared>>
    tpu.enqueue_dma source(%dma_start3A_342 : memref<40x128xf32, #tpu.memory_space<vmem_shared>>) target(%dma_start3A_340 : memref<40x128xf32, #tpu.memory_space<hbm>>) target_semaphore(%arg24 : memref<!tpu.dma_semaphore, #tpu.memory_space<semaphore_mem>>)
    %mul3A_343 = arith.constant 640 : i32
    %mul3A_344 = arith.muli %arg1, %mul3A_343 : i32
    %add3A_345 = arith.constant 240 : i32
    %add3A_346 = arith.addi %mul3A_344, %add3A_345 : i32
    %mul3A_347 = arith.constant 640 : i32
    %mul3A_348 = arith.muli %arg1, %mul3A_347 : i32
    %add3A_349 = arith.constant 240 : i32
    %add3A_350 = arith.addi %mul3A_348, %add3A_349 : i32
    %dma_start3A_351 = arith.constant 0 : i32
    %dma_start3A_352 = tpu.memref_slice %arg5[%arg0, %add3A_350, %dma_start3A_351] : memref<2x10240x128xf32, #tpu.memory_space<hbm>> -> memref<1x40x128xf32, #tpu.memory_space<hbm>>
    %dma_start3A_353 = tpu.memref_squeeze %dma_start3A_352 : memref<1x40x128xf32, #tpu.memory_space<hbm>> -> memref<40x128xf32, #tpu.memory_space<hbm>>
    %dma_start3A_354 = arith.constant 0 : i32
    %dma_start3A_355 = tpu.memref_slice %arg13[%add3A_346, %dma_start3A_354] : memref<10240x128xf32, #tpu.memory_space<vmem_shared>> -> memref<40x128xf32, #tpu.memory_space<vmem_shared>>
    tpu.enqueue_dma source(%dma_start3A_355 : memref<40x128xf32, #tpu.memory_space<vmem_shared>>) target(%dma_start3A_353 : memref<40x128xf32, #tpu.memory_space<hbm>>) target_semaphore(%arg24 : memref<!tpu.dma_semaphore, #tpu.memory_space<semaphore_mem>>)
    %mul3A_356 = arith.constant 640 : i32
    %mul3A_357 = arith.muli %arg1, %mul3A_356 : i32
    %add3A_358 = arith.constant 280 : i32
    %add3A_359 = arith.addi %mul3A_357, %add3A_358 : i32
    %mul3A_360 = arith.constant 640 : i32
    %mul3A_361 = arith.muli %arg1, %mul3A_360 : i32
    %add3A_362 = arith.constant 280 : i32
    %add3A_363 = arith.addi %mul3A_361, %add3A_362 : i32
    %dma_start3A_364 = arith.constant 0 : i32
    %dma_start3A_365 = tpu.memref_slice %arg5[%arg0, %add3A_363, %dma_start3A_364] : memref<2x10240x128xf32, #tpu.memory_space<hbm>> -> memref<1x40x128xf32, #tpu.memory_space<hbm>>
    %dma_start3A_366 = tpu.memref_squeeze %dma_start3A_365 : memref<1x40x128xf32, #tpu.memory_space<hbm>> -> memref<40x128xf32, #tpu.memory_space<hbm>>
    %dma_start3A_367 = arith.constant 0 : i32
    %dma_start3A_368 = tpu.memref_slice %arg13[%add3A_359, %dma_start3A_367] : memref<10240x128xf32, #tpu.memory_space<vmem_shared>> -> memref<40x128xf32, #tpu.memory_space<vmem_shared>>
    tpu.enqueue_dma source(%dma_start3A_368 : memref<40x128xf32, #tpu.memory_space<vmem_shared>>) target(%dma_start3A_366 : memref<40x128xf32, #tpu.memory_space<hbm>>) target_semaphore(%arg24 : memref<!tpu.dma_semaphore, #tpu.memory_space<semaphore_mem>>)
    %mul3A_369 = arith.constant 640 : i32
    %mul3A_370 = arith.muli %arg1, %mul3A_369 : i32
    %add3A_371 = arith.constant 320 : i32
    %add3A_372 = arith.addi %mul3A_370, %add3A_371 : i32
    %mul3A_373 = arith.constant 640 : i32
    %mul3A_374 = arith.muli %arg1, %mul3A_373 : i32
    %add3A_375 = arith.constant 320 : i32
    %add3A_376 = arith.addi %mul3A_374, %add3A_375 : i32
    %dma_start3A_377 = arith.constant 0 : i32
    %dma_start3A_378 = tpu.memref_slice %arg5[%arg0, %add3A_376, %dma_start3A_377] : memref<2x10240x128xf32, #tpu.memory_space<hbm>> -> memref<1x40x128xf32, #tpu.memory_space<hbm>>
    %dma_start3A_379 = tpu.memref_squeeze %dma_start3A_378 : memref<1x40x128xf32, #tpu.memory_space<hbm>> -> memref<40x128xf32, #tpu.memory_space<hbm>>
    %dma_start3A_380 = arith.constant 0 : i32
    %dma_start3A_381 = tpu.memref_slice %arg13[%add3A_372, %dma_start3A_380] : memref<10240x128xf32, #tpu.memory_space<vmem_shared>> -> memref<40x128xf32, #tpu.memory_space<vmem_shared>>
    tpu.enqueue_dma source(%dma_start3A_381 : memref<40x128xf32, #tpu.memory_space<vmem_shared>>) target(%dma_start3A_379 : memref<40x128xf32, #tpu.memory_space<hbm>>) target_semaphore(%arg24 : memref<!tpu.dma_semaphore, #tpu.memory_space<semaphore_mem>>)
    %mul3A_382 = arith.constant 640 : i32
    %mul3A_383 = arith.muli %arg1, %mul3A_382 : i32
    %add3A_384 = arith.constant 360 : i32
    %add3A_385 = arith.addi %mul3A_383, %add3A_384 : i32
    %mul3A_386 = arith.constant 640 : i32
    %mul3A_387 = arith.muli %arg1, %mul3A_386 : i32
    %add3A_388 = arith.constant 360 : i32
    %add3A_389 = arith.addi %mul3A_387, %add3A_388 : i32
    %dma_start3A_390 = arith.constant 0 : i32
    %dma_start3A_391 = tpu.memref_slice %arg5[%arg0, %add3A_389, %dma_start3A_390] : memref<2x10240x128xf32, #tpu.memory_space<hbm>> -> memref<1x40x128xf32, #tpu.memory_space<hbm>>
    %dma_start3A_392 = tpu.memref_squeeze %dma_start3A_391 : memref<1x40x128xf32, #tpu.memory_space<hbm>> -> memref<40x128xf32, #tpu.memory_space<hbm>>
    %dma_start3A_393 = arith.constant 0 : i32
    %dma_start3A_394 = tpu.memref_slice %arg13[%add3A_385, %dma_start3A_393] : memref<10240x128xf32, #tpu.memory_space<vmem_shared>> -> memref<40x128xf32, #tpu.memory_space<vmem_shared>>
    tpu.enqueue_dma source(%dma_start3A_394 : memref<40x128xf32, #tpu.memory_space<vmem_shared>>) target(%dma_start3A_392 : memref<40x128xf32, #tpu.memory_space<hbm>>) target_semaphore(%arg24 : memref<!tpu.dma_semaphore, #tpu.memory_space<semaphore_mem>>)
    %mul3A_395 = arith.constant 640 : i32
    %mul3A_396 = arith.muli %arg1, %mul3A_395 : i32
    %add3A_397 = arith.constant 400 : i32
    %add3A_398 = arith.addi %mul3A_396, %add3A_397 : i32
    %mul3A_399 = arith.constant 640 : i32
    %mul3A_400 = arith.muli %arg1, %mul3A_399 : i32
    %add3A_401 = arith.constant 400 : i32
    %add3A_402 = arith.addi %mul3A_400, %add3A_401 : i32
    %dma_start3A_403 = arith.constant 0 : i32
    %dma_start3A_404 = tpu.memref_slice %arg5[%arg0, %add3A_402, %dma_start3A_403] : memref<2x10240x128xf32, #tpu.memory_space<hbm>> -> memref<1x40x128xf32, #tpu.memory_space<hbm>>
    %dma_start3A_405 = tpu.memref_squeeze %dma_start3A_404 : memref<1x40x128xf32, #tpu.memory_space<hbm>> -> memref<40x128xf32, #tpu.memory_space<hbm>>
    %dma_start3A_406 = arith.constant 0 : i32
    %dma_start3A_407 = tpu.memref_slice %arg13[%add3A_398, %dma_start3A_406] : memref<10240x128xf32, #tpu.memory_space<vmem_shared>> -> memref<40x128xf32, #tpu.memory_space<vmem_shared>>
    tpu.enqueue_dma source(%dma_start3A_407 : memref<40x128xf32, #tpu.memory_space<vmem_shared>>) target(%dma_start3A_405 : memref<40x128xf32, #tpu.memory_space<hbm>>) target_semaphore(%arg24 : memref<!tpu.dma_semaphore, #tpu.memory_space<semaphore_mem>>)
    %mul3A_408 = arith.constant 640 : i32
    %mul3A_409 = arith.muli %arg1, %mul3A_408 : i32
    %add3A_410 = arith.constant 440 : i32
    %add3A_411 = arith.addi %mul3A_409, %add3A_410 : i32
    %mul3A_412 = arith.constant 640 : i32
    %mul3A_413 = arith.muli %arg1, %mul3A_412 : i32
    %add3A_414 = arith.constant 440 : i32
    %add3A_415 = arith.addi %mul3A_413, %add3A_414 : i32
    %dma_start3A_416 = arith.constant 0 : i32
    %dma_start3A_417 = tpu.memref_slice %arg5[%arg0, %add3A_415, %dma_start3A_416] : memref<2x10240x128xf32, #tpu.memory_space<hbm>> -> memref<1x40x128xf32, #tpu.memory_space<hbm>>
    %dma_start3A_418 = tpu.memref_squeeze %dma_start3A_417 : memref<1x40x128xf32, #tpu.memory_space<hbm>> -> memref<40x128xf32, #tpu.memory_space<hbm>>
    %dma_start3A_419 = arith.constant 0 : i32
    %dma_start3A_420 = tpu.memref_slice %arg13[%add3A_411, %dma_start3A_419] : memref<10240x128xf32, #tpu.memory_space<vmem_shared>> -> memref<40x128xf32, #tpu.memory_space<vmem_shared>>
    tpu.enqueue_dma source(%dma_start3A_420 : memref<40x128xf32, #tpu.memory_space<vmem_shared>>) target(%dma_start3A_418 : memref<40x128xf32, #tpu.memory_space<hbm>>) target_semaphore(%arg24 : memref<!tpu.dma_semaphore, #tpu.memory_space<semaphore_mem>>)
    %mul3A_421 = arith.constant 640 : i32
    %mul3A_422 = arith.muli %arg1, %mul3A_421 : i32
    %add3A_423 = arith.constant 480 : i32
    %add3A_424 = arith.addi %mul3A_422, %add3A_423 : i32
    %mul3A_425 = arith.constant 640 : i32
    %mul3A_426 = arith.muli %arg1, %mul3A_425 : i32
    %add3A_427 = arith.constant 480 : i32
    %add3A_428 = arith.addi %mul3A_426, %add3A_427 : i32
    %dma_start3A_429 = arith.constant 0 : i32
    %dma_start3A_430 = tpu.memref_slice %arg5[%arg0, %add3A_428, %dma_start3A_429] : memref<2x10240x128xf32, #tpu.memory_space<hbm>> -> memref<1x40x128xf32, #tpu.memory_space<hbm>>
    %dma_start3A_431 = tpu.memref_squeeze %dma_start3A_430 : memref<1x40x128xf32, #tpu.memory_space<hbm>> -> memref<40x128xf32, #tpu.memory_space<hbm>>
    %dma_start3A_432 = arith.constant 0 : i32
    %dma_start3A_433 = tpu.memref_slice %arg13[%add3A_424, %dma_start3A_432] : memref<10240x128xf32, #tpu.memory_space<vmem_shared>> -> memref<40x128xf32, #tpu.memory_space<vmem_shared>>
    tpu.enqueue_dma source(%dma_start3A_433 : memref<40x128xf32, #tpu.memory_space<vmem_shared>>) target(%dma_start3A_431 : memref<40x128xf32, #tpu.memory_space<hbm>>) target_semaphore(%arg24 : memref<!tpu.dma_semaphore, #tpu.memory_space<semaphore_mem>>)
    %mul3A_434 = arith.constant 640 : i32
    %mul3A_435 = arith.muli %arg1, %mul3A_434 : i32
    %add3A_436 = arith.constant 520 : i32
    %add3A_437 = arith.addi %mul3A_435, %add3A_436 : i32
    %mul3A_438 = arith.constant 640 : i32
    %mul3A_439 = arith.muli %arg1, %mul3A_438 : i32
    %add3A_440 = arith.constant 520 : i32
    %add3A_441 = arith.addi %mul3A_439, %add3A_440 : i32
    %dma_start3A_442 = arith.constant 0 : i32
    %dma_start3A_443 = tpu.memref_slice %arg5[%arg0, %add3A_441, %dma_start3A_442] : memref<2x10240x128xf32, #tpu.memory_space<hbm>> -> memref<1x40x128xf32, #tpu.memory_space<hbm>>
    %dma_start3A_444 = tpu.memref_squeeze %dma_start3A_443 : memref<1x40x128xf32, #tpu.memory_space<hbm>> -> memref<40x128xf32, #tpu.memory_space<hbm>>
    %dma_start3A_445 = arith.constant 0 : i32
    %dma_start3A_446 = tpu.memref_slice %arg13[%add3A_437, %dma_start3A_445] : memref<10240x128xf32, #tpu.memory_space<vmem_shared>> -> memref<40x128xf32, #tpu.memory_space<vmem_shared>>
    tpu.enqueue_dma source(%dma_start3A_446 : memref<40x128xf32, #tpu.memory_space<vmem_shared>>) target(%dma_start3A_444 : memref<40x128xf32, #tpu.memory_space<hbm>>) target_semaphore(%arg24 : memref<!tpu.dma_semaphore, #tpu.memory_space<semaphore_mem>>)
    %mul3A_447 = arith.constant 640 : i32
    %mul3A_448 = arith.muli %arg1, %mul3A_447 : i32
    %add3A_449 = arith.constant 560 : i32
    %add3A_450 = arith.addi %mul3A_448, %add3A_449 : i32
    %mul3A_451 = arith.constant 640 : i32
    %mul3A_452 = arith.muli %arg1, %mul3A_451 : i32
    %add3A_453 = arith.constant 560 : i32
    %add3A_454 = arith.addi %mul3A_452, %add3A_453 : i32
    %dma_start3A_455 = arith.constant 0 : i32
    %dma_start3A_456 = tpu.memref_slice %arg5[%arg0, %add3A_454, %dma_start3A_455] : memref<2x10240x128xf32, #tpu.memory_space<hbm>> -> memref<1x40x128xf32, #tpu.memory_space<hbm>>
    %dma_start3A_457 = tpu.memref_squeeze %dma_start3A_456 : memref<1x40x128xf32, #tpu.memory_space<hbm>> -> memref<40x128xf32, #tpu.memory_space<hbm>>
    %dma_start3A_458 = arith.constant 0 : i32
    %dma_start3A_459 = tpu.memref_slice %arg13[%add3A_450, %dma_start3A_458] : memref<10240x128xf32, #tpu.memory_space<vmem_shared>> -> memref<40x128xf32, #tpu.memory_space<vmem_shared>>
    tpu.enqueue_dma source(%dma_start3A_459 : memref<40x128xf32, #tpu.memory_space<vmem_shared>>) target(%dma_start3A_457 : memref<40x128xf32, #tpu.memory_space<hbm>>) target_semaphore(%arg24 : memref<!tpu.dma_semaphore, #tpu.memory_space<semaphore_mem>>)
    %mul3A_460 = arith.constant 640 : i32
    %mul3A_461 = arith.muli %arg1, %mul3A_460 : i32
    %add3A_462 = arith.constant 600 : i32
    %add3A_463 = arith.addi %mul3A_461, %add3A_462 : i32
    %mul3A_464 = arith.constant 640 : i32
    %mul3A_465 = arith.muli %arg1, %mul3A_464 : i32
    %add3A_466 = arith.constant 600 : i32
    %add3A_467 = arith.addi %mul3A_465, %add3A_466 : i32
    %dma_start3A_468 = arith.constant 0 : i32
    %dma_start3A_469 = tpu.memref_slice %arg5[%arg0, %add3A_467, %dma_start3A_468] : memref<2x10240x128xf32, #tpu.memory_space<hbm>> -> memref<1x40x128xf32, #tpu.memory_space<hbm>>
    %dma_start3A_470 = tpu.memref_squeeze %dma_start3A_469 : memref<1x40x128xf32, #tpu.memory_space<hbm>> -> memref<40x128xf32, #tpu.memory_space<hbm>>
    %dma_start3A_471 = arith.constant 0 : i32
    %dma_start3A_472 = tpu.memref_slice %arg13[%add3A_463, %dma_start3A_471] : memref<10240x128xf32, #tpu.memory_space<vmem_shared>> -> memref<40x128xf32, #tpu.memory_space<vmem_shared>>
    tpu.enqueue_dma source(%dma_start3A_472 : memref<40x128xf32, #tpu.memory_space<vmem_shared>>) target(%dma_start3A_470 : memref<40x128xf32, #tpu.memory_space<hbm>>) target_semaphore(%arg24 : memref<!tpu.dma_semaphore, #tpu.memory_space<semaphore_mem>>)
    %mul3A_473 = arith.constant 640 : i32
    %mul3A_474 = arith.muli %arg1, %mul3A_473 : i32
    %mul3A_475 = arith.constant 640 : i32
    %mul3A_476 = arith.muli %arg1, %mul3A_475 : i32
    %dma_wait3A_477 = arith.constant 0 : i32
    %dma_wait3A_478 = tpu.memref_slice %arg5[%arg0, %mul3A_476, %dma_wait3A_477] : memref<2x10240x128xf32, #tpu.memory_space<hbm>> -> memref<1x40x128xf32, #tpu.memory_space<hbm>>
    %dma_wait3A_479 = tpu.memref_squeeze %dma_wait3A_478 : memref<1x40x128xf32, #tpu.memory_space<hbm>> -> memref<40x128xf32, #tpu.memory_space<hbm>>
    %dma_wait3A_480 = arith.constant 0 : i32
    %dma_wait3A_481 = tpu.memref_slice %arg13[%mul3A_474, %dma_wait3A_480] : memref<10240x128xf32, #tpu.memory_space<vmem_shared>> -> memref<40x128xf32, #tpu.memory_space<vmem_shared>>
    tpu.wait_dma2 semaphore(%arg24 : memref<!tpu.dma_semaphore, #tpu.memory_space<semaphore_mem>>) src(%dma_wait3A_481 : memref<40x128xf32, #tpu.memory_space<vmem_shared>>) dst(%dma_wait3A_479 : memref<40x128xf32, #tpu.memory_space<hbm>>)
    %mul3A_482 = arith.constant 640 : i32
    %mul3A_483 = arith.muli %arg1, %mul3A_482 : i32
    %mul3A_484 = arith.constant 640 : i32
    %mul3A_485 = arith.muli %arg1, %mul3A_484 : i32
    %dma_wait3A_486 = arith.constant 0 : i32
    %dma_wait3A_487 = tpu.memref_slice %arg5[%arg0, %mul3A_485, %dma_wait3A_486] : memref<2x10240x128xf32, #tpu.memory_space<hbm>> -> memref<1x40x128xf32, #tpu.memory_space<hbm>>
    %dma_wait3A_488 = tpu.memref_squeeze %dma_wait3A_487 : memref<1x40x128xf32, #tpu.memory_space<hbm>> -> memref<40x128xf32, #tpu.memory_space<hbm>>
    %dma_wait3A_489 = arith.constant 0 : i32
    %dma_wait3A_490 = tpu.memref_slice %arg13[%mul3A_483, %dma_wait3A_489] : memref<10240x128xf32, #tpu.memory_space<vmem_shared>> -> memref<40x128xf32, #tpu.memory_space<vmem_shared>>
    tpu.wait_dma2 semaphore(%arg24 : memref<!tpu.dma_semaphore, #tpu.memory_space<semaphore_mem>>) src(%dma_wait3A_490 : memref<40x128xf32, #tpu.memory_space<vmem_shared>>) dst(%dma_wait3A_488 : memref<40x128xf32, #tpu.memory_space<hbm>>)
    %mul3A_491 = arith.constant 640 : i32
    %mul3A_492 = arith.muli %arg1, %mul3A_491 : i32
    %mul3A_493 = arith.constant 640 : i32
    %mul3A_494 = arith.muli %arg1, %mul3A_493 : i32
    %dma_wait3A_495 = arith.constant 0 : i32
    %dma_wait3A_496 = tpu.memref_slice %arg5[%arg0, %mul3A_494, %dma_wait3A_495] : memref<2x10240x128xf32, #tpu.memory_space<hbm>> -> memref<1x40x128xf32, #tpu.memory_space<hbm>>
    %dma_wait3A_497 = tpu.memref_squeeze %dma_wait3A_496 : memref<1x40x128xf32, #tpu.memory_space<hbm>> -> memref<40x128xf32, #tpu.memory_space<hbm>>
    %dma_wait3A_498 = arith.constant 0 : i32
    %dma_wait3A_499 = tpu.memref_slice %arg13[%mul3A_492, %dma_wait3A_498] : memref<10240x128xf32, #tpu.memory_space<vmem_shared>> -> memref<40x128xf32, #tpu.memory_space<vmem_shared>>
    tpu.wait_dma2 semaphore(%arg24 : memref<!tpu.dma_semaphore, #tpu.memory_space<semaphore_mem>>) src(%dma_wait3A_499 : memref<40x128xf32, #tpu.memory_space<vmem_shared>>) dst(%dma_wait3A_497 : memref<40x128xf32, #tpu.memory_space<hbm>>)
    %mul3A_500 = arith.constant 640 : i32
    %mul3A_501 = arith.muli %arg1, %mul3A_500 : i32
    %mul3A_502 = arith.constant 640 : i32
    %mul3A_503 = arith.muli %arg1, %mul3A_502 : i32
    %dma_wait3A_504 = arith.constant 0 : i32
    %dma_wait3A_505 = tpu.memref_slice %arg5[%arg0, %mul3A_503, %dma_wait3A_504] : memref<2x10240x128xf32, #tpu.memory_space<hbm>> -> memref<1x40x128xf32, #tpu.memory_space<hbm>>
    %dma_wait3A_506 = tpu.memref_squeeze %dma_wait3A_505 : memref<1x40x128xf32, #tpu.memory_space<hbm>> -> memref<40x128xf32, #tpu.memory_space<hbm>>
    %dma_wait3A_507 = arith.constant 0 : i32
    %dma_wait3A_508 = tpu.memref_slice %arg13[%mul3A_501, %dma_wait3A_507] : memref<10240x128xf32, #tpu.memory_space<vmem_shared>> -> memref<40x128xf32, #tpu.memory_space<vmem_shared>>
    tpu.wait_dma2 semaphore(%arg24 : memref<!tpu.dma_semaphore, #tpu.memory_space<semaphore_mem>>) src(%dma_wait3A_508 : memref<40x128xf32, #tpu.memory_space<vmem_shared>>) dst(%dma_wait3A_506 : memref<40x128xf32, #tpu.memory_space<hbm>>)
    %mul3A_509 = arith.constant 640 : i32
    %mul3A_510 = arith.muli %arg1, %mul3A_509 : i32
    %mul3A_511 = arith.constant 640 : i32
    %mul3A_512 = arith.muli %arg1, %mul3A_511 : i32
    %dma_wait3A_513 = arith.constant 0 : i32
    %dma_wait3A_514 = tpu.memref_slice %arg5[%arg0, %mul3A_512, %dma_wait3A_513] : memref<2x10240x128xf32, #tpu.memory_space<hbm>> -> memref<1x40x128xf32, #tpu.memory_space<hbm>>
    %dma_wait3A_515 = tpu.memref_squeeze %dma_wait3A_514 : memref<1x40x128xf32, #tpu.memory_space<hbm>> -> memref<40x128xf32, #tpu.memory_space<hbm>>
    %dma_wait3A_516 = arith.constant 0 : i32
    %dma_wait3A_517 = tpu.memref_slice %arg13[%mul3A_510, %dma_wait3A_516] : memref<10240x128xf32, #tpu.memory_space<vmem_shared>> -> memref<40x128xf32, #tpu.memory_space<vmem_shared>>
    tpu.wait_dma2 semaphore(%arg24 : memref<!tpu.dma_semaphore, #tpu.memory_space<semaphore_mem>>) src(%dma_wait3A_517 : memref<40x128xf32, #tpu.memory_space<vmem_shared>>) dst(%dma_wait3A_515 : memref<40x128xf32, #tpu.memory_space<hbm>>)
    %mul3A_518 = arith.constant 640 : i32
    %mul3A_519 = arith.muli %arg1, %mul3A_518 : i32
    %mul3A_520 = arith.constant 640 : i32
    %mul3A_521 = arith.muli %arg1, %mul3A_520 : i32
    %dma_wait3A_522 = arith.constant 0 : i32
    %dma_wait3A_523 = tpu.memref_slice %arg5[%arg0, %mul3A_521, %dma_wait3A_522] : memref<2x10240x128xf32, #tpu.memory_space<hbm>> -> memref<1x40x128xf32, #tpu.memory_space<hbm>>
    %dma_wait3A_524 = tpu.memref_squeeze %dma_wait3A_523 : memref<1x40x128xf32, #tpu.memory_space<hbm>> -> memref<40x128xf32, #tpu.memory_space<hbm>>
    %dma_wait3A_525 = arith.constant 0 : i32
    %dma_wait3A_526 = tpu.memref_slice %arg13[%mul3A_519, %dma_wait3A_525] : memref<10240x128xf32, #tpu.memory_space<vmem_shared>> -> memref<40x128xf32, #tpu.memory_space<vmem_shared>>
    tpu.wait_dma2 semaphore(%arg24 : memref<!tpu.dma_semaphore, #tpu.memory_space<semaphore_mem>>) src(%dma_wait3A_526 : memref<40x128xf32, #tpu.memory_space<vmem_shared>>) dst(%dma_wait3A_524 : memref<40x128xf32, #tpu.memory_space<hbm>>)
    %mul3A_527 = arith.constant 640 : i32
    %mul3A_528 = arith.muli %arg1, %mul3A_527 : i32
    %mul3A_529 = arith.constant 640 : i32
    %mul3A_530 = arith.muli %arg1, %mul3A_529 : i32
    %dma_wait3A_531 = arith.constant 0 : i32
    %dma_wait3A_532 = tpu.memref_slice %arg5[%arg0, %mul3A_530, %dma_wait3A_531] : memref<2x10240x128xf32, #tpu.memory_space<hbm>> -> memref<1x40x128xf32, #tpu.memory_space<hbm>>
    %dma_wait3A_533 = tpu.memref_squeeze %dma_wait3A_532 : memref<1x40x128xf32, #tpu.memory_space<hbm>> -> memref<40x128xf32, #tpu.memory_space<hbm>>
    %dma_wait3A_534 = arith.constant 0 : i32
    %dma_wait3A_535 = tpu.memref_slice %arg13[%mul3A_528, %dma_wait3A_534] : memref<10240x128xf32, #tpu.memory_space<vmem_shared>> -> memref<40x128xf32, #tpu.memory_space<vmem_shared>>
    tpu.wait_dma2 semaphore(%arg24 : memref<!tpu.dma_semaphore, #tpu.memory_space<semaphore_mem>>) src(%dma_wait3A_535 : memref<40x128xf32, #tpu.memory_space<vmem_shared>>) dst(%dma_wait3A_533 : memref<40x128xf32, #tpu.memory_space<hbm>>)
    %mul3A_536 = arith.constant 640 : i32
    %mul3A_537 = arith.muli %arg1, %mul3A_536 : i32
    %mul3A_538 = arith.constant 640 : i32
    %mul3A_539 = arith.muli %arg1, %mul3A_538 : i32
    %dma_wait3A_540 = arith.constant 0 : i32
    %dma_wait3A_541 = tpu.memref_slice %arg5[%arg0, %mul3A_539, %dma_wait3A_540] : memref<2x10240x128xf32, #tpu.memory_space<hbm>> -> memref<1x40x128xf32, #tpu.memory_space<hbm>>
    %dma_wait3A_542 = tpu.memref_squeeze %dma_wait3A_541 : memref<1x40x128xf32, #tpu.memory_space<hbm>> -> memref<40x128xf32, #tpu.memory_space<hbm>>
    %dma_wait3A_543 = arith.constant 0 : i32
    %dma_wait3A_544 = tpu.memref_slice %arg13[%mul3A_537, %dma_wait3A_543] : memref<10240x128xf32, #tpu.memory_space<vmem_shared>> -> memref<40x128xf32, #tpu.memory_space<vmem_shared>>
    tpu.wait_dma2 semaphore(%arg24 : memref<!tpu.dma_semaphore, #tpu.memory_space<semaphore_mem>>) src(%dma_wait3A_544 : memref<40x128xf32, #tpu.memory_space<vmem_shared>>) dst(%dma_wait3A_542 : memref<40x128xf32, #tpu.memory_space<hbm>>)
    %mul3A_545 = arith.constant 640 : i32
    %mul3A_546 = arith.muli %arg1, %mul3A_545 : i32
    %mul3A_547 = arith.constant 640 : i32
    %mul3A_548 = arith.muli %arg1, %mul3A_547 : i32
    %dma_wait3A_549 = arith.constant 0 : i32
    %dma_wait3A_550 = tpu.memref_slice %arg5[%arg0, %mul3A_548, %dma_wait3A_549] : memref<2x10240x128xf32, #tpu.memory_space<hbm>> -> memref<1x40x128xf32, #tpu.memory_space<hbm>>
    %dma_wait3A_551 = tpu.memref_squeeze %dma_wait3A_550 : memref<1x40x128xf32, #tpu.memory_space<hbm>> -> memref<40x128xf32, #tpu.memory_space<hbm>>
    %dma_wait3A_552 = arith.constant 0 : i32
    %dma_wait3A_553 = tpu.memref_slice %arg13[%mul3A_546, %dma_wait3A_552] : memref<10240x128xf32, #tpu.memory_space<vmem_shared>> -> memref<40x128xf32, #tpu.memory_space<vmem_shared>>
    tpu.wait_dma2 semaphore(%arg24 : memref<!tpu.dma_semaphore, #tpu.memory_space<semaphore_mem>>) src(%dma_wait3A_553 : memref<40x128xf32, #tpu.memory_space<vmem_shared>>) dst(%dma_wait3A_551 : memref<40x128xf32, #tpu.memory_space<hbm>>)
    %mul3A_554 = arith.constant 640 : i32
    %mul3A_555 = arith.muli %arg1, %mul3A_554 : i32
    %mul3A_556 = arith.constant 640 : i32
    %mul3A_557 = arith.muli %arg1, %mul3A_556 : i32
    %dma_wait3A_558 = arith.constant 0 : i32
    %dma_wait3A_559 = tpu.memref_slice %arg5[%arg0, %mul3A_557, %dma_wait3A_558] : memref<2x10240x128xf32, #tpu.memory_space<hbm>> -> memref<1x40x128xf32, #tpu.memory_space<hbm>>
    %dma_wait3A_560 = tpu.memref_squeeze %dma_wait3A_559 : memref<1x40x128xf32, #tpu.memory_space<hbm>> -> memref<40x128xf32, #tpu.memory_space<hbm>>
    %dma_wait3A_561 = arith.constant 0 : i32
    %dma_wait3A_562 = tpu.memref_slice %arg13[%mul3A_555, %dma_wait3A_561] : memref<10240x128xf32, #tpu.memory_space<vmem_shared>> -> memref<40x128xf32, #tpu.memory_space<vmem_shared>>
    tpu.wait_dma2 semaphore(%arg24 : memref<!tpu.dma_semaphore, #tpu.memory_space<semaphore_mem>>) src(%dma_wait3A_562 : memref<40x128xf32, #tpu.memory_space<vmem_shared>>) dst(%dma_wait3A_560 : memref<40x128xf32, #tpu.memory_space<hbm>>)
    %mul3A_563 = arith.constant 640 : i32
    %mul3A_564 = arith.muli %arg1, %mul3A_563 : i32
    %mul3A_565 = arith.constant 640 : i32
    %mul3A_566 = arith.muli %arg1, %mul3A_565 : i32
    %dma_wait3A_567 = arith.constant 0 : i32
    %dma_wait3A_568 = tpu.memref_slice %arg5[%arg0, %mul3A_566, %dma_wait3A_567] : memref<2x10240x128xf32, #tpu.memory_space<hbm>> -> memref<1x40x128xf32, #tpu.memory_space<hbm>>
    %dma_wait3A_569 = tpu.memref_squeeze %dma_wait3A_568 : memref<1x40x128xf32, #tpu.memory_space<hbm>> -> memref<40x128xf32, #tpu.memory_space<hbm>>
    %dma_wait3A_570 = arith.constant 0 : i32
    %dma_wait3A_571 = tpu.memref_slice %arg13[%mul3A_564, %dma_wait3A_570] : memref<10240x128xf32, #tpu.memory_space<vmem_shared>> -> memref<40x128xf32, #tpu.memory_space<vmem_shared>>
    tpu.wait_dma2 semaphore(%arg24 : memref<!tpu.dma_semaphore, #tpu.memory_space<semaphore_mem>>) src(%dma_wait3A_571 : memref<40x128xf32, #tpu.memory_space<vmem_shared>>) dst(%dma_wait3A_569 : memref<40x128xf32, #tpu.memory_space<hbm>>)
    %mul3A_572 = arith.constant 640 : i32
    %mul3A_573 = arith.muli %arg1, %mul3A_572 : i32
    %mul3A_574 = arith.constant 640 : i32
    %mul3A_575 = arith.muli %arg1, %mul3A_574 : i32
    %dma_wait3A_576 = arith.constant 0 : i32
    %dma_wait3A_577 = tpu.memref_slice %arg5[%arg0, %mul3A_575, %dma_wait3A_576] : memref<2x10240x128xf32, #tpu.memory_space<hbm>> -> memref<1x40x128xf32, #tpu.memory_space<hbm>>
    %dma_wait3A_578 = tpu.memref_squeeze %dma_wait3A_577 : memref<1x40x128xf32, #tpu.memory_space<hbm>> -> memref<40x128xf32, #tpu.memory_space<hbm>>
    %dma_wait3A_579 = arith.constant 0 : i32
    %dma_wait3A_580 = tpu.memref_slice %arg13[%mul3A_573, %dma_wait3A_579] : memref<10240x128xf32, #tpu.memory_space<vmem_shared>> -> memref<40x128xf32, #tpu.memory_space<vmem_shared>>
    tpu.wait_dma2 semaphore(%arg24 : memref<!tpu.dma_semaphore, #tpu.memory_space<semaphore_mem>>) src(%dma_wait3A_580 : memref<40x128xf32, #tpu.memory_space<vmem_shared>>) dst(%dma_wait3A_578 : memref<40x128xf32, #tpu.memory_space<hbm>>)
    %mul3A_581 = arith.constant 640 : i32
    %mul3A_582 = arith.muli %arg1, %mul3A_581 : i32
    %mul3A_583 = arith.constant 640 : i32
    %mul3A_584 = arith.muli %arg1, %mul3A_583 : i32
    %dma_wait3A_585 = arith.constant 0 : i32
    %dma_wait3A_586 = tpu.memref_slice %arg5[%arg0, %mul3A_584, %dma_wait3A_585] : memref<2x10240x128xf32, #tpu.memory_space<hbm>> -> memref<1x40x128xf32, #tpu.memory_space<hbm>>
    %dma_wait3A_587 = tpu.memref_squeeze %dma_wait3A_586 : memref<1x40x128xf32, #tpu.memory_space<hbm>> -> memref<40x128xf32, #tpu.memory_space<hbm>>
    %dma_wait3A_588 = arith.constant 0 : i32
    %dma_wait3A_589 = tpu.memref_slice %arg13[%mul3A_582, %dma_wait3A_588] : memref<10240x128xf32, #tpu.memory_space<vmem_shared>> -> memref<40x128xf32, #tpu.memory_space<vmem_shared>>
    tpu.wait_dma2 semaphore(%arg24 : memref<!tpu.dma_semaphore, #tpu.memory_space<semaphore_mem>>) src(%dma_wait3A_589 : memref<40x128xf32, #tpu.memory_space<vmem_shared>>) dst(%dma_wait3A_587 : memref<40x128xf32, #tpu.memory_space<hbm>>)
    %mul3A_590 = arith.constant 640 : i32
    %mul3A_591 = arith.muli %arg1, %mul3A_590 : i32
    %mul3A_592 = arith.constant 640 : i32
    %mul3A_593 = arith.muli %arg1, %mul3A_592 : i32
    %dma_wait3A_594 = arith.constant 0 : i32
    %dma_wait3A_595 = tpu.memref_slice %arg5[%arg0, %mul3A_593, %dma_wait3A_594] : memref<2x10240x128xf32, #tpu.memory_space<hbm>> -> memref<1x40x128xf32, #tpu.memory_space<hbm>>
    %dma_wait3A_596 = tpu.memref_squeeze %dma_wait3A_595 : memref<1x40x128xf32, #tpu.memory_space<hbm>> -> memref<40x128xf32, #tpu.memory_space<hbm>>
    %dma_wait3A_597 = arith.constant 0 : i32
    %dma_wait3A_598 = tpu.memref_slice %arg13[%mul3A_591, %dma_wait3A_597] : memref<10240x128xf32, #tpu.memory_space<vmem_shared>> -> memref<40x128xf32, #tpu.memory_space<vmem_shared>>
    tpu.wait_dma2 semaphore(%arg24 : memref<!tpu.dma_semaphore, #tpu.memory_space<semaphore_mem>>) src(%dma_wait3A_598 : memref<40x128xf32, #tpu.memory_space<vmem_shared>>) dst(%dma_wait3A_596 : memref<40x128xf32, #tpu.memory_space<hbm>>)
    %mul3A_599 = arith.constant 640 : i32
    %mul3A_600 = arith.muli %arg1, %mul3A_599 : i32
    %mul3A_601 = arith.constant 640 : i32
    %mul3A_602 = arith.muli %arg1, %mul3A_601 : i32
    %dma_wait3A_603 = arith.constant 0 : i32
    %dma_wait3A_604 = tpu.memref_slice %arg5[%arg0, %mul3A_602, %dma_wait3A_603] : memref<2x10240x128xf32, #tpu.memory_space<hbm>> -> memref<1x40x128xf32, #tpu.memory_space<hbm>>
    %dma_wait3A_605 = tpu.memref_squeeze %dma_wait3A_604 : memref<1x40x128xf32, #tpu.memory_space<hbm>> -> memref<40x128xf32, #tpu.memory_space<hbm>>
    %dma_wait3A_606 = arith.constant 0 : i32
    %dma_wait3A_607 = tpu.memref_slice %arg13[%mul3A_600, %dma_wait3A_606] : memref<10240x128xf32, #tpu.memory_space<vmem_shared>> -> memref<40x128xf32, #tpu.memory_space<vmem_shared>>
    tpu.wait_dma2 semaphore(%arg24 : memref<!tpu.dma_semaphore, #tpu.memory_space<semaphore_mem>>) src(%dma_wait3A_607 : memref<40x128xf32, #tpu.memory_space<vmem_shared>>) dst(%dma_wait3A_605 : memref<40x128xf32, #tpu.memory_space<hbm>>)
    %mul3A_608 = arith.constant 640 : i32
    %mul3A_609 = arith.muli %arg1, %mul3A_608 : i32
    %mul3A_610 = arith.constant 640 : i32
    %mul3A_611 = arith.muli %arg1, %mul3A_610 : i32
    %dma_wait3A_612 = arith.constant 0 : i32
    %dma_wait3A_613 = tpu.memref_slice %arg5[%arg0, %mul3A_611, %dma_wait3A_612] : memref<2x10240x128xf32, #tpu.memory_space<hbm>> -> memref<1x40x128xf32, #tpu.memory_space<hbm>>
    %dma_wait3A_614 = tpu.memref_squeeze %dma_wait3A_613 : memref<1x40x128xf32, #tpu.memory_space<hbm>> -> memref<40x128xf32, #tpu.memory_space<hbm>>
    %dma_wait3A_615 = arith.constant 0 : i32
    %dma_wait3A_616 = tpu.memref_slice %arg13[%mul3A_609, %dma_wait3A_615] : memref<10240x128xf32, #tpu.memory_space<vmem_shared>> -> memref<40x128xf32, #tpu.memory_space<vmem_shared>>
    tpu.wait_dma2 semaphore(%arg24 : memref<!tpu.dma_semaphore, #tpu.memory_space<semaphore_mem>>) src(%dma_wait3A_616 : memref<40x128xf32, #tpu.memory_space<vmem_shared>>) dst(%dma_wait3A_614 : memref<40x128xf32, #tpu.memory_space<hbm>>)
    return
  }
}

#map = affine_map<(d0, d1) -> (0, 0)>
#map1 = affine_map<(d0, d1) -> (0, 0, 0, 0)>
#map2 = affine_map<(d0, d1) -> (0, 0, 0)>
module attributes {stable_mosaic.version = 14 : i64} {
  func.func @_agg_body(%arg0: i32, %arg1: i32, %arg2: memref<10000x128xf32, #tpu.memory_space<hbm>>, %arg3: memref<2x32x250x40xi32, #tpu.memory_space<hbm>>, %arg4: memref<40x128xf32, #tpu.memory_space<hbm>>, %arg5: memref<2x10240x128xf32, #tpu.memory_space<hbm>>, %arg6: memref<250x40xi32, #tpu.memory_space<vmem>>, %arg7: memref<250x40xi32, #tpu.memory_space<vmem>>, %arg8: memref<40x128xf32, #tpu.memory_space<vmem>>, %arg9: memref<40x128xf32, #tpu.memory_space<vmem>>, %arg10: memref<40x128xf32, #tpu.memory_space<vmem>>, %arg11: memref<40x128xf32, #tpu.memory_space<vmem>>, %arg12: memref<40x128xf32, #tpu.memory_space<vmem>>, %arg13: memref<10240x128xf32, #tpu.memory_space<vmem_shared>>, %arg14: memref<!tpu.dma_semaphore, #tpu.memory_space<semaphore_mem>>, %arg15: memref<!tpu.dma_semaphore, #tpu.memory_space<semaphore_mem>>, %arg16: memref<!tpu.dma_semaphore, #tpu.memory_space<semaphore_mem>>, %arg17: memref<!tpu.dma_semaphore, #tpu.memory_space<semaphore_mem>>, %arg18: memref<!tpu.dma_semaphore, #tpu.memory_space<semaphore_mem>>, %arg19: memref<!tpu.dma_semaphore, #tpu.memory_space<semaphore_mem>>, %arg20: memref<!tpu.dma_semaphore, #tpu.memory_space<semaphore_mem>>, %arg21: memref<!tpu.dma_semaphore, #tpu.memory_space<semaphore_mem>>, %arg22: memref<!tpu.dma_semaphore, #tpu.memory_space<semaphore_mem>>, %arg23: memref<!tpu.dma_semaphore, #tpu.memory_space<semaphore_mem>>, %arg24: memref<!tpu.dma_semaphore, #tpu.memory_space<semaphore_mem>>) attributes {dimension_semantics = [#tpu.dimension_semantics<core_parallel>, #tpu.dimension_semantics<subcore_parallel>], iteration_bounds = array<i64: 2, 16>, scalar_prefetch = 0 : i64, scratch_operands = 19 : i64, tpu.core_type = #tpu.core_type<sc_vector_subcore>, window_params = [{transform_indices = #map}, {transform_indices = #map1}, {transform_indices = #map}, {transform_indices = #map2}]} {
    %mul3A = arith.constant 16 : i32
    %mul3A_0 = arith.muli %arg0, %mul3A : i32
    %add3A = arith.addi %mul3A_0, %arg1 : i32
    %run_scoped3A = arith.constant 0 : i32
    "tpu.region"() ({
      %run_scoped3A_617 = tpu.sem_alloc : memref<!tpu.dma_semaphore, #tpu.memory_space<semaphore_mem>>
      %dma_start3A_618 = arith.constant 0 : i32
      %dma_start3A_619 = arith.constant 0 : i32
      %dma_start3A_620 = tpu.memref_slice %arg3[%run_scoped3A, %add3A, %dma_start3A_618, %dma_start3A_619] : memref<2x32x250x40xi32, #tpu.memory_space<hbm>> -> memref<1x1x250x40xi32, #tpu.memory_space<hbm>>
      %dma_start3A_621 = tpu.memref_squeeze %dma_start3A_620 : memref<1x1x250x40xi32, #tpu.memory_space<hbm>> -> memref<250x40xi32, #tpu.memory_space<hbm>>
      %dma_start3A_622 = arith.constant 0 : i32
      %dma_start3A_623 = arith.constant 0 : i32
      %dma_start3A_624 = tpu.memref_slice %arg3[%run_scoped3A, %add3A, %dma_start3A_622, %dma_start3A_623] : memref<2x32x250x40xi32, #tpu.memory_space<hbm>> -> memref<1x1x250x40xi32, #tpu.memory_space<hbm>>
      %dma_start3A_625 = tpu.memref_squeeze %dma_start3A_624 : memref<1x1x250x40xi32, #tpu.memory_space<hbm>> -> memref<250x40xi32, #tpu.memory_space<hbm>>
      tpu.enqueue_dma source(%dma_start3A_625 : memref<250x40xi32, #tpu.memory_space<hbm>>) target(%arg6 : memref<250x40xi32, #tpu.memory_space<vmem>>) target_semaphore(%run_scoped3A_617 : memref<!tpu.dma_semaphore, #tpu.memory_space<semaphore_mem>>)
      %dma_wait3A_626 = arith.constant 0 : i32
      %dma_wait3A_627 = arith.constant 0 : i32
      %dma_wait3A_628 = tpu.memref_slice %arg3[%run_scoped3A, %add3A, %dma_wait3A_626, %dma_wait3A_627] : memref<2x32x250x40xi32, #tpu.memory_space<hbm>> -> memref<1x1x250x40xi32, #tpu.memory_space<hbm>>
      %dma_wait3A_629 = tpu.memref_squeeze %dma_wait3A_628 : memref<1x1x250x40xi32, #tpu.memory_space<hbm>> -> memref<250x40xi32, #tpu.memory_space<hbm>>
      %dma_wait3A_630 = arith.constant 0 : i32
      %dma_wait3A_631 = arith.constant 0 : i32
      %dma_wait3A_632 = tpu.memref_slice %arg3[%run_scoped3A, %add3A, %dma_wait3A_630, %dma_wait3A_631] : memref<2x32x250x40xi32, #tpu.memory_space<hbm>> -> memref<1x1x250x40xi32, #tpu.memory_space<hbm>>
      %dma_wait3A_633 = tpu.memref_squeeze %dma_wait3A_632 : memref<1x1x250x40xi32, #tpu.memory_space<hbm>> -> memref<250x40xi32, #tpu.memory_space<hbm>>
      tpu.wait_dma2 semaphore(%run_scoped3A_617 : memref<!tpu.dma_semaphore, #tpu.memory_space<semaphore_mem>>) src(%dma_wait3A_633 : memref<250x40xi32, #tpu.memory_space<hbm>>) dst(%arg6 : memref<250x40xi32, #tpu.memory_space<vmem>>)
      tpu.yield
    }) : () -> ()
    %run_scoped3A_1 = arith.constant 1 : i32
    "tpu.region"() ({
      %run_scoped3A_617 = tpu.sem_alloc : memref<!tpu.dma_semaphore, #tpu.memory_space<semaphore_mem>>
      %dma_start3A_618 = arith.constant 0 : i32
      %dma_start3A_619 = arith.constant 0 : i32
      %dma_start3A_620 = tpu.memref_slice %arg3[%run_scoped3A_1, %add3A, %dma_start3A_618, %dma_start3A_619] : memref<2x32x250x40xi32, #tpu.memory_space<hbm>> -> memref<1x1x250x40xi32, #tpu.memory_space<hbm>>
      %dma_start3A_621 = tpu.memref_squeeze %dma_start3A_620 : memref<1x1x250x40xi32, #tpu.memory_space<hbm>> -> memref<250x40xi32, #tpu.memory_space<hbm>>
      %dma_start3A_622 = arith.constant 0 : i32
      %dma_start3A_623 = arith.constant 0 : i32
      %dma_start3A_624 = tpu.memref_slice %arg3[%run_scoped3A_1, %add3A, %dma_start3A_622, %dma_start3A_623] : memref<2x32x250x40xi32, #tpu.memory_space<hbm>> -> memref<1x1x250x40xi32, #tpu.memory_space<hbm>>
      %dma_start3A_625 = tpu.memref_squeeze %dma_start3A_624 : memref<1x1x250x40xi32, #tpu.memory_space<hbm>> -> memref<250x40xi32, #tpu.memory_space<hbm>>
      tpu.enqueue_dma source(%dma_start3A_625 : memref<250x40xi32, #tpu.memory_space<hbm>>) target(%arg7 : memref<250x40xi32, #tpu.memory_space<vmem>>) target_semaphore(%run_scoped3A_617 : memref<!tpu.dma_semaphore, #tpu.memory_space<semaphore_mem>>)
      %dma_wait3A_626 = arith.constant 0 : i32
      %dma_wait3A_627 = arith.constant 0 : i32
      %dma_wait3A_628 = tpu.memref_slice %arg3[%run_scoped3A_1, %add3A, %dma_wait3A_626, %dma_wait3A_627] : memref<2x32x250x40xi32, #tpu.memory_space<hbm>> -> memref<1x1x250x40xi32, #tpu.memory_space<hbm>>
      %dma_wait3A_629 = tpu.memref_squeeze %dma_wait3A_628 : memref<1x1x250x40xi32, #tpu.memory_space<hbm>> -> memref<250x40xi32, #tpu.memory_space<hbm>>
      %dma_wait3A_630 = arith.constant 0 : i32
      %dma_wait3A_631 = arith.constant 0 : i32
      %dma_wait3A_632 = tpu.memref_slice %arg3[%run_scoped3A_1, %add3A, %dma_wait3A_630, %dma_wait3A_631] : memref<2x32x250x40xi32, #tpu.memory_space<hbm>> -> memref<1x1x250x40xi32, #tpu.memory_space<hbm>>
      %dma_wait3A_633 = tpu.memref_squeeze %dma_wait3A_632 : memref<1x1x250x40xi32, #tpu.memory_space<hbm>> -> memref<250x40xi32, #tpu.memory_space<hbm>>
      tpu.wait_dma2 semaphore(%run_scoped3A_617 : memref<!tpu.dma_semaphore, #tpu.memory_space<semaphore_mem>>) src(%dma_wait3A_633 : memref<250x40xi32, #tpu.memory_space<hbm>>) dst(%arg7 : memref<250x40xi32, #tpu.memory_space<vmem>>)
      tpu.yield
    }) : () -> ()
    "tpu.region"() ({
      %run_scoped3A_617 = tpu.sem_alloc : memref<!tpu.dma_semaphore, #tpu.memory_space<semaphore_mem>>
      tpu.enqueue_dma source(%arg4 : memref<40x128xf32, #tpu.memory_space<hbm>>) target(%arg12 : memref<40x128xf32, #tpu.memory_space<vmem>>) target_semaphore(%run_scoped3A_617 : memref<!tpu.dma_semaphore, #tpu.memory_space<semaphore_mem>>)
      tpu.wait_dma2 semaphore(%run_scoped3A_617 : memref<!tpu.dma_semaphore, #tpu.memory_space<semaphore_mem>>) src(%arg4 : memref<40x128xf32, #tpu.memory_space<hbm>>) dst(%arg12 : memref<40x128xf32, #tpu.memory_space<vmem>>)
      tpu.yield
    }) : () -> ()
    %mul3A_2 = arith.constant 640 : i32
    %mul3A_3 = arith.muli %arg1, %mul3A_2 : i32
    %add3A_4 = arith.constant 0 : i32
    %add3A_5 = arith.addi %mul3A_3, %add3A_4 : i32
    %dma_start3A = arith.constant 0 : i32
    %dma_start3A_6 = tpu.memref_slice %arg13[%add3A_5, %dma_start3A] : memref<10240x128xf32, #tpu.memory_space<vmem_shared>> -> memref<40x128xf32, #tpu.memory_space<vmem_shared>>
    %dma_start3A_7 = arith.constant 0 : i32
    %dma_start3A_8 = tpu.memref_slice %arg13[%add3A_5, %dma_start3A_7] : memref<10240x128xf32, #tpu.memory_space<vmem_shared>> -> memref<40x128xf32, #tpu.memory_space<vmem_shared>>
    tpu.enqueue_dma source(%arg12 : memref<40x128xf32, #tpu.memory_space<vmem>>) target(%dma_start3A_8 : memref<40x128xf32, #tpu.memory_space<vmem_shared>>) target_semaphore(%arg24 : memref<!tpu.dma_semaphore, #tpu.memory_space<semaphore_mem>>)
    %mul3A_9 = arith.constant 640 : i32
    %mul3A_10 = arith.muli %arg1, %mul3A_9 : i32
    %add3A_11 = arith.constant 40 : i32
    %add3A_12 = arith.addi %mul3A_10, %add3A_11 : i32
    %dma_start3A_13 = arith.constant 0 : i32
    %dma_start3A_14 = tpu.memref_slice %arg13[%add3A_12, %dma_start3A_13] : memref<10240x128xf32, #tpu.memory_space<vmem_shared>> -> memref<40x128xf32, #tpu.memory_space<vmem_shared>>
    %dma_start3A_15 = arith.constant 0 : i32
    %dma_start3A_16 = tpu.memref_slice %arg13[%add3A_12, %dma_start3A_15] : memref<10240x128xf32, #tpu.memory_space<vmem_shared>> -> memref<40x128xf32, #tpu.memory_space<vmem_shared>>
    tpu.enqueue_dma source(%arg12 : memref<40x128xf32, #tpu.memory_space<vmem>>) target(%dma_start3A_16 : memref<40x128xf32, #tpu.memory_space<vmem_shared>>) target_semaphore(%arg24 : memref<!tpu.dma_semaphore, #tpu.memory_space<semaphore_mem>>)
    %mul3A_17 = arith.constant 640 : i32
    %mul3A_18 = arith.muli %arg1, %mul3A_17 : i32
    %add3A_19 = arith.constant 80 : i32
    %add3A_20 = arith.addi %mul3A_18, %add3A_19 : i32
    %dma_start3A_21 = arith.constant 0 : i32
    %dma_start3A_22 = tpu.memref_slice %arg13[%add3A_20, %dma_start3A_21] : memref<10240x128xf32, #tpu.memory_space<vmem_shared>> -> memref<40x128xf32, #tpu.memory_space<vmem_shared>>
    %dma_start3A_23 = arith.constant 0 : i32
    %dma_start3A_24 = tpu.memref_slice %arg13[%add3A_20, %dma_start3A_23] : memref<10240x128xf32, #tpu.memory_space<vmem_shared>> -> memref<40x128xf32, #tpu.memory_space<vmem_shared>>
    tpu.enqueue_dma source(%arg12 : memref<40x128xf32, #tpu.memory_space<vmem>>) target(%dma_start3A_24 : memref<40x128xf32, #tpu.memory_space<vmem_shared>>) target_semaphore(%arg24 : memref<!tpu.dma_semaphore, #tpu.memory_space<semaphore_mem>>)
    %mul3A_25 = arith.constant 640 : i32
    %mul3A_26 = arith.muli %arg1, %mul3A_25 : i32
    %add3A_27 = arith.constant 120 : i32
    %add3A_28 = arith.addi %mul3A_26, %add3A_27 : i32
    %dma_start3A_29 = arith.constant 0 : i32
    %dma_start3A_30 = tpu.memref_slice %arg13[%add3A_28, %dma_start3A_29] : memref<10240x128xf32, #tpu.memory_space<vmem_shared>> -> memref<40x128xf32, #tpu.memory_space<vmem_shared>>
    %dma_start3A_31 = arith.constant 0 : i32
    %dma_start3A_32 = tpu.memref_slice %arg13[%add3A_28, %dma_start3A_31] : memref<10240x128xf32, #tpu.memory_space<vmem_shared>> -> memref<40x128xf32, #tpu.memory_space<vmem_shared>>
    tpu.enqueue_dma source(%arg12 : memref<40x128xf32, #tpu.memory_space<vmem>>) target(%dma_start3A_32 : memref<40x128xf32, #tpu.memory_space<vmem_shared>>) target_semaphore(%arg24 : memref<!tpu.dma_semaphore, #tpu.memory_space<semaphore_mem>>)
    %mul3A_33 = arith.constant 640 : i32
    %mul3A_34 = arith.muli %arg1, %mul3A_33 : i32
    %add3A_35 = arith.constant 160 : i32
    %add3A_36 = arith.addi %mul3A_34, %add3A_35 : i32
    %dma_start3A_37 = arith.constant 0 : i32
    %dma_start3A_38 = tpu.memref_slice %arg13[%add3A_36, %dma_start3A_37] : memref<10240x128xf32, #tpu.memory_space<vmem_shared>> -> memref<40x128xf32, #tpu.memory_space<vmem_shared>>
    %dma_start3A_39 = arith.constant 0 : i32
    %dma_start3A_40 = tpu.memref_slice %arg13[%add3A_36, %dma_start3A_39] : memref<10240x128xf32, #tpu.memory_space<vmem_shared>> -> memref<40x128xf32, #tpu.memory_space<vmem_shared>>
    tpu.enqueue_dma source(%arg12 : memref<40x128xf32, #tpu.memory_space<vmem>>) target(%dma_start3A_40 : memref<40x128xf32, #tpu.memory_space<vmem_shared>>) target_semaphore(%arg24 : memref<!tpu.dma_semaphore, #tpu.memory_space<semaphore_mem>>)
    %mul3A_41 = arith.constant 640 : i32
    %mul3A_42 = arith.muli %arg1, %mul3A_41 : i32
    %add3A_43 = arith.constant 200 : i32
    %add3A_44 = arith.addi %mul3A_42, %add3A_43 : i32
    %dma_start3A_45 = arith.constant 0 : i32
    %dma_start3A_46 = tpu.memref_slice %arg13[%add3A_44, %dma_start3A_45] : memref<10240x128xf32, #tpu.memory_space<vmem_shared>> -> memref<40x128xf32, #tpu.memory_space<vmem_shared>>
    %dma_start3A_47 = arith.constant 0 : i32
    %dma_start3A_48 = tpu.memref_slice %arg13[%add3A_44, %dma_start3A_47] : memref<10240x128xf32, #tpu.memory_space<vmem_shared>> -> memref<40x128xf32, #tpu.memory_space<vmem_shared>>
    tpu.enqueue_dma source(%arg12 : memref<40x128xf32, #tpu.memory_space<vmem>>) target(%dma_start3A_48 : memref<40x128xf32, #tpu.memory_space<vmem_shared>>) target_semaphore(%arg24 : memref<!tpu.dma_semaphore, #tpu.memory_space<semaphore_mem>>)
    %mul3A_49 = arith.constant 640 : i32
    %mul3A_50 = arith.muli %arg1, %mul3A_49 : i32
    %add3A_51 = arith.constant 240 : i32
    %add3A_52 = arith.addi %mul3A_50, %add3A_51 : i32
    %dma_start3A_53 = arith.constant 0 : i32
    %dma_start3A_54 = tpu.memref_slice %arg13[%add3A_52, %dma_start3A_53] : memref<10240x128xf32, #tpu.memory_space<vmem_shared>> -> memref<40x128xf32, #tpu.memory_space<vmem_shared>>
    %dma_start3A_55 = arith.constant 0 : i32
    %dma_start3A_56 = tpu.memref_slice %arg13[%add3A_52, %dma_start3A_55] : memref<10240x128xf32, #tpu.memory_space<vmem_shared>> -> memref<40x128xf32, #tpu.memory_space<vmem_shared>>
    tpu.enqueue_dma source(%arg12 : memref<40x128xf32, #tpu.memory_space<vmem>>) target(%dma_start3A_56 : memref<40x128xf32, #tpu.memory_space<vmem_shared>>) target_semaphore(%arg24 : memref<!tpu.dma_semaphore, #tpu.memory_space<semaphore_mem>>)
    %mul3A_57 = arith.constant 640 : i32
    %mul3A_58 = arith.muli %arg1, %mul3A_57 : i32
    %add3A_59 = arith.constant 280 : i32
    %add3A_60 = arith.addi %mul3A_58, %add3A_59 : i32
    %dma_start3A_61 = arith.constant 0 : i32
    %dma_start3A_62 = tpu.memref_slice %arg13[%add3A_60, %dma_start3A_61] : memref<10240x128xf32, #tpu.memory_space<vmem_shared>> -> memref<40x128xf32, #tpu.memory_space<vmem_shared>>
    %dma_start3A_63 = arith.constant 0 : i32
    %dma_start3A_64 = tpu.memref_slice %arg13[%add3A_60, %dma_start3A_63] : memref<10240x128xf32, #tpu.memory_space<vmem_shared>> -> memref<40x128xf32, #tpu.memory_space<vmem_shared>>
    tpu.enqueue_dma source(%arg12 : memref<40x128xf32, #tpu.memory_space<vmem>>) target(%dma_start3A_64 : memref<40x128xf32, #tpu.memory_space<vmem_shared>>) target_semaphore(%arg24 : memref<!tpu.dma_semaphore, #tpu.memory_space<semaphore_mem>>)
    %mul3A_65 = arith.constant 640 : i32
    %mul3A_66 = arith.muli %arg1, %mul3A_65 : i32
    %add3A_67 = arith.constant 320 : i32
    %add3A_68 = arith.addi %mul3A_66, %add3A_67 : i32
    %dma_start3A_69 = arith.constant 0 : i32
    %dma_start3A_70 = tpu.memref_slice %arg13[%add3A_68, %dma_start3A_69] : memref<10240x128xf32, #tpu.memory_space<vmem_shared>> -> memref<40x128xf32, #tpu.memory_space<vmem_shared>>
    %dma_start3A_71 = arith.constant 0 : i32
    %dma_start3A_72 = tpu.memref_slice %arg13[%add3A_68, %dma_start3A_71] : memref<10240x128xf32, #tpu.memory_space<vmem_shared>> -> memref<40x128xf32, #tpu.memory_space<vmem_shared>>
    tpu.enqueue_dma source(%arg12 : memref<40x128xf32, #tpu.memory_space<vmem>>) target(%dma_start3A_72 : memref<40x128xf32, #tpu.memory_space<vmem_shared>>) target_semaphore(%arg24 : memref<!tpu.dma_semaphore, #tpu.memory_space<semaphore_mem>>)
    %mul3A_73 = arith.constant 640 : i32
    %mul3A_74 = arith.muli %arg1, %mul3A_73 : i32
    %add3A_75 = arith.constant 360 : i32
    %add3A_76 = arith.addi %mul3A_74, %add3A_75 : i32
    %dma_start3A_77 = arith.constant 0 : i32
    %dma_start3A_78 = tpu.memref_slice %arg13[%add3A_76, %dma_start3A_77] : memref<10240x128xf32, #tpu.memory_space<vmem_shared>> -> memref<40x128xf32, #tpu.memory_space<vmem_shared>>
    %dma_start3A_79 = arith.constant 0 : i32
    %dma_start3A_80 = tpu.memref_slice %arg13[%add3A_76, %dma_start3A_79] : memref<10240x128xf32, #tpu.memory_space<vmem_shared>> -> memref<40x128xf32, #tpu.memory_space<vmem_shared>>
    tpu.enqueue_dma source(%arg12 : memref<40x128xf32, #tpu.memory_space<vmem>>) target(%dma_start3A_80 : memref<40x128xf32, #tpu.memory_space<vmem_shared>>) target_semaphore(%arg24 : memref<!tpu.dma_semaphore, #tpu.memory_space<semaphore_mem>>)
    %mul3A_81 = arith.constant 640 : i32
    %mul3A_82 = arith.muli %arg1, %mul3A_81 : i32
    %add3A_83 = arith.constant 400 : i32
    %add3A_84 = arith.addi %mul3A_82, %add3A_83 : i32
    %dma_start3A_85 = arith.constant 0 : i32
    %dma_start3A_86 = tpu.memref_slice %arg13[%add3A_84, %dma_start3A_85] : memref<10240x128xf32, #tpu.memory_space<vmem_shared>> -> memref<40x128xf32, #tpu.memory_space<vmem_shared>>
    %dma_start3A_87 = arith.constant 0 : i32
    %dma_start3A_88 = tpu.memref_slice %arg13[%add3A_84, %dma_start3A_87] : memref<10240x128xf32, #tpu.memory_space<vmem_shared>> -> memref<40x128xf32, #tpu.memory_space<vmem_shared>>
    tpu.enqueue_dma source(%arg12 : memref<40x128xf32, #tpu.memory_space<vmem>>) target(%dma_start3A_88 : memref<40x128xf32, #tpu.memory_space<vmem_shared>>) target_semaphore(%arg24 : memref<!tpu.dma_semaphore, #tpu.memory_space<semaphore_mem>>)
    %mul3A_89 = arith.constant 640 : i32
    %mul3A_90 = arith.muli %arg1, %mul3A_89 : i32
    %add3A_91 = arith.constant 440 : i32
    %add3A_92 = arith.addi %mul3A_90, %add3A_91 : i32
    %dma_start3A_93 = arith.constant 0 : i32
    %dma_start3A_94 = tpu.memref_slice %arg13[%add3A_92, %dma_start3A_93] : memref<10240x128xf32, #tpu.memory_space<vmem_shared>> -> memref<40x128xf32, #tpu.memory_space<vmem_shared>>
    %dma_start3A_95 = arith.constant 0 : i32
    %dma_start3A_96 = tpu.memref_slice %arg13[%add3A_92, %dma_start3A_95] : memref<10240x128xf32, #tpu.memory_space<vmem_shared>> -> memref<40x128xf32, #tpu.memory_space<vmem_shared>>
    tpu.enqueue_dma source(%arg12 : memref<40x128xf32, #tpu.memory_space<vmem>>) target(%dma_start3A_96 : memref<40x128xf32, #tpu.memory_space<vmem_shared>>) target_semaphore(%arg24 : memref<!tpu.dma_semaphore, #tpu.memory_space<semaphore_mem>>)
    %mul3A_97 = arith.constant 640 : i32
    %mul3A_98 = arith.muli %arg1, %mul3A_97 : i32
    %add3A_99 = arith.constant 480 : i32
    %add3A_100 = arith.addi %mul3A_98, %add3A_99 : i32
    %dma_start3A_101 = arith.constant 0 : i32
    %dma_start3A_102 = tpu.memref_slice %arg13[%add3A_100, %dma_start3A_101] : memref<10240x128xf32, #tpu.memory_space<vmem_shared>> -> memref<40x128xf32, #tpu.memory_space<vmem_shared>>
    %dma_start3A_103 = arith.constant 0 : i32
    %dma_start3A_104 = tpu.memref_slice %arg13[%add3A_100, %dma_start3A_103] : memref<10240x128xf32, #tpu.memory_space<vmem_shared>> -> memref<40x128xf32, #tpu.memory_space<vmem_shared>>
    tpu.enqueue_dma source(%arg12 : memref<40x128xf32, #tpu.memory_space<vmem>>) target(%dma_start3A_104 : memref<40x128xf32, #tpu.memory_space<vmem_shared>>) target_semaphore(%arg24 : memref<!tpu.dma_semaphore, #tpu.memory_space<semaphore_mem>>)
    %mul3A_105 = arith.constant 640 : i32
    %mul3A_106 = arith.muli %arg1, %mul3A_105 : i32
    %add3A_107 = arith.constant 520 : i32
    %add3A_108 = arith.addi %mul3A_106, %add3A_107 : i32
    %dma_start3A_109 = arith.constant 0 : i32
    %dma_start3A_110 = tpu.memref_slice %arg13[%add3A_108, %dma_start3A_109] : memref<10240x128xf32, #tpu.memory_space<vmem_shared>> -> memref<40x128xf32, #tpu.memory_space<vmem_shared>>
    %dma_start3A_111 = arith.constant 0 : i32
    %dma_start3A_112 = tpu.memref_slice %arg13[%add3A_108, %dma_start3A_111] : memref<10240x128xf32, #tpu.memory_space<vmem_shared>> -> memref<40x128xf32, #tpu.memory_space<vmem_shared>>
    tpu.enqueue_dma source(%arg12 : memref<40x128xf32, #tpu.memory_space<vmem>>) target(%dma_start3A_112 : memref<40x128xf32, #tpu.memory_space<vmem_shared>>) target_semaphore(%arg24 : memref<!tpu.dma_semaphore, #tpu.memory_space<semaphore_mem>>)
    %mul3A_113 = arith.constant 640 : i32
    %mul3A_114 = arith.muli %arg1, %mul3A_113 : i32
    %add3A_115 = arith.constant 560 : i32
    %add3A_116 = arith.addi %mul3A_114, %add3A_115 : i32
    %dma_start3A_117 = arith.constant 0 : i32
    %dma_start3A_118 = tpu.memref_slice %arg13[%add3A_116, %dma_start3A_117] : memref<10240x128xf32, #tpu.memory_space<vmem_shared>> -> memref<40x128xf32, #tpu.memory_space<vmem_shared>>
    %dma_start3A_119 = arith.constant 0 : i32
    %dma_start3A_120 = tpu.memref_slice %arg13[%add3A_116, %dma_start3A_119] : memref<10240x128xf32, #tpu.memory_space<vmem_shared>> -> memref<40x128xf32, #tpu.memory_space<vmem_shared>>
    tpu.enqueue_dma source(%arg12 : memref<40x128xf32, #tpu.memory_space<vmem>>) target(%dma_start3A_120 : memref<40x128xf32, #tpu.memory_space<vmem_shared>>) target_semaphore(%arg24 : memref<!tpu.dma_semaphore, #tpu.memory_space<semaphore_mem>>)
    %mul3A_121 = arith.constant 640 : i32
    %mul3A_122 = arith.muli %arg1, %mul3A_121 : i32
    %add3A_123 = arith.constant 600 : i32
    %add3A_124 = arith.addi %mul3A_122, %add3A_123 : i32
    %dma_start3A_125 = arith.constant 0 : i32
    %dma_start3A_126 = tpu.memref_slice %arg13[%add3A_124, %dma_start3A_125] : memref<10240x128xf32, #tpu.memory_space<vmem_shared>> -> memref<40x128xf32, #tpu.memory_space<vmem_shared>>
    %dma_start3A_127 = arith.constant 0 : i32
    %dma_start3A_128 = tpu.memref_slice %arg13[%add3A_124, %dma_start3A_127] : memref<10240x128xf32, #tpu.memory_space<vmem_shared>> -> memref<40x128xf32, #tpu.memory_space<vmem_shared>>
    tpu.enqueue_dma source(%arg12 : memref<40x128xf32, #tpu.memory_space<vmem>>) target(%dma_start3A_128 : memref<40x128xf32, #tpu.memory_space<vmem_shared>>) target_semaphore(%arg24 : memref<!tpu.dma_semaphore, #tpu.memory_space<semaphore_mem>>)
    %dma_start3A_129 = arith.constant 0 : i32
    %dma_start3A_130 = arith.constant 0 : i32
    %dma_start3A_131 = tpu.memref_slice %arg6[%dma_start3A_129, %dma_start3A_130] : memref<250x40xi32, #tpu.memory_space<vmem>> -> memref<1x40xi32, #tpu.memory_space<vmem>>
    %dma_start3A_132 = tpu.memref_squeeze %dma_start3A_131 : memref<1x40xi32, #tpu.memory_space<vmem>> -> memref<40xi32, #tpu.memory_space<vmem>>
    %dma_start3A_133 = arith.constant 0 : i32
    %dma_start3A_134 = arith.constant 0 : i32
    %dma_start3A_135 = tpu.memref_slice %arg2[%dma_start3A_133, %dma_start3A_134] : memref<10000x128xf32, #tpu.memory_space<hbm>> -> memref<10000x128xf32, #tpu.memory_space<hbm>>
    tpu.enqueue_indirect_dma source(%dma_start3A_135 : memref<10000x128xf32, #tpu.memory_space<hbm>>) target(%arg8 : memref<40x128xf32, #tpu.memory_space<vmem>>) offsets(%dma_start3A_132 : memref<40xi32, #tpu.memory_space<vmem>>) semaphore(%arg14 : memref<!tpu.dma_semaphore, #tpu.memory_space<semaphore_mem>>)
    %dma_start3A_136 = arith.constant 1 : i32
    %dma_start3A_137 = arith.constant 0 : i32
    %dma_start3A_138 = tpu.memref_slice %arg6[%dma_start3A_136, %dma_start3A_137] : memref<250x40xi32, #tpu.memory_space<vmem>> -> memref<1x40xi32, #tpu.memory_space<vmem>>
    %dma_start3A_139 = tpu.memref_squeeze %dma_start3A_138 : memref<1x40xi32, #tpu.memory_space<vmem>> -> memref<40xi32, #tpu.memory_space<vmem>>
    %dma_start3A_140 = arith.constant 0 : i32
    %dma_start3A_141 = arith.constant 0 : i32
    %dma_start3A_142 = tpu.memref_slice %arg2[%dma_start3A_140, %dma_start3A_141] : memref<10000x128xf32, #tpu.memory_space<hbm>> -> memref<10000x128xf32, #tpu.memory_space<hbm>>
    tpu.enqueue_indirect_dma source(%dma_start3A_142 : memref<10000x128xf32, #tpu.memory_space<hbm>>) target(%arg9 : memref<40x128xf32, #tpu.memory_space<vmem>>) offsets(%dma_start3A_139 : memref<40xi32, #tpu.memory_space<vmem>>) semaphore(%arg15 : memref<!tpu.dma_semaphore, #tpu.memory_space<semaphore_mem>>)
    %mul3A_143 = arith.constant 640 : i32
    %mul3A_144 = arith.muli %arg1, %mul3A_143 : i32
    %dma_wait3A = arith.constant 0 : i32
    %dma_wait3A_145 = tpu.memref_slice %arg13[%mul3A_144, %dma_wait3A] : memref<10240x128xf32, #tpu.memory_space<vmem_shared>> -> memref<40x128xf32, #tpu.memory_space<vmem_shared>>
    %dma_wait3A_146 = arith.constant 0 : i32
    %dma_wait3A_147 = tpu.memref_slice %arg13[%mul3A_144, %dma_wait3A_146] : memref<10240x128xf32, #tpu.memory_space<vmem_shared>> -> memref<40x128xf32, #tpu.memory_space<vmem_shared>>
    tpu.wait_dma2 semaphore(%arg24 : memref<!tpu.dma_semaphore, #tpu.memory_space<semaphore_mem>>) src(%arg12 : memref<40x128xf32, #tpu.memory_space<vmem>>) dst(%dma_wait3A_147 : memref<40x128xf32, #tpu.memory_space<vmem_shared>>)
    %mul3A_148 = arith.constant 640 : i32
    %mul3A_149 = arith.muli %arg1, %mul3A_148 : i32
    %dma_wait3A_150 = arith.constant 0 : i32
    %dma_wait3A_151 = tpu.memref_slice %arg13[%mul3A_149, %dma_wait3A_150] : memref<10240x128xf32, #tpu.memory_space<vmem_shared>> -> memref<40x128xf32, #tpu.memory_space<vmem_shared>>
    %dma_wait3A_152 = arith.constant 0 : i32
    %dma_wait3A_153 = tpu.memref_slice %arg13[%mul3A_149, %dma_wait3A_152] : memref<10240x128xf32, #tpu.memory_space<vmem_shared>> -> memref<40x128xf32, #tpu.memory_space<vmem_shared>>
    tpu.wait_dma2 semaphore(%arg24 : memref<!tpu.dma_semaphore, #tpu.memory_space<semaphore_mem>>) src(%arg12 : memref<40x128xf32, #tpu.memory_space<vmem>>) dst(%dma_wait3A_153 : memref<40x128xf32, #tpu.memory_space<vmem_shared>>)
    %mul3A_154 = arith.constant 640 : i32
    %mul3A_155 = arith.muli %arg1, %mul3A_154 : i32
    %dma_wait3A_156 = arith.constant 0 : i32
    %dma_wait3A_157 = tpu.memref_slice %arg13[%mul3A_155, %dma_wait3A_156] : memref<10240x128xf32, #tpu.memory_space<vmem_shared>> -> memref<40x128xf32, #tpu.memory_space<vmem_shared>>
    %dma_wait3A_158 = arith.constant 0 : i32
    %dma_wait3A_159 = tpu.memref_slice %arg13[%mul3A_155, %dma_wait3A_158] : memref<10240x128xf32, #tpu.memory_space<vmem_shared>> -> memref<40x128xf32, #tpu.memory_space<vmem_shared>>
    tpu.wait_dma2 semaphore(%arg24 : memref<!tpu.dma_semaphore, #tpu.memory_space<semaphore_mem>>) src(%arg12 : memref<40x128xf32, #tpu.memory_space<vmem>>) dst(%dma_wait3A_159 : memref<40x128xf32, #tpu.memory_space<vmem_shared>>)
    %mul3A_160 = arith.constant 640 : i32
    %mul3A_161 = arith.muli %arg1, %mul3A_160 : i32
    %dma_wait3A_162 = arith.constant 0 : i32
    %dma_wait3A_163 = tpu.memref_slice %arg13[%mul3A_161, %dma_wait3A_162] : memref<10240x128xf32, #tpu.memory_space<vmem_shared>> -> memref<40x128xf32, #tpu.memory_space<vmem_shared>>
    %dma_wait3A_164 = arith.constant 0 : i32
    %dma_wait3A_165 = tpu.memref_slice %arg13[%mul3A_161, %dma_wait3A_164] : memref<10240x128xf32, #tpu.memory_space<vmem_shared>> -> memref<40x128xf32, #tpu.memory_space<vmem_shared>>
    tpu.wait_dma2 semaphore(%arg24 : memref<!tpu.dma_semaphore, #tpu.memory_space<semaphore_mem>>) src(%arg12 : memref<40x128xf32, #tpu.memory_space<vmem>>) dst(%dma_wait3A_165 : memref<40x128xf32, #tpu.memory_space<vmem_shared>>)
    %mul3A_166 = arith.constant 640 : i32
    %mul3A_167 = arith.muli %arg1, %mul3A_166 : i32
    %dma_wait3A_168 = arith.constant 0 : i32
    %dma_wait3A_169 = tpu.memref_slice %arg13[%mul3A_167, %dma_wait3A_168] : memref<10240x128xf32, #tpu.memory_space<vmem_shared>> -> memref<40x128xf32, #tpu.memory_space<vmem_shared>>
    %dma_wait3A_170 = arith.constant 0 : i32
    %dma_wait3A_171 = tpu.memref_slice %arg13[%mul3A_167, %dma_wait3A_170] : memref<10240x128xf32, #tpu.memory_space<vmem_shared>> -> memref<40x128xf32, #tpu.memory_space<vmem_shared>>
    tpu.wait_dma2 semaphore(%arg24 : memref<!tpu.dma_semaphore, #tpu.memory_space<semaphore_mem>>) src(%arg12 : memref<40x128xf32, #tpu.memory_space<vmem>>) dst(%dma_wait3A_171 : memref<40x128xf32, #tpu.memory_space<vmem_shared>>)
    %mul3A_172 = arith.constant 640 : i32
    %mul3A_173 = arith.muli %arg1, %mul3A_172 : i32
    %dma_wait3A_174 = arith.constant 0 : i32
    %dma_wait3A_175 = tpu.memref_slice %arg13[%mul3A_173, %dma_wait3A_174] : memref<10240x128xf32, #tpu.memory_space<vmem_shared>> -> memref<40x128xf32, #tpu.memory_space<vmem_shared>>
    %dma_wait3A_176 = arith.constant 0 : i32
    %dma_wait3A_177 = tpu.memref_slice %arg13[%mul3A_173, %dma_wait3A_176] : memref<10240x128xf32, #tpu.memory_space<vmem_shared>> -> memref<40x128xf32, #tpu.memory_space<vmem_shared>>
    tpu.wait_dma2 semaphore(%arg24 : memref<!tpu.dma_semaphore, #tpu.memory_space<semaphore_mem>>) src(%arg12 : memref<40x128xf32, #tpu.memory_space<vmem>>) dst(%dma_wait3A_177 : memref<40x128xf32, #tpu.memory_space<vmem_shared>>)
    %mul3A_178 = arith.constant 640 : i32
    %mul3A_179 = arith.muli %arg1, %mul3A_178 : i32
    %dma_wait3A_180 = arith.constant 0 : i32
    %dma_wait3A_181 = tpu.memref_slice %arg13[%mul3A_179, %dma_wait3A_180] : memref<10240x128xf32, #tpu.memory_space<vmem_shared>> -> memref<40x128xf32, #tpu.memory_space<vmem_shared>>
    %dma_wait3A_182 = arith.constant 0 : i32
    %dma_wait3A_183 = tpu.memref_slice %arg13[%mul3A_179, %dma_wait3A_182] : memref<10240x128xf32, #tpu.memory_space<vmem_shared>> -> memref<40x128xf32, #tpu.memory_space<vmem_shared>>
    tpu.wait_dma2 semaphore(%arg24 : memref<!tpu.dma_semaphore, #tpu.memory_space<semaphore_mem>>) src(%arg12 : memref<40x128xf32, #tpu.memory_space<vmem>>) dst(%dma_wait3A_183 : memref<40x128xf32, #tpu.memory_space<vmem_shared>>)
    %mul3A_184 = arith.constant 640 : i32
    %mul3A_185 = arith.muli %arg1, %mul3A_184 : i32
    %dma_wait3A_186 = arith.constant 0 : i32
    %dma_wait3A_187 = tpu.memref_slice %arg13[%mul3A_185, %dma_wait3A_186] : memref<10240x128xf32, #tpu.memory_space<vmem_shared>> -> memref<40x128xf32, #tpu.memory_space<vmem_shared>>
    %dma_wait3A_188 = arith.constant 0 : i32
    %dma_wait3A_189 = tpu.memref_slice %arg13[%mul3A_185, %dma_wait3A_188] : memref<10240x128xf32, #tpu.memory_space<vmem_shared>> -> memref<40x128xf32, #tpu.memory_space<vmem_shared>>
    tpu.wait_dma2 semaphore(%arg24 : memref<!tpu.dma_semaphore, #tpu.memory_space<semaphore_mem>>) src(%arg12 : memref<40x128xf32, #tpu.memory_space<vmem>>) dst(%dma_wait3A_189 : memref<40x128xf32, #tpu.memory_space<vmem_shared>>)
    %mul3A_190 = arith.constant 640 : i32
    %mul3A_191 = arith.muli %arg1, %mul3A_190 : i32
    %dma_wait3A_192 = arith.constant 0 : i32
    %dma_wait3A_193 = tpu.memref_slice %arg13[%mul3A_191, %dma_wait3A_192] : memref<10240x128xf32, #tpu.memory_space<vmem_shared>> -> memref<40x128xf32, #tpu.memory_space<vmem_shared>>
    %dma_wait3A_194 = arith.constant 0 : i32
    %dma_wait3A_195 = tpu.memref_slice %arg13[%mul3A_191, %dma_wait3A_194] : memref<10240x128xf32, #tpu.memory_space<vmem_shared>> -> memref<40x128xf32, #tpu.memory_space<vmem_shared>>
    tpu.wait_dma2 semaphore(%arg24 : memref<!tpu.dma_semaphore, #tpu.memory_space<semaphore_mem>>) src(%arg12 : memref<40x128xf32, #tpu.memory_space<vmem>>) dst(%dma_wait3A_195 : memref<40x128xf32, #tpu.memory_space<vmem_shared>>)
    %mul3A_196 = arith.constant 640 : i32
    %mul3A_197 = arith.muli %arg1, %mul3A_196 : i32
    %dma_wait3A_198 = arith.constant 0 : i32
    %dma_wait3A_199 = tpu.memref_slice %arg13[%mul3A_197, %dma_wait3A_198] : memref<10240x128xf32, #tpu.memory_space<vmem_shared>> -> memref<40x128xf32, #tpu.memory_space<vmem_shared>>
    %dma_wait3A_200 = arith.constant 0 : i32
    %dma_wait3A_201 = tpu.memref_slice %arg13[%mul3A_197, %dma_wait3A_200] : memref<10240x128xf32, #tpu.memory_space<vmem_shared>> -> memref<40x128xf32, #tpu.memory_space<vmem_shared>>
    tpu.wait_dma2 semaphore(%arg24 : memref<!tpu.dma_semaphore, #tpu.memory_space<semaphore_mem>>) src(%arg12 : memref<40x128xf32, #tpu.memory_space<vmem>>) dst(%dma_wait3A_201 : memref<40x128xf32, #tpu.memory_space<vmem_shared>>)
    %mul3A_202 = arith.constant 640 : i32
    %mul3A_203 = arith.muli %arg1, %mul3A_202 : i32
    %dma_wait3A_204 = arith.constant 0 : i32
    %dma_wait3A_205 = tpu.memref_slice %arg13[%mul3A_203, %dma_wait3A_204] : memref<10240x128xf32, #tpu.memory_space<vmem_shared>> -> memref<40x128xf32, #tpu.memory_space<vmem_shared>>
    %dma_wait3A_206 = arith.constant 0 : i32
    %dma_wait3A_207 = tpu.memref_slice %arg13[%mul3A_203, %dma_wait3A_206] : memref<10240x128xf32, #tpu.memory_space<vmem_shared>> -> memref<40x128xf32, #tpu.memory_space<vmem_shared>>
    tpu.wait_dma2 semaphore(%arg24 : memref<!tpu.dma_semaphore, #tpu.memory_space<semaphore_mem>>) src(%arg12 : memref<40x128xf32, #tpu.memory_space<vmem>>) dst(%dma_wait3A_207 : memref<40x128xf32, #tpu.memory_space<vmem_shared>>)
    %mul3A_208 = arith.constant 640 : i32
    %mul3A_209 = arith.muli %arg1, %mul3A_208 : i32
    %dma_wait3A_210 = arith.constant 0 : i32
    %dma_wait3A_211 = tpu.memref_slice %arg13[%mul3A_209, %dma_wait3A_210] : memref<10240x128xf32, #tpu.memory_space<vmem_shared>> -> memref<40x128xf32, #tpu.memory_space<vmem_shared>>
    %dma_wait3A_212 = arith.constant 0 : i32
    %dma_wait3A_213 = tpu.memref_slice %arg13[%mul3A_209, %dma_wait3A_212] : memref<10240x128xf32, #tpu.memory_space<vmem_shared>> -> memref<40x128xf32, #tpu.memory_space<vmem_shared>>
    tpu.wait_dma2 semaphore(%arg24 : memref<!tpu.dma_semaphore, #tpu.memory_space<semaphore_mem>>) src(%arg12 : memref<40x128xf32, #tpu.memory_space<vmem>>) dst(%dma_wait3A_213 : memref<40x128xf32, #tpu.memory_space<vmem_shared>>)
    %mul3A_214 = arith.constant 640 : i32
    %mul3A_215 = arith.muli %arg1, %mul3A_214 : i32
    %dma_wait3A_216 = arith.constant 0 : i32
    %dma_wait3A_217 = tpu.memref_slice %arg13[%mul3A_215, %dma_wait3A_216] : memref<10240x128xf32, #tpu.memory_space<vmem_shared>> -> memref<40x128xf32, #tpu.memory_space<vmem_shared>>
    %dma_wait3A_218 = arith.constant 0 : i32
    %dma_wait3A_219 = tpu.memref_slice %arg13[%mul3A_215, %dma_wait3A_218] : memref<10240x128xf32, #tpu.memory_space<vmem_shared>> -> memref<40x128xf32, #tpu.memory_space<vmem_shared>>
    tpu.wait_dma2 semaphore(%arg24 : memref<!tpu.dma_semaphore, #tpu.memory_space<semaphore_mem>>) src(%arg12 : memref<40x128xf32, #tpu.memory_space<vmem>>) dst(%dma_wait3A_219 : memref<40x128xf32, #tpu.memory_space<vmem_shared>>)
    %mul3A_220 = arith.constant 640 : i32
    %mul3A_221 = arith.muli %arg1, %mul3A_220 : i32
    %dma_wait3A_222 = arith.constant 0 : i32
    %dma_wait3A_223 = tpu.memref_slice %arg13[%mul3A_221, %dma_wait3A_222] : memref<10240x128xf32, #tpu.memory_space<vmem_shared>> -> memref<40x128xf32, #tpu.memory_space<vmem_shared>>
    %dma_wait3A_224 = arith.constant 0 : i32
    %dma_wait3A_225 = tpu.memref_slice %arg13[%mul3A_221, %dma_wait3A_224] : memref<10240x128xf32, #tpu.memory_space<vmem_shared>> -> memref<40x128xf32, #tpu.memory_space<vmem_shared>>
    tpu.wait_dma2 semaphore(%arg24 : memref<!tpu.dma_semaphore, #tpu.memory_space<semaphore_mem>>) src(%arg12 : memref<40x128xf32, #tpu.memory_space<vmem>>) dst(%dma_wait3A_225 : memref<40x128xf32, #tpu.memory_space<vmem_shared>>)
    %mul3A_226 = arith.constant 640 : i32
    %mul3A_227 = arith.muli %arg1, %mul3A_226 : i32
    %dma_wait3A_228 = arith.constant 0 : i32
    %dma_wait3A_229 = tpu.memref_slice %arg13[%mul3A_227, %dma_wait3A_228] : memref<10240x128xf32, #tpu.memory_space<vmem_shared>> -> memref<40x128xf32, #tpu.memory_space<vmem_shared>>
    %dma_wait3A_230 = arith.constant 0 : i32
    %dma_wait3A_231 = tpu.memref_slice %arg13[%mul3A_227, %dma_wait3A_230] : memref<10240x128xf32, #tpu.memory_space<vmem_shared>> -> memref<40x128xf32, #tpu.memory_space<vmem_shared>>
    tpu.wait_dma2 semaphore(%arg24 : memref<!tpu.dma_semaphore, #tpu.memory_space<semaphore_mem>>) src(%arg12 : memref<40x128xf32, #tpu.memory_space<vmem>>) dst(%dma_wait3A_231 : memref<40x128xf32, #tpu.memory_space<vmem_shared>>)
    %mul3A_232 = arith.constant 640 : i32
    %mul3A_233 = arith.muli %arg1, %mul3A_232 : i32
    %dma_wait3A_234 = arith.constant 0 : i32
    %dma_wait3A_235 = tpu.memref_slice %arg13[%mul3A_233, %dma_wait3A_234] : memref<10240x128xf32, #tpu.memory_space<vmem_shared>> -> memref<40x128xf32, #tpu.memory_space<vmem_shared>>
    %dma_wait3A_236 = arith.constant 0 : i32
    %dma_wait3A_237 = tpu.memref_slice %arg13[%mul3A_233, %dma_wait3A_236] : memref<10240x128xf32, #tpu.memory_space<vmem_shared>> -> memref<40x128xf32, #tpu.memory_space<vmem_shared>>
    tpu.wait_dma2 semaphore(%arg24 : memref<!tpu.dma_semaphore, #tpu.memory_space<semaphore_mem>>) src(%arg12 : memref<40x128xf32, #tpu.memory_space<vmem>>) dst(%dma_wait3A_237 : memref<40x128xf32, #tpu.memory_space<vmem_shared>>)
    %barrier3A = arith.constant 0 : index
    tpu.barrier barrier_id(%barrier3A)
    %scan3A = arith.constant 0 : i32
    %scan3A_238 = arith.constant 0 : i32
    %scan3A_239 = arith.constant 50 : i32
    %scan3A_240 = arith.addi %scan3A_238, %scan3A_239 : i32
    %scan3A_241 = arith.constant 1 : i32
    scf.for %scan3A_617 = %scan3A_238 to %scan3A_240 step %scan3A_241  : i32 {
      %mul3A_618 = arith.constant 5 : i32
      %mul3A_619 = arith.muli %mul3A_618, %scan3A_617 : i32
      %add3A_620 = arith.constant 0 : i32
      %add3A_621 = arith.addi %mul3A_619, %add3A_620 : i32
      %dma_wait3A_622 = arith.constant 0 : i32
      %dma_wait3A_623 = tpu.memref_slice %arg6[%add3A_621, %dma_wait3A_622] : memref<250x40xi32, #tpu.memory_space<vmem>> -> memref<1x40xi32, #tpu.memory_space<vmem>>
      %dma_wait3A_624 = tpu.memref_squeeze %dma_wait3A_623 : memref<1x40xi32, #tpu.memory_space<vmem>> -> memref<40xi32, #tpu.memory_space<vmem>>
      %dma_wait3A_625 = arith.constant 0 : i32
      %dma_wait3A_626 = arith.constant 0 : i32
      %dma_wait3A_627 = tpu.memref_slice %arg2[%dma_wait3A_625, %dma_wait3A_626] : memref<10000x128xf32, #tpu.memory_space<hbm>> -> memref<10000x128xf32, #tpu.memory_space<hbm>>
      tpu.wait_indirect_dma semaphore(%arg14 : memref<!tpu.dma_semaphore, #tpu.memory_space<semaphore_mem>>) src(%dma_wait3A_627 : memref<10000x128xf32, #tpu.memory_space<hbm>>) dst(%arg8 : memref<40x128xf32, #tpu.memory_space<vmem>>)
      %dma_start3A_628 = arith.constant 0 : i32
      %dma_start3A_629 = tpu.memref_slice %arg7[%add3A_621, %dma_start3A_628] : memref<250x40xi32, #tpu.memory_space<vmem>> -> memref<1x40xi32, #tpu.memory_space<vmem>>
      %dma_start3A_630 = tpu.memref_squeeze %dma_start3A_629 : memref<1x40xi32, #tpu.memory_space<vmem>> -> memref<40xi32, #tpu.memory_space<vmem>>
      %dma_start3A_631 = arith.constant 0 : i32
      %dma_start3A_632 = arith.constant 0 : i32
      %dma_start3A_633 = tpu.memref_slice %arg13[%dma_start3A_631, %dma_start3A_632] : memref<10240x128xf32, #tpu.memory_space<vmem_shared>> -> memref<10240x128xf32, #tpu.memory_space<vmem_shared>>
      tpu.enqueue_indirect_dma source(%arg8 : memref<40x128xf32, #tpu.memory_space<vmem>>) target(%dma_start3A_633 : memref<10240x128xf32, #tpu.memory_space<vmem_shared>>) offsets(%dma_start3A_630 : memref<40xi32, #tpu.memory_space<vmem>>) semaphore(%arg19 : memref<!tpu.dma_semaphore, #tpu.memory_space<semaphore_mem>>) {add = true}
      %add3A_634 = arith.constant 2 : i32
      %add3A_635 = arith.addi %add3A_621, %add3A_634 : i32
      %ge3A = arith.constant 1 : i32
      %ge3A_636 = arith.cmpi sge, %scan3A_617, %ge3A : i32
      %convert_element_type3A = arith.extui %ge3A_636 : i1 to i32
      %cond3A = arith.constant 0 : i32
      %cond3A_637 = arith.cmpi ne, %convert_element_type3A, %cond3A : i32
      scf.if %cond3A_637 {
        %dma_wait3A_759 = arith.constant 0 : i32
        %dma_wait3A_760 = tpu.memref_slice %arg7[%add3A_635, %dma_wait3A_759] : memref<250x40xi32, #tpu.memory_space<vmem>> -> memref<1x40xi32, #tpu.memory_space<vmem>>
        %dma_wait3A_761 = tpu.memref_squeeze %dma_wait3A_760 : memref<1x40xi32, #tpu.memory_space<vmem>> -> memref<40xi32, #tpu.memory_space<vmem>>
        %dma_wait3A_762 = arith.constant 0 : i32
        %dma_wait3A_763 = arith.constant 0 : i32
        %dma_wait3A_764 = tpu.memref_slice %arg13[%dma_wait3A_762, %dma_wait3A_763] : memref<10240x128xf32, #tpu.memory_space<vmem_shared>> -> memref<10240x128xf32, #tpu.memory_space<vmem_shared>>
        tpu.wait_indirect_dma semaphore(%arg21 : memref<!tpu.dma_semaphore, #tpu.memory_space<semaphore_mem>>) src(%arg10 : memref<40x128xf32, #tpu.memory_space<vmem>>) dst(%dma_wait3A_764 : memref<10240x128xf32, #tpu.memory_space<vmem_shared>>)
      } else {
      }
      %dma_start3A_638 = arith.constant 0 : i32
      %dma_start3A_639 = tpu.memref_slice %arg6[%add3A_635, %dma_start3A_638] : memref<250x40xi32, #tpu.memory_space<vmem>> -> memref<1x40xi32, #tpu.memory_space<vmem>>
      %dma_start3A_640 = tpu.memref_squeeze %dma_start3A_639 : memref<1x40xi32, #tpu.memory_space<vmem>> -> memref<40xi32, #tpu.memory_space<vmem>>
      %dma_start3A_641 = arith.constant 0 : i32
      %dma_start3A_642 = arith.constant 0 : i32
      %dma_start3A_643 = tpu.memref_slice %arg2[%dma_start3A_641, %dma_start3A_642] : memref<10000x128xf32, #tpu.memory_space<hbm>> -> memref<10000x128xf32, #tpu.memory_space<hbm>>
      tpu.enqueue_indirect_dma source(%dma_start3A_643 : memref<10000x128xf32, #tpu.memory_space<hbm>>) target(%arg10 : memref<40x128xf32, #tpu.memory_space<vmem>>) offsets(%dma_start3A_640 : memref<40xi32, #tpu.memory_space<vmem>>) semaphore(%arg16 : memref<!tpu.dma_semaphore, #tpu.memory_space<semaphore_mem>>)
      %mul3A_644 = arith.constant 5 : i32
      %mul3A_645 = arith.muli %mul3A_644, %scan3A_617 : i32
      %add3A_646 = arith.constant 1 : i32
      %add3A_647 = arith.addi %mul3A_645, %add3A_646 : i32
      %dma_wait3A_648 = arith.constant 0 : i32
      %dma_wait3A_649 = tpu.memref_slice %arg6[%add3A_647, %dma_wait3A_648] : memref<250x40xi32, #tpu.memory_space<vmem>> -> memref<1x40xi32, #tpu.memory_space<vmem>>
      %dma_wait3A_650 = tpu.memref_squeeze %dma_wait3A_649 : memref<1x40xi32, #tpu.memory_space<vmem>> -> memref<40xi32, #tpu.memory_space<vmem>>
      %dma_wait3A_651 = arith.constant 0 : i32
      %dma_wait3A_652 = arith.constant 0 : i32
      %dma_wait3A_653 = tpu.memref_slice %arg2[%dma_wait3A_651, %dma_wait3A_652] : memref<10000x128xf32, #tpu.memory_space<hbm>> -> memref<10000x128xf32, #tpu.memory_space<hbm>>
      tpu.wait_indirect_dma semaphore(%arg15 : memref<!tpu.dma_semaphore, #tpu.memory_space<semaphore_mem>>) src(%dma_wait3A_653 : memref<10000x128xf32, #tpu.memory_space<hbm>>) dst(%arg9 : memref<40x128xf32, #tpu.memory_space<vmem>>)
      %dma_start3A_654 = arith.constant 0 : i32
      %dma_start3A_655 = tpu.memref_slice %arg7[%add3A_647, %dma_start3A_654] : memref<250x40xi32, #tpu.memory_space<vmem>> -> memref<1x40xi32, #tpu.memory_space<vmem>>
      %dma_start3A_656 = tpu.memref_squeeze %dma_start3A_655 : memref<1x40xi32, #tpu.memory_space<vmem>> -> memref<40xi32, #tpu.memory_space<vmem>>
      %dma_start3A_657 = arith.constant 0 : i32
      %dma_start3A_658 = arith.constant 0 : i32
      %dma_start3A_659 = tpu.memref_slice %arg13[%dma_start3A_657, %dma_start3A_658] : memref<10240x128xf32, #tpu.memory_space<vmem_shared>> -> memref<10240x128xf32, #tpu.memory_space<vmem_shared>>
      tpu.enqueue_indirect_dma source(%arg9 : memref<40x128xf32, #tpu.memory_space<vmem>>) target(%dma_start3A_659 : memref<10240x128xf32, #tpu.memory_space<vmem_shared>>) offsets(%dma_start3A_656 : memref<40xi32, #tpu.memory_space<vmem>>) semaphore(%arg20 : memref<!tpu.dma_semaphore, #tpu.memory_space<semaphore_mem>>) {add = true}
      %add3A_660 = arith.constant 2 : i32
      %add3A_661 = arith.addi %add3A_647, %add3A_660 : i32
      %ge3A_662 = arith.constant 1 : i32
      %ge3A_663 = arith.cmpi sge, %scan3A_617, %ge3A_662 : i32
      %convert_element_type3A_664 = arith.extui %ge3A_663 : i1 to i32
      %cond3A_665 = arith.constant 0 : i32
      %cond3A_666 = arith.cmpi ne, %convert_element_type3A_664, %cond3A_665 : i32
      scf.if %cond3A_666 {
        %dma_wait3A_759 = arith.constant 0 : i32
        %dma_wait3A_760 = tpu.memref_slice %arg7[%add3A_661, %dma_wait3A_759] : memref<250x40xi32, #tpu.memory_space<vmem>> -> memref<1x40xi32, #tpu.memory_space<vmem>>
        %dma_wait3A_761 = tpu.memref_squeeze %dma_wait3A_760 : memref<1x40xi32, #tpu.memory_space<vmem>> -> memref<40xi32, #tpu.memory_space<vmem>>
        %dma_wait3A_762 = arith.constant 0 : i32
        %dma_wait3A_763 = arith.constant 0 : i32
        %dma_wait3A_764 = tpu.memref_slice %arg13[%dma_wait3A_762, %dma_wait3A_763] : memref<10240x128xf32, #tpu.memory_space<vmem_shared>> -> memref<10240x128xf32, #tpu.memory_space<vmem_shared>>
        tpu.wait_indirect_dma semaphore(%arg22 : memref<!tpu.dma_semaphore, #tpu.memory_space<semaphore_mem>>) src(%arg11 : memref<40x128xf32, #tpu.memory_space<vmem>>) dst(%dma_wait3A_764 : memref<10240x128xf32, #tpu.memory_space<vmem_shared>>)
      } else {
      }
      %dma_start3A_667 = arith.constant 0 : i32
      %dma_start3A_668 = tpu.memref_slice %arg6[%add3A_661, %dma_start3A_667] : memref<250x40xi32, #tpu.memory_space<vmem>> -> memref<1x40xi32, #tpu.memory_space<vmem>>
      %dma_start3A_669 = tpu.memref_squeeze %dma_start3A_668 : memref<1x40xi32, #tpu.memory_space<vmem>> -> memref<40xi32, #tpu.memory_space<vmem>>
      %dma_start3A_670 = arith.constant 0 : i32
      %dma_start3A_671 = arith.constant 0 : i32
      %dma_start3A_672 = tpu.memref_slice %arg2[%dma_start3A_670, %dma_start3A_671] : memref<10000x128xf32, #tpu.memory_space<hbm>> -> memref<10000x128xf32, #tpu.memory_space<hbm>>
      tpu.enqueue_indirect_dma source(%dma_start3A_672 : memref<10000x128xf32, #tpu.memory_space<hbm>>) target(%arg11 : memref<40x128xf32, #tpu.memory_space<vmem>>) offsets(%dma_start3A_669 : memref<40xi32, #tpu.memory_space<vmem>>) semaphore(%arg17 : memref<!tpu.dma_semaphore, #tpu.memory_space<semaphore_mem>>)
      %mul3A_673 = arith.constant 5 : i32
      %mul3A_674 = arith.muli %mul3A_673, %scan3A_617 : i32
      %add3A_675 = arith.constant 2 : i32
      %add3A_676 = arith.addi %mul3A_674, %add3A_675 : i32
      %dma_wait3A_677 = arith.constant 0 : i32
      %dma_wait3A_678 = tpu.memref_slice %arg6[%add3A_676, %dma_wait3A_677] : memref<250x40xi32, #tpu.memory_space<vmem>> -> memref<1x40xi32, #tpu.memory_space<vmem>>
      %dma_wait3A_679 = tpu.memref_squeeze %dma_wait3A_678 : memref<1x40xi32, #tpu.memory_space<vmem>> -> memref<40xi32, #tpu.memory_space<vmem>>
      %dma_wait3A_680 = arith.constant 0 : i32
      %dma_wait3A_681 = arith.constant 0 : i32
      %dma_wait3A_682 = tpu.memref_slice %arg2[%dma_wait3A_680, %dma_wait3A_681] : memref<10000x128xf32, #tpu.memory_space<hbm>> -> memref<10000x128xf32, #tpu.memory_space<hbm>>
      tpu.wait_indirect_dma semaphore(%arg16 : memref<!tpu.dma_semaphore, #tpu.memory_space<semaphore_mem>>) src(%dma_wait3A_682 : memref<10000x128xf32, #tpu.memory_space<hbm>>) dst(%arg10 : memref<40x128xf32, #tpu.memory_space<vmem>>)
      %dma_start3A_683 = arith.constant 0 : i32
      %dma_start3A_684 = tpu.memref_slice %arg7[%add3A_676, %dma_start3A_683] : memref<250x40xi32, #tpu.memory_space<vmem>> -> memref<1x40xi32, #tpu.memory_space<vmem>>
      %dma_start3A_685 = tpu.memref_squeeze %dma_start3A_684 : memref<1x40xi32, #tpu.memory_space<vmem>> -> memref<40xi32, #tpu.memory_space<vmem>>
      %dma_start3A_686 = arith.constant 0 : i32
      %dma_start3A_687 = arith.constant 0 : i32
      %dma_start3A_688 = tpu.memref_slice %arg13[%dma_start3A_686, %dma_start3A_687] : memref<10240x128xf32, #tpu.memory_space<vmem_shared>> -> memref<10240x128xf32, #tpu.memory_space<vmem_shared>>
      tpu.enqueue_indirect_dma source(%arg10 : memref<40x128xf32, #tpu.memory_space<vmem>>) target(%dma_start3A_688 : memref<10240x128xf32, #tpu.memory_space<vmem_shared>>) offsets(%dma_start3A_685 : memref<40xi32, #tpu.memory_space<vmem>>) semaphore(%arg21 : memref<!tpu.dma_semaphore, #tpu.memory_space<semaphore_mem>>) {add = true}
      %add3A_689 = arith.constant 2 : i32
      %add3A_690 = arith.addi %add3A_676, %add3A_689 : i32
      %ge3A_691 = arith.constant 1 : i32
      %ge3A_692 = arith.cmpi sge, %scan3A_617, %ge3A_691 : i32
      %convert_element_type3A_693 = arith.extui %ge3A_692 : i1 to i32
      %cond3A_694 = arith.constant 0 : i32
      %cond3A_695 = arith.cmpi ne, %convert_element_type3A_693, %cond3A_694 : i32
      scf.if %cond3A_695 {
        %dma_wait3A_759 = arith.constant 0 : i32
        %dma_wait3A_760 = tpu.memref_slice %arg7[%add3A_690, %dma_wait3A_759] : memref<250x40xi32, #tpu.memory_space<vmem>> -> memref<1x40xi32, #tpu.memory_space<vmem>>
        %dma_wait3A_761 = tpu.memref_squeeze %dma_wait3A_760 : memref<1x40xi32, #tpu.memory_space<vmem>> -> memref<40xi32, #tpu.memory_space<vmem>>
        %dma_wait3A_762 = arith.constant 0 : i32
        %dma_wait3A_763 = arith.constant 0 : i32
        %dma_wait3A_764 = tpu.memref_slice %arg13[%dma_wait3A_762, %dma_wait3A_763] : memref<10240x128xf32, #tpu.memory_space<vmem_shared>> -> memref<10240x128xf32, #tpu.memory_space<vmem_shared>>
        tpu.wait_indirect_dma semaphore(%arg23 : memref<!tpu.dma_semaphore, #tpu.memory_space<semaphore_mem>>) src(%arg12 : memref<40x128xf32, #tpu.memory_space<vmem>>) dst(%dma_wait3A_764 : memref<10240x128xf32, #tpu.memory_space<vmem_shared>>)
      } else {
      }
      %dma_start3A_696 = arith.constant 0 : i32
      %dma_start3A_697 = tpu.memref_slice %arg6[%add3A_690, %dma_start3A_696] : memref<250x40xi32, #tpu.memory_space<vmem>> -> memref<1x40xi32, #tpu.memory_space<vmem>>
      %dma_start3A_698 = tpu.memref_squeeze %dma_start3A_697 : memref<1x40xi32, #tpu.memory_space<vmem>> -> memref<40xi32, #tpu.memory_space<vmem>>
      %dma_start3A_699 = arith.constant 0 : i32
      %dma_start3A_700 = arith.constant 0 : i32
      %dma_start3A_701 = tpu.memref_slice %arg2[%dma_start3A_699, %dma_start3A_700] : memref<10000x128xf32, #tpu.memory_space<hbm>> -> memref<10000x128xf32, #tpu.memory_space<hbm>>
      tpu.enqueue_indirect_dma source(%dma_start3A_701 : memref<10000x128xf32, #tpu.memory_space<hbm>>) target(%arg12 : memref<40x128xf32, #tpu.memory_space<vmem>>) offsets(%dma_start3A_698 : memref<40xi32, #tpu.memory_space<vmem>>) semaphore(%arg18 : memref<!tpu.dma_semaphore, #tpu.memory_space<semaphore_mem>>)
      %mul3A_702 = arith.constant 5 : i32
      %mul3A_703 = arith.muli %mul3A_702, %scan3A_617 : i32
      %add3A_704 = arith.constant 3 : i32
      %add3A_705 = arith.addi %mul3A_703, %add3A_704 : i32
      %dma_wait3A_706 = arith.constant 0 : i32
      %dma_wait3A_707 = tpu.memref_slice %arg6[%add3A_705, %dma_wait3A_706] : memref<250x40xi32, #tpu.memory_space<vmem>> -> memref<1x40xi32, #tpu.memory_space<vmem>>
      %dma_wait3A_708 = tpu.memref_squeeze %dma_wait3A_707 : memref<1x40xi32, #tpu.memory_space<vmem>> -> memref<40xi32, #tpu.memory_space<vmem>>
      %dma_wait3A_709 = arith.constant 0 : i32
      %dma_wait3A_710 = arith.constant 0 : i32
      %dma_wait3A_711 = tpu.memref_slice %arg2[%dma_wait3A_709, %dma_wait3A_710] : memref<10000x128xf32, #tpu.memory_space<hbm>> -> memref<10000x128xf32, #tpu.memory_space<hbm>>
      tpu.wait_indirect_dma semaphore(%arg17 : memref<!tpu.dma_semaphore, #tpu.memory_space<semaphore_mem>>) src(%dma_wait3A_711 : memref<10000x128xf32, #tpu.memory_space<hbm>>) dst(%arg11 : memref<40x128xf32, #tpu.memory_space<vmem>>)
      %dma_start3A_712 = arith.constant 0 : i32
      %dma_start3A_713 = tpu.memref_slice %arg7[%add3A_705, %dma_start3A_712] : memref<250x40xi32, #tpu.memory_space<vmem>> -> memref<1x40xi32, #tpu.memory_space<vmem>>
      %dma_start3A_714 = tpu.memref_squeeze %dma_start3A_713 : memref<1x40xi32, #tpu.memory_space<vmem>> -> memref<40xi32, #tpu.memory_space<vmem>>
      %dma_start3A_715 = arith.constant 0 : i32
      %dma_start3A_716 = arith.constant 0 : i32
      %dma_start3A_717 = tpu.memref_slice %arg13[%dma_start3A_715, %dma_start3A_716] : memref<10240x128xf32, #tpu.memory_space<vmem_shared>> -> memref<10240x128xf32, #tpu.memory_space<vmem_shared>>
      tpu.enqueue_indirect_dma source(%arg11 : memref<40x128xf32, #tpu.memory_space<vmem>>) target(%dma_start3A_717 : memref<10240x128xf32, #tpu.memory_space<vmem_shared>>) offsets(%dma_start3A_714 : memref<40xi32, #tpu.memory_space<vmem>>) semaphore(%arg22 : memref<!tpu.dma_semaphore, #tpu.memory_space<semaphore_mem>>) {add = true}
      %add3A_718 = arith.constant 2 : i32
      %add3A_719 = arith.addi %add3A_705, %add3A_718 : i32
      %dma_wait3A_720 = arith.constant 0 : i32
      %dma_wait3A_721 = tpu.memref_slice %arg7[%add3A_719, %dma_wait3A_720] : memref<250x40xi32, #tpu.memory_space<vmem>> -> memref<1x40xi32, #tpu.memory_space<vmem>>
      %dma_wait3A_722 = tpu.memref_squeeze %dma_wait3A_721 : memref<1x40xi32, #tpu.memory_space<vmem>> -> memref<40xi32, #tpu.memory_space<vmem>>
      %dma_wait3A_723 = arith.constant 0 : i32
      %dma_wait3A_724 = arith.constant 0 : i32
      %dma_wait3A_725 = tpu.memref_slice %arg13[%dma_wait3A_723, %dma_wait3A_724] : memref<10240x128xf32, #tpu.memory_space<vmem_shared>> -> memref<10240x128xf32, #tpu.memory_space<vmem_shared>>
      tpu.wait_indirect_dma semaphore(%arg19 : memref<!tpu.dma_semaphore, #tpu.memory_space<semaphore_mem>>) src(%arg8 : memref<40x128xf32, #tpu.memory_space<vmem>>) dst(%dma_wait3A_725 : memref<10240x128xf32, #tpu.memory_space<vmem_shared>>)
      %lt3A = arith.constant 49 : i32
      %lt3A_726 = arith.cmpi slt, %scan3A_617, %lt3A : i32
      %convert_element_type3A_727 = arith.extui %lt3A_726 : i1 to i32
      %cond3A_728 = arith.constant 0 : i32
      %cond3A_729 = arith.cmpi ne, %convert_element_type3A_727, %cond3A_728 : i32
      scf.if %cond3A_729 {
        %dma_start3A_759 = arith.constant 0 : i32
        %dma_start3A_760 = tpu.memref_slice %arg6[%add3A_719, %dma_start3A_759] : memref<250x40xi32, #tpu.memory_space<vmem>> -> memref<1x40xi32, #tpu.memory_space<vmem>>
        %dma_start3A_761 = tpu.memref_squeeze %dma_start3A_760 : memref<1x40xi32, #tpu.memory_space<vmem>> -> memref<40xi32, #tpu.memory_space<vmem>>
        %dma_start3A_762 = arith.constant 0 : i32
        %dma_start3A_763 = arith.constant 0 : i32
        %dma_start3A_764 = tpu.memref_slice %arg2[%dma_start3A_762, %dma_start3A_763] : memref<10000x128xf32, #tpu.memory_space<hbm>> -> memref<10000x128xf32, #tpu.memory_space<hbm>>
        tpu.enqueue_indirect_dma source(%dma_start3A_764 : memref<10000x128xf32, #tpu.memory_space<hbm>>) target(%arg8 : memref<40x128xf32, #tpu.memory_space<vmem>>) offsets(%dma_start3A_761 : memref<40xi32, #tpu.memory_space<vmem>>) semaphore(%arg14 : memref<!tpu.dma_semaphore, #tpu.memory_space<semaphore_mem>>)
      } else {
      }
      %mul3A_730 = arith.constant 5 : i32
      %mul3A_731 = arith.muli %mul3A_730, %scan3A_617 : i32
      %add3A_732 = arith.constant 4 : i32
      %add3A_733 = arith.addi %mul3A_731, %add3A_732 : i32
      %dma_wait3A_734 = arith.constant 0 : i32
      %dma_wait3A_735 = tpu.memref_slice %arg6[%add3A_733, %dma_wait3A_734] : memref<250x40xi32, #tpu.memory_space<vmem>> -> memref<1x40xi32, #tpu.memory_space<vmem>>
      %dma_wait3A_736 = tpu.memref_squeeze %dma_wait3A_735 : memref<1x40xi32, #tpu.memory_space<vmem>> -> memref<40xi32, #tpu.memory_space<vmem>>
      %dma_wait3A_737 = arith.constant 0 : i32
      %dma_wait3A_738 = arith.constant 0 : i32
      %dma_wait3A_739 = tpu.memref_slice %arg2[%dma_wait3A_737, %dma_wait3A_738] : memref<10000x128xf32, #tpu.memory_space<hbm>> -> memref<10000x128xf32, #tpu.memory_space<hbm>>
      tpu.wait_indirect_dma semaphore(%arg18 : memref<!tpu.dma_semaphore, #tpu.memory_space<semaphore_mem>>) src(%dma_wait3A_739 : memref<10000x128xf32, #tpu.memory_space<hbm>>) dst(%arg12 : memref<40x128xf32, #tpu.memory_space<vmem>>)
      %dma_start3A_740 = arith.constant 0 : i32
      %dma_start3A_741 = tpu.memref_slice %arg7[%add3A_733, %dma_start3A_740] : memref<250x40xi32, #tpu.memory_space<vmem>> -> memref<1x40xi32, #tpu.memory_space<vmem>>
      %dma_start3A_742 = tpu.memref_squeeze %dma_start3A_741 : memref<1x40xi32, #tpu.memory_space<vmem>> -> memref<40xi32, #tpu.memory_space<vmem>>
      %dma_start3A_743 = arith.constant 0 : i32
      %dma_start3A_744 = arith.constant 0 : i32
      %dma_start3A_745 = tpu.memref_slice %arg13[%dma_start3A_743, %dma_start3A_744] : memref<10240x128xf32, #tpu.memory_space<vmem_shared>> -> memref<10240x128xf32, #tpu.memory_space<vmem_shared>>
      tpu.enqueue_indirect_dma source(%arg12 : memref<40x128xf32, #tpu.memory_space<vmem>>) target(%dma_start3A_745 : memref<10240x128xf32, #tpu.memory_space<vmem_shared>>) offsets(%dma_start3A_742 : memref<40xi32, #tpu.memory_space<vmem>>) semaphore(%arg23 : memref<!tpu.dma_semaphore, #tpu.memory_space<semaphore_mem>>) {add = true}
      %add3A_746 = arith.constant 2 : i32
      %add3A_747 = arith.addi %add3A_733, %add3A_746 : i32
      %dma_wait3A_748 = arith.constant 0 : i32
      %dma_wait3A_749 = tpu.memref_slice %arg7[%add3A_747, %dma_wait3A_748] : memref<250x40xi32, #tpu.memory_space<vmem>> -> memref<1x40xi32, #tpu.memory_space<vmem>>
      %dma_wait3A_750 = tpu.memref_squeeze %dma_wait3A_749 : memref<1x40xi32, #tpu.memory_space<vmem>> -> memref<40xi32, #tpu.memory_space<vmem>>
      %dma_wait3A_751 = arith.constant 0 : i32
      %dma_wait3A_752 = arith.constant 0 : i32
      %dma_wait3A_753 = tpu.memref_slice %arg13[%dma_wait3A_751, %dma_wait3A_752] : memref<10240x128xf32, #tpu.memory_space<vmem_shared>> -> memref<10240x128xf32, #tpu.memory_space<vmem_shared>>
      tpu.wait_indirect_dma semaphore(%arg20 : memref<!tpu.dma_semaphore, #tpu.memory_space<semaphore_mem>>) src(%arg9 : memref<40x128xf32, #tpu.memory_space<vmem>>) dst(%dma_wait3A_753 : memref<10240x128xf32, #tpu.memory_space<vmem_shared>>)
      %lt3A_754 = arith.constant 49 : i32
      %lt3A_755 = arith.cmpi slt, %scan3A_617, %lt3A_754 : i32
      %convert_element_type3A_756 = arith.extui %lt3A_755 : i1 to i32
      %cond3A_757 = arith.constant 0 : i32
      %cond3A_758 = arith.cmpi ne, %convert_element_type3A_756, %cond3A_757 : i32
      scf.if %cond3A_758 {
        %dma_start3A_759 = arith.constant 0 : i32
        %dma_start3A_760 = tpu.memref_slice %arg6[%add3A_747, %dma_start3A_759] : memref<250x40xi32, #tpu.memory_space<vmem>> -> memref<1x40xi32, #tpu.memory_space<vmem>>
        %dma_start3A_761 = tpu.memref_squeeze %dma_start3A_760 : memref<1x40xi32, #tpu.memory_space<vmem>> -> memref<40xi32, #tpu.memory_space<vmem>>
        %dma_start3A_762 = arith.constant 0 : i32
        %dma_start3A_763 = arith.constant 0 : i32
        %dma_start3A_764 = tpu.memref_slice %arg2[%dma_start3A_762, %dma_start3A_763] : memref<10000x128xf32, #tpu.memory_space<hbm>> -> memref<10000x128xf32, #tpu.memory_space<hbm>>
        tpu.enqueue_indirect_dma source(%dma_start3A_764 : memref<10000x128xf32, #tpu.memory_space<hbm>>) target(%arg9 : memref<40x128xf32, #tpu.memory_space<vmem>>) offsets(%dma_start3A_761 : memref<40xi32, #tpu.memory_space<vmem>>) semaphore(%arg15 : memref<!tpu.dma_semaphore, #tpu.memory_space<semaphore_mem>>)
      } else {
      }
    }
    %scan3A_242 = arith.constant 50 : i32
    %dma_wait3A_243 = arith.constant 0 : i32
    %dma_wait3A_244 = arith.constant 0 : i32
    %dma_wait3A_245 = tpu.memref_slice %arg7[%dma_wait3A_243, %dma_wait3A_244] : memref<250x40xi32, #tpu.memory_space<vmem>> -> memref<1x40xi32, #tpu.memory_space<vmem>>
    %dma_wait3A_246 = tpu.memref_squeeze %dma_wait3A_245 : memref<1x40xi32, #tpu.memory_space<vmem>> -> memref<40xi32, #tpu.memory_space<vmem>>
    %dma_wait3A_247 = arith.constant 0 : i32
    %dma_wait3A_248 = arith.constant 0 : i32
    %dma_wait3A_249 = tpu.memref_slice %arg13[%dma_wait3A_247, %dma_wait3A_248] : memref<10240x128xf32, #tpu.memory_space<vmem_shared>> -> memref<10240x128xf32, #tpu.memory_space<vmem_shared>>
    tpu.wait_indirect_dma semaphore(%arg21 : memref<!tpu.dma_semaphore, #tpu.memory_space<semaphore_mem>>) src(%arg10 : memref<40x128xf32, #tpu.memory_space<vmem>>) dst(%dma_wait3A_249 : memref<10240x128xf32, #tpu.memory_space<vmem_shared>>)
    %dma_wait3A_250 = arith.constant 0 : i32
    %dma_wait3A_251 = arith.constant 0 : i32
    %dma_wait3A_252 = tpu.memref_slice %arg7[%dma_wait3A_250, %dma_wait3A_251] : memref<250x40xi32, #tpu.memory_space<vmem>> -> memref<1x40xi32, #tpu.memory_space<vmem>>
    %dma_wait3A_253 = tpu.memref_squeeze %dma_wait3A_252 : memref<1x40xi32, #tpu.memory_space<vmem>> -> memref<40xi32, #tpu.memory_space<vmem>>
    %dma_wait3A_254 = arith.constant 0 : i32
    %dma_wait3A_255 = arith.constant 0 : i32
    %dma_wait3A_256 = tpu.memref_slice %arg13[%dma_wait3A_254, %dma_wait3A_255] : memref<10240x128xf32, #tpu.memory_space<vmem_shared>> -> memref<10240x128xf32, #tpu.memory_space<vmem_shared>>
    tpu.wait_indirect_dma semaphore(%arg22 : memref<!tpu.dma_semaphore, #tpu.memory_space<semaphore_mem>>) src(%arg11 : memref<40x128xf32, #tpu.memory_space<vmem>>) dst(%dma_wait3A_256 : memref<10240x128xf32, #tpu.memory_space<vmem_shared>>)
    %dma_wait3A_257 = arith.constant 0 : i32
    %dma_wait3A_258 = arith.constant 0 : i32
    %dma_wait3A_259 = tpu.memref_slice %arg7[%dma_wait3A_257, %dma_wait3A_258] : memref<250x40xi32, #tpu.memory_space<vmem>> -> memref<1x40xi32, #tpu.memory_space<vmem>>
    %dma_wait3A_260 = tpu.memref_squeeze %dma_wait3A_259 : memref<1x40xi32, #tpu.memory_space<vmem>> -> memref<40xi32, #tpu.memory_space<vmem>>
    %dma_wait3A_261 = arith.constant 0 : i32
    %dma_wait3A_262 = arith.constant 0 : i32
    %dma_wait3A_263 = tpu.memref_slice %arg13[%dma_wait3A_261, %dma_wait3A_262] : memref<10240x128xf32, #tpu.memory_space<vmem_shared>> -> memref<10240x128xf32, #tpu.memory_space<vmem_shared>>
    tpu.wait_indirect_dma semaphore(%arg23 : memref<!tpu.dma_semaphore, #tpu.memory_space<semaphore_mem>>) src(%arg12 : memref<40x128xf32, #tpu.memory_space<vmem>>) dst(%dma_wait3A_263 : memref<10240x128xf32, #tpu.memory_space<vmem_shared>>)
    %barrier3A_264 = arith.constant 0 : index
    tpu.barrier barrier_id(%barrier3A_264)
    %mul3A_265 = arith.constant 640 : i32
    %mul3A_266 = arith.muli %arg1, %mul3A_265 : i32
    %add3A_267 = arith.constant 0 : i32
    %add3A_268 = arith.addi %mul3A_266, %add3A_267 : i32
    %mul3A_269 = arith.constant 640 : i32
    %mul3A_270 = arith.muli %arg1, %mul3A_269 : i32
    %add3A_271 = arith.constant 0 : i32
    %add3A_272 = arith.addi %mul3A_270, %add3A_271 : i32
    %dma_start3A_273 = arith.constant 0 : i32
    %dma_start3A_274 = tpu.memref_slice %arg5[%arg0, %add3A_272, %dma_start3A_273] : memref<2x10240x128xf32, #tpu.memory_space<hbm>> -> memref<1x40x128xf32, #tpu.memory_space<hbm>>
    %dma_start3A_275 = tpu.memref_squeeze %dma_start3A_274 : memref<1x40x128xf32, #tpu.memory_space<hbm>> -> memref<40x128xf32, #tpu.memory_space<hbm>>
    %dma_start3A_276 = arith.constant 0 : i32
    %dma_start3A_277 = tpu.memref_slice %arg13[%add3A_268, %dma_start3A_276] : memref<10240x128xf32, #tpu.memory_space<vmem_shared>> -> memref<40x128xf32, #tpu.memory_space<vmem_shared>>
    tpu.enqueue_dma source(%dma_start3A_277 : memref<40x128xf32, #tpu.memory_space<vmem_shared>>) target(%dma_start3A_275 : memref<40x128xf32, #tpu.memory_space<hbm>>) target_semaphore(%arg24 : memref<!tpu.dma_semaphore, #tpu.memory_space<semaphore_mem>>)
    %mul3A_278 = arith.constant 640 : i32
    %mul3A_279 = arith.muli %arg1, %mul3A_278 : i32
    %add3A_280 = arith.constant 40 : i32
    %add3A_281 = arith.addi %mul3A_279, %add3A_280 : i32
    %mul3A_282 = arith.constant 640 : i32
    %mul3A_283 = arith.muli %arg1, %mul3A_282 : i32
    %add3A_284 = arith.constant 40 : i32
    %add3A_285 = arith.addi %mul3A_283, %add3A_284 : i32
    %dma_start3A_286 = arith.constant 0 : i32
    %dma_start3A_287 = tpu.memref_slice %arg5[%arg0, %add3A_285, %dma_start3A_286] : memref<2x10240x128xf32, #tpu.memory_space<hbm>> -> memref<1x40x128xf32, #tpu.memory_space<hbm>>
    %dma_start3A_288 = tpu.memref_squeeze %dma_start3A_287 : memref<1x40x128xf32, #tpu.memory_space<hbm>> -> memref<40x128xf32, #tpu.memory_space<hbm>>
    %dma_start3A_289 = arith.constant 0 : i32
    %dma_start3A_290 = tpu.memref_slice %arg13[%add3A_281, %dma_start3A_289] : memref<10240x128xf32, #tpu.memory_space<vmem_shared>> -> memref<40x128xf32, #tpu.memory_space<vmem_shared>>
    tpu.enqueue_dma source(%dma_start3A_290 : memref<40x128xf32, #tpu.memory_space<vmem_shared>>) target(%dma_start3A_288 : memref<40x128xf32, #tpu.memory_space<hbm>>) target_semaphore(%arg24 : memref<!tpu.dma_semaphore, #tpu.memory_space<semaphore_mem>>)
    %mul3A_291 = arith.constant 640 : i32
    %mul3A_292 = arith.muli %arg1, %mul3A_291 : i32
    %add3A_293 = arith.constant 80 : i32
    %add3A_294 = arith.addi %mul3A_292, %add3A_293 : i32
    %mul3A_295 = arith.constant 640 : i32
    %mul3A_296 = arith.muli %arg1, %mul3A_295 : i32
    %add3A_297 = arith.constant 80 : i32
    %add3A_298 = arith.addi %mul3A_296, %add3A_297 : i32
    %dma_start3A_299 = arith.constant 0 : i32
    %dma_start3A_300 = tpu.memref_slice %arg5[%arg0, %add3A_298, %dma_start3A_299] : memref<2x10240x128xf32, #tpu.memory_space<hbm>> -> memref<1x40x128xf32, #tpu.memory_space<hbm>>
    %dma_start3A_301 = tpu.memref_squeeze %dma_start3A_300 : memref<1x40x128xf32, #tpu.memory_space<hbm>> -> memref<40x128xf32, #tpu.memory_space<hbm>>
    %dma_start3A_302 = arith.constant 0 : i32
    %dma_start3A_303 = tpu.memref_slice %arg13[%add3A_294, %dma_start3A_302] : memref<10240x128xf32, #tpu.memory_space<vmem_shared>> -> memref<40x128xf32, #tpu.memory_space<vmem_shared>>
    tpu.enqueue_dma source(%dma_start3A_303 : memref<40x128xf32, #tpu.memory_space<vmem_shared>>) target(%dma_start3A_301 : memref<40x128xf32, #tpu.memory_space<hbm>>) target_semaphore(%arg24 : memref<!tpu.dma_semaphore, #tpu.memory_space<semaphore_mem>>)
    %mul3A_304 = arith.constant 640 : i32
    %mul3A_305 = arith.muli %arg1, %mul3A_304 : i32
    %add3A_306 = arith.constant 120 : i32
    %add3A_307 = arith.addi %mul3A_305, %add3A_306 : i32
    %mul3A_308 = arith.constant 640 : i32
    %mul3A_309 = arith.muli %arg1, %mul3A_308 : i32
    %add3A_310 = arith.constant 120 : i32
    %add3A_311 = arith.addi %mul3A_309, %add3A_310 : i32
    %dma_start3A_312 = arith.constant 0 : i32
    %dma_start3A_313 = tpu.memref_slice %arg5[%arg0, %add3A_311, %dma_start3A_312] : memref<2x10240x128xf32, #tpu.memory_space<hbm>> -> memref<1x40x128xf32, #tpu.memory_space<hbm>>
    %dma_start3A_314 = tpu.memref_squeeze %dma_start3A_313 : memref<1x40x128xf32, #tpu.memory_space<hbm>> -> memref<40x128xf32, #tpu.memory_space<hbm>>
    %dma_start3A_315 = arith.constant 0 : i32
    %dma_start3A_316 = tpu.memref_slice %arg13[%add3A_307, %dma_start3A_315] : memref<10240x128xf32, #tpu.memory_space<vmem_shared>> -> memref<40x128xf32, #tpu.memory_space<vmem_shared>>
    tpu.enqueue_dma source(%dma_start3A_316 : memref<40x128xf32, #tpu.memory_space<vmem_shared>>) target(%dma_start3A_314 : memref<40x128xf32, #tpu.memory_space<hbm>>) target_semaphore(%arg24 : memref<!tpu.dma_semaphore, #tpu.memory_space<semaphore_mem>>)
    %mul3A_317 = arith.constant 640 : i32
    %mul3A_318 = arith.muli %arg1, %mul3A_317 : i32
    %add3A_319 = arith.constant 160 : i32
    %add3A_320 = arith.addi %mul3A_318, %add3A_319 : i32
    %mul3A_321 = arith.constant 640 : i32
    %mul3A_322 = arith.muli %arg1, %mul3A_321 : i32
    %add3A_323 = arith.constant 160 : i32
    %add3A_324 = arith.addi %mul3A_322, %add3A_323 : i32
    %dma_start3A_325 = arith.constant 0 : i32
    %dma_start3A_326 = tpu.memref_slice %arg5[%arg0, %add3A_324, %dma_start3A_325] : memref<2x10240x128xf32, #tpu.memory_space<hbm>> -> memref<1x40x128xf32, #tpu.memory_space<hbm>>
    %dma_start3A_327 = tpu.memref_squeeze %dma_start3A_326 : memref<1x40x128xf32, #tpu.memory_space<hbm>> -> memref<40x128xf32, #tpu.memory_space<hbm>>
    %dma_start3A_328 = arith.constant 0 : i32
    %dma_start3A_329 = tpu.memref_slice %arg13[%add3A_320, %dma_start3A_328] : memref<10240x128xf32, #tpu.memory_space<vmem_shared>> -> memref<40x128xf32, #tpu.memory_space<vmem_shared>>
    tpu.enqueue_dma source(%dma_start3A_329 : memref<40x128xf32, #tpu.memory_space<vmem_shared>>) target(%dma_start3A_327 : memref<40x128xf32, #tpu.memory_space<hbm>>) target_semaphore(%arg24 : memref<!tpu.dma_semaphore, #tpu.memory_space<semaphore_mem>>)
    %mul3A_330 = arith.constant 640 : i32
    %mul3A_331 = arith.muli %arg1, %mul3A_330 : i32
    %add3A_332 = arith.constant 200 : i32
    %add3A_333 = arith.addi %mul3A_331, %add3A_332 : i32
    %mul3A_334 = arith.constant 640 : i32
    %mul3A_335 = arith.muli %arg1, %mul3A_334 : i32
    %add3A_336 = arith.constant 200 : i32
    %add3A_337 = arith.addi %mul3A_335, %add3A_336 : i32
    %dma_start3A_338 = arith.constant 0 : i32
    %dma_start3A_339 = tpu.memref_slice %arg5[%arg0, %add3A_337, %dma_start3A_338] : memref<2x10240x128xf32, #tpu.memory_space<hbm>> -> memref<1x40x128xf32, #tpu.memory_space<hbm>>
    %dma_start3A_340 = tpu.memref_squeeze %dma_start3A_339 : memref<1x40x128xf32, #tpu.memory_space<hbm>> -> memref<40x128xf32, #tpu.memory_space<hbm>>
    %dma_start3A_341 = arith.constant 0 : i32
    %dma_start3A_342 = tpu.memref_slice %arg13[%add3A_333, %dma_start3A_341] : memref<10240x128xf32, #tpu.memory_space<vmem_shared>> -> memref<40x128xf32, #tpu.memory_space<vmem_shared>>
    tpu.enqueue_dma source(%dma_start3A_342 : memref<40x128xf32, #tpu.memory_space<vmem_shared>>) target(%dma_start3A_340 : memref<40x128xf32, #tpu.memory_space<hbm>>) target_semaphore(%arg24 : memref<!tpu.dma_semaphore, #tpu.memory_space<semaphore_mem>>)
    %mul3A_343 = arith.constant 640 : i32
    %mul3A_344 = arith.muli %arg1, %mul3A_343 : i32
    %add3A_345 = arith.constant 240 : i32
    %add3A_346 = arith.addi %mul3A_344, %add3A_345 : i32
    %mul3A_347 = arith.constant 640 : i32
    %mul3A_348 = arith.muli %arg1, %mul3A_347 : i32
    %add3A_349 = arith.constant 240 : i32
    %add3A_350 = arith.addi %mul3A_348, %add3A_349 : i32
    %dma_start3A_351 = arith.constant 0 : i32
    %dma_start3A_352 = tpu.memref_slice %arg5[%arg0, %add3A_350, %dma_start3A_351] : memref<2x10240x128xf32, #tpu.memory_space<hbm>> -> memref<1x40x128xf32, #tpu.memory_space<hbm>>
    %dma_start3A_353 = tpu.memref_squeeze %dma_start3A_352 : memref<1x40x128xf32, #tpu.memory_space<hbm>> -> memref<40x128xf32, #tpu.memory_space<hbm>>
    %dma_start3A_354 = arith.constant 0 : i32
    %dma_start3A_355 = tpu.memref_slice %arg13[%add3A_346, %dma_start3A_354] : memref<10240x128xf32, #tpu.memory_space<vmem_shared>> -> memref<40x128xf32, #tpu.memory_space<vmem_shared>>
    tpu.enqueue_dma source(%dma_start3A_355 : memref<40x128xf32, #tpu.memory_space<vmem_shared>>) target(%dma_start3A_353 : memref<40x128xf32, #tpu.memory_space<hbm>>) target_semaphore(%arg24 : memref<!tpu.dma_semaphore, #tpu.memory_space<semaphore_mem>>)
    %mul3A_356 = arith.constant 640 : i32
    %mul3A_357 = arith.muli %arg1, %mul3A_356 : i32
    %add3A_358 = arith.constant 280 : i32
    %add3A_359 = arith.addi %mul3A_357, %add3A_358 : i32
    %mul3A_360 = arith.constant 640 : i32
    %mul3A_361 = arith.muli %arg1, %mul3A_360 : i32
    %add3A_362 = arith.constant 280 : i32
    %add3A_363 = arith.addi %mul3A_361, %add3A_362 : i32
    %dma_start3A_364 = arith.constant 0 : i32
    %dma_start3A_365 = tpu.memref_slice %arg5[%arg0, %add3A_363, %dma_start3A_364] : memref<2x10240x128xf32, #tpu.memory_space<hbm>> -> memref<1x40x128xf32, #tpu.memory_space<hbm>>
    %dma_start3A_366 = tpu.memref_squeeze %dma_start3A_365 : memref<1x40x128xf32, #tpu.memory_space<hbm>> -> memref<40x128xf32, #tpu.memory_space<hbm>>
    %dma_start3A_367 = arith.constant 0 : i32
    %dma_start3A_368 = tpu.memref_slice %arg13[%add3A_359, %dma_start3A_367] : memref<10240x128xf32, #tpu.memory_space<vmem_shared>> -> memref<40x128xf32, #tpu.memory_space<vmem_shared>>
    tpu.enqueue_dma source(%dma_start3A_368 : memref<40x128xf32, #tpu.memory_space<vmem_shared>>) target(%dma_start3A_366 : memref<40x128xf32, #tpu.memory_space<hbm>>) target_semaphore(%arg24 : memref<!tpu.dma_semaphore, #tpu.memory_space<semaphore_mem>>)
    %mul3A_369 = arith.constant 640 : i32
    %mul3A_370 = arith.muli %arg1, %mul3A_369 : i32
    %add3A_371 = arith.constant 320 : i32
    %add3A_372 = arith.addi %mul3A_370, %add3A_371 : i32
    %mul3A_373 = arith.constant 640 : i32
    %mul3A_374 = arith.muli %arg1, %mul3A_373 : i32
    %add3A_375 = arith.constant 320 : i32
    %add3A_376 = arith.addi %mul3A_374, %add3A_375 : i32
    %dma_start3A_377 = arith.constant 0 : i32
    %dma_start3A_378 = tpu.memref_slice %arg5[%arg0, %add3A_376, %dma_start3A_377] : memref<2x10240x128xf32, #tpu.memory_space<hbm>> -> memref<1x40x128xf32, #tpu.memory_space<hbm>>
    %dma_start3A_379 = tpu.memref_squeeze %dma_start3A_378 : memref<1x40x128xf32, #tpu.memory_space<hbm>> -> memref<40x128xf32, #tpu.memory_space<hbm>>
    %dma_start3A_380 = arith.constant 0 : i32
    %dma_start3A_381 = tpu.memref_slice %arg13[%add3A_372, %dma_start3A_380] : memref<10240x128xf32, #tpu.memory_space<vmem_shared>> -> memref<40x128xf32, #tpu.memory_space<vmem_shared>>
    tpu.enqueue_dma source(%dma_start3A_381 : memref<40x128xf32, #tpu.memory_space<vmem_shared>>) target(%dma_start3A_379 : memref<40x128xf32, #tpu.memory_space<hbm>>) target_semaphore(%arg24 : memref<!tpu.dma_semaphore, #tpu.memory_space<semaphore_mem>>)
    %mul3A_382 = arith.constant 640 : i32
    %mul3A_383 = arith.muli %arg1, %mul3A_382 : i32
    %add3A_384 = arith.constant 360 : i32
    %add3A_385 = arith.addi %mul3A_383, %add3A_384 : i32
    %mul3A_386 = arith.constant 640 : i32
    %mul3A_387 = arith.muli %arg1, %mul3A_386 : i32
    %add3A_388 = arith.constant 360 : i32
    %add3A_389 = arith.addi %mul3A_387, %add3A_388 : i32
    %dma_start3A_390 = arith.constant 0 : i32
    %dma_start3A_391 = tpu.memref_slice %arg5[%arg0, %add3A_389, %dma_start3A_390] : memref<2x10240x128xf32, #tpu.memory_space<hbm>> -> memref<1x40x128xf32, #tpu.memory_space<hbm>>
    %dma_start3A_392 = tpu.memref_squeeze %dma_start3A_391 : memref<1x40x128xf32, #tpu.memory_space<hbm>> -> memref<40x128xf32, #tpu.memory_space<hbm>>
    %dma_start3A_393 = arith.constant 0 : i32
    %dma_start3A_394 = tpu.memref_slice %arg13[%add3A_385, %dma_start3A_393] : memref<10240x128xf32, #tpu.memory_space<vmem_shared>> -> memref<40x128xf32, #tpu.memory_space<vmem_shared>>
    tpu.enqueue_dma source(%dma_start3A_394 : memref<40x128xf32, #tpu.memory_space<vmem_shared>>) target(%dma_start3A_392 : memref<40x128xf32, #tpu.memory_space<hbm>>) target_semaphore(%arg24 : memref<!tpu.dma_semaphore, #tpu.memory_space<semaphore_mem>>)
    %mul3A_395 = arith.constant 640 : i32
    %mul3A_396 = arith.muli %arg1, %mul3A_395 : i32
    %add3A_397 = arith.constant 400 : i32
    %add3A_398 = arith.addi %mul3A_396, %add3A_397 : i32
    %mul3A_399 = arith.constant 640 : i32
    %mul3A_400 = arith.muli %arg1, %mul3A_399 : i32
    %add3A_401 = arith.constant 400 : i32
    %add3A_402 = arith.addi %mul3A_400, %add3A_401 : i32
    %dma_start3A_403 = arith.constant 0 : i32
    %dma_start3A_404 = tpu.memref_slice %arg5[%arg0, %add3A_402, %dma_start3A_403] : memref<2x10240x128xf32, #tpu.memory_space<hbm>> -> memref<1x40x128xf32, #tpu.memory_space<hbm>>
    %dma_start3A_405 = tpu.memref_squeeze %dma_start3A_404 : memref<1x40x128xf32, #tpu.memory_space<hbm>> -> memref<40x128xf32, #tpu.memory_space<hbm>>
    %dma_start3A_406 = arith.constant 0 : i32
    %dma_start3A_407 = tpu.memref_slice %arg13[%add3A_398, %dma_start3A_406] : memref<10240x128xf32, #tpu.memory_space<vmem_shared>> -> memref<40x128xf32, #tpu.memory_space<vmem_shared>>
    tpu.enqueue_dma source(%dma_start3A_407 : memref<40x128xf32, #tpu.memory_space<vmem_shared>>) target(%dma_start3A_405 : memref<40x128xf32, #tpu.memory_space<hbm>>) target_semaphore(%arg24 : memref<!tpu.dma_semaphore, #tpu.memory_space<semaphore_mem>>)
    %mul3A_408 = arith.constant 640 : i32
    %mul3A_409 = arith.muli %arg1, %mul3A_408 : i32
    %add3A_410 = arith.constant 440 : i32
    %add3A_411 = arith.addi %mul3A_409, %add3A_410 : i32
    %mul3A_412 = arith.constant 640 : i32
    %mul3A_413 = arith.muli %arg1, %mul3A_412 : i32
    %add3A_414 = arith.constant 440 : i32
    %add3A_415 = arith.addi %mul3A_413, %add3A_414 : i32
    %dma_start3A_416 = arith.constant 0 : i32
    %dma_start3A_417 = tpu.memref_slice %arg5[%arg0, %add3A_415, %dma_start3A_416] : memref<2x10240x128xf32, #tpu.memory_space<hbm>> -> memref<1x40x128xf32, #tpu.memory_space<hbm>>
    %dma_start3A_418 = tpu.memref_squeeze %dma_start3A_417 : memref<1x40x128xf32, #tpu.memory_space<hbm>> -> memref<40x128xf32, #tpu.memory_space<hbm>>
    %dma_start3A_419 = arith.constant 0 : i32
    %dma_start3A_420 = tpu.memref_slice %arg13[%add3A_411, %dma_start3A_419] : memref<10240x128xf32, #tpu.memory_space<vmem_shared>> -> memref<40x128xf32, #tpu.memory_space<vmem_shared>>
    tpu.enqueue_dma source(%dma_start3A_420 : memref<40x128xf32, #tpu.memory_space<vmem_shared>>) target(%dma_start3A_418 : memref<40x128xf32, #tpu.memory_space<hbm>>) target_semaphore(%arg24 : memref<!tpu.dma_semaphore, #tpu.memory_space<semaphore_mem>>)
    %mul3A_421 = arith.constant 640 : i32
    %mul3A_422 = arith.muli %arg1, %mul3A_421 : i32
    %add3A_423 = arith.constant 480 : i32
    %add3A_424 = arith.addi %mul3A_422, %add3A_423 : i32
    %mul3A_425 = arith.constant 640 : i32
    %mul3A_426 = arith.muli %arg1, %mul3A_425 : i32
    %add3A_427 = arith.constant 480 : i32
    %add3A_428 = arith.addi %mul3A_426, %add3A_427 : i32
    %dma_start3A_429 = arith.constant 0 : i32
    %dma_start3A_430 = tpu.memref_slice %arg5[%arg0, %add3A_428, %dma_start3A_429] : memref<2x10240x128xf32, #tpu.memory_space<hbm>> -> memref<1x40x128xf32, #tpu.memory_space<hbm>>
    %dma_start3A_431 = tpu.memref_squeeze %dma_start3A_430 : memref<1x40x128xf32, #tpu.memory_space<hbm>> -> memref<40x128xf32, #tpu.memory_space<hbm>>
    %dma_start3A_432 = arith.constant 0 : i32
    %dma_start3A_433 = tpu.memref_slice %arg13[%add3A_424, %dma_start3A_432] : memref<10240x128xf32, #tpu.memory_space<vmem_shared>> -> memref<40x128xf32, #tpu.memory_space<vmem_shared>>
    tpu.enqueue_dma source(%dma_start3A_433 : memref<40x128xf32, #tpu.memory_space<vmem_shared>>) target(%dma_start3A_431 : memref<40x128xf32, #tpu.memory_space<hbm>>) target_semaphore(%arg24 : memref<!tpu.dma_semaphore, #tpu.memory_space<semaphore_mem>>)
    %mul3A_434 = arith.constant 640 : i32
    %mul3A_435 = arith.muli %arg1, %mul3A_434 : i32
    %add3A_436 = arith.constant 520 : i32
    %add3A_437 = arith.addi %mul3A_435, %add3A_436 : i32
    %mul3A_438 = arith.constant 640 : i32
    %mul3A_439 = arith.muli %arg1, %mul3A_438 : i32
    %add3A_440 = arith.constant 520 : i32
    %add3A_441 = arith.addi %mul3A_439, %add3A_440 : i32
    %dma_start3A_442 = arith.constant 0 : i32
    %dma_start3A_443 = tpu.memref_slice %arg5[%arg0, %add3A_441, %dma_start3A_442] : memref<2x10240x128xf32, #tpu.memory_space<hbm>> -> memref<1x40x128xf32, #tpu.memory_space<hbm>>
    %dma_start3A_444 = tpu.memref_squeeze %dma_start3A_443 : memref<1x40x128xf32, #tpu.memory_space<hbm>> -> memref<40x128xf32, #tpu.memory_space<hbm>>
    %dma_start3A_445 = arith.constant 0 : i32
    %dma_start3A_446 = tpu.memref_slice %arg13[%add3A_437, %dma_start3A_445] : memref<10240x128xf32, #tpu.memory_space<vmem_shared>> -> memref<40x128xf32, #tpu.memory_space<vmem_shared>>
    tpu.enqueue_dma source(%dma_start3A_446 : memref<40x128xf32, #tpu.memory_space<vmem_shared>>) target(%dma_start3A_444 : memref<40x128xf32, #tpu.memory_space<hbm>>) target_semaphore(%arg24 : memref<!tpu.dma_semaphore, #tpu.memory_space<semaphore_mem>>)
    %mul3A_447 = arith.constant 640 : i32
    %mul3A_448 = arith.muli %arg1, %mul3A_447 : i32
    %add3A_449 = arith.constant 560 : i32
    %add3A_450 = arith.addi %mul3A_448, %add3A_449 : i32
    %mul3A_451 = arith.constant 640 : i32
    %mul3A_452 = arith.muli %arg1, %mul3A_451 : i32
    %add3A_453 = arith.constant 560 : i32
    %add3A_454 = arith.addi %mul3A_452, %add3A_453 : i32
    %dma_start3A_455 = arith.constant 0 : i32
    %dma_start3A_456 = tpu.memref_slice %arg5[%arg0, %add3A_454, %dma_start3A_455] : memref<2x10240x128xf32, #tpu.memory_space<hbm>> -> memref<1x40x128xf32, #tpu.memory_space<hbm>>
    %dma_start3A_457 = tpu.memref_squeeze %dma_start3A_456 : memref<1x40x128xf32, #tpu.memory_space<hbm>> -> memref<40x128xf32, #tpu.memory_space<hbm>>
    %dma_start3A_458 = arith.constant 0 : i32
    %dma_start3A_459 = tpu.memref_slice %arg13[%add3A_450, %dma_start3A_458] : memref<10240x128xf32, #tpu.memory_space<vmem_shared>> -> memref<40x128xf32, #tpu.memory_space<vmem_shared>>
    tpu.enqueue_dma source(%dma_start3A_459 : memref<40x128xf32, #tpu.memory_space<vmem_shared>>) target(%dma_start3A_457 : memref<40x128xf32, #tpu.memory_space<hbm>>) target_semaphore(%arg24 : memref<!tpu.dma_semaphore, #tpu.memory_space<semaphore_mem>>)
    %mul3A_460 = arith.constant 640 : i32
    %mul3A_461 = arith.muli %arg1, %mul3A_460 : i32
    %add3A_462 = arith.constant 600 : i32
    %add3A_463 = arith.addi %mul3A_461, %add3A_462 : i32
    %mul3A_464 = arith.constant 640 : i32
    %mul3A_465 = arith.muli %arg1, %mul3A_464 : i32
    %add3A_466 = arith.constant 600 : i32
    %add3A_467 = arith.addi %mul3A_465, %add3A_466 : i32
    %dma_start3A_468 = arith.constant 0 : i32
    %dma_start3A_469 = tpu.memref_slice %arg5[%arg0, %add3A_467, %dma_start3A_468] : memref<2x10240x128xf32, #tpu.memory_space<hbm>> -> memref<1x40x128xf32, #tpu.memory_space<hbm>>
    %dma_start3A_470 = tpu.memref_squeeze %dma_start3A_469 : memref<1x40x128xf32, #tpu.memory_space<hbm>> -> memref<40x128xf32, #tpu.memory_space<hbm>>
    %dma_start3A_471 = arith.constant 0 : i32
    %dma_start3A_472 = tpu.memref_slice %arg13[%add3A_463, %dma_start3A_471] : memref<10240x128xf32, #tpu.memory_space<vmem_shared>> -> memref<40x128xf32, #tpu.memory_space<vmem_shared>>
    tpu.enqueue_dma source(%dma_start3A_472 : memref<40x128xf32, #tpu.memory_space<vmem_shared>>) target(%dma_start3A_470 : memref<40x128xf32, #tpu.memory_space<hbm>>) target_semaphore(%arg24 : memref<!tpu.dma_semaphore, #tpu.memory_space<semaphore_mem>>)
    %mul3A_473 = arith.constant 640 : i32
    %mul3A_474 = arith.muli %arg1, %mul3A_473 : i32
    %mul3A_475 = arith.constant 640 : i32
    %mul3A_476 = arith.muli %arg1, %mul3A_475 : i32
    %dma_wait3A_477 = arith.constant 0 : i32
    %dma_wait3A_478 = tpu.memref_slice %arg5[%arg0, %mul3A_476, %dma_wait3A_477] : memref<2x10240x128xf32, #tpu.memory_space<hbm>> -> memref<1x40x128xf32, #tpu.memory_space<hbm>>
    %dma_wait3A_479 = tpu.memref_squeeze %dma_wait3A_478 : memref<1x40x128xf32, #tpu.memory_space<hbm>> -> memref<40x128xf32, #tpu.memory_space<hbm>>
    %dma_wait3A_480 = arith.constant 0 : i32
    %dma_wait3A_481 = tpu.memref_slice %arg13[%mul3A_474, %dma_wait3A_480] : memref<10240x128xf32, #tpu.memory_space<vmem_shared>> -> memref<40x128xf32, #tpu.memory_space<vmem_shared>>
    tpu.wait_dma2 semaphore(%arg24 : memref<!tpu.dma_semaphore, #tpu.memory_space<semaphore_mem>>) src(%dma_wait3A_481 : memref<40x128xf32, #tpu.memory_space<vmem_shared>>) dst(%dma_wait3A_479 : memref<40x128xf32, #tpu.memory_space<hbm>>)
    %mul3A_482 = arith.constant 640 : i32
    %mul3A_483 = arith.muli %arg1, %mul3A_482 : i32
    %mul3A_484 = arith.constant 640 : i32
    %mul3A_485 = arith.muli %arg1, %mul3A_484 : i32
    %dma_wait3A_486 = arith.constant 0 : i32
    %dma_wait3A_487 = tpu.memref_slice %arg5[%arg0, %mul3A_485, %dma_wait3A_486] : memref<2x10240x128xf32, #tpu.memory_space<hbm>> -> memref<1x40x128xf32, #tpu.memory_space<hbm>>
    %dma_wait3A_488 = tpu.memref_squeeze %dma_wait3A_487 : memref<1x40x128xf32, #tpu.memory_space<hbm>> -> memref<40x128xf32, #tpu.memory_space<hbm>>
    %dma_wait3A_489 = arith.constant 0 : i32
    %dma_wait3A_490 = tpu.memref_slice %arg13[%mul3A_483, %dma_wait3A_489] : memref<10240x128xf32, #tpu.memory_space<vmem_shared>> -> memref<40x128xf32, #tpu.memory_space<vmem_shared>>
    tpu.wait_dma2 semaphore(%arg24 : memref<!tpu.dma_semaphore, #tpu.memory_space<semaphore_mem>>) src(%dma_wait3A_490 : memref<40x128xf32, #tpu.memory_space<vmem_shared>>) dst(%dma_wait3A_488 : memref<40x128xf32, #tpu.memory_space<hbm>>)
    %mul3A_491 = arith.constant 640 : i32
    %mul3A_492 = arith.muli %arg1, %mul3A_491 : i32
    %mul3A_493 = arith.constant 640 : i32
    %mul3A_494 = arith.muli %arg1, %mul3A_493 : i32
    %dma_wait3A_495 = arith.constant 0 : i32
    %dma_wait3A_496 = tpu.memref_slice %arg5[%arg0, %mul3A_494, %dma_wait3A_495] : memref<2x10240x128xf32, #tpu.memory_space<hbm>> -> memref<1x40x128xf32, #tpu.memory_space<hbm>>
    %dma_wait3A_497 = tpu.memref_squeeze %dma_wait3A_496 : memref<1x40x128xf32, #tpu.memory_space<hbm>> -> memref<40x128xf32, #tpu.memory_space<hbm>>
    %dma_wait3A_498 = arith.constant 0 : i32
    %dma_wait3A_499 = tpu.memref_slice %arg13[%mul3A_492, %dma_wait3A_498] : memref<10240x128xf32, #tpu.memory_space<vmem_shared>> -> memref<40x128xf32, #tpu.memory_space<vmem_shared>>
    tpu.wait_dma2 semaphore(%arg24 : memref<!tpu.dma_semaphore, #tpu.memory_space<semaphore_mem>>) src(%dma_wait3A_499 : memref<40x128xf32, #tpu.memory_space<vmem_shared>>) dst(%dma_wait3A_497 : memref<40x128xf32, #tpu.memory_space<hbm>>)
    %mul3A_500 = arith.constant 640 : i32
    %mul3A_501 = arith.muli %arg1, %mul3A_500 : i32
    %mul3A_502 = arith.constant 640 : i32
    %mul3A_503 = arith.muli %arg1, %mul3A_502 : i32
    %dma_wait3A_504 = arith.constant 0 : i32
    %dma_wait3A_505 = tpu.memref_slice %arg5[%arg0, %mul3A_503, %dma_wait3A_504] : memref<2x10240x128xf32, #tpu.memory_space<hbm>> -> memref<1x40x128xf32, #tpu.memory_space<hbm>>
    %dma_wait3A_506 = tpu.memref_squeeze %dma_wait3A_505 : memref<1x40x128xf32, #tpu.memory_space<hbm>> -> memref<40x128xf32, #tpu.memory_space<hbm>>
    %dma_wait3A_507 = arith.constant 0 : i32
    %dma_wait3A_508 = tpu.memref_slice %arg13[%mul3A_501, %dma_wait3A_507] : memref<10240x128xf32, #tpu.memory_space<vmem_shared>> -> memref<40x128xf32, #tpu.memory_space<vmem_shared>>
    tpu.wait_dma2 semaphore(%arg24 : memref<!tpu.dma_semaphore, #tpu.memory_space<semaphore_mem>>) src(%dma_wait3A_508 : memref<40x128xf32, #tpu.memory_space<vmem_shared>>) dst(%dma_wait3A_506 : memref<40x128xf32, #tpu.memory_space<hbm>>)
    %mul3A_509 = arith.constant 640 : i32
    %mul3A_510 = arith.muli %arg1, %mul3A_509 : i32
    %mul3A_511 = arith.constant 640 : i32
    %mul3A_512 = arith.muli %arg1, %mul3A_511 : i32
    %dma_wait3A_513 = arith.constant 0 : i32
    %dma_wait3A_514 = tpu.memref_slice %arg5[%arg0, %mul3A_512, %dma_wait3A_513] : memref<2x10240x128xf32, #tpu.memory_space<hbm>> -> memref<1x40x128xf32, #tpu.memory_space<hbm>>
    %dma_wait3A_515 = tpu.memref_squeeze %dma_wait3A_514 : memref<1x40x128xf32, #tpu.memory_space<hbm>> -> memref<40x128xf32, #tpu.memory_space<hbm>>
    %dma_wait3A_516 = arith.constant 0 : i32
    %dma_wait3A_517 = tpu.memref_slice %arg13[%mul3A_510, %dma_wait3A_516] : memref<10240x128xf32, #tpu.memory_space<vmem_shared>> -> memref<40x128xf32, #tpu.memory_space<vmem_shared>>
    tpu.wait_dma2 semaphore(%arg24 : memref<!tpu.dma_semaphore, #tpu.memory_space<semaphore_mem>>) src(%dma_wait3A_517 : memref<40x128xf32, #tpu.memory_space<vmem_shared>>) dst(%dma_wait3A_515 : memref<40x128xf32, #tpu.memory_space<hbm>>)
    %mul3A_518 = arith.constant 640 : i32
    %mul3A_519 = arith.muli %arg1, %mul3A_518 : i32
    %mul3A_520 = arith.constant 640 : i32
    %mul3A_521 = arith.muli %arg1, %mul3A_520 : i32
    %dma_wait3A_522 = arith.constant 0 : i32
    %dma_wait3A_523 = tpu.memref_slice %arg5[%arg0, %mul3A_521, %dma_wait3A_522] : memref<2x10240x128xf32, #tpu.memory_space<hbm>> -> memref<1x40x128xf32, #tpu.memory_space<hbm>>
    %dma_wait3A_524 = tpu.memref_squeeze %dma_wait3A_523 : memref<1x40x128xf32, #tpu.memory_space<hbm>> -> memref<40x128xf32, #tpu.memory_space<hbm>>
    %dma_wait3A_525 = arith.constant 0 : i32
    %dma_wait3A_526 = tpu.memref_slice %arg13[%mul3A_519, %dma_wait3A_525] : memref<10240x128xf32, #tpu.memory_space<vmem_shared>> -> memref<40x128xf32, #tpu.memory_space<vmem_shared>>
    tpu.wait_dma2 semaphore(%arg24 : memref<!tpu.dma_semaphore, #tpu.memory_space<semaphore_mem>>) src(%dma_wait3A_526 : memref<40x128xf32, #tpu.memory_space<vmem_shared>>) dst(%dma_wait3A_524 : memref<40x128xf32, #tpu.memory_space<hbm>>)
    %mul3A_527 = arith.constant 640 : i32
    %mul3A_528 = arith.muli %arg1, %mul3A_527 : i32
    %mul3A_529 = arith.constant 640 : i32
    %mul3A_530 = arith.muli %arg1, %mul3A_529 : i32
    %dma_wait3A_531 = arith.constant 0 : i32
    %dma_wait3A_532 = tpu.memref_slice %arg5[%arg0, %mul3A_530, %dma_wait3A_531] : memref<2x10240x128xf32, #tpu.memory_space<hbm>> -> memref<1x40x128xf32, #tpu.memory_space<hbm>>
    %dma_wait3A_533 = tpu.memref_squeeze %dma_wait3A_532 : memref<1x40x128xf32, #tpu.memory_space<hbm>> -> memref<40x128xf32, #tpu.memory_space<hbm>>
    %dma_wait3A_534 = arith.constant 0 : i32
    %dma_wait3A_535 = tpu.memref_slice %arg13[%mul3A_528, %dma_wait3A_534] : memref<10240x128xf32, #tpu.memory_space<vmem_shared>> -> memref<40x128xf32, #tpu.memory_space<vmem_shared>>
    tpu.wait_dma2 semaphore(%arg24 : memref<!tpu.dma_semaphore, #tpu.memory_space<semaphore_mem>>) src(%dma_wait3A_535 : memref<40x128xf32, #tpu.memory_space<vmem_shared>>) dst(%dma_wait3A_533 : memref<40x128xf32, #tpu.memory_space<hbm>>)
    %mul3A_536 = arith.constant 640 : i32
    %mul3A_537 = arith.muli %arg1, %mul3A_536 : i32
    %mul3A_538 = arith.constant 640 : i32
    %mul3A_539 = arith.muli %arg1, %mul3A_538 : i32
    %dma_wait3A_540 = arith.constant 0 : i32
    %dma_wait3A_541 = tpu.memref_slice %arg5[%arg0, %mul3A_539, %dma_wait3A_540] : memref<2x10240x128xf32, #tpu.memory_space<hbm>> -> memref<1x40x128xf32, #tpu.memory_space<hbm>>
    %dma_wait3A_542 = tpu.memref_squeeze %dma_wait3A_541 : memref<1x40x128xf32, #tpu.memory_space<hbm>> -> memref<40x128xf32, #tpu.memory_space<hbm>>
    %dma_wait3A_543 = arith.constant 0 : i32
    %dma_wait3A_544 = tpu.memref_slice %arg13[%mul3A_537, %dma_wait3A_543] : memref<10240x128xf32, #tpu.memory_space<vmem_shared>> -> memref<40x128xf32, #tpu.memory_space<vmem_shared>>
    tpu.wait_dma2 semaphore(%arg24 : memref<!tpu.dma_semaphore, #tpu.memory_space<semaphore_mem>>) src(%dma_wait3A_544 : memref<40x128xf32, #tpu.memory_space<vmem_shared>>) dst(%dma_wait3A_542 : memref<40x128xf32, #tpu.memory_space<hbm>>)
    %mul3A_545 = arith.constant 640 : i32
    %mul3A_546 = arith.muli %arg1, %mul3A_545 : i32
    %mul3A_547 = arith.constant 640 : i32
    %mul3A_548 = arith.muli %arg1, %mul3A_547 : i32
    %dma_wait3A_549 = arith.constant 0 : i32
    %dma_wait3A_550 = tpu.memref_slice %arg5[%arg0, %mul3A_548, %dma_wait3A_549] : memref<2x10240x128xf32, #tpu.memory_space<hbm>> -> memref<1x40x128xf32, #tpu.memory_space<hbm>>
    %dma_wait3A_551 = tpu.memref_squeeze %dma_wait3A_550 : memref<1x40x128xf32, #tpu.memory_space<hbm>> -> memref<40x128xf32, #tpu.memory_space<hbm>>
    %dma_wait3A_552 = arith.constant 0 : i32
    %dma_wait3A_553 = tpu.memref_slice %arg13[%mul3A_546, %dma_wait3A_552] : memref<10240x128xf32, #tpu.memory_space<vmem_shared>> -> memref<40x128xf32, #tpu.memory_space<vmem_shared>>
    tpu.wait_dma2 semaphore(%arg24 : memref<!tpu.dma_semaphore, #tpu.memory_space<semaphore_mem>>) src(%dma_wait3A_553 : memref<40x128xf32, #tpu.memory_space<vmem_shared>>) dst(%dma_wait3A_551 : memref<40x128xf32, #tpu.memory_space<hbm>>)
    %mul3A_554 = arith.constant 640 : i32
    %mul3A_555 = arith.muli %arg1, %mul3A_554 : i32
    %mul3A_556 = arith.constant 640 : i32
    %mul3A_557 = arith.muli %arg1, %mul3A_556 : i32
    %dma_wait3A_558 = arith.constant 0 : i32
    %dma_wait3A_559 = tpu.memref_slice %arg5[%arg0, %mul3A_557, %dma_wait3A_558] : memref<2x10240x128xf32, #tpu.memory_space<hbm>> -> memref<1x40x128xf32, #tpu.memory_space<hbm>>
    %dma_wait3A_560 = tpu.memref_squeeze %dma_wait3A_559 : memref<1x40x128xf32, #tpu.memory_space<hbm>> -> memref<40x128xf32, #tpu.memory_space<hbm>>
    %dma_wait3A_561 = arith.constant 0 : i32
    %dma_wait3A_562 = tpu.memref_slice %arg13[%mul3A_555, %dma_wait3A_561] : memref<10240x128xf32, #tpu.memory_space<vmem_shared>> -> memref<40x128xf32, #tpu.memory_space<vmem_shared>>
    tpu.wait_dma2 semaphore(%arg24 : memref<!tpu.dma_semaphore, #tpu.memory_space<semaphore_mem>>) src(%dma_wait3A_562 : memref<40x128xf32, #tpu.memory_space<vmem_shared>>) dst(%dma_wait3A_560 : memref<40x128xf32, #tpu.memory_space<hbm>>)
    %mul3A_563 = arith.constant 640 : i32
    %mul3A_564 = arith.muli %arg1, %mul3A_563 : i32
    %mul3A_565 = arith.constant 640 : i32
    %mul3A_566 = arith.muli %arg1, %mul3A_565 : i32
    %dma_wait3A_567 = arith.constant 0 : i32
    %dma_wait3A_568 = tpu.memref_slice %arg5[%arg0, %mul3A_566, %dma_wait3A_567] : memref<2x10240x128xf32, #tpu.memory_space<hbm>> -> memref<1x40x128xf32, #tpu.memory_space<hbm>>
    %dma_wait3A_569 = tpu.memref_squeeze %dma_wait3A_568 : memref<1x40x128xf32, #tpu.memory_space<hbm>> -> memref<40x128xf32, #tpu.memory_space<hbm>>
    %dma_wait3A_570 = arith.constant 0 : i32
    %dma_wait3A_571 = tpu.memref_slice %arg13[%mul3A_564, %dma_wait3A_570] : memref<10240x128xf32, #tpu.memory_space<vmem_shared>> -> memref<40x128xf32, #tpu.memory_space<vmem_shared>>
    tpu.wait_dma2 semaphore(%arg24 : memref<!tpu.dma_semaphore, #tpu.memory_space<semaphore_mem>>) src(%dma_wait3A_571 : memref<40x128xf32, #tpu.memory_space<vmem_shared>>) dst(%dma_wait3A_569 : memref<40x128xf32, #tpu.memory_space<hbm>>)
    %mul3A_572 = arith.constant 640 : i32
    %mul3A_573 = arith.muli %arg1, %mul3A_572 : i32
    %mul3A_574 = arith.constant 640 : i32
    %mul3A_575 = arith.muli %arg1, %mul3A_574 : i32
    %dma_wait3A_576 = arith.constant 0 : i32
    %dma_wait3A_577 = tpu.memref_slice %arg5[%arg0, %mul3A_575, %dma_wait3A_576] : memref<2x10240x128xf32, #tpu.memory_space<hbm>> -> memref<1x40x128xf32, #tpu.memory_space<hbm>>
    %dma_wait3A_578 = tpu.memref_squeeze %dma_wait3A_577 : memref<1x40x128xf32, #tpu.memory_space<hbm>> -> memref<40x128xf32, #tpu.memory_space<hbm>>
    %dma_wait3A_579 = arith.constant 0 : i32
    %dma_wait3A_580 = tpu.memref_slice %arg13[%mul3A_573, %dma_wait3A_579] : memref<10240x128xf32, #tpu.memory_space<vmem_shared>> -> memref<40x128xf32, #tpu.memory_space<vmem_shared>>
    tpu.wait_dma2 semaphore(%arg24 : memref<!tpu.dma_semaphore, #tpu.memory_space<semaphore_mem>>) src(%dma_wait3A_580 : memref<40x128xf32, #tpu.memory_space<vmem_shared>>) dst(%dma_wait3A_578 : memref<40x128xf32, #tpu.memory_space<hbm>>)
    %mul3A_581 = arith.constant 640 : i32
    %mul3A_582 = arith.muli %arg1, %mul3A_581 : i32
    %mul3A_583 = arith.constant 640 : i32
    %mul3A_584 = arith.muli %arg1, %mul3A_583 : i32
    %dma_wait3A_585 = arith.constant 0 : i32
    %dma_wait3A_586 = tpu.memref_slice %arg5[%arg0, %mul3A_584, %dma_wait3A_585] : memref<2x10240x128xf32, #tpu.memory_space<hbm>> -> memref<1x40x128xf32, #tpu.memory_space<hbm>>
    %dma_wait3A_587 = tpu.memref_squeeze %dma_wait3A_586 : memref<1x40x128xf32, #tpu.memory_space<hbm>> -> memref<40x128xf32, #tpu.memory_space<hbm>>
    %dma_wait3A_588 = arith.constant 0 : i32
    %dma_wait3A_589 = tpu.memref_slice %arg13[%mul3A_582, %dma_wait3A_588] : memref<10240x128xf32, #tpu.memory_space<vmem_shared>> -> memref<40x128xf32, #tpu.memory_space<vmem_shared>>
    tpu.wait_dma2 semaphore(%arg24 : memref<!tpu.dma_semaphore, #tpu.memory_space<semaphore_mem>>) src(%dma_wait3A_589 : memref<40x128xf32, #tpu.memory_space<vmem_shared>>) dst(%dma_wait3A_587 : memref<40x128xf32, #tpu.memory_space<hbm>>)
    %mul3A_590 = arith.constant 640 : i32
    %mul3A_591 = arith.muli %arg1, %mul3A_590 : i32
    %mul3A_592 = arith.constant 640 : i32
    %mul3A_593 = arith.muli %arg1, %mul3A_592 : i32
    %dma_wait3A_594 = arith.constant 0 : i32
    %dma_wait3A_595 = tpu.memref_slice %arg5[%arg0, %mul3A_593, %dma_wait3A_594] : memref<2x10240x128xf32, #tpu.memory_space<hbm>> -> memref<1x40x128xf32, #tpu.memory_space<hbm>>
    %dma_wait3A_596 = tpu.memref_squeeze %dma_wait3A_595 : memref<1x40x128xf32, #tpu.memory_space<hbm>> -> memref<40x128xf32, #tpu.memory_space<hbm>>
    %dma_wait3A_597 = arith.constant 0 : i32
    %dma_wait3A_598 = tpu.memref_slice %arg13[%mul3A_591, %dma_wait3A_597] : memref<10240x128xf32, #tpu.memory_space<vmem_shared>> -> memref<40x128xf32, #tpu.memory_space<vmem_shared>>
    tpu.wait_dma2 semaphore(%arg24 : memref<!tpu.dma_semaphore, #tpu.memory_space<semaphore_mem>>) src(%dma_wait3A_598 : memref<40x128xf32, #tpu.memory_space<vmem_shared>>) dst(%dma_wait3A_596 : memref<40x128xf32, #tpu.memory_space<hbm>>)
    %mul3A_599 = arith.constant 640 : i32
    %mul3A_600 = arith.muli %arg1, %mul3A_599 : i32
    %mul3A_601 = arith.constant 640 : i32
    %mul3A_602 = arith.muli %arg1, %mul3A_601 : i32
    %dma_wait3A_603 = arith.constant 0 : i32
    %dma_wait3A_604 = tpu.memref_slice %arg5[%arg0, %mul3A_602, %dma_wait3A_603] : memref<2x10240x128xf32, #tpu.memory_space<hbm>> -> memref<1x40x128xf32, #tpu.memory_space<hbm>>
    %dma_wait3A_605 = tpu.memref_squeeze %dma_wait3A_604 : memref<1x40x128xf32, #tpu.memory_space<hbm>> -> memref<40x128xf32, #tpu.memory_space<hbm>>
    %dma_wait3A_606 = arith.constant 0 : i32
    %dma_wait3A_607 = tpu.memref_slice %arg13[%mul3A_600, %dma_wait3A_606] : memref<10240x128xf32, #tpu.memory_space<vmem_shared>> -> memref<40x128xf32, #tpu.memory_space<vmem_shared>>
    tpu.wait_dma2 semaphore(%arg24 : memref<!tpu.dma_semaphore, #tpu.memory_space<semaphore_mem>>) src(%dma_wait3A_607 : memref<40x128xf32, #tpu.memory_space<vmem_shared>>) dst(%dma_wait3A_605 : memref<40x128xf32, #tpu.memory_space<hbm>>)
    %mul3A_608 = arith.constant 640 : i32
    %mul3A_609 = arith.muli %arg1, %mul3A_608 : i32
    %mul3A_610 = arith.constant 640 : i32
    %mul3A_611 = arith.muli %arg1, %mul3A_610 : i32
    %dma_wait3A_612 = arith.constant 0 : i32
    %dma_wait3A_613 = tpu.memref_slice %arg5[%arg0, %mul3A_611, %dma_wait3A_612] : memref<2x10240x128xf32, #tpu.memory_space<hbm>> -> memref<1x40x128xf32, #tpu.memory_space<hbm>>
    %dma_wait3A_614 = tpu.memref_squeeze %dma_wait3A_613 : memref<1x40x128xf32, #tpu.memory_space<hbm>> -> memref<40x128xf32, #tpu.memory_space<hbm>>
    %dma_wait3A_615 = arith.constant 0 : i32
    %dma_wait3A_616 = tpu.memref_slice %arg13[%mul3A_609, %dma_wait3A_615] : memref<10240x128xf32, #tpu.memory_space<vmem_shared>> -> memref<40x128xf32, #tpu.memory_space<vmem_shared>>
    tpu.wait_dma2 semaphore(%arg24 : memref<!tpu.dma_semaphore, #tpu.memory_space<semaphore_mem>>) src(%dma_wait3A_616 : memref<40x128xf32, #tpu.memory_space<vmem_shared>>) dst(%dma_wait3A_614 : memref<40x128xf32, #tpu.memory_space<hbm>>)
    return
  }
}

#map = affine_map<(d0, d1) -> (0, 0, 0, 0)>
#map1 = affine_map<(d0, d1) -> (0, 0, 0)>
#map2 = affine_map<(d0, d1) -> (0, 0)>
module attributes {stable_mosaic.version = 14 : i64} {
  func.func @_hist_body(%arg0: i32, %arg1: i32, %arg2: memref<2x32x250x40xi32, #tpu.memory_space<hbm>>, %arg3: memref<2x40x8xf32, #tpu.memory_space<hbm>>, %arg4: memref<640x8xf32, #tpu.memory_space<hbm>>, %arg5: memref<2x10240x8xf32, #tpu.memory_space<hbm>>, %arg6: memref<250x40xi32, #tpu.memory_space<vmem>>, %arg7: memref<250x40xi32, #tpu.memory_space<vmem>>, %arg8: memref<40x8xf32, #tpu.memory_space<vmem>>, %arg9: memref<40x8xf32, #tpu.memory_space<vmem>>, %arg10: memref<640x8xf32, #tpu.memory_space<vmem>>, %arg11: memref<10240x8xf32, #tpu.memory_space<vmem_shared>>, %arg12: memref<!tpu.dma_semaphore, #tpu.memory_space<semaphore_mem>>, %arg13: memref<!tpu.dma_semaphore, #tpu.memory_space<semaphore_mem>>, %arg14: memref<!tpu.dma_semaphore, #tpu.memory_space<semaphore_mem>>, %arg15: memref<!tpu.dma_semaphore, #tpu.memory_space<semaphore_mem>>, %arg16: memref<!tpu.dma_semaphore, #tpu.memory_space<semaphore_mem>>, %arg17: memref<!tpu.dma_semaphore, #tpu.memory_space<semaphore_mem>>, %arg18: memref<!tpu.dma_semaphore, #tpu.memory_space<semaphore_mem>>, %arg19: memref<!tpu.dma_semaphore, #tpu.memory_space<semaphore_mem>>, %arg20: memref<!tpu.dma_semaphore, #tpu.memory_space<semaphore_mem>>, %arg21: memref<!tpu.dma_semaphore, #tpu.memory_space<semaphore_mem>>) attributes {dimension_semantics = [#tpu.dimension_semantics<core_parallel>, #tpu.dimension_semantics<subcore_parallel>], iteration_bounds = array<i64: 2, 16>, scalar_prefetch = 0 : i64, scratch_operands = 16 : i64, tpu.core_type = #tpu.core_type<sc_vector_subcore>, window_params = [{transform_indices = #map}, {transform_indices = #map1}, {transform_indices = #map2}, {transform_indices = #map1}]} {
    %mul3A = arith.constant 16 : i32
    %mul3A_0 = arith.muli %arg0, %mul3A : i32
    %add3A = arith.addi %mul3A_0, %arg1 : i32
    %run_scoped3A = arith.constant 0 : i32
    "tpu.region"() ({
      %run_scoped3A_85 = tpu.sem_alloc : memref<!tpu.dma_semaphore, #tpu.memory_space<semaphore_mem>>
      %dma_start3A = arith.constant 0 : i32
      %dma_start3A_86 = arith.constant 0 : i32
      %dma_start3A_87 = tpu.memref_slice %arg2[%run_scoped3A, %add3A, %dma_start3A, %dma_start3A_86] : memref<2x32x250x40xi32, #tpu.memory_space<hbm>> -> memref<1x1x250x40xi32, #tpu.memory_space<hbm>>
      %dma_start3A_88 = tpu.memref_squeeze %dma_start3A_87 : memref<1x1x250x40xi32, #tpu.memory_space<hbm>> -> memref<250x40xi32, #tpu.memory_space<hbm>>
      %dma_start3A_89 = arith.constant 0 : i32
      %dma_start3A_90 = arith.constant 0 : i32
      %dma_start3A_91 = tpu.memref_slice %arg2[%run_scoped3A, %add3A, %dma_start3A_89, %dma_start3A_90] : memref<2x32x250x40xi32, #tpu.memory_space<hbm>> -> memref<1x1x250x40xi32, #tpu.memory_space<hbm>>
      %dma_start3A_92 = tpu.memref_squeeze %dma_start3A_91 : memref<1x1x250x40xi32, #tpu.memory_space<hbm>> -> memref<250x40xi32, #tpu.memory_space<hbm>>
      tpu.enqueue_dma source(%dma_start3A_92 : memref<250x40xi32, #tpu.memory_space<hbm>>) target(%arg6 : memref<250x40xi32, #tpu.memory_space<vmem>>) target_semaphore(%run_scoped3A_85 : memref<!tpu.dma_semaphore, #tpu.memory_space<semaphore_mem>>)
      %dma_wait3A_93 = arith.constant 0 : i32
      %dma_wait3A_94 = arith.constant 0 : i32
      %dma_wait3A_95 = tpu.memref_slice %arg2[%run_scoped3A, %add3A, %dma_wait3A_93, %dma_wait3A_94] : memref<2x32x250x40xi32, #tpu.memory_space<hbm>> -> memref<1x1x250x40xi32, #tpu.memory_space<hbm>>
      %dma_wait3A_96 = tpu.memref_squeeze %dma_wait3A_95 : memref<1x1x250x40xi32, #tpu.memory_space<hbm>> -> memref<250x40xi32, #tpu.memory_space<hbm>>
      %dma_wait3A_97 = arith.constant 0 : i32
      %dma_wait3A_98 = arith.constant 0 : i32
      %dma_wait3A_99 = tpu.memref_slice %arg2[%run_scoped3A, %add3A, %dma_wait3A_97, %dma_wait3A_98] : memref<2x32x250x40xi32, #tpu.memory_space<hbm>> -> memref<1x1x250x40xi32, #tpu.memory_space<hbm>>
      %dma_wait3A_100 = tpu.memref_squeeze %dma_wait3A_99 : memref<1x1x250x40xi32, #tpu.memory_space<hbm>> -> memref<250x40xi32, #tpu.memory_space<hbm>>
      tpu.wait_dma2 semaphore(%run_scoped3A_85 : memref<!tpu.dma_semaphore, #tpu.memory_space<semaphore_mem>>) src(%dma_wait3A_100 : memref<250x40xi32, #tpu.memory_space<hbm>>) dst(%arg6 : memref<250x40xi32, #tpu.memory_space<vmem>>)
      tpu.yield
    }) : () -> ()
    %run_scoped3A_1 = arith.constant 1 : i32
    "tpu.region"() ({
      %run_scoped3A_85 = tpu.sem_alloc : memref<!tpu.dma_semaphore, #tpu.memory_space<semaphore_mem>>
      %dma_start3A = arith.constant 0 : i32
      %dma_start3A_86 = arith.constant 0 : i32
      %dma_start3A_87 = tpu.memref_slice %arg2[%run_scoped3A_1, %add3A, %dma_start3A, %dma_start3A_86] : memref<2x32x250x40xi32, #tpu.memory_space<hbm>> -> memref<1x1x250x40xi32, #tpu.memory_space<hbm>>
      %dma_start3A_88 = tpu.memref_squeeze %dma_start3A_87 : memref<1x1x250x40xi32, #tpu.memory_space<hbm>> -> memref<250x40xi32, #tpu.memory_space<hbm>>
      %dma_start3A_89 = arith.constant 0 : i32
      %dma_start3A_90 = arith.constant 0 : i32
      %dma_start3A_91 = tpu.memref_slice %arg2[%run_scoped3A_1, %add3A, %dma_start3A_89, %dma_start3A_90] : memref<2x32x250x40xi32, #tpu.memory_space<hbm>> -> memref<1x1x250x40xi32, #tpu.memory_space<hbm>>
      %dma_start3A_92 = tpu.memref_squeeze %dma_start3A_91 : memref<1x1x250x40xi32, #tpu.memory_space<hbm>> -> memref<250x40xi32, #tpu.memory_space<hbm>>
      tpu.enqueue_dma source(%dma_start3A_92 : memref<250x40xi32, #tpu.memory_space<hbm>>) target(%arg7 : memref<250x40xi32, #tpu.memory_space<vmem>>) target_semaphore(%run_scoped3A_85 : memref<!tpu.dma_semaphore, #tpu.memory_space<semaphore_mem>>)
      %dma_wait3A_93 = arith.constant 0 : i32
      %dma_wait3A_94 = arith.constant 0 : i32
      %dma_wait3A_95 = tpu.memref_slice %arg2[%run_scoped3A_1, %add3A, %dma_wait3A_93, %dma_wait3A_94] : memref<2x32x250x40xi32, #tpu.memory_space<hbm>> -> memref<1x1x250x40xi32, #tpu.memory_space<hbm>>
      %dma_wait3A_96 = tpu.memref_squeeze %dma_wait3A_95 : memref<1x1x250x40xi32, #tpu.memory_space<hbm>> -> memref<250x40xi32, #tpu.memory_space<hbm>>
      %dma_wait3A_97 = arith.constant 0 : i32
      %dma_wait3A_98 = arith.constant 0 : i32
      %dma_wait3A_99 = tpu.memref_slice %arg2[%run_scoped3A_1, %add3A, %dma_wait3A_97, %dma_wait3A_98] : memref<2x32x250x40xi32, #tpu.memory_space<hbm>> -> memref<1x1x250x40xi32, #tpu.memory_space<hbm>>
      %dma_wait3A_100 = tpu.memref_squeeze %dma_wait3A_99 : memref<1x1x250x40xi32, #tpu.memory_space<hbm>> -> memref<250x40xi32, #tpu.memory_space<hbm>>
      tpu.wait_dma2 semaphore(%run_scoped3A_85 : memref<!tpu.dma_semaphore, #tpu.memory_space<semaphore_mem>>) src(%dma_wait3A_100 : memref<250x40xi32, #tpu.memory_space<hbm>>) dst(%arg7 : memref<250x40xi32, #tpu.memory_space<vmem>>)
      tpu.yield
    }) : () -> ()
    %run_scoped3A_2 = arith.constant 0 : i32
    "tpu.region"() ({
      %run_scoped3A_85 = tpu.sem_alloc : memref<!tpu.dma_semaphore, #tpu.memory_space<semaphore_mem>>
      %dma_start3A = arith.constant 0 : i32
      %dma_start3A_86 = arith.constant 0 : i32
      %dma_start3A_87 = tpu.memref_slice %arg3[%run_scoped3A_2, %dma_start3A, %dma_start3A_86] : memref<2x40x8xf32, #tpu.memory_space<hbm>> -> memref<1x40x8xf32, #tpu.memory_space<hbm>>
      %dma_start3A_88 = tpu.memref_squeeze %dma_start3A_87 : memref<1x40x8xf32, #tpu.memory_space<hbm>> -> memref<40x8xf32, #tpu.memory_space<hbm>>
      %dma_start3A_89 = arith.constant 0 : i32
      %dma_start3A_90 = arith.constant 0 : i32
      %dma_start3A_91 = tpu.memref_slice %arg3[%run_scoped3A_2, %dma_start3A_89, %dma_start3A_90] : memref<2x40x8xf32, #tpu.memory_space<hbm>> -> memref<1x40x8xf32, #tpu.memory_space<hbm>>
      %dma_start3A_92 = tpu.memref_squeeze %dma_start3A_91 : memref<1x40x8xf32, #tpu.memory_space<hbm>> -> memref<40x8xf32, #tpu.memory_space<hbm>>
      tpu.enqueue_dma source(%dma_start3A_92 : memref<40x8xf32, #tpu.memory_space<hbm>>) target(%arg8 : memref<40x8xf32, #tpu.memory_space<vmem>>) target_semaphore(%run_scoped3A_85 : memref<!tpu.dma_semaphore, #tpu.memory_space<semaphore_mem>>)
      %dma_wait3A_93 = arith.constant 0 : i32
      %dma_wait3A_94 = arith.constant 0 : i32
      %dma_wait3A_95 = tpu.memref_slice %arg3[%run_scoped3A_2, %dma_wait3A_93, %dma_wait3A_94] : memref<2x40x8xf32, #tpu.memory_space<hbm>> -> memref<1x40x8xf32, #tpu.memory_space<hbm>>
      %dma_wait3A_96 = tpu.memref_squeeze %dma_wait3A_95 : memref<1x40x8xf32, #tpu.memory_space<hbm>> -> memref<40x8xf32, #tpu.memory_space<hbm>>
      %dma_wait3A_97 = arith.constant 0 : i32
      %dma_wait3A_98 = arith.constant 0 : i32
      %dma_wait3A_99 = tpu.memref_slice %arg3[%run_scoped3A_2, %dma_wait3A_97, %dma_wait3A_98] : memref<2x40x8xf32, #tpu.memory_space<hbm>> -> memref<1x40x8xf32, #tpu.memory_space<hbm>>
      %dma_wait3A_100 = tpu.memref_squeeze %dma_wait3A_99 : memref<1x40x8xf32, #tpu.memory_space<hbm>> -> memref<40x8xf32, #tpu.memory_space<hbm>>
      tpu.wait_dma2 semaphore(%run_scoped3A_85 : memref<!tpu.dma_semaphore, #tpu.memory_space<semaphore_mem>>) src(%dma_wait3A_100 : memref<40x8xf32, #tpu.memory_space<hbm>>) dst(%arg8 : memref<40x8xf32, #tpu.memory_space<vmem>>)
      tpu.yield
    }) : () -> ()
    %run_scoped3A_3 = arith.constant 1 : i32
    "tpu.region"() ({
      %run_scoped3A_85 = tpu.sem_alloc : memref<!tpu.dma_semaphore, #tpu.memory_space<semaphore_mem>>
      %dma_start3A = arith.constant 0 : i32
      %dma_start3A_86 = arith.constant 0 : i32
      %dma_start3A_87 = tpu.memref_slice %arg3[%run_scoped3A_3, %dma_start3A, %dma_start3A_86] : memref<2x40x8xf32, #tpu.memory_space<hbm>> -> memref<1x40x8xf32, #tpu.memory_space<hbm>>
      %dma_start3A_88 = tpu.memref_squeeze %dma_start3A_87 : memref<1x40x8xf32, #tpu.memory_space<hbm>> -> memref<40x8xf32, #tpu.memory_space<hbm>>
      %dma_start3A_89 = arith.constant 0 : i32
      %dma_start3A_90 = arith.constant 0 : i32
      %dma_start3A_91 = tpu.memref_slice %arg3[%run_scoped3A_3, %dma_start3A_89, %dma_start3A_90] : memref<2x40x8xf32, #tpu.memory_space<hbm>> -> memref<1x40x8xf32, #tpu.memory_space<hbm>>
      %dma_start3A_92 = tpu.memref_squeeze %dma_start3A_91 : memref<1x40x8xf32, #tpu.memory_space<hbm>> -> memref<40x8xf32, #tpu.memory_space<hbm>>
      tpu.enqueue_dma source(%dma_start3A_92 : memref<40x8xf32, #tpu.memory_space<hbm>>) target(%arg9 : memref<40x8xf32, #tpu.memory_space<vmem>>) target_semaphore(%run_scoped3A_85 : memref<!tpu.dma_semaphore, #tpu.memory_space<semaphore_mem>>)
      %dma_wait3A_93 = arith.constant 0 : i32
      %dma_wait3A_94 = arith.constant 0 : i32
      %dma_wait3A_95 = tpu.memref_slice %arg3[%run_scoped3A_3, %dma_wait3A_93, %dma_wait3A_94] : memref<2x40x8xf32, #tpu.memory_space<hbm>> -> memref<1x40x8xf32, #tpu.memory_space<hbm>>
      %dma_wait3A_96 = tpu.memref_squeeze %dma_wait3A_95 : memref<1x40x8xf32, #tpu.memory_space<hbm>> -> memref<40x8xf32, #tpu.memory_space<hbm>>
      %dma_wait3A_97 = arith.constant 0 : i32
      %dma_wait3A_98 = arith.constant 0 : i32
      %dma_wait3A_99 = tpu.memref_slice %arg3[%run_scoped3A_3, %dma_wait3A_97, %dma_wait3A_98] : memref<2x40x8xf32, #tpu.memory_space<hbm>> -> memref<1x40x8xf32, #tpu.memory_space<hbm>>
      %dma_wait3A_100 = tpu.memref_squeeze %dma_wait3A_99 : memref<1x40x8xf32, #tpu.memory_space<hbm>> -> memref<40x8xf32, #tpu.memory_space<hbm>>
      tpu.wait_dma2 semaphore(%run_scoped3A_85 : memref<!tpu.dma_semaphore, #tpu.memory_space<semaphore_mem>>) src(%dma_wait3A_100 : memref<40x8xf32, #tpu.memory_space<hbm>>) dst(%arg9 : memref<40x8xf32, #tpu.memory_space<vmem>>)
      tpu.yield
    }) : () -> ()
    "tpu.region"() ({
      %run_scoped3A_85 = tpu.sem_alloc : memref<!tpu.dma_semaphore, #tpu.memory_space<semaphore_mem>>
      tpu.enqueue_dma source(%arg4 : memref<640x8xf32, #tpu.memory_space<hbm>>) target(%arg10 : memref<640x8xf32, #tpu.memory_space<vmem>>) target_semaphore(%run_scoped3A_85 : memref<!tpu.dma_semaphore, #tpu.memory_space<semaphore_mem>>)
      tpu.wait_dma2 semaphore(%run_scoped3A_85 : memref<!tpu.dma_semaphore, #tpu.memory_space<semaphore_mem>>) src(%arg4 : memref<640x8xf32, #tpu.memory_space<hbm>>) dst(%arg10 : memref<640x8xf32, #tpu.memory_space<vmem>>)
      tpu.yield
    }) : () -> ()
    %mul3A_4 = arith.constant 640 : i32
    %mul3A_5 = arith.muli %arg1, %mul3A_4 : i32
    "tpu.region"() ({
      %run_scoped3A_85 = tpu.sem_alloc : memref<!tpu.dma_semaphore, #tpu.memory_space<semaphore_mem>>
      %dma_start3A = arith.constant 0 : i32
      %dma_start3A_86 = tpu.memref_slice %arg11[%mul3A_5, %dma_start3A] : memref<10240x8xf32, #tpu.memory_space<vmem_shared>> -> memref<640x8xf32, #tpu.memory_space<vmem_shared>>
      %dma_start3A_87 = arith.constant 0 : i32
      %dma_start3A_88 = tpu.memref_slice %arg11[%mul3A_5, %dma_start3A_87] : memref<10240x8xf32, #tpu.memory_space<vmem_shared>> -> memref<640x8xf32, #tpu.memory_space<vmem_shared>>
      tpu.enqueue_dma source(%arg10 : memref<640x8xf32, #tpu.memory_space<vmem>>) target(%dma_start3A_88 : memref<640x8xf32, #tpu.memory_space<vmem_shared>>) target_semaphore(%run_scoped3A_85 : memref<!tpu.dma_semaphore, #tpu.memory_space<semaphore_mem>>)
      %dma_wait3A_89 = arith.constant 0 : i32
      %dma_wait3A_90 = tpu.memref_slice %arg11[%mul3A_5, %dma_wait3A_89] : memref<10240x8xf32, #tpu.memory_space<vmem_shared>> -> memref<640x8xf32, #tpu.memory_space<vmem_shared>>
      %dma_wait3A_91 = arith.constant 0 : i32
      %dma_wait3A_92 = tpu.memref_slice %arg11[%mul3A_5, %dma_wait3A_91] : memref<10240x8xf32, #tpu.memory_space<vmem_shared>> -> memref<640x8xf32, #tpu.memory_space<vmem_shared>>
      tpu.wait_dma2 semaphore(%run_scoped3A_85 : memref<!tpu.dma_semaphore, #tpu.memory_space<semaphore_mem>>) src(%arg10 : memref<640x8xf32, #tpu.memory_space<vmem>>) dst(%dma_wait3A_92 : memref<640x8xf32, #tpu.memory_space<vmem_shared>>)
      tpu.yield
    }) : () -> ()
    %barrier3A = arith.constant 0 : index
    tpu.barrier barrier_id(%barrier3A)
    %scan3A = arith.constant 0 : i32
    %scan3A_6 = arith.constant 0 : i32
    %scan3A_7 = arith.constant 50 : i32
    %scan3A_8 = arith.addi %scan3A_6, %scan3A_7 : i32
    %scan3A_9 = arith.constant 1 : i32
    scf.for %scan3A_85 = %scan3A_6 to %scan3A_8 step %scan3A_9  : i32 {
      %mul3A_86 = arith.constant 5 : i32
      %mul3A_87 = arith.muli %mul3A_86, %scan3A_85 : i32
      %add3A_88 = arith.constant 0 : i32
      %add3A_89 = arith.addi %mul3A_87, %add3A_88 : i32
      %ge3A = arith.constant 1 : i32
      %ge3A_90 = arith.cmpi sge, %scan3A_85, %ge3A : i32
      %convert_element_type3A = arith.extui %ge3A_90 : i1 to i32
      %cond3A = arith.constant 0 : i32
      %cond3A_91 = arith.cmpi ne, %convert_element_type3A, %cond3A : i32
      scf.if %cond3A_91 {
        %dma_wait3A_187 = arith.constant 0 : i32
        %dma_wait3A_188 = tpu.memref_slice %arg6[%add3A_89, %dma_wait3A_187] : memref<250x40xi32, #tpu.memory_space<vmem>> -> memref<1x40xi32, #tpu.memory_space<vmem>>
        %dma_wait3A_189 = tpu.memref_squeeze %dma_wait3A_188 : memref<1x40xi32, #tpu.memory_space<vmem>> -> memref<40xi32, #tpu.memory_space<vmem>>
        %dma_wait3A_190 = arith.constant 0 : i32
        %dma_wait3A_191 = arith.constant 0 : i32
        %dma_wait3A_192 = tpu.memref_slice %arg11[%dma_wait3A_190, %dma_wait3A_191] : memref<10240x8xf32, #tpu.memory_space<vmem_shared>> -> memref<10240x8xf32, #tpu.memory_space<vmem_shared>>
        tpu.wait_indirect_dma semaphore(%arg12 : memref<!tpu.dma_semaphore, #tpu.memory_space<semaphore_mem>>) src(%arg8 : memref<40x8xf32, #tpu.memory_space<vmem>>) dst(%dma_wait3A_192 : memref<10240x8xf32, #tpu.memory_space<vmem_shared>>)
        %dma_wait3A_193 = arith.constant 0 : i32
        %dma_wait3A_194 = tpu.memref_slice %arg7[%add3A_89, %dma_wait3A_193] : memref<250x40xi32, #tpu.memory_space<vmem>> -> memref<1x40xi32, #tpu.memory_space<vmem>>
        %dma_wait3A_195 = tpu.memref_squeeze %dma_wait3A_194 : memref<1x40xi32, #tpu.memory_space<vmem>> -> memref<40xi32, #tpu.memory_space<vmem>>
        %dma_wait3A_196 = arith.constant 0 : i32
        %dma_wait3A_197 = arith.constant 0 : i32
        %dma_wait3A_198 = tpu.memref_slice %arg11[%dma_wait3A_196, %dma_wait3A_197] : memref<10240x8xf32, #tpu.memory_space<vmem_shared>> -> memref<10240x8xf32, #tpu.memory_space<vmem_shared>>
        tpu.wait_indirect_dma semaphore(%arg17 : memref<!tpu.dma_semaphore, #tpu.memory_space<semaphore_mem>>) src(%arg9 : memref<40x8xf32, #tpu.memory_space<vmem>>) dst(%dma_wait3A_198 : memref<10240x8xf32, #tpu.memory_space<vmem_shared>>)
      } else {
      }
      %dma_start3A = arith.constant 0 : i32
      %dma_start3A_92 = tpu.memref_slice %arg6[%add3A_89, %dma_start3A] : memref<250x40xi32, #tpu.memory_space<vmem>> -> memref<1x40xi32, #tpu.memory_space<vmem>>
      %dma_start3A_93 = tpu.memref_squeeze %dma_start3A_92 : memref<1x40xi32, #tpu.memory_space<vmem>> -> memref<40xi32, #tpu.memory_space<vmem>>
      %dma_start3A_94 = arith.constant 0 : i32
      %dma_start3A_95 = arith.constant 0 : i32
      %dma_start3A_96 = tpu.memref_slice %arg11[%dma_start3A_94, %dma_start3A_95] : memref<10240x8xf32, #tpu.memory_space<vmem_shared>> -> memref<10240x8xf32, #tpu.memory_space<vmem_shared>>
      tpu.enqueue_indirect_dma source(%arg8 : memref<40x8xf32, #tpu.memory_space<vmem>>) target(%dma_start3A_96 : memref<10240x8xf32, #tpu.memory_space<vmem_shared>>) offsets(%dma_start3A_93 : memref<40xi32, #tpu.memory_space<vmem>>) semaphore(%arg12 : memref<!tpu.dma_semaphore, #tpu.memory_space<semaphore_mem>>) {add = true}
      %dma_start3A_97 = arith.constant 0 : i32
      %dma_start3A_98 = tpu.memref_slice %arg7[%add3A_89, %dma_start3A_97] : memref<250x40xi32, #tpu.memory_space<vmem>> -> memref<1x40xi32, #tpu.memory_space<vmem>>
      %dma_start3A_99 = tpu.memref_squeeze %dma_start3A_98 : memref<1x40xi32, #tpu.memory_space<vmem>> -> memref<40xi32, #tpu.memory_space<vmem>>
      %dma_start3A_100 = arith.constant 0 : i32
      %dma_start3A_101 = arith.constant 0 : i32
      %dma_start3A_102 = tpu.memref_slice %arg11[%dma_start3A_100, %dma_start3A_101] : memref<10240x8xf32, #tpu.memory_space<vmem_shared>> -> memref<10240x8xf32, #tpu.memory_space<vmem_shared>>
      tpu.enqueue_indirect_dma source(%arg9 : memref<40x8xf32, #tpu.memory_space<vmem>>) target(%dma_start3A_102 : memref<10240x8xf32, #tpu.memory_space<vmem_shared>>) offsets(%dma_start3A_99 : memref<40xi32, #tpu.memory_space<vmem>>) semaphore(%arg17 : memref<!tpu.dma_semaphore, #tpu.memory_space<semaphore_mem>>) {add = true}
      %mul3A_103 = arith.constant 5 : i32
      %mul3A_104 = arith.muli %mul3A_103, %scan3A_85 : i32
      %add3A_105 = arith.constant 1 : i32
      %add3A_106 = arith.addi %mul3A_104, %add3A_105 : i32
      %ge3A_107 = arith.constant 1 : i32
      %ge3A_108 = arith.cmpi sge, %scan3A_85, %ge3A_107 : i32
      %convert_element_type3A_109 = arith.extui %ge3A_108 : i1 to i32
      %cond3A_110 = arith.constant 0 : i32
      %cond3A_111 = arith.cmpi ne, %convert_element_type3A_109, %cond3A_110 : i32
      scf.if %cond3A_111 {
        %dma_wait3A_187 = arith.constant 0 : i32
        %dma_wait3A_188 = tpu.memref_slice %arg6[%add3A_106, %dma_wait3A_187] : memref<250x40xi32, #tpu.memory_space<vmem>> -> memref<1x40xi32, #tpu.memory_space<vmem>>
        %dma_wait3A_189 = tpu.memref_squeeze %dma_wait3A_188 : memref<1x40xi32, #tpu.memory_space<vmem>> -> memref<40xi32, #tpu.memory_space<vmem>>
        %dma_wait3A_190 = arith.constant 0 : i32
        %dma_wait3A_191 = arith.constant 0 : i32
        %dma_wait3A_192 = tpu.memref_slice %arg11[%dma_wait3A_190, %dma_wait3A_191] : memref<10240x8xf32, #tpu.memory_space<vmem_shared>> -> memref<10240x8xf32, #tpu.memory_space<vmem_shared>>
        tpu.wait_indirect_dma semaphore(%arg13 : memref<!tpu.dma_semaphore, #tpu.memory_space<semaphore_mem>>) src(%arg8 : memref<40x8xf32, #tpu.memory_space<vmem>>) dst(%dma_wait3A_192 : memref<10240x8xf32, #tpu.memory_space<vmem_shared>>)
        %dma_wait3A_193 = arith.constant 0 : i32
        %dma_wait3A_194 = tpu.memref_slice %arg7[%add3A_106, %dma_wait3A_193] : memref<250x40xi32, #tpu.memory_space<vmem>> -> memref<1x40xi32, #tpu.memory_space<vmem>>
        %dma_wait3A_195 = tpu.memref_squeeze %dma_wait3A_194 : memref<1x40xi32, #tpu.memory_space<vmem>> -> memref<40xi32, #tpu.memory_space<vmem>>
        %dma_wait3A_196 = arith.constant 0 : i32
        %dma_wait3A_197 = arith.constant 0 : i32
        %dma_wait3A_198 = tpu.memref_slice %arg11[%dma_wait3A_196, %dma_wait3A_197] : memref<10240x8xf32, #tpu.memory_space<vmem_shared>> -> memref<10240x8xf32, #tpu.memory_space<vmem_shared>>
        tpu.wait_indirect_dma semaphore(%arg18 : memref<!tpu.dma_semaphore, #tpu.memory_space<semaphore_mem>>) src(%arg9 : memref<40x8xf32, #tpu.memory_space<vmem>>) dst(%dma_wait3A_198 : memref<10240x8xf32, #tpu.memory_space<vmem_shared>>)
      } else {
      }
      %dma_start3A_112 = arith.constant 0 : i32
      %dma_start3A_113 = tpu.memref_slice %arg6[%add3A_106, %dma_start3A_112] : memref<250x40xi32, #tpu.memory_space<vmem>> -> memref<1x40xi32, #tpu.memory_space<vmem>>
      %dma_start3A_114 = tpu.memref_squeeze %dma_start3A_113 : memref<1x40xi32, #tpu.memory_space<vmem>> -> memref<40xi32, #tpu.memory_space<vmem>>
      %dma_start3A_115 = arith.constant 0 : i32
      %dma_start3A_116 = arith.constant 0 : i32
      %dma_start3A_117 = tpu.memref_slice %arg11[%dma_start3A_115, %dma_start3A_116] : memref<10240x8xf32, #tpu.memory_space<vmem_shared>> -> memref<10240x8xf32, #tpu.memory_space<vmem_shared>>
      tpu.enqueue_indirect_dma source(%arg8 : memref<40x8xf32, #tpu.memory_space<vmem>>) target(%dma_start3A_117 : memref<10240x8xf32, #tpu.memory_space<vmem_shared>>) offsets(%dma_start3A_114 : memref<40xi32, #tpu.memory_space<vmem>>) semaphore(%arg13 : memref<!tpu.dma_semaphore, #tpu.memory_space<semaphore_mem>>) {add = true}
      %dma_start3A_118 = arith.constant 0 : i32
      %dma_start3A_119 = tpu.memref_slice %arg7[%add3A_106, %dma_start3A_118] : memref<250x40xi32, #tpu.memory_space<vmem>> -> memref<1x40xi32, #tpu.memory_space<vmem>>
      %dma_start3A_120 = tpu.memref_squeeze %dma_start3A_119 : memref<1x40xi32, #tpu.memory_space<vmem>> -> memref<40xi32, #tpu.memory_space<vmem>>
      %dma_start3A_121 = arith.constant 0 : i32
      %dma_start3A_122 = arith.constant 0 : i32
      %dma_start3A_123 = tpu.memref_slice %arg11[%dma_start3A_121, %dma_start3A_122] : memref<10240x8xf32, #tpu.memory_space<vmem_shared>> -> memref<10240x8xf32, #tpu.memory_space<vmem_shared>>
      tpu.enqueue_indirect_dma source(%arg9 : memref<40x8xf32, #tpu.memory_space<vmem>>) target(%dma_start3A_123 : memref<10240x8xf32, #tpu.memory_space<vmem_shared>>) offsets(%dma_start3A_120 : memref<40xi32, #tpu.memory_space<vmem>>) semaphore(%arg18 : memref<!tpu.dma_semaphore, #tpu.memory_space<semaphore_mem>>) {add = true}
      %mul3A_124 = arith.constant 5 : i32
      %mul3A_125 = arith.muli %mul3A_124, %scan3A_85 : i32
      %add3A_126 = arith.constant 2 : i32
      %add3A_127 = arith.addi %mul3A_125, %add3A_126 : i32
      %ge3A_128 = arith.constant 1 : i32
      %ge3A_129 = arith.cmpi sge, %scan3A_85, %ge3A_128 : i32
      %convert_element_type3A_130 = arith.extui %ge3A_129 : i1 to i32
      %cond3A_131 = arith.constant 0 : i32
      %cond3A_132 = arith.cmpi ne, %convert_element_type3A_130, %cond3A_131 : i32
      scf.if %cond3A_132 {
        %dma_wait3A_187 = arith.constant 0 : i32
        %dma_wait3A_188 = tpu.memref_slice %arg6[%add3A_127, %dma_wait3A_187] : memref<250x40xi32, #tpu.memory_space<vmem>> -> memref<1x40xi32, #tpu.memory_space<vmem>>
        %dma_wait3A_189 = tpu.memref_squeeze %dma_wait3A_188 : memref<1x40xi32, #tpu.memory_space<vmem>> -> memref<40xi32, #tpu.memory_space<vmem>>
        %dma_wait3A_190 = arith.constant 0 : i32
        %dma_wait3A_191 = arith.constant 0 : i32
        %dma_wait3A_192 = tpu.memref_slice %arg11[%dma_wait3A_190, %dma_wait3A_191] : memref<10240x8xf32, #tpu.memory_space<vmem_shared>> -> memref<10240x8xf32, #tpu.memory_space<vmem_shared>>
        tpu.wait_indirect_dma semaphore(%arg14 : memref<!tpu.dma_semaphore, #tpu.memory_space<semaphore_mem>>) src(%arg8 : memref<40x8xf32, #tpu.memory_space<vmem>>) dst(%dma_wait3A_192 : memref<10240x8xf32, #tpu.memory_space<vmem_shared>>)
        %dma_wait3A_193 = arith.constant 0 : i32
        %dma_wait3A_194 = tpu.memref_slice %arg7[%add3A_127, %dma_wait3A_193] : memref<250x40xi32, #tpu.memory_space<vmem>> -> memref<1x40xi32, #tpu.memory_space<vmem>>
        %dma_wait3A_195 = tpu.memref_squeeze %dma_wait3A_194 : memref<1x40xi32, #tpu.memory_space<vmem>> -> memref<40xi32, #tpu.memory_space<vmem>>
        %dma_wait3A_196 = arith.constant 0 : i32
        %dma_wait3A_197 = arith.constant 0 : i32
        %dma_wait3A_198 = tpu.memref_slice %arg11[%dma_wait3A_196, %dma_wait3A_197] : memref<10240x8xf32, #tpu.memory_space<vmem_shared>> -> memref<10240x8xf32, #tpu.memory_space<vmem_shared>>
        tpu.wait_indirect_dma semaphore(%arg19 : memref<!tpu.dma_semaphore, #tpu.memory_space<semaphore_mem>>) src(%arg9 : memref<40x8xf32, #tpu.memory_space<vmem>>) dst(%dma_wait3A_198 : memref<10240x8xf32, #tpu.memory_space<vmem_shared>>)
      } else {
      }
      %dma_start3A_133 = arith.constant 0 : i32
      %dma_start3A_134 = tpu.memref_slice %arg6[%add3A_127, %dma_start3A_133] : memref<250x40xi32, #tpu.memory_space<vmem>> -> memref<1x40xi32, #tpu.memory_space<vmem>>
      %dma_start3A_135 = tpu.memref_squeeze %dma_start3A_134 : memref<1x40xi32, #tpu.memory_space<vmem>> -> memref<40xi32, #tpu.memory_space<vmem>>
      %dma_start3A_136 = arith.constant 0 : i32
      %dma_start3A_137 = arith.constant 0 : i32
      %dma_start3A_138 = tpu.memref_slice %arg11[%dma_start3A_136, %dma_start3A_137] : memref<10240x8xf32, #tpu.memory_space<vmem_shared>> -> memref<10240x8xf32, #tpu.memory_space<vmem_shared>>
      tpu.enqueue_indirect_dma source(%arg8 : memref<40x8xf32, #tpu.memory_space<vmem>>) target(%dma_start3A_138 : memref<10240x8xf32, #tpu.memory_space<vmem_shared>>) offsets(%dma_start3A_135 : memref<40xi32, #tpu.memory_space<vmem>>) semaphore(%arg14 : memref<!tpu.dma_semaphore, #tpu.memory_space<semaphore_mem>>) {add = true}
      %dma_start3A_139 = arith.constant 0 : i32
      %dma_start3A_140 = tpu.memref_slice %arg7[%add3A_127, %dma_start3A_139] : memref<250x40xi32, #tpu.memory_space<vmem>> -> memref<1x40xi32, #tpu.memory_space<vmem>>
      %dma_start3A_141 = tpu.memref_squeeze %dma_start3A_140 : memref<1x40xi32, #tpu.memory_space<vmem>> -> memref<40xi32, #tpu.memory_space<vmem>>
      %dma_start3A_142 = arith.constant 0 : i32
      %dma_start3A_143 = arith.constant 0 : i32
      %dma_start3A_144 = tpu.memref_slice %arg11[%dma_start3A_142, %dma_start3A_143] : memref<10240x8xf32, #tpu.memory_space<vmem_shared>> -> memref<10240x8xf32, #tpu.memory_space<vmem_shared>>
      tpu.enqueue_indirect_dma source(%arg9 : memref<40x8xf32, #tpu.memory_space<vmem>>) target(%dma_start3A_144 : memref<10240x8xf32, #tpu.memory_space<vmem_shared>>) offsets(%dma_start3A_141 : memref<40xi32, #tpu.memory_space<vmem>>) semaphore(%arg19 : memref<!tpu.dma_semaphore, #tpu.memory_space<semaphore_mem>>) {add = true}
      %mul3A_145 = arith.constant 5 : i32
      %mul3A_146 = arith.muli %mul3A_145, %scan3A_85 : i32
      %add3A_147 = arith.constant 3 : i32
      %add3A_148 = arith.addi %mul3A_146, %add3A_147 : i32
      %ge3A_149 = arith.constant 1 : i32
      %ge3A_150 = arith.cmpi sge, %scan3A_85, %ge3A_149 : i32
      %convert_element_type3A_151 = arith.extui %ge3A_150 : i1 to i32
      %cond3A_152 = arith.constant 0 : i32
      %cond3A_153 = arith.cmpi ne, %convert_element_type3A_151, %cond3A_152 : i32
      scf.if %cond3A_153 {
        %dma_wait3A_187 = arith.constant 0 : i32
        %dma_wait3A_188 = tpu.memref_slice %arg6[%add3A_148, %dma_wait3A_187] : memref<250x40xi32, #tpu.memory_space<vmem>> -> memref<1x40xi32, #tpu.memory_space<vmem>>
        %dma_wait3A_189 = tpu.memref_squeeze %dma_wait3A_188 : memref<1x40xi32, #tpu.memory_space<vmem>> -> memref<40xi32, #tpu.memory_space<vmem>>
        %dma_wait3A_190 = arith.constant 0 : i32
        %dma_wait3A_191 = arith.constant 0 : i32
        %dma_wait3A_192 = tpu.memref_slice %arg11[%dma_wait3A_190, %dma_wait3A_191] : memref<10240x8xf32, #tpu.memory_space<vmem_shared>> -> memref<10240x8xf32, #tpu.memory_space<vmem_shared>>
        tpu.wait_indirect_dma semaphore(%arg15 : memref<!tpu.dma_semaphore, #tpu.memory_space<semaphore_mem>>) src(%arg8 : memref<40x8xf32, #tpu.memory_space<vmem>>) dst(%dma_wait3A_192 : memref<10240x8xf32, #tpu.memory_space<vmem_shared>>)
        %dma_wait3A_193 = arith.constant 0 : i32
        %dma_wait3A_194 = tpu.memref_slice %arg7[%add3A_148, %dma_wait3A_193] : memref<250x40xi32, #tpu.memory_space<vmem>> -> memref<1x40xi32, #tpu.memory_space<vmem>>
        %dma_wait3A_195 = tpu.memref_squeeze %dma_wait3A_194 : memref<1x40xi32, #tpu.memory_space<vmem>> -> memref<40xi32, #tpu.memory_space<vmem>>
        %dma_wait3A_196 = arith.constant 0 : i32
        %dma_wait3A_197 = arith.constant 0 : i32
        %dma_wait3A_198 = tpu.memref_slice %arg11[%dma_wait3A_196, %dma_wait3A_197] : memref<10240x8xf32, #tpu.memory_space<vmem_shared>> -> memref<10240x8xf32, #tpu.memory_space<vmem_shared>>
        tpu.wait_indirect_dma semaphore(%arg20 : memref<!tpu.dma_semaphore, #tpu.memory_space<semaphore_mem>>) src(%arg9 : memref<40x8xf32, #tpu.memory_space<vmem>>) dst(%dma_wait3A_198 : memref<10240x8xf32, #tpu.memory_space<vmem_shared>>)
      } else {
      }
      %dma_start3A_154 = arith.constant 0 : i32
      %dma_start3A_155 = tpu.memref_slice %arg6[%add3A_148, %dma_start3A_154] : memref<250x40xi32, #tpu.memory_space<vmem>> -> memref<1x40xi32, #tpu.memory_space<vmem>>
      %dma_start3A_156 = tpu.memref_squeeze %dma_start3A_155 : memref<1x40xi32, #tpu.memory_space<vmem>> -> memref<40xi32, #tpu.memory_space<vmem>>
      %dma_start3A_157 = arith.constant 0 : i32
      %dma_start3A_158 = arith.constant 0 : i32
      %dma_start3A_159 = tpu.memref_slice %arg11[%dma_start3A_157, %dma_start3A_158] : memref<10240x8xf32, #tpu.memory_space<vmem_shared>> -> memref<10240x8xf32, #tpu.memory_space<vmem_shared>>
      tpu.enqueue_indirect_dma source(%arg8 : memref<40x8xf32, #tpu.memory_space<vmem>>) target(%dma_start3A_159 : memref<10240x8xf32, #tpu.memory_space<vmem_shared>>) offsets(%dma_start3A_156 : memref<40xi32, #tpu.memory_space<vmem>>) semaphore(%arg15 : memref<!tpu.dma_semaphore, #tpu.memory_space<semaphore_mem>>) {add = true}
      %dma_start3A_160 = arith.constant 0 : i32
      %dma_start3A_161 = tpu.memref_slice %arg7[%add3A_148, %dma_start3A_160] : memref<250x40xi32, #tpu.memory_space<vmem>> -> memref<1x40xi32, #tpu.memory_space<vmem>>
      %dma_start3A_162 = tpu.memref_squeeze %dma_start3A_161 : memref<1x40xi32, #tpu.memory_space<vmem>> -> memref<40xi32, #tpu.memory_space<vmem>>
      %dma_start3A_163 = arith.constant 0 : i32
      %dma_start3A_164 = arith.constant 0 : i32
      %dma_start3A_165 = tpu.memref_slice %arg11[%dma_start3A_163, %dma_start3A_164] : memref<10240x8xf32, #tpu.memory_space<vmem_shared>> -> memref<10240x8xf32, #tpu.memory_space<vmem_shared>>
      tpu.enqueue_indirect_dma source(%arg9 : memref<40x8xf32, #tpu.memory_space<vmem>>) target(%dma_start3A_165 : memref<10240x8xf32, #tpu.memory_space<vmem_shared>>) offsets(%dma_start3A_162 : memref<40xi32, #tpu.memory_space<vmem>>) semaphore(%arg20 : memref<!tpu.dma_semaphore, #tpu.memory_space<semaphore_mem>>) {add = true}
      %mul3A_166 = arith.constant 5 : i32
      %mul3A_167 = arith.muli %mul3A_166, %scan3A_85 : i32
      %add3A_168 = arith.constant 4 : i32
      %add3A_169 = arith.addi %mul3A_167, %add3A_168 : i32
      %ge3A_170 = arith.constant 1 : i32
      %ge3A_171 = arith.cmpi sge, %scan3A_85, %ge3A_170 : i32
      %convert_element_type3A_172 = arith.extui %ge3A_171 : i1 to i32
      %cond3A_173 = arith.constant 0 : i32
      %cond3A_174 = arith.cmpi ne, %convert_element_type3A_172, %cond3A_173 : i32
      scf.if %cond3A_174 {
        %dma_wait3A_187 = arith.constant 0 : i32
        %dma_wait3A_188 = tpu.memref_slice %arg6[%add3A_169, %dma_wait3A_187] : memref<250x40xi32, #tpu.memory_space<vmem>> -> memref<1x40xi32, #tpu.memory_space<vmem>>
        %dma_wait3A_189 = tpu.memref_squeeze %dma_wait3A_188 : memref<1x40xi32, #tpu.memory_space<vmem>> -> memref<40xi32, #tpu.memory_space<vmem>>
        %dma_wait3A_190 = arith.constant 0 : i32
        %dma_wait3A_191 = arith.constant 0 : i32
        %dma_wait3A_192 = tpu.memref_slice %arg11[%dma_wait3A_190, %dma_wait3A_191] : memref<10240x8xf32, #tpu.memory_space<vmem_shared>> -> memref<10240x8xf32, #tpu.memory_space<vmem_shared>>
        tpu.wait_indirect_dma semaphore(%arg16 : memref<!tpu.dma_semaphore, #tpu.memory_space<semaphore_mem>>) src(%arg8 : memref<40x8xf32, #tpu.memory_space<vmem>>) dst(%dma_wait3A_192 : memref<10240x8xf32, #tpu.memory_space<vmem_shared>>)
        %dma_wait3A_193 = arith.constant 0 : i32
        %dma_wait3A_194 = tpu.memref_slice %arg7[%add3A_169, %dma_wait3A_193] : memref<250x40xi32, #tpu.memory_space<vmem>> -> memref<1x40xi32, #tpu.memory_space<vmem>>
        %dma_wait3A_195 = tpu.memref_squeeze %dma_wait3A_194 : memref<1x40xi32, #tpu.memory_space<vmem>> -> memref<40xi32, #tpu.memory_space<vmem>>
        %dma_wait3A_196 = arith.constant 0 : i32
        %dma_wait3A_197 = arith.constant 0 : i32
        %dma_wait3A_198 = tpu.memref_slice %arg11[%dma_wait3A_196, %dma_wait3A_197] : memref<10240x8xf32, #tpu.memory_space<vmem_shared>> -> memref<10240x8xf32, #tpu.memory_space<vmem_shared>>
        tpu.wait_indirect_dma semaphore(%arg21 : memref<!tpu.dma_semaphore, #tpu.memory_space<semaphore_mem>>) src(%arg9 : memref<40x8xf32, #tpu.memory_space<vmem>>) dst(%dma_wait3A_198 : memref<10240x8xf32, #tpu.memory_space<vmem_shared>>)
      } else {
      }
      %dma_start3A_175 = arith.constant 0 : i32
      %dma_start3A_176 = tpu.memref_slice %arg6[%add3A_169, %dma_start3A_175] : memref<250x40xi32, #tpu.memory_space<vmem>> -> memref<1x40xi32, #tpu.memory_space<vmem>>
      %dma_start3A_177 = tpu.memref_squeeze %dma_start3A_176 : memref<1x40xi32, #tpu.memory_space<vmem>> -> memref<40xi32, #tpu.memory_space<vmem>>
      %dma_start3A_178 = arith.constant 0 : i32
      %dma_start3A_179 = arith.constant 0 : i32
      %dma_start3A_180 = tpu.memref_slice %arg11[%dma_start3A_178, %dma_start3A_179] : memref<10240x8xf32, #tpu.memory_space<vmem_shared>> -> memref<10240x8xf32, #tpu.memory_space<vmem_shared>>
      tpu.enqueue_indirect_dma source(%arg8 : memref<40x8xf32, #tpu.memory_space<vmem>>) target(%dma_start3A_180 : memref<10240x8xf32, #tpu.memory_space<vmem_shared>>) offsets(%dma_start3A_177 : memref<40xi32, #tpu.memory_space<vmem>>) semaphore(%arg16 : memref<!tpu.dma_semaphore, #tpu.memory_space<semaphore_mem>>) {add = true}
      %dma_start3A_181 = arith.constant 0 : i32
      %dma_start3A_182 = tpu.memref_slice %arg7[%add3A_169, %dma_start3A_181] : memref<250x40xi32, #tpu.memory_space<vmem>> -> memref<1x40xi32, #tpu.memory_space<vmem>>
      %dma_start3A_183 = tpu.memref_squeeze %dma_start3A_182 : memref<1x40xi32, #tpu.memory_space<vmem>> -> memref<40xi32, #tpu.memory_space<vmem>>
      %dma_start3A_184 = arith.constant 0 : i32
      %dma_start3A_185 = arith.constant 0 : i32
      %dma_start3A_186 = tpu.memref_slice %arg11[%dma_start3A_184, %dma_start3A_185] : memref<10240x8xf32, #tpu.memory_space<vmem_shared>> -> memref<10240x8xf32, #tpu.memory_space<vmem_shared>>
      tpu.enqueue_indirect_dma source(%arg9 : memref<40x8xf32, #tpu.memory_space<vmem>>) target(%dma_start3A_186 : memref<10240x8xf32, #tpu.memory_space<vmem_shared>>) offsets(%dma_start3A_183 : memref<40xi32, #tpu.memory_space<vmem>>) semaphore(%arg21 : memref<!tpu.dma_semaphore, #tpu.memory_space<semaphore_mem>>) {add = true}
    }
    %scan3A_10 = arith.constant 50 : i32
    %dma_wait3A = arith.constant 0 : i32
    %dma_wait3A_11 = arith.constant 0 : i32
    %dma_wait3A_12 = tpu.memref_slice %arg6[%dma_wait3A, %dma_wait3A_11] : memref<250x40xi32, #tpu.memory_space<vmem>> -> memref<1x40xi32, #tpu.memory_space<vmem>>
    %dma_wait3A_13 = tpu.memref_squeeze %dma_wait3A_12 : memref<1x40xi32, #tpu.memory_space<vmem>> -> memref<40xi32, #tpu.memory_space<vmem>>
    %dma_wait3A_14 = arith.constant 0 : i32
    %dma_wait3A_15 = arith.constant 0 : i32
    %dma_wait3A_16 = tpu.memref_slice %arg11[%dma_wait3A_14, %dma_wait3A_15] : memref<10240x8xf32, #tpu.memory_space<vmem_shared>> -> memref<10240x8xf32, #tpu.memory_space<vmem_shared>>
    tpu.wait_indirect_dma semaphore(%arg12 : memref<!tpu.dma_semaphore, #tpu.memory_space<semaphore_mem>>) src(%arg8 : memref<40x8xf32, #tpu.memory_space<vmem>>) dst(%dma_wait3A_16 : memref<10240x8xf32, #tpu.memory_space<vmem_shared>>)
    %dma_wait3A_17 = arith.constant 0 : i32
    %dma_wait3A_18 = arith.constant 0 : i32
    %dma_wait3A_19 = tpu.memref_slice %arg7[%dma_wait3A_17, %dma_wait3A_18] : memref<250x40xi32, #tpu.memory_space<vmem>> -> memref<1x40xi32, #tpu.memory_space<vmem>>
    %dma_wait3A_20 = tpu.memref_squeeze %dma_wait3A_19 : memref<1x40xi32, #tpu.memory_space<vmem>> -> memref<40xi32, #tpu.memory_space<vmem>>
    %dma_wait3A_21 = arith.constant 0 : i32
    %dma_wait3A_22 = arith.constant 0 : i32
    %dma_wait3A_23 = tpu.memref_slice %arg11[%dma_wait3A_21, %dma_wait3A_22] : memref<10240x8xf32, #tpu.memory_space<vmem_shared>> -> memref<10240x8xf32, #tpu.memory_space<vmem_shared>>
    tpu.wait_indirect_dma semaphore(%arg17 : memref<!tpu.dma_semaphore, #tpu.memory_space<semaphore_mem>>) src(%arg9 : memref<40x8xf32, #tpu.memory_space<vmem>>) dst(%dma_wait3A_23 : memref<10240x8xf32, #tpu.memory_space<vmem_shared>>)
    %dma_wait3A_24 = arith.constant 0 : i32
    %dma_wait3A_25 = arith.constant 0 : i32
    %dma_wait3A_26 = tpu.memref_slice %arg6[%dma_wait3A_24, %dma_wait3A_25] : memref<250x40xi32, #tpu.memory_space<vmem>> -> memref<1x40xi32, #tpu.memory_space<vmem>>
    %dma_wait3A_27 = tpu.memref_squeeze %dma_wait3A_26 : memref<1x40xi32, #tpu.memory_space<vmem>> -> memref<40xi32, #tpu.memory_space<vmem>>
    %dma_wait3A_28 = arith.constant 0 : i32
    %dma_wait3A_29 = arith.constant 0 : i32
    %dma_wait3A_30 = tpu.memref_slice %arg11[%dma_wait3A_28, %dma_wait3A_29] : memref<10240x8xf32, #tpu.memory_space<vmem_shared>> -> memref<10240x8xf32, #tpu.memory_space<vmem_shared>>
    tpu.wait_indirect_dma semaphore(%arg13 : memref<!tpu.dma_semaphore, #tpu.memory_space<semaphore_mem>>) src(%arg8 : memref<40x8xf32, #tpu.memory_space<vmem>>) dst(%dma_wait3A_30 : memref<10240x8xf32, #tpu.memory_space<vmem_shared>>)
    %dma_wait3A_31 = arith.constant 0 : i32
    %dma_wait3A_32 = arith.constant 0 : i32
    %dma_wait3A_33 = tpu.memref_slice %arg7[%dma_wait3A_31, %dma_wait3A_32] : memref<250x40xi32, #tpu.memory_space<vmem>> -> memref<1x40xi32, #tpu.memory_space<vmem>>
    %dma_wait3A_34 = tpu.memref_squeeze %dma_wait3A_33 : memref<1x40xi32, #tpu.memory_space<vmem>> -> memref<40xi32, #tpu.memory_space<vmem>>
    %dma_wait3A_35 = arith.constant 0 : i32
    %dma_wait3A_36 = arith.constant 0 : i32
    %dma_wait3A_37 = tpu.memref_slice %arg11[%dma_wait3A_35, %dma_wait3A_36] : memref<10240x8xf32, #tpu.memory_space<vmem_shared>> -> memref<10240x8xf32, #tpu.memory_space<vmem_shared>>
    tpu.wait_indirect_dma semaphore(%arg18 : memref<!tpu.dma_semaphore, #tpu.memory_space<semaphore_mem>>) src(%arg9 : memref<40x8xf32, #tpu.memory_space<vmem>>) dst(%dma_wait3A_37 : memref<10240x8xf32, #tpu.memory_space<vmem_shared>>)
    %dma_wait3A_38 = arith.constant 0 : i32
    %dma_wait3A_39 = arith.constant 0 : i32
    %dma_wait3A_40 = tpu.memref_slice %arg6[%dma_wait3A_38, %dma_wait3A_39] : memref<250x40xi32, #tpu.memory_space<vmem>> -> memref<1x40xi32, #tpu.memory_space<vmem>>
    %dma_wait3A_41 = tpu.memref_squeeze %dma_wait3A_40 : memref<1x40xi32, #tpu.memory_space<vmem>> -> memref<40xi32, #tpu.memory_space<vmem>>
    %dma_wait3A_42 = arith.constant 0 : i32
    %dma_wait3A_43 = arith.constant 0 : i32
    %dma_wait3A_44 = tpu.memref_slice %arg11[%dma_wait3A_42, %dma_wait3A_43] : memref<10240x8xf32, #tpu.memory_space<vmem_shared>> -> memref<10240x8xf32, #tpu.memory_space<vmem_shared>>
    tpu.wait_indirect_dma semaphore(%arg14 : memref<!tpu.dma_semaphore, #tpu.memory_space<semaphore_mem>>) src(%arg8 : memref<40x8xf32, #tpu.memory_space<vmem>>) dst(%dma_wait3A_44 : memref<10240x8xf32, #tpu.memory_space<vmem_shared>>)
    %dma_wait3A_45 = arith.constant 0 : i32
    %dma_wait3A_46 = arith.constant 0 : i32
    %dma_wait3A_47 = tpu.memref_slice %arg7[%dma_wait3A_45, %dma_wait3A_46] : memref<250x40xi32, #tpu.memory_space<vmem>> -> memref<1x40xi32, #tpu.memory_space<vmem>>
    %dma_wait3A_48 = tpu.memref_squeeze %dma_wait3A_47 : memref<1x40xi32, #tpu.memory_space<vmem>> -> memref<40xi32, #tpu.memory_space<vmem>>
    %dma_wait3A_49 = arith.constant 0 : i32
    %dma_wait3A_50 = arith.constant 0 : i32
    %dma_wait3A_51 = tpu.memref_slice %arg11[%dma_wait3A_49, %dma_wait3A_50] : memref<10240x8xf32, #tpu.memory_space<vmem_shared>> -> memref<10240x8xf32, #tpu.memory_space<vmem_shared>>
    tpu.wait_indirect_dma semaphore(%arg19 : memref<!tpu.dma_semaphore, #tpu.memory_space<semaphore_mem>>) src(%arg9 : memref<40x8xf32, #tpu.memory_space<vmem>>) dst(%dma_wait3A_51 : memref<10240x8xf32, #tpu.memory_space<vmem_shared>>)
    %dma_wait3A_52 = arith.constant 0 : i32
    %dma_wait3A_53 = arith.constant 0 : i32
    %dma_wait3A_54 = tpu.memref_slice %arg6[%dma_wait3A_52, %dma_wait3A_53] : memref<250x40xi32, #tpu.memory_space<vmem>> -> memref<1x40xi32, #tpu.memory_space<vmem>>
    %dma_wait3A_55 = tpu.memref_squeeze %dma_wait3A_54 : memref<1x40xi32, #tpu.memory_space<vmem>> -> memref<40xi32, #tpu.memory_space<vmem>>
    %dma_wait3A_56 = arith.constant 0 : i32
    %dma_wait3A_57 = arith.constant 0 : i32
    %dma_wait3A_58 = tpu.memref_slice %arg11[%dma_wait3A_56, %dma_wait3A_57] : memref<10240x8xf32, #tpu.memory_space<vmem_shared>> -> memref<10240x8xf32, #tpu.memory_space<vmem_shared>>
    tpu.wait_indirect_dma semaphore(%arg15 : memref<!tpu.dma_semaphore, #tpu.memory_space<semaphore_mem>>) src(%arg8 : memref<40x8xf32, #tpu.memory_space<vmem>>) dst(%dma_wait3A_58 : memref<10240x8xf32, #tpu.memory_space<vmem_shared>>)
    %dma_wait3A_59 = arith.constant 0 : i32
    %dma_wait3A_60 = arith.constant 0 : i32
    %dma_wait3A_61 = tpu.memref_slice %arg7[%dma_wait3A_59, %dma_wait3A_60] : memref<250x40xi32, #tpu.memory_space<vmem>> -> memref<1x40xi32, #tpu.memory_space<vmem>>
    %dma_wait3A_62 = tpu.memref_squeeze %dma_wait3A_61 : memref<1x40xi32, #tpu.memory_space<vmem>> -> memref<40xi32, #tpu.memory_space<vmem>>
    %dma_wait3A_63 = arith.constant 0 : i32
    %dma_wait3A_64 = arith.constant 0 : i32
    %dma_wait3A_65 = tpu.memref_slice %arg11[%dma_wait3A_63, %dma_wait3A_64] : memref<10240x8xf32, #tpu.memory_space<vmem_shared>> -> memref<10240x8xf32, #tpu.memory_space<vmem_shared>>
    tpu.wait_indirect_dma semaphore(%arg20 : memref<!tpu.dma_semaphore, #tpu.memory_space<semaphore_mem>>) src(%arg9 : memref<40x8xf32, #tpu.memory_space<vmem>>) dst(%dma_wait3A_65 : memref<10240x8xf32, #tpu.memory_space<vmem_shared>>)
    %dma_wait3A_66 = arith.constant 0 : i32
    %dma_wait3A_67 = arith.constant 0 : i32
    %dma_wait3A_68 = tpu.memref_slice %arg6[%dma_wait3A_66, %dma_wait3A_67] : memref<250x40xi32, #tpu.memory_space<vmem>> -> memref<1x40xi32, #tpu.memory_space<vmem>>
    %dma_wait3A_69 = tpu.memref_squeeze %dma_wait3A_68 : memref<1x40xi32, #tpu.memory_space<vmem>> -> memref<40xi32, #tpu.memory_space<vmem>>
    %dma_wait3A_70 = arith.constant 0 : i32
    %dma_wait3A_71 = arith.constant 0 : i32
    %dma_wait3A_72 = tpu.memref_slice %arg11[%dma_wait3A_70, %dma_wait3A_71] : memref<10240x8xf32, #tpu.memory_space<vmem_shared>> -> memref<10240x8xf32, #tpu.memory_space<vmem_shared>>
    tpu.wait_indirect_dma semaphore(%arg16 : memref<!tpu.dma_semaphore, #tpu.memory_space<semaphore_mem>>) src(%arg8 : memref<40x8xf32, #tpu.memory_space<vmem>>) dst(%dma_wait3A_72 : memref<10240x8xf32, #tpu.memory_space<vmem_shared>>)
    %dma_wait3A_73 = arith.constant 0 : i32
    %dma_wait3A_74 = arith.constant 0 : i32
    %dma_wait3A_75 = tpu.memref_slice %arg7[%dma_wait3A_73, %dma_wait3A_74] : memref<250x40xi32, #tpu.memory_space<vmem>> -> memref<1x40xi32, #tpu.memory_space<vmem>>
    %dma_wait3A_76 = tpu.memref_squeeze %dma_wait3A_75 : memref<1x40xi32, #tpu.memory_space<vmem>> -> memref<40xi32, #tpu.memory_space<vmem>>
    %dma_wait3A_77 = arith.constant 0 : i32
    %dma_wait3A_78 = arith.constant 0 : i32
    %dma_wait3A_79 = tpu.memref_slice %arg11[%dma_wait3A_77, %dma_wait3A_78] : memref<10240x8xf32, #tpu.memory_space<vmem_shared>> -> memref<10240x8xf32, #tpu.memory_space<vmem_shared>>
    tpu.wait_indirect_dma semaphore(%arg21 : memref<!tpu.dma_semaphore, #tpu.memory_space<semaphore_mem>>) src(%arg9 : memref<40x8xf32, #tpu.memory_space<vmem>>) dst(%dma_wait3A_79 : memref<10240x8xf32, #tpu.memory_space<vmem_shared>>)
    %barrier3A_80 = arith.constant 0 : index
    tpu.barrier barrier_id(%barrier3A_80)
    %mul3A_81 = arith.constant 640 : i32
    %mul3A_82 = arith.muli %arg1, %mul3A_81 : i32
    "tpu.region"() ({
      %run_scoped3A_85 = tpu.sem_alloc : memref<!tpu.dma_semaphore, #tpu.memory_space<semaphore_mem>>
      %dma_start3A = arith.constant 0 : i32
      %dma_start3A_86 = tpu.memref_slice %arg11[%mul3A_82, %dma_start3A] : memref<10240x8xf32, #tpu.memory_space<vmem_shared>> -> memref<640x8xf32, #tpu.memory_space<vmem_shared>>
      %dma_start3A_87 = arith.constant 0 : i32
      %dma_start3A_88 = tpu.memref_slice %arg11[%mul3A_82, %dma_start3A_87] : memref<10240x8xf32, #tpu.memory_space<vmem_shared>> -> memref<640x8xf32, #tpu.memory_space<vmem_shared>>
      tpu.enqueue_dma source(%dma_start3A_88 : memref<640x8xf32, #tpu.memory_space<vmem_shared>>) target(%arg10 : memref<640x8xf32, #tpu.memory_space<vmem>>) target_semaphore(%run_scoped3A_85 : memref<!tpu.dma_semaphore, #tpu.memory_space<semaphore_mem>>)
      %dma_wait3A_89 = arith.constant 0 : i32
      %dma_wait3A_90 = tpu.memref_slice %arg11[%mul3A_82, %dma_wait3A_89] : memref<10240x8xf32, #tpu.memory_space<vmem_shared>> -> memref<640x8xf32, #tpu.memory_space<vmem_shared>>
      %dma_wait3A_91 = arith.constant 0 : i32
      %dma_wait3A_92 = tpu.memref_slice %arg11[%mul3A_82, %dma_wait3A_91] : memref<10240x8xf32, #tpu.memory_space<vmem_shared>> -> memref<640x8xf32, #tpu.memory_space<vmem_shared>>
      tpu.wait_dma2 semaphore(%run_scoped3A_85 : memref<!tpu.dma_semaphore, #tpu.memory_space<semaphore_mem>>) src(%dma_wait3A_92 : memref<640x8xf32, #tpu.memory_space<vmem_shared>>) dst(%arg10 : memref<640x8xf32, #tpu.memory_space<vmem>>)
      tpu.yield
    }) : () -> ()
    %mul3A_83 = arith.constant 640 : i32
    %mul3A_84 = arith.muli %arg1, %mul3A_83 : i32
    "tpu.region"() ({
      %run_scoped3A_85 = tpu.sem_alloc : memref<!tpu.dma_semaphore, #tpu.memory_space<semaphore_mem>>
      %dma_start3A = arith.constant 0 : i32
      %dma_start3A_86 = tpu.memref_slice %arg5[%arg0, %mul3A_84, %dma_start3A] : memref<2x10240x8xf32, #tpu.memory_space<hbm>> -> memref<1x640x8xf32, #tpu.memory_space<hbm>>
      %dma_start3A_87 = tpu.memref_squeeze %dma_start3A_86 : memref<1x640x8xf32, #tpu.memory_space<hbm>> -> memref<640x8xf32, #tpu.memory_space<hbm>>
      %dma_start3A_88 = arith.constant 0 : i32
      %dma_start3A_89 = tpu.memref_slice %arg5[%arg0, %mul3A_84, %dma_start3A_88] : memref<2x10240x8xf32, #tpu.memory_space<hbm>> -> memref<1x640x8xf32, #tpu.memory_space<hbm>>
      %dma_start3A_90 = tpu.memref_squeeze %dma_start3A_89 : memref<1x640x8xf32, #tpu.memory_space<hbm>> -> memref<640x8xf32, #tpu.memory_space<hbm>>
      tpu.enqueue_dma source(%arg10 : memref<640x8xf32, #tpu.memory_space<vmem>>) target(%dma_start3A_90 : memref<640x8xf32, #tpu.memory_space<hbm>>) target_semaphore(%run_scoped3A_85 : memref<!tpu.dma_semaphore, #tpu.memory_space<semaphore_mem>>)
      %dma_wait3A_91 = arith.constant 0 : i32
      %dma_wait3A_92 = tpu.memref_slice %arg5[%arg0, %mul3A_84, %dma_wait3A_91] : memref<2x10240x8xf32, #tpu.memory_space<hbm>> -> memref<1x640x8xf32, #tpu.memory_space<hbm>>
      %dma_wait3A_93 = tpu.memref_squeeze %dma_wait3A_92 : memref<1x640x8xf32, #tpu.memory_space<hbm>> -> memref<640x8xf32, #tpu.memory_space<hbm>>
      %dma_wait3A_94 = arith.constant 0 : i32
      %dma_wait3A_95 = tpu.memref_slice %arg5[%arg0, %mul3A_84, %dma_wait3A_94] : memref<2x10240x8xf32, #tpu.memory_space<hbm>> -> memref<1x640x8xf32, #tpu.memory_space<hbm>>
      %dma_wait3A_96 = tpu.memref_squeeze %dma_wait3A_95 : memref<1x640x8xf32, #tpu.memory_space<hbm>> -> memref<640x8xf32, #tpu.memory_space<hbm>>
      tpu.wait_dma2 semaphore(%run_scoped3A_85 : memref<!tpu.dma_semaphore, #tpu.memory_space<semaphore_mem>>) src(%arg10 : memref<640x8xf32, #tpu.memory_space<vmem>>) dst(%dma_wait3A_96 : memref<640x8xf32, #tpu.memory_space<hbm>>)
      tpu.yield
    }) : () -> ()
    return
  }
}

module attributes {stable_mosaic.version = 14 : i64} {
  func.func @_prep_body(%arg0: i32, %arg1: memref<2000x128xf32, #tpu.memory_space<vmem>>, %arg2: memref<2x2000x8xf32, #tpu.memory_space<vmem>>, %arg3: memref<2000x128xf32, #tpu.memory_space<vmem>>, %arg4: memref<2000x2xf32, #tpu.memory_space<vmem>>) attributes {dimension_semantics = [#tpu.dimension_semantics<arbitrary>], iteration_bounds = array<i64: 5>, scalar_prefetch = 0 : i64, scratch_operands = 0 : i64, tpu.core_type = #tpu.core_type<tc>, window_params = [{transform_indices = @transform_0, window_bounds = array<i64: 2000, 128>}, {transform_indices = @transform_1, window_bounds = array<i64: 2, 2000, 8>}, {transform_indices = @transform_2, window_bounds = array<i64: 2000, 128>}, {transform_indices = @transform_3, window_bounds = array<i64: 2000, 2>}]} {
    %get3A = arith.constant 0 : index
    %get3A_0 = arith.constant 0 : index
    %get3A_1 = arith.constant 0 : index
    %get3A_2 = vector.load %arg2[%get3A, %get3A_0, %get3A_1] : memref<2x2000x8xf32, #tpu.memory_space<vmem>>, vector<1x2000x8xf32>
    %get3A_3 = vector.shape_cast %get3A_2 : vector<1x2000x8xf32> to vector<2000x8xf32>
    %get3A_4 = arith.constant 1 : index
    %get3A_5 = arith.constant 0 : index
    %get3A_6 = arith.constant 0 : index
    %get3A_7 = vector.load %arg2[%get3A_4, %get3A_5, %get3A_6] : memref<2x2000x8xf32, #tpu.memory_space<vmem>>, vector<1x2000x8xf32>
    %get3A_8 = vector.shape_cast %get3A_7 : vector<1x2000x8xf32> to vector<2000x8xf32>
    %add3A = arith.addf %get3A_3, %get3A_8 : vector<2000x8xf32>
    %slice3A = vector.extract_strided_slice %add3A {offsets = [0, 0], sizes = [2000, 2], strides = [1, 1]} : vector<2000x8xf32> to vector<2000x2xf32>
    %max3A = arith.constant 1.000000e+00 : f32
    %max3A_9 = vector.broadcast %max3A : f32 to vector<2000x2xf32>
    %max3A_10 = arith.maximumf %slice3A, %max3A_9 : vector<2000x2xf32>
    %rsqrt3A = math.rsqrt %max3A_10 : vector<2000x2xf32>
    %swap3A = arith.constant 0 : index
    %swap3A_11 = arith.constant 0 : index
    %swap3A_12 = vector.load %arg4[%swap3A, %swap3A_11] : memref<2000x2xf32, #tpu.memory_space<vmem>>, vector<2000x2xf32>
    tpu.vector_store %arg4[%swap3A, %swap3A_11], %rsqrt3A {strides = array<i32>} : memref<2000x2xf32, #tpu.memory_space<vmem>>, vector<2000x2xf32>,
    %get3A_13 = arith.constant 0 : index
    %get3A_14 = arith.constant 0 : index
    %get3A_15 = vector.load %arg1[%get3A_13, %get3A_14] : memref<2000x128xf32, #tpu.memory_space<vmem>>, vector<2000x128xf32>
    %slice3A_16 = vector.extract_strided_slice %rsqrt3A {offsets = [0, 0], sizes = [2000, 1], strides = [1, 1]} : vector<2000x2xf32> to vector<2000x1xf32>
    %mul3A = vector.broadcast %slice3A_16 : vector<2000x1xf32> to vector<2000x128xf32>
    %mul3A_17 = arith.mulf %get3A_15, %mul3A : vector<2000x128xf32>
    %swap3A_18 = arith.constant 0 : index
    %swap3A_19 = arith.constant 0 : index
    %swap3A_20 = vector.load %arg3[%swap3A_18, %swap3A_19] : memref<2000x128xf32, #tpu.memory_space<vmem>>, vector<2000x128xf32>
    tpu.vector_store %arg3[%swap3A_18, %swap3A_19], %mul3A_17 {strides = array<i32>} : memref<2000x128xf32, #tpu.memory_space<vmem>>, vector<2000x128xf32>,
    return
  }
  func.func @transform_0(%arg0: i32) -> (i32, i32) {
    %c0_i32 = arith.constant 0 : i32
    %c0_i32_0 = arith.constant 0 : i32
    return %arg0, %c0_i32 : i32, i32
  }
  func.func @transform_1(%arg0: i32) -> (i32, i32, i32) {
    %c0_i32 = arith.constant 0 : i32
    %c0_i32_0 = arith.constant 0 : i32
    %c0_i32_1 = arith.constant 0 : i32
    return %c0_i32, %arg0, %c0_i32_0 : i32, i32, i32
  }
  func.func @transform_2(%arg0: i32) -> (i32, i32) {
    %c0_i32 = arith.constant 0 : i32
    %c0_i32_0 = arith.constant 0 : i32
    return %arg0, %c0_i32 : i32, i32
  }
  func.func @transform_3(%arg0: i32) -> (i32, i32) {
    %c0_i32 = arith.constant 0 : i32
    %c0_i32_0 = arith.constant 0 : i32
    return %arg0, %c0_i32 : i32, i32
  }
}

module attributes {stable_mosaic.version = 14 : i64} {
  func.func @_dense_body(%arg0: i32, %arg1: memref<2x2000x128xf32, #tpu.memory_space<vmem>>, %arg2: memref<2000x2xf32, #tpu.memory_space<vmem>>, %arg3: memref<128x128xf32, #tpu.memory_space<vmem>>, %arg4: memref<1x128xf32, #tpu.memory_space<vmem>>, %arg5: memref<2000x128xf32, #tpu.memory_space<vmem>>) attributes {dimension_semantics = [#tpu.dimension_semantics<arbitrary>], iteration_bounds = array<i64: 5>, scalar_prefetch = 0 : i64, scratch_operands = 0 : i64, tpu.core_type = #tpu.core_type<tc>, window_params = [{transform_indices = @transform_0, window_bounds = array<i64: 2, 2000, 128>}, {transform_indices = @transform_1, window_bounds = array<i64: 2000, 2>}, {pipeline_mode = #tpu.pipeline_mode<synchronous>, transform_indices = @transform_2, window_bounds = array<i64: 128, 128>}, {pipeline_mode = #tpu.pipeline_mode<synchronous>, transform_indices = @transform_3, window_bounds = array<i64: 1, 128>}, {transform_indices = @transform_4, window_bounds = array<i64: 2000, 128>}]} {
    %get3A = arith.constant 0 : index
    %get3A_0 = arith.constant 0 : index
    %get3A_1 = vector.load %arg2[%get3A, %get3A_0] : memref<2000x2xf32, #tpu.memory_space<vmem>>, vector<2000x2xf32>
    %get3A_2 = arith.constant 0 : index
    %get3A_3 = arith.constant 0 : index
    %get3A_4 = arith.constant 0 : index
    %get3A_5 = vector.load %arg1[%get3A_2, %get3A_3, %get3A_4] : memref<2x2000x128xf32, #tpu.memory_space<vmem>>, vector<1x2000x128xf32>
    %get3A_6 = vector.shape_cast %get3A_5 : vector<1x2000x128xf32> to vector<2000x128xf32>
    %get3A_7 = arith.constant 1 : index
    %get3A_8 = arith.constant 0 : index
    %get3A_9 = arith.constant 0 : index
    %get3A_10 = vector.load %arg1[%get3A_7, %get3A_8, %get3A_9] : memref<2x2000x128xf32, #tpu.memory_space<vmem>>, vector<1x2000x128xf32>
    %get3A_11 = vector.shape_cast %get3A_10 : vector<1x2000x128xf32> to vector<2000x128xf32>
    %add3A = arith.addf %get3A_6, %get3A_11 : vector<2000x128xf32>
    %slice3A = vector.extract_strided_slice %get3A_1 {offsets = [0, 1], sizes = [2000, 1], strides = [1, 1]} : vector<2000x2xf32> to vector<2000x1xf32>
    %mul3A = vector.broadcast %slice3A : vector<2000x1xf32> to vector<2000x128xf32>
    %mul3A_12 = arith.mulf %add3A, %mul3A : vector<2000x128xf32>
    %get3A_13 = arith.constant 0 : index
    %get3A_14 = arith.constant 0 : index
    %get3A_15 = vector.load %arg3[%get3A_13, %get3A_14] : memref<128x128xf32, #tpu.memory_space<vmem>>, vector<128x128xf32>
    %dot_general3A = arith.constant dense<0.000000e+00> : vector<2000x128xf32>
    %dot_general3A_16 = tpu.matmul %mul3A_12, %get3A_15, %dot_general3A {dimension_numbers = #tpu.dot_dimension_numbers<[1], [0], [0], [1], [0, 0, 1, 1], [], []>, transpose_lhs_hint = false} : vector<2000x128xf32>, vector<128x128xf32>, vector<2000x128xf32> -> vector<2000x128xf32>
    %get3A_17 = arith.constant 0 : index
    %get3A_18 = arith.constant 0 : index
    %get3A_19 = vector.load %arg4[%get3A_17, %get3A_18] : memref<1x128xf32, #tpu.memory_space<vmem>>, vector<1x128xf32>
    %add3A_20 = vector.broadcast %get3A_19 : vector<1x128xf32> to vector<2000x128xf32>
    %add3A_21 = arith.addf %dot_general3A_16, %add3A_20 : vector<2000x128xf32>
    %max3A = arith.constant 0.000000e+00 : f32
    %max3A_22 = vector.broadcast %max3A : f32 to vector<2000x128xf32>
    %max3A_23 = arith.maximumf %add3A_21, %max3A_22 : vector<2000x128xf32>
    %slice3A_24 = vector.extract_strided_slice %get3A_1 {offsets = [0, 0], sizes = [2000, 1], strides = [1, 1]} : vector<2000x2xf32> to vector<2000x1xf32>
    %mul3A_25 = vector.broadcast %slice3A_24 : vector<2000x1xf32> to vector<2000x128xf32>
    %mul3A_26 = arith.mulf %max3A_23, %mul3A_25 : vector<2000x128xf32>
    %swap3A = arith.constant 0 : index
    %swap3A_27 = arith.constant 0 : index
    %swap3A_28 = vector.load %arg5[%swap3A, %swap3A_27] : memref<2000x128xf32, #tpu.memory_space<vmem>>, vector<2000x128xf32>
    tpu.vector_store %arg5[%swap3A, %swap3A_27], %mul3A_26 {strides = array<i32>} : memref<2000x128xf32, #tpu.memory_space<vmem>>, vector<2000x128xf32>,
    return
  }
  func.func @transform_0(%arg0: i32) -> (i32, i32, i32) {
    %c0_i32 = arith.constant 0 : i32
    %c0_i32_0 = arith.constant 0 : i32
    %c0_i32_1 = arith.constant 0 : i32
    return %c0_i32, %arg0, %c0_i32_0 : i32, i32, i32
  }
  func.func @transform_1(%arg0: i32) -> (i32, i32) {
    %c0_i32 = arith.constant 0 : i32
    %c0_i32_0 = arith.constant 0 : i32
    return %arg0, %c0_i32 : i32, i32
  }
  func.func @transform_2(%arg0: i32) -> (i32, i32) {
    %c0_i32 = arith.constant 0 : i32
    %c0_i32_0 = arith.constant 0 : i32
    %c0_i32_1 = arith.constant 0 : i32
    return %c0_i32, %c0_i32_0 : i32, i32
  }
  func.func @transform_3(%arg0: i32) -> (i32, i32) {
    %c0_i32 = arith.constant 0 : i32
    %c0_i32_0 = arith.constant 0 : i32
    %c0_i32_1 = arith.constant 0 : i32
    return %c0_i32, %c0_i32_0 : i32, i32
  }
  func.func @transform_4(%arg0: i32) -> (i32, i32) {
    %c0_i32 = arith.constant 0 : i32
    %c0_i32_0 = arith.constant 0 : i32
    return %arg0, %c0_i32 : i32, i32
  }
}

module attributes {stable_mosaic.version = 14 : i64} {
  func.func @_dense_body(%arg0: i32, %arg1: memref<2x2000x128xf32, #tpu.memory_space<vmem>>, %arg2: memref<2000x2xf32, #tpu.memory_space<vmem>>, %arg3: memref<128x128xf32, #tpu.memory_space<vmem>>, %arg4: memref<1x128xf32, #tpu.memory_space<vmem>>, %arg5: memref<2000x128xf32, #tpu.memory_space<vmem>>) attributes {dimension_semantics = [#tpu.dimension_semantics<arbitrary>], iteration_bounds = array<i64: 5>, scalar_prefetch = 0 : i64, scratch_operands = 0 : i64, tpu.core_type = #tpu.core_type<tc>, window_params = [{transform_indices = @transform_0, window_bounds = array<i64: 2, 2000, 128>}, {transform_indices = @transform_1, window_bounds = array<i64: 2000, 2>}, {pipeline_mode = #tpu.pipeline_mode<synchronous>, transform_indices = @transform_2, window_bounds = array<i64: 128, 128>}, {pipeline_mode = #tpu.pipeline_mode<synchronous>, transform_indices = @transform_3, window_bounds = array<i64: 1, 128>}, {transform_indices = @transform_4, window_bounds = array<i64: 2000, 128>}]} {
    %get3A = arith.constant 0 : index
    %get3A_0 = arith.constant 0 : index
    %get3A_1 = vector.load %arg2[%get3A, %get3A_0] : memref<2000x2xf32, #tpu.memory_space<vmem>>, vector<2000x2xf32>
    %get3A_2 = arith.constant 0 : index
    %get3A_3 = arith.constant 0 : index
    %get3A_4 = arith.constant 0 : index
    %get3A_5 = vector.load %arg1[%get3A_2, %get3A_3, %get3A_4] : memref<2x2000x128xf32, #tpu.memory_space<vmem>>, vector<1x2000x128xf32>
    %get3A_6 = vector.shape_cast %get3A_5 : vector<1x2000x128xf32> to vector<2000x128xf32>
    %get3A_7 = arith.constant 1 : index
    %get3A_8 = arith.constant 0 : index
    %get3A_9 = arith.constant 0 : index
    %get3A_10 = vector.load %arg1[%get3A_7, %get3A_8, %get3A_9] : memref<2x2000x128xf32, #tpu.memory_space<vmem>>, vector<1x2000x128xf32>
    %get3A_11 = vector.shape_cast %get3A_10 : vector<1x2000x128xf32> to vector<2000x128xf32>
    %add3A = arith.addf %get3A_6, %get3A_11 : vector<2000x128xf32>
    %slice3A = vector.extract_strided_slice %get3A_1 {offsets = [0, 1], sizes = [2000, 1], strides = [1, 1]} : vector<2000x2xf32> to vector<2000x1xf32>
    %mul3A = vector.broadcast %slice3A : vector<2000x1xf32> to vector<2000x128xf32>
    %mul3A_12 = arith.mulf %add3A, %mul3A : vector<2000x128xf32>
    %get3A_13 = arith.constant 0 : index
    %get3A_14 = arith.constant 0 : index
    %get3A_15 = vector.load %arg3[%get3A_13, %get3A_14] : memref<128x128xf32, #tpu.memory_space<vmem>>, vector<128x128xf32>
    %dot_general3A = arith.constant dense<0.000000e+00> : vector<2000x128xf32>
    %dot_general3A_16 = tpu.matmul %mul3A_12, %get3A_15, %dot_general3A {dimension_numbers = #tpu.dot_dimension_numbers<[1], [0], [0], [1], [0, 0, 1, 1], [], []>, transpose_lhs_hint = false} : vector<2000x128xf32>, vector<128x128xf32>, vector<2000x128xf32> -> vector<2000x128xf32>
    %get3A_17 = arith.constant 0 : index
    %get3A_18 = arith.constant 0 : index
    %get3A_19 = vector.load %arg4[%get3A_17, %get3A_18] : memref<1x128xf32, #tpu.memory_space<vmem>>, vector<1x128xf32>
    %add3A_20 = vector.broadcast %get3A_19 : vector<1x128xf32> to vector<2000x128xf32>
    %add3A_21 = arith.addf %dot_general3A_16, %add3A_20 : vector<2000x128xf32>
    %max3A = arith.constant 0.000000e+00 : f32
    %max3A_22 = vector.broadcast %max3A : f32 to vector<2000x128xf32>
    %max3A_23 = arith.maximumf %add3A_21, %max3A_22 : vector<2000x128xf32>
    %swap3A = arith.constant 0 : index
    %swap3A_24 = arith.constant 0 : index
    %swap3A_25 = vector.load %arg5[%swap3A, %swap3A_24] : memref<2000x128xf32, #tpu.memory_space<vmem>>, vector<2000x128xf32>
    tpu.vector_store %arg5[%swap3A, %swap3A_24], %max3A_23 {strides = array<i32>} : memref<2000x128xf32, #tpu.memory_space<vmem>>, vector<2000x128xf32>,
    return
  }
  func.func @transform_0(%arg0: i32) -> (i32, i32, i32) {
    %c0_i32 = arith.constant 0 : i32
    %c0_i32_0 = arith.constant 0 : i32
    %c0_i32_1 = arith.constant 0 : i32
    return %c0_i32, %arg0, %c0_i32_0 : i32, i32, i32
  }
  func.func @transform_1(%arg0: i32) -> (i32, i32) {
    %c0_i32 = arith.constant 0 : i32
    %c0_i32_0 = arith.constant 0 : i32
    return %arg0, %c0_i32 : i32, i32
  }
  func.func @transform_2(%arg0: i32) -> (i32, i32) {
    %c0_i32 = arith.constant 0 : i32
    %c0_i32_0 = arith.constant 0 : i32
    %c0_i32_1 = arith.constant 0 : i32
    return %c0_i32, %c0_i32_0 : i32, i32
  }
  func.func @transform_3(%arg0: i32) -> (i32, i32) {
    %c0_i32 = arith.constant 0 : i32
    %c0_i32_0 = arith.constant 0 : i32
    %c0_i32_1 = arith.constant 0 : i32
    return %c0_i32, %c0_i32_0 : i32, i32
  }
  func.func @transform_4(%arg0: i32) -> (i32, i32) {
    %c0_i32 = arith.constant 0 : i32
    %c0_i32_0 = arith.constant 0 : i32
    return %arg0, %c0_i32 : i32, i32
  }
}

</mosaic_0001>

<sc_bundles>
// kernel: kernel.11.cloned.1.call-start
scs
__scs_entry_jumppad:
0x0: {  	(pc) =	sbr.rel $0x88, $3  }
0x1: {  	(tag) =	ssettag $0x0;
	lr =	simm.s32 $0x1  }
0x2: {  	[smem:$0x3F9B] =	sst lr;
	_ =	strace $0xD0000000  }
0x3: {  	_ = 	snop  }
0x4: {  	_ = 	snop  }
0x5: {  	_ = 	snop  }
0x6: {  	_ = 	snop  }
0x7: {  	_ = 	snop  }
__scs_overlays_trampoline_lowered:
0x8: {  	[smem:$0x3FAA] =	sst s0  }
0x9: {  	[smem:$0x3FAB] =	sst s1  }
0xa: {  	[smem:$0x3FAC] =	sst s2  }
0xb: {  	[smem:$0x3FAD] =	sst s3  }
0xc: {  	[smem:$0x3FAE] =	sst s4  }
0xd: {  	[smem:$0x3FAF] =	sst s5  }
0xe: {  	[smem:$0x3FB0] =	sst s6  }
0xf: {  	[smem:$0x3FB1] =	sst s7  }
0x10: {  	[smem:$0x3FB2] =	sst s8  }
0x11: {  	[smem:$0x3FB3] =	sst s9;
	s0 =	simm.s32 @!p0 $0x0  }
0x12: {  	s1 =	sld [smem:$0x3F99];
	s0 =	simm.s32 @p0 $0x1  }
0x13: {  	[smem:$0x3FB4] =	sst s0;
	s0 =	simm.s32 @!p1 $0x0  }
0x14: {  	s2 =	sld [smem:$0x3F98];
	s0 =	simm.s32 @p1 $0x1  }
0x15: {  	[smem:$0x3FB5] =	sst s0;
	s0 =	simm.s32 @!p2 $0x0  }
0x16: {  	s3 =	sld [smem:$0x3FDB];
	s0 =	simm.s32 @p2 $0x1  }
0x17: {  	s4 =	simm.s32 $0x1BF5;
	[smem:$0x3FB7] =	sst s0  }
0x18: {  	s0 =	sld [smem:$0x3F9A];
	_ =	swait.ge [sflag:s4], $0x0  }
0x19: {  	s7 =	sld [smem:$0x3F9B]  }
0x1a: {  	s8 =	sadd.s32 $0xFFFFE003, lr  }
0x1b: {  	s9 =	sadd.s32 $0xFFFFFEF7, lr;
	s5 =	simm.s32 $0xFFFFFFFF;
	p2 =	slt.u32 s8, $0xFFFFF086  }
0x1c: {  	p1 =	slt.u32 s9, $0xF7A;
	s5 =	simm.s32 @!p2 $0x0  }
0x1d: {  	s5 =	simm.s32 @p1 $0x1;
	p0 =	seq.s32 s7, s2  }
0x1e: {  	s7 =	smul.u32 @!p0 $0xF7A, s2;
	p2 =	seq.s32 @!p0 s5, $0x0  }
0x1f: {  	s9 =	smul.u32 $0xF7A, s1;
	s8 =	simm.s32 @!p0 $0x1BF5;
	p2 =	por !p2, p0  }
0x20: {  	[sflag:s8] =	ssyncset.s32 @!p0 $0xFFFFF086;
	s6 =	sadd.s32 @!p0 s3, s7;
	s7 =	simm.s32 @!p0 $0x108  }
0x21: {  	s3 =	sadd.s32 s3, s9;
	s6 =	sadd.s32 @!p0 $0x88, s6;
	s7 =	simm.s32 @p2 $0x1082  }
0x22: {  	[simem:s7], [sflag:s8] =	dma.local @!p0 [hbm:s6], $0xF7A  }
0x23: {  	s9 =	sor.u32 $0xD0000000, s2;
	s6 =	simm.s32 $0x108;
	_ =	swait.ge @!p0 [sflag:s8], $0x0  }
0x24: {  	s3 =	sadd.s32 $0x88, s3;
	s6 =	simm.s32 @!p1 $0x1082;
	[sflag:s4] =	ssyncset.s32 $0xFFFFF086  }
0x25: {  	[simem:s6], [sflag:s4] =	dma.local [hbm:s3], $0xF7A  }
0x26: {  	[smem:$0x3F9B] =	sst s1;
	(tag) =	ssettag s2;
	_ =	strace s9  }
0x27: {  	s1 =	sld [smem:$0x3FAB]  }
0x28: {  	s2 =	sld [smem:$0x3FAC]  }
0x29: {  	s4 =	sld [smem:$0x3FAE]  }
0x2a: {  	p0 =	seq.s32 s5, $0x0;
	s5 =	sld [smem:$0x3FAF]  }
0x2b: {  	s6 =	sld [smem:$0x3FB0]  }
0x2c: {  	s7 =	sld [smem:$0x3FB1]  }
0x2d: {  	s3 =	simm.s32 $0x108;
	s8 =	sld [smem:$0x3FB2]  }
0x2e: {  	s3 =	simm.s32 @!p0 $0x1082;
	s9 =	sld [smem:$0x3FB3]  }
0x2f: {  	lr =	sadd.s32 s0, s3;
	s0 =	sld [smem:$0x3FAA]  }
0x30: {  	s3 =	sld [smem:$0x3FAD]  }
0x31: {  	[smem:$0x3FB6] =	sst s10  }
0x32: {  	s10 =	sld [smem:$0x3FB4];
	_ =	sdelay $0x3  }
0x33: {  	p0 =	seq.s32 s10, $0x1;
	s10 =	sld [smem:$0x3FB6];
	_ =	sdelay $0x3  }
0x34: {  	[smem:$0x3FB6] =	sst s10  }
0x35: {  	s10 =	sld [smem:$0x3FB5];
	_ =	sdelay $0x3  }
0x36: {  	p1 =	seq.s32 s10, $0x1;
	s10 =	sld [smem:$0x3FB6];
	_ =	sdelay $0x3  }
0x37: {  	[smem:$0x3FB6] =	sst s10  }
0x38: {  	s10 =	sld [smem:$0x3FB7]  }
0x39: {  	_ = 	snop;
	(pc) =	sbr.ind lr, $3  }
0x3a: {  	_ = 	snop  }
0x3b: {  	_ = 	snop  }
0x3c: {  	p2 =	seq.s32 s10, $0x1;
	s10 =	sld [smem:$0x3FB6]  }
0x3d: {  	_ =	shalt  }
0x3e: {  	_ =	shalt  }
0x3f: {  	_ =	shalt  }
0x40: {  	_ =	shalt  }
0x41: {  	_ =	shalt  }
0x42: {  	_ =	shalt  }
0x43: {  	_ =	shalt  }
0x44: {  	_ =	shalt  }
0x45: {  	_ =	shalt  }
0x46: {  	_ =	shalt  }
0x47: {  	_ =	shalt  }
0x48: {  	_ =	shalt  }
0x49: {  	_ =	shalt  }
0x4a: {  	_ =	shalt  }
0x4b: {  	_ =	shalt  }
0x4c: {  	_ =	shalt  }
0x4d: {  	_ =	shalt  }
0x4e: {  	_ =	shalt  }
0x4f: {  	_ =	shalt  }
0x50: {  	_ =	shalt  }
0x51: {  	_ =	shalt  }
0x52: {  	_ =	shalt  }
0x53: {  	_ =	shalt  }
0x54: {  	_ =	shalt  }
0x55: {  	_ =	shalt  }
0x56: {  	_ =	shalt  }
0x57: {  	_ =	shalt  }
0x58: {  	_ =	shalt  }
0x59: {  	_ =	shalt  }
0x5a: {  	_ =	shalt  }
0x5b: {  	_ =	shalt  }
0x5c: {  	_ =	shalt  }
0x5d: {  	_ =	shalt  }
0x5e: {  	_ =	shalt  }
0x5f: {  	_ =	shalt  }
0x60: {  	_ =	shalt  }
0x61: {  	_ =	shalt  }
0x62: {  	_ =	shalt  }
0x63: {  	_ =	shalt  }
0x64: {  	_ =	shalt  }
0x65: {  	_ =	shalt  }
0x66: {  	_ =	shalt  }
0x67: {  	_ =	shalt  }
0x68: {  	_ =	shalt  }
0x69: {  	_ =	shalt  }
0x6a: {  	_ =	shalt  }
0x6b: {  	_ =	shalt  }
0x6c: {  	_ =	shalt  }
0x6d: {  	_ =	shalt  }
0x6e: {  	_ =	shalt  }
0x6f: {  	_ =	shalt  }
0x70: {  	_ =	shalt  }
0x71: {  	_ =	shalt  }
0x72: {  	_ =	shalt  }
0x73: {  	_ =	shalt  }
0x74: {  	_ =	shalt  }
0x75: {  	_ =	shalt  }
0x76: {  	_ =	shalt  }
0x77: {  	_ =	shalt  }
0x78: {  	_ =	shalt  }
0x79: {  	_ =	shalt  }
0x7a: {  	_ =	shalt  }
0x7b: {  	_ =	shalt  }
0x7c: {  	_ =	shalt  }
0x7d: {  	_ =	shalt  }
0x7e: {  	_ =	shalt  }
0x7f: {  	_ =	shalt  }
0x80: {  	_ =	shalt  }
0x81: {  	_ =	shalt  }
0x82: {  	_ =	shalt  }
0x83: {  	_ =	shalt  }
0x84: {  	_ =	shalt  }
0x85: {  	_ =	shalt  }
0x86: {  	_ =	shalt  }
0x87: {  	_ =	shalt  }
.Lfunc_end0:
.L_simem_size_0:
called_computation.1_lowered:
.L_overlay_start_0:
0x88: {  	s2 =	sld [smem:$0x3FD9]  }
0x89: {  	s3 =	sld [smem:$0x3FFE];
	_ =	sdelay $0x1  }
0x8a: {  	s1 =	srdreg.scid  }
0x8b: {  	s0 =	sand.u32 $0x1, s1  }
0x8c: {  	s17 =	sshll.u32 s0, $0xA;
	s2 =	sadd.s32 s3, s2  }
0x8d: {  	s2 =	sadd.s32 s2, s17  }
0x8e: {  	[smem:$0x3FC2] =	sst s2  }
0x8f: {  	_ = 	snop  }
0x90: {  	s2 =	sld [smem:$0x3FD0];
	(tm) =	ssettm $0x1  }
0x91: {  	s18 =	sld [smem:$0x3FFB];
	_ =	sdelay $0x3  }
0x92: {  	_ =	strace s18  }
0x93: {  	s3 =	sld [smem:$0x3FFC];
	_ =	sdelay $0x3  }
0x94: {  	_ =	strace s3  }
0x95: {  	s3 =	sld [smem:$0x3FFD];
	_ =	sdelay $0x3  }
0x96: {  	_ =	strace s3  }
0x97: {  	_ =	strace $0x8FFFFFFF  }
0x98: {  	s19 =	sld [smem:$0x3FDB];
	_ =	sdelay $0x1  }
0x99: {  	s4 =	simm.s32 $_scs_section_size  }
0x9a: {  	s5 =	simm.s32 $_size__tile_overlayer_lowered;
	s6 =	simm.s32 $_tile_overlayer_lowered  }
0x9b: {  	s22 =	simm.s32 $0x1BFF;
	s21 =	sshll.u32 s6, $0x1;
	s3 =	sadd.s32 s4, s19  }
0x9c: {  	s7 =	simm.s32 $0x0;
	s20 =	sshll.u32 s5, $0x1;
	s5 =	sadd.s32 s21, s3  }
0x9d: {  	[timem:s7], [sflag:s22] =	dma.local [hbm:s5], s20  }
0x9e: {  	_ =	swait.ge [sflag:s22], s20  }
0x9f: {  	s4 =	ssub.s32 $0x0, s20;
	[sflag:s22] =	ssyncset.done $0x0  }
0xa0: {  	[sflag:s22] =	ssyncadd.s32 s4;
	_ =	sdelay $0x1  }
0xa1: {  	s23 =	simm.s32 $0x1B8B  }
0xa2: {  	_ =	swait.ge [sflag:s23], $0x1  }
0xa3: {  	[sflag:s23] =	ssyncset.done $0x0  }
0xa4: {  	s25 =	simm.s32 $0x1B8E;
	s24 =	sld [smem:$0x3FFE];
	[sflag:s23] =	ssyncadd.s32 $0xFFFFFFFF  }
0xa5: {  	s26 =	simm.s32 $execute0_lowered;
	[smem:$0x3FD2] =	sst s25  }
0xa6: {  	s5 =	sshll.u32 s26, $0x1;
	_ =	strace $0x80000049;
	[dreg:$0x1] =	wrdreg $0xFFFFFFFF  }
0xa7: {  	s28 =	simm.s32 $_size_execute0_lowered;
	s3 =	sadd.s32 s3, s5;
	[dreg:$0x0] =	wrdreg $0x0  }
0xa8: {  	s5 =	sshll.u32 s28, $0x1;
	[dreg:$0x2] =	wrdreg s3  }
0xa9: {  	[dreg:$0x3] =	wrdreg s5  }
0xaa: {  	[dreg:$0x4] =	wrdreg $0xC0  }
0xab: {  	_ =	task [dreg:s7], $0x5FFFF  }
0xac: {  	[dreg:$0x1] =	wrdreg $0xFFFFFFFF  }
0xad: {  	[dreg:$0x0] =	wrdreg $0x60  }
0xae: {  	[dreg:$0x2] =	wrdreg s2  }
0xaf: {  	[dreg:$0x3] =	wrdreg s24  }
0xb0: {  	[dreg:$0x4] =	wrdreg $0xB2200  }
0xb1: {  	[dreg:$0x5] =	wrdreg $0x9  }
0xb2: {  	_ =	task.clear_ibuf [dreg:s7], $0x6FFFF;
	_ =	strace $0x90000049  }
0xb3: {  	s29 =	simm.s32 $0x9;
	_ =	strace $0x8000004B  }
0xb4: {  	_ =	swait.ge [sflag:s29], $0x1  }
0xb5: {  	[sflag:s29] =	ssyncadd.s32 $0xFFFFFFFF  }
0xb6: {  	_ =	strace $0x9000004B  }
0xb7: {  	_ =	sfence  }
0xb8: {  	s30 =	sld [smem:$0x0];
	_ =	sdelay $0x2  }
0xb9: {  	s31 =	sshll.u32 s1, $0xD;
	s1 =	sshrl.u32 s1, $0x2  }
0xba: {  	s3 =	sand.u32 $0x4000, s31;
	s1 =	sadd.s32 s1, s30  }
0xbb: {  	s0 =	sor.u32 s3, s0;
	s1 =	sshll.u32 s1, $0x11  }
0xbc: {  	s0 =	sor.u32 s1, s0  }
0xbd: {  	s0 =	sadd.s32 $0x8F2B, s0  }
0xbe: {  	[sflag:s0] =	ssyncadd.remote.s32 $0x1  }
0xbf: {  	_ =	sfence.sel $0xFFFF  }
0xc0: {  	[dreg:$0x0] =	wrdreg $0xFFFFFFFF;
	(pc) =	sbr.abs _section_cstart, $3  }
0xc1: {  	[dreg:$0x1] =	wrdreg $0xFFFFFFFF  }
0xc2: {  	_ =	task.clear_ibuf [dreg:s7], $0x2FFFF;
	_ =	strace $0x9FFFFFFF  }
0xc3: {  	(tm) =	ssettm $0x7FFFFFFF  }
tec
execute0_lowered:
.L_overlay_start_1:
0x0: {  	(tag) =	ssettag $0x1  }
0x1: {  	s1 =	srdreg.scid  }
0x2: {  	s0 =	rddreg [dreg:$0x1];
	s2 =	simm.s32 $0x0;
	s14 =	stileid.u32  }
0x3: {  	s7 =	sand.u32 $0x1, s1;
	[smem:$0x7FF] =	sst s2;
	s2 =	smul.u32 $0x14000, s14  }
0x4: {  	s13 =	sadd.s32 $0x16800, s0;
	s1 =	sshll.u32 s7, $0x4;
	s3 =	ssub.s32 $0x2, s7  }
0x5: {  	s1 =	sor.u32 s14, s1;
	s15 =	sshrl.u32 s3, $0x1;
	s4 =	sor.u32 $0x2800, s2  }
0x6: {  	s5 =	sor.u32 $0x3C00, s2;
	s6 =	sadd.s32 $0x5000, s2;
	s14 =	smul.u32 $0x140000, s7  }
0x7: {  	s7 =	sadd.s32 $0x6400, s2;
	s8 =	sadd.s32 $0x7800, s2;
	s9 =	sadd.s32 $0x8C00, s2  }
0x8: {  	s23 =	sadd.s32 $0xA000, s2;
	s11 =	sadd.s32 $0xB400, s2;
	s12 =	smul.u32 $0x2710, s1  }
0x9: {  	s1 =	ssub.s32 s3, s15;
	s3 =	sor.u32 $0x1400, s2;
	s15 =	sadd.s32 s2, s14  }
0xa: {  	s16 =	sadd.s32 s14, s3;
	s17 =	sadd.s32 s14, s4;
	s18 =	sadd.s32 s14, s5  }
0xb: {  	s22 =	sadd.s32 s14, s7;
	s24 =	sadd.s32 s14, s8;
	s25 =	sadd.s32 s14, s9  }
0xc: {  	s15 =	sshrl.u32 s15, $0x3;
	s16 =	sshrl.u32 s16, $0x3;
	s19 =	sshrl.u32 s18, $0x3  }
0xd: {  	s26 =	sshrl.u32 s24, $0x3;
	s10 =	sshrl.u32 s25, $0x3;
	s15 =	sadd.s32 s13, s15  }
0xe: {  	s16 =	sadd.s32 s13, s16;
	[dreg:$0x4] =	wrdreg s15;
	s15 =	sshrl.u32 s17, $0x3  }
0xf: {  	[dreg:$0x5] =	wrdreg s16;
	s17 =	sadd.s32 s14, s6;
	s15 =	sadd.s32 s13, s15  }
0x10: {  	s20 =	sshrl.u32 s17, $0x3;
	s17 =	sadd.s32 s13, s10;
	[dreg:$0x6] =	wrdreg s15  }
0x11: {  	s18 =	sadd.s32 s14, s23;
	s15 =	sadd.s32 s13, s19;
	[dreg:$0xb] =	wrdreg s17  }
0x12: {  	s21 =	sadd.s32 s13, s20;
	[dreg:$0x7] =	wrdreg s15;
	s15 =	sshrl.u32 s22, $0x3  }
0x13: {  	s16 =	sadd.s32 $0xC800, s2;
	[dreg:$0x8] =	wrdreg s21;
	s15 =	sadd.s32 s13, s15  }
0x14: {  	s19 =	sadd.s32 s14, s11;
	[dreg:$0x9] =	wrdreg s15;
	s15 =	sadd.s32 s13, s26  }
0x15: {  	s21 =	sadd.s32 s14, s16;
	[dreg:$0xa] =	wrdreg s15;
	s15 =	sshrl.u32 s18, $0x3  }
0x16: {  	s20 =	sshrl.u32 s19, $0x3;
	s22 =	sshrl.u32 s21, $0x3;
	s15 =	sadd.s32 s13, s15  }
0x17: {  	s21 =	sadd.s32 $0x11800, s2;
	[dreg:$0xc] =	wrdreg s15;
	s15 =	sadd.s32 s13, s20  }
0x18: {  	s18 =	sadd.s32 $0xDC00, s2;
	[dreg:$0xd] =	wrdreg s15;
	s15 =	sadd.s32 s13, s22  }
0x19: {  	s24 =	sadd.s32 s14, s18;
	[dreg:$0xe] =	wrdreg s15;
	s15 =	sadd.s32 $0xF000, s2  }
0x1a: {  	s17 =	sshrl.u32 s24, $0x3;
	s20 =	sadd.s32 $0x10400, s2;
	s19 =	sadd.s32 s14, s15  }
0x1b: {  	s17 =	sadd.s32 s13, s17;
	s26 =	sadd.s32 s14, s20;
	s25 =	sshrl.u32 s19, $0x3  }
0x1c: {  	[dreg:$0xf] =	wrdreg s17;
	s10 =	sshrl.u32 s26, $0x3;
	s17 =	sadd.s32 s13, s25  }
0x1d: {  	s19 =	sadd.s32 s14, s21;
	[dreg:$0x10] =	wrdreg s17;
	s17 =	sadd.s32 s13, s10  }
0x1e: {  	s22 =	sadd.s32 $0x12C00, s2;
	s24 =	sshrl.u32 s19, $0x3;
	[dreg:$0x11] =	wrdreg s17  }
0x1f: {  	s14 =	sadd.s32 s14, s22;
	s19 =	sadd.s32 s13, s24;
	s17 =	rddreg [dreg:$0x0]  }
0x20: {  	s14 =	sshrl.u32 s14, $0x3;
	[dreg:$0x12] =	wrdreg s19  }
0x21: {  	s12 =	sshrl.u32 s12, $0x3;
	s13 =	sadd.s32 s13, s14;
	s19 =	rddreg [dreg:$0x2]  }
0x22: {  	s12 =	sadd.s32 s12, s0;
	s0 =	sadd.s32 $0x16400, s0;
	[dreg:$0x13] =	wrdreg s13  }
0x23: {  	s25 =	sadd.s32 $0x2A00, s12;
	_ =	strace $0x8000004A;
	[dreg:$0x14] =	wrdreg s0  }
0x24: {  	s28 =	simm.s32 $0x9;
	s26 =	sadd.s32 $0xC640, s12;
	[dreg:$0x15] =	wrdreg s25  }
0x25: {  	s29 =	simm.s32 $0xA;
	[dreg:$0x16] =	wrdreg s26;
	s2 =	sadd.s32 s2, s19  }
0x26: {  	s10 =	sadd.s32 s3, s19;
	s12 =	sadd.s32 s4, s19;
	s13 =	sadd.s32 s5, s19  }
0x27: {  	s6 =	sadd.s32 s6, s19;
	s7 =	sadd.s32 s7, s19;
	[dreg:$0x1a] =	wrdreg s2  }
0x28: {  	s31 =	sadd.s32 s8, s19;
	s14 =	sadd.s32 s23, s19;
	[dreg:$0x1d] =	wrdreg s10  }
0x29: {  	s23 =	sadd.s32 s11, s19;
	s3 =	sadd.s32 s16, s19;
	[dreg:$0x1f] =	wrdreg s12  }
0x2a: {  	s24 =	sadd.s32 s18, s19;
	s30 =	sadd.s32 s15, s19;
	[smem:$0x7F8] =	sst s13  }
0x2b: {  	s4 =	sadd.s32 s20, s19;
	s25 =	sadd.s32 s21, s19;
	[smem:$0x7F9] =	sst s14  }
0x2c: {  	s5 =	sadd.s32 s22, s19;
	s26 =	smax.u32 s1, $0x1;
	[smem:$0x7FA] =	sst s23  }
0x2d: {  	s15 =	simm.s32 $0x6220;
	s18 =	simm.s32 $0xB;
	[smem:$0x7FB] =	sst s24  }
0x2e: {  	s20 =	simm.s32 $0x1;
	s21 =	simm.s32 $0x7620;
	[smem:$0x7FC] =	sst s25  }
0x2f: {  	s22 =	simm.s32 $0x2;
	s11 =	simm.s32 $0x3;
	[smem:$0x7FD] =	sst s26  }
0x30: {  	s1 =	simm.s32 $0x6;
	s10 =	sadd.s32 s9, s19;
	[dreg:$0x17] =	wrdreg s31  }
.Ltmp0:
0x31: {  	s12 =	simm.s32 $0x9E20;
	[dreg:$0x19] =	wrdreg s3;
	(pc) =	sbr.rel .LBB2_1-.Ltmp0, $4  }
0x32: {  	s13 =	simm.s32 $0x28;
	s14 =	simm.s32 $0x4E20;
	[dreg:$0x1b] =	wrdreg s30  }
0x33: {  	s23 =	simm.s32 $0x8A20;
	s9 =	simm.s32 $0x4;
	[dreg:$0x1c] =	wrdreg s4  }
0x34: {  	s24 =	simm.s32 $0x5;
	s25 =	simm.s32 $0x7;
	[dreg:$0x1e] =	wrdreg s5  }
0x35: {  	s26 =	simm.s32 $0x8;
	s2 =	simm.s32 $0x0;
	[dreg:$0x18] =	wrdreg s10  }
.LBB2_4:
0x36: {  	_ =	swait.ge [sflag:s24], $0x1400  }
0x37: {  	[sflag:s24] =	ssyncset.done $0x0  }
0x38: {  	[sflag:s24] =	ssyncadd.s32 $0xFFFFEC00  }
0x39: {  	[spmem:s19] =	stream.indirect.scatter.add.f32 [tilespmem:s12], [sflag:$0xA], $0x80, s0, s13, $0xb8;
	[tilespmem:$0x1F220] =	vst v63  }
0x3a: {  	_ =	swait.ge [sflag:s25], $0x1400  }
0x3b: {  	[sflag:s25] =	ssyncset.done $0x0  }
0x3c: {  	[sflag:s25] =	ssyncadd.s32 $0xFFFFEC00  }
0x3d: {  	_ =	swait.ge [sflag:s26], $0x1400  }
0x3e: {  	[sflag:s26] =	ssyncset.done $0x0  }
0x3f: {  	[sflag:s26] =	ssyncadd.s32 $0xFFFFEC00  }
0x40: {  	_ =	swait.ge [sflag:s28], $0x1400  }
0x41: {  	[sflag:s28] =	ssyncset.done $0x0  }
0x42: {  	[sflag:s28] =	ssyncadd.s32 $0xFFFFEC00  }
0x43: {  	_ =	swait.ge [sflag:s29], $0x1400  }
0x44: {  	[sflag:s29] =	ssyncset.done $0x0  }
0x45: {  	[sflag:s29] =	ssyncadd.s32 $0xFFFFEC00  }
0x46: {  	s5 =	stileid.u32;
	[bflag:$0x0] =	sbarrier.arrive $0xFFFF  }
0x47: {  	s0 =	sshll.u32 s5, $0x6;
	s2 =	rddreg [dreg:$0x1a]  }
0x48: {  	s0 =	sor.u32 $0x1C0B, s0;
	s16 =	rddreg [dreg:$0x4];
	s2 =	sshrl.u32 s2, $0x3  }
0x49: {  	[hbm:s16], [sflag:s0] =	dma.local [spmem:s2], $0x280  }
0x4a: {  	s2 =	rddreg [dreg:$0x1d]  }
0x4b: {  	s16 =	rddreg [dreg:$0x5];
	s2 =	sshrl.u32 s2, $0x3  }
0x4c: {  	[hbm:s16], [sflag:s0] =	dma.local [spmem:s2], $0x280  }
0x4d: {  	s2 =	rddreg [dreg:$0x1f]  }
0x4e: {  	s16 =	rddreg [dreg:$0x6];
	s2 =	sshrl.u32 s2, $0x3  }
0x4f: {  	[hbm:s16], [sflag:s0] =	dma.local [spmem:s2], $0x280  }
0x50: {  	s6 =	sshrl.u32 s6, $0x3;
	s16 =	rddreg [dreg:$0x7]  }
0x51: {  	[hbm:s16], [sflag:s0] =	dma.local [spmem:s6], $0x280  }
0x52: {  	s6 =	smov.u32 s7;
	s7 =	sshrl.u32 s7, $0x3;
	s16 =	rddreg [dreg:$0x8]  }
0x53: {  	[hbm:s16], [sflag:s0] =	dma.local [spmem:s7], $0x280  }
0x54: {  	s7 =	smov.u32 s8;
	s8 =	sshrl.u32 s8, $0x3;
	s16 =	rddreg [dreg:$0x9]  }
0x55: {  	[hbm:s16], [sflag:s0] =	dma.local [spmem:s8], $0x280  }
0x56: {  	s31 =	rddreg [dreg:$0x17]  }
0x57: {  	s16 =	rddreg [dreg:$0xa];
	s5 =	sshrl.u32 s31, $0x3  }
0x58: {  	[hbm:s16], [sflag:s0] =	dma.local [spmem:s5], $0x280  }
0x59: {  	s5 =	smov.u32 s10;
	s10 =	rddreg [dreg:$0x18]  }
0x5a: {  	s16 =	rddreg [dreg:$0xb];
	s8 =	sshrl.u32 s10, $0x3  }
0x5b: {  	[hbm:s16], [sflag:s0] =	dma.local [spmem:s8], $0x280  }
0x5c: {  	s8 =	sshrl.u32 s5, $0x3;
	s16 =	rddreg [dreg:$0xc]  }
0x5d: {  	[hbm:s16], [sflag:s0] =	dma.local [spmem:s8], $0x280  }
0x5e: {  	s3 =	sshrl.u32 s3, $0x3;
	s16 =	rddreg [dreg:$0xd]  }
0x5f: {  	[hbm:s16], [sflag:s0] =	dma.local [spmem:s3], $0x280  }
0x60: {  	s3 =	rddreg [dreg:$0x19]  }
0x61: {  	s16 =	rddreg [dreg:$0xe];
	s5 =	sshrl.u32 s3, $0x3  }
0x62: {  	[hbm:s16], [sflag:s0] =	dma.local [spmem:s5], $0x280  }
0x63: {  	s8 =	sshrl.u32 s30, $0x3;
	s16 =	rddreg [dreg:$0xf]  }
0x64: {  	[hbm:s16], [sflag:s0] =	dma.local [spmem:s8], $0x280  }
0x65: {  	s30 =	rddreg [dreg:$0x1b]  }
0x66: {  	s16 =	rddreg [dreg:$0x10];
	s5 =	sshrl.u32 s30, $0x3  }
0x67: {  	[hbm:s16], [sflag:s0] =	dma.local [spmem:s5], $0x280  }
0x68: {  	s5 =	smov.u32 s4;
	s4 =	rddreg [dreg:$0x1c]  }
0x69: {  	s16 =	rddreg [dreg:$0x11];
	s8 =	sshrl.u32 s4, $0x3  }
0x6a: {  	[hbm:s16], [sflag:s0] =	dma.local [spmem:s8], $0x280  }
0x6b: {  	s5 =	sshrl.u32 s5, $0x3;
	s16 =	rddreg [dreg:$0x12]  }
0x6c: {  	[hbm:s16], [sflag:s0] =	dma.local [spmem:s5], $0x280  }
0x6d: {  	s5 =	rddreg [dreg:$0x1e]  }
0x6e: {  	s16 =	rddreg [dreg:$0x13];
	s8 =	sshrl.u32 s5, $0x3  }
0x6f: {  	[hbm:s16], [sflag:s0] =	dma.local [spmem:s8], $0x280  }
0x70: {  	_ =	swait.ge [sflag:s18], $0x280  }
0x71: {  	[sflag:s18] =	ssyncset.done $0x0  }
0x72: {  	[sflag:s18] =	ssyncadd.s32 $0xFFFFFD80  }
0x73: {  	_ =	swait.ge [sflag:s18], $0x280  }
0x74: {  	[sflag:s18] =	ssyncset.done $0x0  }
0x75: {  	[sflag:s18] =	ssyncadd.s32 $0xFFFFFD80  }
0x76: {  	_ =	swait.ge [sflag:s18], $0x280  }
0x77: {  	[sflag:s18] =	ssyncset.done $0x0  }
0x78: {  	[sflag:s18] =	ssyncadd.s32 $0xFFFFFD80  }
0x79: {  	_ =	swait.ge [sflag:s18], $0x280  }
0x7a: {  	[sflag:s18] =	ssyncset.done $0x0  }
0x7b: {  	[sflag:s18] =	ssyncadd.s32 $0xFFFFFD80  }
0x7c: {  	_ =	swait.ge [sflag:s18], $0x280  }
0x7d: {  	[sflag:s18] =	ssyncset.done $0x0  }
0x7e: {  	[sflag:s18] =	ssyncadd.s32 $0xFFFFFD80  }
0x7f: {  	_ =	swait.ge [sflag:s18], $0x280  }
0x80: {  	[sflag:s18] =	ssyncset.done $0x0  }
0x81: {  	[sflag:s18] =	ssyncadd.s32 $0xFFFFFD80  }
0x82: {  	_ =	swait.ge [sflag:s18], $0x280  }
0x83: {  	[sflag:s18] =	ssyncset.done $0x0  }
0x84: {  	[sflag:s18] =	ssyncadd.s32 $0xFFFFFD80  }
0x85: {  	_ =	swait.ge [sflag:s18], $0x280  }
0x86: {  	[sflag:s18] =	ssyncset.done $0x0  }
0x87: {  	[sflag:s18] =	ssyncadd.s32 $0xFFFFFD80  }
0x88: {  	_ =	swait.ge [sflag:s18], $0x280  }
0x89: {  	[sflag:s18] =	ssyncset.done $0x0  }
0x8a: {  	[sflag:s18] =	ssyncadd.s32 $0xFFFFFD80  }
0x8b: {  	_ =	swait.ge [sflag:s18], $0x280  }
0x8c: {  	[sflag:s18] =	ssyncset.done $0x0  }
0x8d: {  	[sflag:s18] =	ssyncadd.s32 $0xFFFFFD80  }
0x8e: {  	_ =	swait.ge [sflag:s18], $0x280  }
0x8f: {  	[sflag:s18] =	ssyncset.done $0x0  }
0x90: {  	[sflag:s18] =	ssyncadd.s32 $0xFFFFFD80  }
0x91: {  	_ =	swait.ge [sflag:s18], $0x280  }
0x92: {  	[sflag:s18] =	ssyncset.done $0x0  }
0x93: {  	[sflag:s18] =	ssyncadd.s32 $0xFFFFFD80  }
0x94: {  	_ =	swait.ge [sflag:s18], $0x280  }
0x95: {  	[sflag:s18] =	ssyncset.done $0x0  }
0x96: {  	[sflag:s18] =	ssyncadd.s32 $0xFFFFFD80  }
0x97: {  	_ =	swait.ge [sflag:s18], $0x280  }
0x98: {  	[sflag:s18] =	ssyncset.done $0x0  }
0x99: {  	[sflag:s18] =	ssyncadd.s32 $0xFFFFFD80  }
0x9a: {  	_ =	swait.ge [sflag:s18], $0x280  }
0x9b: {  	[sflag:s18] =	ssyncset.done $0x0  }
0x9c: {  	[sflag:s18] =	ssyncadd.s32 $0xFFFFFD80  }
0x9d: {  	_ =	swait.ge [sflag:s18], $0x280  }
0x9e: {  	s8 =	sld [smem:$0x7F7]  }
0x9f: {  	s16 =	sld [smem:$0x7FD];
	_ =	sdelay $0x1  }
0xa0: {  	s2 =	sadd.s32 $0x1, s8  }
0xa1: {  	p0 =	sne.s32 s2, s16  }
.Ltmp1:
0xa2: {  	_ = 	snop;
	(pc) =	sbr.rel @!p0 .LBB2_5-.Ltmp1, $3  }
0xa3: {  	_ =	sdelay $0x1  }
0xa4: {  	[sflag:s18] =	ssyncset.done $0x0  }
0xa5: {  	[sflag:s18] =	ssyncadd.s32 $0xFFFFFD80  }
.LBB2_1:
0xa6: {  	s0 =	simm.s32 $0x0;
	s16 =	rddreg [dreg:$0x15]  }
0xa7: {  	[tilespmem:s0], [sflag:$0xC] =	stream.linear.gather [hbm4b:s16+s0], $0x2710, $0x38;
	[tilespmem:$0x1F220] =	vst v63  }
0xa8: {  	[smem:$0x7F7] =	sst s2;
	s16 =	simm.s32 $0xC  }
0xa9: {  	_ =	swait.ge [sflag:s16], $0x2710  }
0xaa: {  	s8 =	smov.u32 s7;
	s7 =	smov.u32 s6;
	[sflag:s16] =	ssyncset.done $0x0  }
0xab: {  	s6 =	simm.s32 $0x2710;
	s2 =	rddreg [dreg:$0x16];
	[sflag:s16] =	ssyncadd.s32 $0xFFFFD8F0  }
0xac: {  	[tilespmem:s6], [sflag:$0xC] =	stream.linear.gather [hbm4b:s2+s0], $0x2710, $0x38;
	[tilespmem:$0x1F220] =	vst v63  }
0xad: {  	_ =	swait.ge [sflag:s16], $0x2710  }
0xae: {  	[sflag:s16] =	ssyncset.done $0x0  }
0xaf: {  	s6 =	rddreg [dreg:$0x14];
	[sflag:s16] =	ssyncadd.s32 $0xFFFFD8F0  }
0xb0: {  	[tilespmem:s12], [sflag:$0xC] =	stream.linear.gather [hbm4b:s6+s0], $0x1400, $0x38;
	[tilespmem:$0x1F220] =	vst v63  }
0xb1: {  	_ =	swait.ge [sflag:s16], $0x1400  }
0xb2: {  	[sflag:s16] =	ssyncset.done $0x0;
	s2 =	rddreg [dreg:$0x1d]  }
0xb3: {  	[sflag:s16] =	ssyncadd.s32 $0xFFFFEC00;
	s16 =	rddreg [dreg:$0x1a]  }
0xb4: {  	[spmem:s16] =	stream.linear.scatter [tilespmem:s12], [sflag:$0xB], $0x1400, $0x38;
	[tilespmem:$0x1F220] =	vst v63  }
0xb5: {  	s6 =	rddreg [dreg:$0x1f]  }
0xb6: {  	[spmem:s2] =	stream.linear.scatter [tilespmem:s12], [sflag:$0xB], $0x1400, $0x38;
	[tilespmem:$0x1F220] =	vst v63  }
0xb7: {  	s2 =	sld [smem:$0x7F8]  }
0xb8: {  	[spmem:s6] =	stream.linear.scatter [tilespmem:s12], [sflag:$0xB], $0x1400, $0x38;
	[tilespmem:$0x1F220] =	vst v63  }
0xb9: {  	_ = 	snop  }
0xba: {  	[spmem:s2] =	stream.linear.scatter [tilespmem:s12], [sflag:$0xB], $0x1400, $0x38;
	[tilespmem:$0x1F220] =	vst v63  }
0xbb: {  	_ = 	snop  }
0xbc: {  	[spmem:s7] =	stream.linear.scatter [tilespmem:s12], [sflag:$0xB], $0x1400, $0x38;
	[tilespmem:$0x1F220] =	vst v63  }
0xbd: {  	_ = 	snop  }
0xbe: {  	[spmem:s8] =	stream.linear.scatter [tilespmem:s12], [sflag:$0xB], $0x1400, $0x38;
	[tilespmem:$0x1F220] =	vst v63  }
0xbf: {  	_ = 	snop  }
0xc0: {  	[spmem:s31] =	stream.linear.scatter [tilespmem:s12], [sflag:$0xB], $0x1400, $0x38;
	[tilespmem:$0x1F220] =	vst v63  }
0xc1: {  	_ = 	snop  }
0xc2: {  	[spmem:s10] =	stream.linear.scatter [tilespmem:s12], [sflag:$0xB], $0x1400, $0x38;
	[tilespmem:$0x1F220] =	vst v63  }
0xc3: {  	s10 =	sld [smem:$0x7F9];
	_ =	sdelay $0x1  }
0xc4: {  	s16 =	sld [smem:$0x7FA]  }
0xc5: {  	[spmem:s10] =	stream.linear.scatter [tilespmem:s12], [sflag:$0xB], $0x1400, $0x38;
	[tilespmem:$0x1F220] =	vst v63  }
0xc6: {  	_ = 	snop  }
0xc7: {  	[spmem:s16] =	stream.linear.scatter [tilespmem:s12], [sflag:$0xB], $0x1400, $0x38;
	[tilespmem:$0x1F220] =	vst v63  }
0xc8: {  	s6 =	smov.u32 s2;
	s2 =	sld [smem:$0x7FB]  }
0xc9: {  	[spmem:s3] =	stream.linear.scatter [tilespmem:s12], [sflag:$0xB], $0x1400, $0x38;
	[tilespmem:$0x1F220] =	vst v63  }
0xca: {  	_ = 	snop  }
0xcb: {  	[spmem:s2] =	stream.linear.scatter [tilespmem:s12], [sflag:$0xB], $0x1400, $0x38;
	[tilespmem:$0x1F220] =	vst v63  }
0xcc: {  	_ = 	snop  }
0xcd: {  	[spmem:s30] =	stream.linear.scatter [tilespmem:s12], [sflag:$0xB], $0x1400, $0x38;
	[tilespmem:$0x1F220] =	vst v63  }
0xce: {  	_ = 	snop  }
0xcf: {  	[spmem:s4] =	stream.linear.scatter [tilespmem:s12], [sflag:$0xB], $0x1400, $0x38;
	[tilespmem:$0x1F220] =	vst v63  }
0xd0: {  	s4 =	sld [smem:$0x7FC];
	_ =	sdelay $0x2  }
0xd1: {  	[spmem:s4] =	stream.linear.scatter [tilespmem:s12], [sflag:$0xB], $0x1400, $0x38;
	[tilespmem:$0x1F220] =	vst v63  }
0xd2: {  	_ = 	snop  }
0xd3: {  	[spmem:s5] =	stream.linear.scatter [tilespmem:s12], [sflag:$0xB], $0x1400, $0x38;
	[tilespmem:$0x1F220] =	vst v63  }
0xd4: {  	_ = 	snop  }
0xd5: {  	[tilespmem:s14], [sflag:$0x1] =	stream.indirect.gather [hbm4b:s17+s13], $0x80, s0, s13, $0xb8;
	[tilespmem:$0x1F220] =	vst v63  }
0xd6: {  	_ = 	snop  }
0xd7: {  	[tilespmem:s15], [sflag:$0x2] =	stream.indirect.gather [hbm4b:s17+s13], $0x80, s13, s13, $0xb8;
	[tilespmem:$0x1F220] =	vst v63  }
0xd8: {  	_ =	swait.ge [sflag:s18], $0x1400  }
0xd9: {  	[sflag:s18] =	ssyncset.done $0x0  }
0xda: {  	[sflag:s18] =	ssyncadd.s32 $0xFFFFEC00  }
0xdb: {  	_ =	swait.ge [sflag:s18], $0x1400  }
0xdc: {  	[sflag:s18] =	ssyncset.done $0x0  }
0xdd: {  	[sflag:s18] =	ssyncadd.s32 $0xFFFFEC00  }
0xde: {  	_ =	swait.ge [sflag:s18], $0x1400  }
0xdf: {  	[sflag:s18] =	ssyncset.done $0x0  }
0xe0: {  	[sflag:s18] =	ssyncadd.s32 $0xFFFFEC00  }
0xe1: {  	_ =	swait.ge [sflag:s18], $0x1400  }
0xe2: {  	[sflag:s18] =	ssyncset.done $0x0  }
0xe3: {  	[sflag:s18] =	ssyncadd.s32 $0xFFFFEC00  }
0xe4: {  	_ =	swait.ge [sflag:s18], $0x1400  }
0xe5: {  	[sflag:s18] =	ssyncset.done $0x0  }
0xe6: {  	[sflag:s18] =	ssyncadd.s32 $0xFFFFEC00  }
0xe7: {  	_ =	swait.ge [sflag:s18], $0x1400  }
0xe8: {  	[sflag:s18] =	ssyncset.done $0x0  }
0xe9: {  	[sflag:s18] =	ssyncadd.s32 $0xFFFFEC00  }
0xea: {  	_ =	swait.ge [sflag:s18], $0x1400  }
0xeb: {  	[sflag:s18] =	ssyncset.done $0x0  }
0xec: {  	[sflag:s18] =	ssyncadd.s32 $0xFFFFEC00  }
0xed: {  	_ =	swait.ge [sflag:s18], $0x1400  }
0xee: {  	[sflag:s18] =	ssyncset.done $0x0  }
0xef: {  	[sflag:s18] =	ssyncadd.s32 $0xFFFFEC00  }
0xf0: {  	_ =	swait.ge [sflag:s18], $0x1400  }
0xf1: {  	[sflag:s18] =	ssyncset.done $0x0  }
0xf2: {  	[sflag:s18] =	ssyncadd.s32 $0xFFFFEC00  }
0xf3: {  	_ =	swait.ge [sflag:s18], $0x1400  }
0xf4: {  	[sflag:s18] =	ssyncset.done $0x0  }
0xf5: {  	[sflag:s18] =	ssyncadd.s32 $0xFFFFEC00  }
0xf6: {  	_ =	swait.ge [sflag:s18], $0x1400  }
0xf7: {  	[sflag:s18] =	ssyncset.done $0x0  }
0xf8: {  	[sflag:s18] =	ssyncadd.s32 $0xFFFFEC00  }
0xf9: {  	_ =	swait.ge [sflag:s18], $0x1400  }
0xfa: {  	[sflag:s18] =	ssyncset.done $0x0  }
0xfb: {  	[sflag:s18] =	ssyncadd.s32 $0xFFFFEC00  }
0xfc: {  	_ =	swait.ge [sflag:s18], $0x1400  }
0xfd: {  	[sflag:s18] =	ssyncset.done $0x0  }
0xfe: {  	[sflag:s18] =	ssyncadd.s32 $0xFFFFEC00  }
0xff: {  	_ =	swait.ge [sflag:s18], $0x1400  }
0x100: {  	[sflag:s18] =	ssyncset.done $0x0  }
0x101: {  	[sflag:s18] =	ssyncadd.s32 $0xFFFFEC00  }
0x102: {  	_ =	swait.ge [sflag:s18], $0x1400  }
0x103: {  	[sflag:s18] =	ssyncset.done $0x0  }
0x104: {  	[sflag:s18] =	ssyncadd.s32 $0xFFFFEC00  }
0x105: {  	_ =	swait.ge [sflag:s18], $0x1400  }
0x106: {  	[sflag:s18] =	ssyncset.done $0x0  }
0x107: {  	[sflag:s18] =	ssyncadd.s32 $0xFFFFEC00  }
0x108: {  	[bflag:$0x0] =	sbarrier.arrive $0xFFFF  }
0x109: {  	_ =	swait.ge [sflag:s20], $0x1400  }
0x10a: {  	[sflag:s20] =	ssyncset.done $0x0  }
0x10b: {  	s3 =	simm.s32 $0x2710;
	[sflag:s20] =	ssyncadd.s32 $0xFFFFEC00  }
0x10c: {  	[spmem:s19] =	stream.indirect.scatter.add.f32 [tilespmem:s14], [sflag:$0x6], $0x80, s3, s13, $0xb8;
	[tilespmem:$0x1F220] =	vst v63  }
0x10d: {  	s5 =	simm.s32 $0x50  }
0x10e: {  	[tilespmem:s21], [sflag:$0x3] =	stream.indirect.gather [hbm4b:s17+s13], $0x80, s5, s13, $0xb8;
	[tilespmem:$0x1F220] =	vst v63  }
0x10f: {  	_ =	swait.ge [sflag:s22], $0x1400  }
0x110: {  	[sflag:s22] =	ssyncset.done $0x0  }
0x111: {  	s3 =	simm.s32 $0x2738;
	[sflag:s22] =	ssyncadd.s32 $0xFFFFEC00  }
0x112: {  	[spmem:s19] =	stream.indirect.scatter.add.f32 [tilespmem:s15], [sflag:$0x7], $0x80, s3, s13, $0xb8;
	[tilespmem:$0x1F220] =	vst v63  }
0x113: {  	s5 =	simm.s32 $0x78  }
0x114: {  	[tilespmem:s23], [sflag:$0x4] =	stream.indirect.gather [hbm4b:s17+s13], $0x80, s5, s13, $0xb8;
	[tilespmem:$0x1F220] =	vst v63  }
0x115: {  	_ =	swait.ge [sflag:s11], $0x1400  }
0x116: {  	[sflag:s11] =	ssyncset.done $0x0  }
0x117: {  	s3 =	simm.s32 $0x2760;
	[sflag:s11] =	ssyncadd.s32 $0xFFFFEC00  }
0x118: {  	[spmem:s19] =	stream.indirect.scatter.add.f32 [tilespmem:s21], [sflag:$0x8], $0x80, s3, s13, $0xb8;
	[tilespmem:$0x1F220] =	vst v63  }
0x119: {  	s5 =	simm.s32 $0xA0  }
0x11a: {  	[tilespmem:s12], [sflag:$0x5] =	stream.indirect.gather [hbm4b:s17+s13], $0x80, s5, s13, $0xb8;
	[tilespmem:$0x1F220] =	vst v63  }
0x11b: {  	_ =	swait.ge [sflag:s9], $0x1400  }
0x11c: {  	[sflag:s9] =	ssyncset.done $0x0  }
0x11d: {  	s3 =	simm.s32 $0x2788;
	[sflag:s9] =	ssyncadd.s32 $0xFFFFEC00  }
0x11e: {  	[spmem:s19] =	stream.indirect.scatter.add.f32 [tilespmem:s23], [sflag:$0x9], $0x80, s3, s13, $0xb8;
	[tilespmem:$0x1F220] =	vst v63  }
0x11f: {  	_ =	swait.ge [sflag:s1], $0x1400  }
0x120: {  	[sflag:s1] =	ssyncset.done $0x0  }
0x121: {  	s5 =	simm.s32 $0xC8;
	[sflag:s1] =	ssyncadd.s32 $0xFFFFEC00  }
0x122: {  	[tilespmem:s14], [sflag:$0x1] =	stream.indirect.gather [hbm4b:s17+s13], $0x80, s5, s13, $0xb8;
	[tilespmem:$0x1F220] =	vst v63  }
0x123: {  	_ =	swait.ge [sflag:s24], $0x1400  }
0x124: {  	[sflag:s24] =	ssyncset.done $0x0  }
0x125: {  	s3 =	simm.s32 $0x27B0;
	[sflag:s24] =	ssyncadd.s32 $0xFFFFEC00  }
0x126: {  	[spmem:s19] =	stream.indirect.scatter.add.f32 [tilespmem:s12], [sflag:$0xA], $0x80, s3, s13, $0xb8;
	[tilespmem:$0x1F220] =	vst v63  }
0x127: {  	_ =	swait.ge [sflag:s25], $0x1400  }
0x128: {  	s31 =	simm.s32 $0x0;
	s30 =	smov.u32 s2;
	[sflag:s25] =	ssyncset.done $0x0  }
0x129: {  	s5 =	simm.s32 $0xF0;
	s3 =	smov.u32 s16;
	[sflag:s25] =	ssyncadd.s32 $0xFFFFEC00  }
0x12a: {  	[tilespmem:s15], [sflag:$0x2] =	stream.indirect.gather [hbm4b:s17+s13], $0x80, s5, s13, $0xb8;
	[tilespmem:$0x1F220] =	vst v63  }
.LBB2_2:
0x12b: {  	_ =	swait.ge [sflag:s20], $0x1400  }
0x12c: {  	s16 =	sshra.s32 s31, $0x2;
	[sflag:s20] =	ssyncset.done $0x0  }
0x12d: {  	s0 =	sadd.s32 $0x27D8, s16;
	[sflag:s20] =	ssyncadd.s32 $0xFFFFEC00  }
0x12e: {  	[spmem:s19] =	stream.indirect.scatter.add.f32 [tilespmem:s14], [sflag:$0x6], $0x80, s0, s13, $0xb8;
	[tilespmem:$0x1F220] =	vst v63  }
0x12f: {  	_ =	swait.ge [sflag:s26], $0x1400  }
0x130: {  	[sflag:s26] =	ssyncset.done $0x0  }
0x131: {  	s2 =	sadd.s32 $0x118, s16;
	[sflag:s26] =	ssyncadd.s32 $0xFFFFEC00  }
0x132: {  	[tilespmem:s21], [sflag:$0x3] =	stream.indirect.gather [hbm4b:s17+s13], $0x80, s2, s13, $0xb8;
	[tilespmem:$0x1F220] =	vst v63  }
0x133: {  	_ =	swait.ge [sflag:s22], $0x1400  }
0x134: {  	[sflag:s22] =	ssyncset.done $0x0  }
0x135: {  	s5 =	sadd.s32 $0x2800, s16;
	[sflag:s22] =	ssyncadd.s32 $0xFFFFEC00  }
0x136: {  	[spmem:s19] =	stream.indirect.scatter.add.f32 [tilespmem:s15], [sflag:$0x7], $0x80, s5, s13, $0xb8;
	[tilespmem:$0x1F220] =	vst v63  }
0x137: {  	_ =	swait.ge [sflag:s28], $0x1400  }
0x138: {  	[sflag:s28] =	ssyncset.done $0x0  }
0x139: {  	s2 =	sadd.s32 $0x140, s16;
	[sflag:s28] =	ssyncadd.s32 $0xFFFFEC00  }
0x13a: {  	[tilespmem:s23], [sflag:$0x4] =	stream.indirect.gather [hbm4b:s17+s13], $0x80, s2, s13, $0xb8;
	[tilespmem:$0x1F220] =	vst v63  }
0x13b: {  	_ =	swait.ge [sflag:s11], $0x1400  }
0x13c: {  	[sflag:s11] =	ssyncset.done $0x0  }
0x13d: {  	s5 =	sadd.s32 $0x2828, s16;
	[sflag:s11] =	ssyncadd.s32 $0xFFFFEC00  }
0x13e: {  	[spmem:s19] =	stream.indirect.scatter.add.f32 [tilespmem:s21], [sflag:$0x8], $0x80, s5, s13, $0xb8;
	[tilespmem:$0x1F220] =	vst v63  }
0x13f: {  	_ =	swait.ge [sflag:s29], $0x1400  }
0x140: {  	[sflag:s29] =	ssyncset.done $0x0  }
0x141: {  	s2 =	sadd.s32 $0x168, s16;
	[sflag:s29] =	ssyncadd.s32 $0xFFFFEC00  }
0x142: {  	[tilespmem:s12], [sflag:$0x5] =	stream.indirect.gather [hbm4b:s17+s13], $0x80, s2, s13, $0xb8;
	[tilespmem:$0x1F220] =	vst v63  }
0x143: {  	_ =	swait.ge [sflag:s9], $0x1400  }
0x144: {  	p0 =	seq.s32 s31, $0x9600;
	[sflag:s9] =	ssyncset.done $0x0  }
.Ltmp2:
0x145: {  	s5 =	sadd.s32 $0x2850, s16;
	[sflag:s9] =	ssyncadd.s32 $0xFFFFEC00;
	(pc) =	sbr.rel @p0 .LBB2_4-.Ltmp2, $4  }
0x146: {  	[spmem:s19] =	stream.indirect.scatter.add.f32 [tilespmem:s23], [sflag:$0x9], $0x80, s5, s13, $0xb8;
	[tilespmem:$0x1F220] =	vst v63  }
0x147: {  	_ =	swait.ge [sflag:s1], $0x1400  }
0x148: {  	[sflag:s1] =	ssyncset.done $0x0  }
0x149: {  	s0 =	sadd.s32 $0x2878, s16;
	[sflag:s1] =	ssyncadd.s32 $0xFFFFEC00  }
0x14a: {  	s2 =	sadd.s32 $0x190, s16  }
0x14b: {  	[tilespmem:s14], [sflag:$0x1] =	stream.indirect.gather [hbm4b:s17+s13], $0x80, s2, s13, $0xb8;
	[tilespmem:$0x1F220] =	vst v63  }
0x14c: {  	_ =	swait.ge [sflag:s24], $0x1400  }
0x14d: {  	[sflag:s24] =	ssyncset.done $0x0  }
0x14e: {  	[sflag:s24] =	ssyncadd.s32 $0xFFFFEC00  }
0x14f: {  	[spmem:s19] =	stream.indirect.scatter.add.f32 [tilespmem:s12], [sflag:$0xA], $0x80, s0, s13, $0xb8;
	[tilespmem:$0x1F220] =	vst v63  }
.Ltmp3:
0x150: {  	_ = 	snop;
	(pc) =	sbr.rel .LBB2_2-.Ltmp3, $4  }
0x151: {  	_ =	swait.ge [sflag:s25], $0x1400  }
0x152: {  	[sflag:s25] =	ssyncset.done $0x0  }
0x153: {  	s16 =	sadd.s32 $0x1B8, s16;
	s31 =	sadd.s32 $0x320, s31;
	[sflag:s25] =	ssyncadd.s32 $0xFFFFEC00  }
0x154: {  	[tilespmem:s15], [sflag:$0x2] =	stream.indirect.gather [hbm4b:s17+s13], $0x80, s16, s13, $0xb8;
	[tilespmem:$0x1F220] =	vst v63  }
.LBB2_5:
0x155: {  	_ =	sfence.sel $0x180000  }
0x156: {  	[bflag:$0x0] =	sbarrier.arrive $0xFFFF  }
0x157: {  	_ =	strace $0x9000004A  }
0x158: {  	s0 =	stileid.u32;
	[bflag:$0x2] =	sbarrier.arrive $0xFFFF  }
0x159: {  	p0 =	sne.s32 s0, $0x0;
	s0 =	rddreg [dreg:$0x3]  }
0x15a: {  	s0 =	sadd.s32 @!p0 $0x100000, s0  }
0x15b: {  	[sflag:s0] =	ssyncadd.tile.s32 @!p0 $0x1;
	_ =	shalt  }
.Lfunc_end2:
_tile_overlayer_lowered:
.L_overlay_start_2:
0x15c: {  	(tag) =	ssettag $0x2  }
0x15d: {  	s0 =	rddreg [dreg:$0x0];
	s2 =	stileid.u32  }
0x15e: {  	s1 =	rddreg [dreg:$0x1];
	p0 =	sne.s32 s2, $0x0  }
0x15f: {  	s3 =	rddreg [dreg:$0x2];
	[bflag:$0x3] =	sbarrier.arrive $0xFFFF;
	s2 =	simm.s32 @!p0 $0x1C0C  }
0x160: {  	[timem:s3], [sflag:s2] =	dma.local @!p0 [hbm:s0], s1  }
0x161: {  	s0 =	simm.s32 @!p0 $0xC  }
0x162: {  	_ =	swait.ge @!p0 [sflag:s0], s1  }
0x163: {  	s1 =	ssub.s32 @!p0 $0x0, s1;
	[sflag:s0] =	ssyncset.done @!p0 $0x0  }
0x164: {  	[sflag:s0] =	ssyncadd.s32 @!p0 s1  }
0x165: {  	[bflag:$0x3] =	sbarrier.arrive $0xFFFF  }
0x166: {  	_ =	shalt  }

// kernel: kernel.14.cloned.1.call-start
scs
__scs_entry_jumppad:
0x0: {  	(pc) =	sbr.rel $0x88, $3  }
0x1: {  	(tag) =	ssettag $0x0;
	lr =	simm.s32 $0x1  }
0x2: {  	[smem:$0x3F9B] =	sst lr;
	_ =	strace $0xD0000000  }
0x3: {  	_ = 	snop  }
0x4: {  	_ = 	snop  }
0x5: {  	_ = 	snop  }
0x6: {  	_ = 	snop  }
0x7: {  	_ = 	snop  }
__scs_overlays_trampoline_lowered:
0x8: {  	[smem:$0x3FAA] =	sst s0  }
0x9: {  	[smem:$0x3FAB] =	sst s1  }
0xa: {  	[smem:$0x3FAC] =	sst s2  }
0xb: {  	[smem:$0x3FAD] =	sst s3  }
0xc: {  	[smem:$0x3FAE] =	sst s4  }
0xd: {  	[smem:$0x3FAF] =	sst s5  }
0xe: {  	[smem:$0x3FB0] =	sst s6  }
0xf: {  	[smem:$0x3FB1] =	sst s7  }
0x10: {  	[smem:$0x3FB2] =	sst s8  }
0x11: {  	[smem:$0x3FB3] =	sst s9;
	s0 =	simm.s32 @!p0 $0x0  }
0x12: {  	s1 =	sld [smem:$0x3F99];
	s0 =	simm.s32 @p0 $0x1  }
0x13: {  	[smem:$0x3FB4] =	sst s0;
	s0 =	simm.s32 @!p1 $0x0  }
0x14: {  	s2 =	sld [smem:$0x3F98];
	s0 =	simm.s32 @p1 $0x1  }
0x15: {  	[smem:$0x3FB5] =	sst s0;
	s0 =	simm.s32 @!p2 $0x0  }
0x16: {  	s3 =	sld [smem:$0x3FDB];
	s0 =	simm.s32 @p2 $0x1  }
0x17: {  	s4 =	simm.s32 $0x1BF5;
	[smem:$0x3FB7] =	sst s0  }
0x18: {  	s0 =	sld [smem:$0x3F9A];
	_ =	swait.ge [sflag:s4], $0x0  }
0x19: {  	s7 =	sld [smem:$0x3F9B]  }
0x1a: {  	s8 =	sadd.s32 $0xFFFFE003, lr  }
0x1b: {  	s9 =	sadd.s32 $0xFFFFFEF7, lr;
	s5 =	simm.s32 $0xFFFFFFFF;
	p2 =	slt.u32 s8, $0xFFFFF086  }
0x1c: {  	p1 =	slt.u32 s9, $0xF7A;
	s5 =	simm.s32 @!p2 $0x0  }
0x1d: {  	s5 =	simm.s32 @p1 $0x1;
	p0 =	seq.s32 s7, s2  }
0x1e: {  	s7 =	smul.u32 @!p0 $0xF7A, s2;
	p2 =	seq.s32 @!p0 s5, $0x0  }
0x1f: {  	s9 =	smul.u32 $0xF7A, s1;
	s8 =	simm.s32 @!p0 $0x1BF5;
	p2 =	por !p2, p0  }
0x20: {  	[sflag:s8] =	ssyncset.s32 @!p0 $0xFFFFF086;
	s6 =	sadd.s32 @!p0 s3, s7;
	s7 =	simm.s32 @!p0 $0x108  }
0x21: {  	s3 =	sadd.s32 s3, s9;
	s6 =	sadd.s32 @!p0 $0x88, s6;
	s7 =	simm.s32 @p2 $0x1082  }
0x22: {  	[simem:s7], [sflag:s8] =	dma.local @!p0 [hbm:s6], $0xF7A  }
0x23: {  	s9 =	sor.u32 $0xD0000000, s2;
	s6 =	simm.s32 $0x108;
	_ =	swait.ge @!p0 [sflag:s8], $0x0  }
0x24: {  	s3 =	sadd.s32 $0x88, s3;
	s6 =	simm.s32 @!p1 $0x1082;
	[sflag:s4] =	ssyncset.s32 $0xFFFFF086  }
0x25: {  	[simem:s6], [sflag:s4] =	dma.local [hbm:s3], $0xF7A  }
0x26: {  	[smem:$0x3F9B] =	sst s1;
	(tag) =	ssettag s2;
	_ =	strace s9  }
0x27: {  	s1 =	sld [smem:$0x3FAB]  }
0x28: {  	s2 =	sld [smem:$0x3FAC]  }
0x29: {  	s4 =	sld [smem:$0x3FAE]  }
0x2a: {  	p0 =	seq.s32 s5, $0x0;
	s5 =	sld [smem:$0x3FAF]  }
0x2b: {  	s6 =	sld [smem:$0x3FB0]  }
0x2c: {  	s7 =	sld [smem:$0x3FB1]  }
0x2d: {  	s3 =	simm.s32 $0x108;
	s8 =	sld [smem:$0x3FB2]  }
0x2e: {  	s3 =	simm.s32 @!p0 $0x1082;
	s9 =	sld [smem:$0x3FB3]  }
0x2f: {  	lr =	sadd.s32 s0, s3;
	s0 =	sld [smem:$0x3FAA]  }
0x30: {  	s3 =	sld [smem:$0x3FAD]  }
0x31: {  	[smem:$0x3FB6] =	sst s10  }
0x32: {  	s10 =	sld [smem:$0x3FB4];
	_ =	sdelay $0x3  }
0x33: {  	p0 =	seq.s32 s10, $0x1;
	s10 =	sld [smem:$0x3FB6];
	_ =	sdelay $0x3  }
0x34: {  	[smem:$0x3FB6] =	sst s10  }
0x35: {  	s10 =	sld [smem:$0x3FB5];
	_ =	sdelay $0x3  }
0x36: {  	p1 =	seq.s32 s10, $0x1;
	s10 =	sld [smem:$0x3FB6];
	_ =	sdelay $0x3  }
0x37: {  	[smem:$0x3FB6] =	sst s10  }
0x38: {  	s10 =	sld [smem:$0x3FB7]  }
0x39: {  	_ = 	snop;
	(pc) =	sbr.ind lr, $3  }
0x3a: {  	_ = 	snop  }
0x3b: {  	_ = 	snop  }
0x3c: {  	p2 =	seq.s32 s10, $0x1;
	s10 =	sld [smem:$0x3FB6]  }
0x3d: {  	_ =	shalt  }
0x3e: {  	_ =	shalt  }
0x3f: {  	_ =	shalt  }
0x40: {  	_ =	shalt  }
0x41: {  	_ =	shalt  }
0x42: {  	_ =	shalt  }
0x43: {  	_ =	shalt  }
0x44: {  	_ =	shalt  }
0x45: {  	_ =	shalt  }
0x46: {  	_ =	shalt  }
0x47: {  	_ =	shalt  }
0x48: {  	_ =	shalt  }
0x49: {  	_ =	shalt  }
0x4a: {  	_ =	shalt  }
0x4b: {  	_ =	shalt  }
0x4c: {  	_ =	shalt  }
0x4d: {  	_ =	shalt  }
0x4e: {  	_ =	shalt  }
0x4f: {  	_ =	shalt  }
0x50: {  	_ =	shalt  }
0x51: {  	_ =	shalt  }
0x52: {  	_ =	shalt  }
0x53: {  	_ =	shalt  }
0x54: {  	_ =	shalt  }
0x55: {  	_ =	shalt  }
0x56: {  	_ =	shalt  }
0x57: {  	_ =	shalt  }
0x58: {  	_ =	shalt  }
0x59: {  	_ =	shalt  }
0x5a: {  	_ =	shalt  }
0x5b: {  	_ =	shalt  }
0x5c: {  	_ =	shalt  }
0x5d: {  	_ =	shalt  }
0x5e: {  	_ =	shalt  }
0x5f: {  	_ =	shalt  }
0x60: {  	_ =	shalt  }
0x61: {  	_ =	shalt  }
0x62: {  	_ =	shalt  }
0x63: {  	_ =	shalt  }
0x64: {  	_ =	shalt  }
0x65: {  	_ =	shalt  }
0x66: {  	_ =	shalt  }
0x67: {  	_ =	shalt  }
0x68: {  	_ =	shalt  }
0x69: {  	_ =	shalt  }
0x6a: {  	_ =	shalt  }
0x6b: {  	_ =	shalt  }
0x6c: {  	_ =	shalt  }
0x6d: {  	_ =	shalt  }
0x6e: {  	_ =	shalt  }
0x6f: {  	_ =	shalt  }
0x70: {  	_ =	shalt  }
0x71: {  	_ =	shalt  }
0x72: {  	_ =	shalt  }
0x73: {  	_ =	shalt  }
0x74: {  	_ =	shalt  }
0x75: {  	_ =	shalt  }
0x76: {  	_ =	shalt  }
0x77: {  	_ =	shalt  }
0x78: {  	_ =	shalt  }
0x79: {  	_ =	shalt  }
0x7a: {  	_ =	shalt  }
0x7b: {  	_ =	shalt  }
0x7c: {  	_ =	shalt  }
0x7d: {  	_ =	shalt  }
0x7e: {  	_ =	shalt  }
0x7f: {  	_ =	shalt  }
0x80: {  	_ =	shalt  }
0x81: {  	_ =	shalt  }
0x82: {  	_ =	shalt  }
0x83: {  	_ =	shalt  }
0x84: {  	_ =	shalt  }
0x85: {  	_ =	shalt  }
0x86: {  	_ =	shalt  }
0x87: {  	_ =	shalt  }
.Lfunc_end0:
.L_simem_size_0:
called_computation.2_lowered:
.L_overlay_start_0:
0x88: {  	s2 =	sld [smem:$0x3FD9]  }
0x89: {  	s3 =	sld [smem:$0x3FFE];
	_ =	sdelay $0x1  }
0x8a: {  	s1 =	srdreg.scid  }
0x8b: {  	s0 =	sand.u32 $0x1, s1  }
0x8c: {  	s17 =	sshll.u32 s0, $0xA;
	s2 =	sadd.s32 s3, s2  }
0x8d: {  	s2 =	sadd.s32 s2, s17  }
0x8e: {  	[smem:$0x3FC2] =	sst s2  }
0x8f: {  	_ = 	snop  }
0x90: {  	s2 =	sld [smem:$0x3FD0];
	(tm) =	ssettm $0x1  }
0x91: {  	s18 =	sld [smem:$0x3FFB];
	_ =	sdelay $0x3  }
0x92: {  	_ =	strace s18  }
0x93: {  	s3 =	sld [smem:$0x3FFC];
	_ =	sdelay $0x3  }
0x94: {  	_ =	strace s3  }
0x95: {  	s3 =	sld [smem:$0x3FFD];
	_ =	sdelay $0x3  }
0x96: {  	_ =	strace s3  }
0x97: {  	_ =	strace $0x8FFFFFFF  }
0x98: {  	s19 =	sld [smem:$0x3FDB];
	_ =	sdelay $0x1  }
0x99: {  	s4 =	simm.s32 $_scs_section_size  }
0x9a: {  	s5 =	simm.s32 $_size__tile_overlayer_lowered;
	s6 =	simm.s32 $_tile_overlayer_lowered  }
0x9b: {  	s22 =	simm.s32 $0x1BFF;
	s21 =	sshll.u32 s6, $0x1;
	s3 =	sadd.s32 s4, s19  }
0x9c: {  	s7 =	simm.s32 $0x0;
	s20 =	sshll.u32 s5, $0x1;
	s5 =	sadd.s32 s21, s3  }
0x9d: {  	[timem:s7], [sflag:s22] =	dma.local [hbm:s5], s20  }
0x9e: {  	_ =	swait.ge [sflag:s22], s20  }
0x9f: {  	s4 =	ssub.s32 $0x0, s20;
	[sflag:s22] =	ssyncset.done $0x0  }
0xa0: {  	[sflag:s22] =	ssyncadd.s32 s4;
	_ =	sdelay $0x1  }
0xa1: {  	s23 =	simm.s32 $0x1B8B  }
0xa2: {  	_ =	swait.ge [sflag:s23], $0x1  }
0xa3: {  	[sflag:s23] =	ssyncset.done $0x0  }
0xa4: {  	s25 =	simm.s32 $0x1B8E;
	s24 =	sld [smem:$0x3FFE];
	[sflag:s23] =	ssyncadd.s32 $0xFFFFFFFF  }
0xa5: {  	s26 =	simm.s32 $execute0_lowered;
	[smem:$0x3FD2] =	sst s25  }
0xa6: {  	s5 =	sshll.u32 s26, $0x1;
	_ =	strace $0x8000004C;
	[dreg:$0x1] =	wrdreg $0xFFFFFFFF  }
0xa7: {  	s28 =	simm.s32 $_size_execute0_lowered;
	s3 =	sadd.s32 s3, s5;
	[dreg:$0x0] =	wrdreg $0x0  }
0xa8: {  	s5 =	sshll.u32 s28, $0x1;
	[dreg:$0x2] =	wrdreg s3  }
0xa9: {  	[dreg:$0x3] =	wrdreg s5  }
0xaa: {  	[dreg:$0x4] =	wrdreg $0xC0  }
0xab: {  	_ =	task [dreg:s7], $0x5FFFF  }
0xac: {  	[dreg:$0x1] =	wrdreg $0xFFFFFFFF  }
0xad: {  	[dreg:$0x0] =	wrdreg $0x60  }
0xae: {  	[dreg:$0x2] =	wrdreg s2  }
0xaf: {  	[dreg:$0x3] =	wrdreg s24  }
0xb0: {  	[dreg:$0x4] =	wrdreg $0xB2200  }
0xb1: {  	[dreg:$0x5] =	wrdreg $0x9  }
0xb2: {  	_ =	task.clear_ibuf [dreg:s7], $0x6FFFF;
	_ =	strace $0x9000004C  }
0xb3: {  	s29 =	simm.s32 $0x9;
	_ =	strace $0x8000004E  }
0xb4: {  	_ =	swait.ge [sflag:s29], $0x1  }
0xb5: {  	[sflag:s29] =	ssyncadd.s32 $0xFFFFFFFF  }
0xb6: {  	_ =	strace $0x9000004E  }
0xb7: {  	_ =	sfence  }
0xb8: {  	s30 =	sld [smem:$0x0];
	_ =	sdelay $0x2  }
0xb9: {  	s31 =	sshll.u32 s1, $0xD;
	s1 =	sshrl.u32 s1, $0x2  }
0xba: {  	s3 =	sand.u32 $0x4000, s31;
	s1 =	sadd.s32 s1, s30  }
0xbb: {  	s0 =	sor.u32 s3, s0;
	s1 =	sshll.u32 s1, $0x11  }
0xbc: {  	s0 =	sor.u32 s1, s0  }
0xbd: {  	s0 =	sadd.s32 $0x8F2B, s0  }
0xbe: {  	[sflag:s0] =	ssyncadd.remote.s32 $0x1  }
0xbf: {  	_ =	sfence.sel $0xFFFF  }
0xc0: {  	[dreg:$0x0] =	wrdreg $0xFFFFFFFF;
	(pc) =	sbr.abs _section_cstart, $3  }
0xc1: {  	[dreg:$0x1] =	wrdreg $0xFFFFFFFF  }
0xc2: {  	_ =	task.clear_ibuf [dreg:s7], $0x2FFFF;
	_ =	strace $0x9FFFFFFF  }
0xc3: {  	(tm) =	ssettm $0x7FFFFFFF  }
tec
execute0_lowered:
.L_overlay_start_1:
0x0: {  	(tag) =	ssettag $0x1  }
0x1: {  	s1 =	srdreg.scid  }
0x2: {  	s0 =	rddreg [dreg:$0x1];
	s2 =	simm.s32 $0x0;
	s14 =	stileid.u32  }
0x3: {  	s7 =	sand.u32 $0x1, s1;
	[smem:$0x7FF] =	sst s2;
	s2 =	smul.u32 $0x14000, s14  }
0x4: {  	s13 =	sadd.s32 $0x16800, s0;
	s1 =	sshll.u32 s7, $0x4;
	s3 =	ssub.s32 $0x2, s7  }
0x5: {  	s1 =	sor.u32 s14, s1;
	s15 =	sshrl.u32 s3, $0x1;
	s4 =	sor.u32 $0x2800, s2  }
0x6: {  	s5 =	sor.u32 $0x3C00, s2;
	s6 =	sadd.s32 $0x5000, s2;
	s14 =	smul.u32 $0x140000, s7  }
0x7: {  	s7 =	sadd.s32 $0x6400, s2;
	s8 =	sadd.s32 $0x7800, s2;
	s9 =	sadd.s32 $0x8C00, s2  }
0x8: {  	s23 =	sadd.s32 $0xA000, s2;
	s11 =	sadd.s32 $0xB400, s2;
	s12 =	smul.u32 $0x2710, s1  }
0x9: {  	s1 =	ssub.s32 s3, s15;
	s3 =	sor.u32 $0x1400, s2;
	s15 =	sadd.s32 s2, s14  }
0xa: {  	s16 =	sadd.s32 s14, s3;
	s17 =	sadd.s32 s14, s4;
	s18 =	sadd.s32 s14, s5  }
0xb: {  	s22 =	sadd.s32 s14, s7;
	s24 =	sadd.s32 s14, s8;
	s25 =	sadd.s32 s14, s9  }
0xc: {  	s15 =	sshrl.u32 s15, $0x3;
	s16 =	sshrl.u32 s16, $0x3;
	s19 =	sshrl.u32 s18, $0x3  }
0xd: {  	s26 =	sshrl.u32 s24, $0x3;
	s10 =	sshrl.u32 s25, $0x3;
	s15 =	sadd.s32 s13, s15  }
0xe: {  	s16 =	sadd.s32 s13, s16;
	[dreg:$0x4] =	wrdreg s15;
	s15 =	sshrl.u32 s17, $0x3  }
0xf: {  	[dreg:$0x5] =	wrdreg s16;
	s17 =	sadd.s32 s14, s6;
	s15 =	sadd.s32 s13, s15  }
0x10: {  	s20 =	sshrl.u32 s17, $0x3;
	s17 =	sadd.s32 s13, s10;
	[dreg:$0x6] =	wrdreg s15  }
0x11: {  	s18 =	sadd.s32 s14, s23;
	s15 =	sadd.s32 s13, s19;
	[dreg:$0xb] =	wrdreg s17  }
0x12: {  	s21 =	sadd.s32 s13, s20;
	[dreg:$0x7] =	wrdreg s15;
	s15 =	sshrl.u32 s22, $0x3  }
0x13: {  	s16 =	sadd.s32 $0xC800, s2;
	[dreg:$0x8] =	wrdreg s21;
	s15 =	sadd.s32 s13, s15  }
0x14: {  	s19 =	sadd.s32 s14, s11;
	[dreg:$0x9] =	wrdreg s15;
	s15 =	sadd.s32 s13, s26  }
0x15: {  	s21 =	sadd.s32 s14, s16;
	[dreg:$0xa] =	wrdreg s15;
	s15 =	sshrl.u32 s18, $0x3  }
0x16: {  	s20 =	sshrl.u32 s19, $0x3;
	s22 =	sshrl.u32 s21, $0x3;
	s15 =	sadd.s32 s13, s15  }
0x17: {  	s21 =	sadd.s32 $0x11800, s2;
	[dreg:$0xc] =	wrdreg s15;
	s15 =	sadd.s32 s13, s20  }
0x18: {  	s18 =	sadd.s32 $0xDC00, s2;
	[dreg:$0xd] =	wrdreg s15;
	s15 =	sadd.s32 s13, s22  }
0x19: {  	s24 =	sadd.s32 s14, s18;
	[dreg:$0xe] =	wrdreg s15;
	s15 =	sadd.s32 $0xF000, s2  }
0x1a: {  	s17 =	sshrl.u32 s24, $0x3;
	s20 =	sadd.s32 $0x10400, s2;
	s19 =	sadd.s32 s14, s15  }
0x1b: {  	s17 =	sadd.s32 s13, s17;
	s26 =	sadd.s32 s14, s20;
	s25 =	sshrl.u32 s19, $0x3  }
0x1c: {  	[dreg:$0xf] =	wrdreg s17;
	s10 =	sshrl.u32 s26, $0x3;
	s17 =	sadd.s32 s13, s25  }
0x1d: {  	s19 =	sadd.s32 s14, s21;
	[dreg:$0x10] =	wrdreg s17;
	s17 =	sadd.s32 s13, s10  }
0x1e: {  	s22 =	sadd.s32 $0x12C00, s2;
	s24 =	sshrl.u32 s19, $0x3;
	[dreg:$0x11] =	wrdreg s17  }
0x1f: {  	s14 =	sadd.s32 s14, s22;
	s19 =	sadd.s32 s13, s24;
	s17 =	rddreg [dreg:$0x0]  }
0x20: {  	s14 =	sshrl.u32 s14, $0x3;
	[dreg:$0x12] =	wrdreg s19  }
0x21: {  	s12 =	sshrl.u32 s12, $0x3;
	s13 =	sadd.s32 s13, s14;
	s19 =	rddreg [dreg:$0x2]  }
0x22: {  	s12 =	sadd.s32 s12, s0;
	s0 =	sadd.s32 $0x16400, s0;
	[dreg:$0x13] =	wrdreg s13  }
0x23: {  	s25 =	sadd.s32 $0x2A00, s12;
	_ =	strace $0x8000004D;
	[dreg:$0x14] =	wrdreg s0  }
0x24: {  	s28 =	simm.s32 $0x9;
	s26 =	sadd.s32 $0xC640, s12;
	[dreg:$0x15] =	wrdreg s25  }
0x25: {  	s29 =	simm.s32 $0xA;
	[dreg:$0x16] =	wrdreg s26;
	s2 =	sadd.s32 s2, s19  }
0x26: {  	s10 =	sadd.s32 s3, s19;
	s12 =	sadd.s32 s4, s19;
	s13 =	sadd.s32 s5, s19  }
0x27: {  	s6 =	sadd.s32 s6, s19;
	s7 =	sadd.s32 s7, s19;
	[dreg:$0x1a] =	wrdreg s2  }
0x28: {  	s31 =	sadd.s32 s8, s19;
	s14 =	sadd.s32 s23, s19;
	[dreg:$0x1d] =	wrdreg s10  }
0x29: {  	s23 =	sadd.s32 s11, s19;
	s3 =	sadd.s32 s16, s19;
	[dreg:$0x1f] =	wrdreg s12  }
0x2a: {  	s24 =	sadd.s32 s18, s19;
	s30 =	sadd.s32 s15, s19;
	[smem:$0x7F8] =	sst s13  }
0x2b: {  	s4 =	sadd.s32 s20, s19;
	s25 =	sadd.s32 s21, s19;
	[smem:$0x7F9] =	sst s14  }
0x2c: {  	s5 =	sadd.s32 s22, s19;
	s26 =	smax.u32 s1, $0x1;
	[smem:$0x7FA] =	sst s23  }
0x2d: {  	s15 =	simm.s32 $0x6220;
	s18 =	simm.s32 $0xB;
	[smem:$0x7FB] =	sst s24  }
0x2e: {  	s20 =	simm.s32 $0x1;
	s21 =	simm.s32 $0x7620;
	[smem:$0x7FC] =	sst s25  }
0x2f: {  	s22 =	simm.s32 $0x2;
	s11 =	simm.s32 $0x3;
	[smem:$0x7FD] =	sst s26  }
0x30: {  	s1 =	simm.s32 $0x6;
	s10 =	sadd.s32 s9, s19;
	[dreg:$0x17] =	wrdreg s31  }
.Ltmp0:
0x31: {  	s12 =	simm.s32 $0x9E20;
	[dreg:$0x19] =	wrdreg s3;
	(pc) =	sbr.rel .LBB2_1-.Ltmp0, $4  }
0x32: {  	s13 =	simm.s32 $0x28;
	s14 =	simm.s32 $0x4E20;
	[dreg:$0x1b] =	wrdreg s30  }
0x33: {  	s23 =	simm.s32 $0x8A20;
	s9 =	simm.s32 $0x4;
	[dreg:$0x1c] =	wrdreg s4  }
0x34: {  	s24 =	simm.s32 $0x5;
	s25 =	simm.s32 $0x7;
	[dreg:$0x1e] =	wrdreg s5  }
0x35: {  	s26 =	simm.s32 $0x8;
	s2 =	simm.s32 $0x0;
	[dreg:$0x18] =	wrdreg s10  }
.LBB2_4:
0x36: {  	_ =	swait.ge [sflag:s24], $0x1400  }
0x37: {  	[sflag:s24] =	ssyncset.done $0x0  }
0x38: {  	[sflag:s24] =	ssyncadd.s32 $0xFFFFEC00  }
0x39: {  	[spmem:s19] =	stream.indirect.scatter.add.f32 [tilespmem:s12], [sflag:$0xA], $0x80, s0, s13, $0xb8;
	[tilespmem:$0x1F220] =	vst v63  }
0x3a: {  	_ =	swait.ge [sflag:s25], $0x1400  }
0x3b: {  	[sflag:s25] =	ssyncset.done $0x0  }
0x3c: {  	[sflag:s25] =	ssyncadd.s32 $0xFFFFEC00  }
0x3d: {  	_ =	swait.ge [sflag:s26], $0x1400  }
0x3e: {  	[sflag:s26] =	ssyncset.done $0x0  }
0x3f: {  	[sflag:s26] =	ssyncadd.s32 $0xFFFFEC00  }
0x40: {  	_ =	swait.ge [sflag:s28], $0x1400  }
0x41: {  	[sflag:s28] =	ssyncset.done $0x0  }
0x42: {  	[sflag:s28] =	ssyncadd.s32 $0xFFFFEC00  }
0x43: {  	_ =	swait.ge [sflag:s29], $0x1400  }
0x44: {  	[sflag:s29] =	ssyncset.done $0x0  }
0x45: {  	[sflag:s29] =	ssyncadd.s32 $0xFFFFEC00  }
0x46: {  	s5 =	stileid.u32;
	[bflag:$0x0] =	sbarrier.arrive $0xFFFF  }
0x47: {  	s0 =	sshll.u32 s5, $0x6;
	s2 =	rddreg [dreg:$0x1a]  }
0x48: {  	s0 =	sor.u32 $0x1C0B, s0;
	s16 =	rddreg [dreg:$0x4];
	s2 =	sshrl.u32 s2, $0x3  }
0x49: {  	[hbm:s16], [sflag:s0] =	dma.local [spmem:s2], $0x280  }
0x4a: {  	s2 =	rddreg [dreg:$0x1d]  }
0x4b: {  	s16 =	rddreg [dreg:$0x5];
	s2 =	sshrl.u32 s2, $0x3  }
0x4c: {  	[hbm:s16], [sflag:s0] =	dma.local [spmem:s2], $0x280  }
0x4d: {  	s2 =	rddreg [dreg:$0x1f]  }
0x4e: {  	s16 =	rddreg [dreg:$0x6];
	s2 =	sshrl.u32 s2, $0x3  }
0x4f: {  	[hbm:s16], [sflag:s0] =	dma.local [spmem:s2], $0x280  }
0x50: {  	s6 =	sshrl.u32 s6, $0x3;
	s16 =	rddreg [dreg:$0x7]  }
0x51: {  	[hbm:s16], [sflag:s0] =	dma.local [spmem:s6], $0x280  }
0x52: {  	s6 =	smov.u32 s7;
	s7 =	sshrl.u32 s7, $0x3;
	s16 =	rddreg [dreg:$0x8]  }
0x53: {  	[hbm:s16], [sflag:s0] =	dma.local [spmem:s7], $0x280  }
0x54: {  	s7 =	smov.u32 s8;
	s8 =	sshrl.u32 s8, $0x3;
	s16 =	rddreg [dreg:$0x9]  }
0x55: {  	[hbm:s16], [sflag:s0] =	dma.local [spmem:s8], $0x280  }
0x56: {  	s31 =	rddreg [dreg:$0x17]  }
0x57: {  	s16 =	rddreg [dreg:$0xa];
	s5 =	sshrl.u32 s31, $0x3  }
0x58: {  	[hbm:s16], [sflag:s0] =	dma.local [spmem:s5], $0x280  }
0x59: {  	s5 =	smov.u32 s10;
	s10 =	rddreg [dreg:$0x18]  }
0x5a: {  	s16 =	rddreg [dreg:$0xb];
	s8 =	sshrl.u32 s10, $0x3  }
0x5b: {  	[hbm:s16], [sflag:s0] =	dma.local [spmem:s8], $0x280  }
0x5c: {  	s8 =	sshrl.u32 s5, $0x3;
	s16 =	rddreg [dreg:$0xc]  }
0x5d: {  	[hbm:s16], [sflag:s0] =	dma.local [spmem:s8], $0x280  }
0x5e: {  	s3 =	sshrl.u32 s3, $0x3;
	s16 =	rddreg [dreg:$0xd]  }
0x5f: {  	[hbm:s16], [sflag:s0] =	dma.local [spmem:s3], $0x280  }
0x60: {  	s3 =	rddreg [dreg:$0x19]  }
0x61: {  	s16 =	rddreg [dreg:$0xe];
	s5 =	sshrl.u32 s3, $0x3  }
0x62: {  	[hbm:s16], [sflag:s0] =	dma.local [spmem:s5], $0x280  }
0x63: {  	s8 =	sshrl.u32 s30, $0x3;
	s16 =	rddreg [dreg:$0xf]  }
0x64: {  	[hbm:s16], [sflag:s0] =	dma.local [spmem:s8], $0x280  }
0x65: {  	s30 =	rddreg [dreg:$0x1b]  }
0x66: {  	s16 =	rddreg [dreg:$0x10];
	s5 =	sshrl.u32 s30, $0x3  }
0x67: {  	[hbm:s16], [sflag:s0] =	dma.local [spmem:s5], $0x280  }
0x68: {  	s5 =	smov.u32 s4;
	s4 =	rddreg [dreg:$0x1c]  }
0x69: {  	s16 =	rddreg [dreg:$0x11];
	s8 =	sshrl.u32 s4, $0x3  }
0x6a: {  	[hbm:s16], [sflag:s0] =	dma.local [spmem:s8], $0x280  }
0x6b: {  	s5 =	sshrl.u32 s5, $0x3;
	s16 =	rddreg [dreg:$0x12]  }
0x6c: {  	[hbm:s16], [sflag:s0] =	dma.local [spmem:s5], $0x280  }
0x6d: {  	s5 =	rddreg [dreg:$0x1e]  }
0x6e: {  	s16 =	rddreg [dreg:$0x13];
	s8 =	sshrl.u32 s5, $0x3  }
0x6f: {  	[hbm:s16], [sflag:s0] =	dma.local [spmem:s8], $0x280  }
0x70: {  	_ =	swait.ge [sflag:s18], $0x280  }
0x71: {  	[sflag:s18] =	ssyncset.done $0x0  }
0x72: {  	[sflag:s18] =	ssyncadd.s32 $0xFFFFFD80  }
0x73: {  	_ =	swait.ge [sflag:s18], $0x280  }
0x74: {  	[sflag:s18] =	ssyncset.done $0x0  }
0x75: {  	[sflag:s18] =	ssyncadd.s32 $0xFFFFFD80  }
0x76: {  	_ =	swait.ge [sflag:s18], $0x280  }
0x77: {  	[sflag:s18] =	ssyncset.done $0x0  }
0x78: {  	[sflag:s18] =	ssyncadd.s32 $0xFFFFFD80  }
0x79: {  	_ =	swait.ge [sflag:s18], $0x280  }
0x7a: {  	[sflag:s18] =	ssyncset.done $0x0  }
0x7b: {  	[sflag:s18] =	ssyncadd.s32 $0xFFFFFD80  }
0x7c: {  	_ =	swait.ge [sflag:s18], $0x280  }
0x7d: {  	[sflag:s18] =	ssyncset.done $0x0  }
0x7e: {  	[sflag:s18] =	ssyncadd.s32 $0xFFFFFD80  }
0x7f: {  	_ =	swait.ge [sflag:s18], $0x280  }
0x80: {  	[sflag:s18] =	ssyncset.done $0x0  }
0x81: {  	[sflag:s18] =	ssyncadd.s32 $0xFFFFFD80  }
0x82: {  	_ =	swait.ge [sflag:s18], $0x280  }
0x83: {  	[sflag:s18] =	ssyncset.done $0x0  }
0x84: {  	[sflag:s18] =	ssyncadd.s32 $0xFFFFFD80  }
0x85: {  	_ =	swait.ge [sflag:s18], $0x280  }
0x86: {  	[sflag:s18] =	ssyncset.done $0x0  }
0x87: {  	[sflag:s18] =	ssyncadd.s32 $0xFFFFFD80  }
0x88: {  	_ =	swait.ge [sflag:s18], $0x280  }
0x89: {  	[sflag:s18] =	ssyncset.done $0x0  }
0x8a: {  	[sflag:s18] =	ssyncadd.s32 $0xFFFFFD80  }
0x8b: {  	_ =	swait.ge [sflag:s18], $0x280  }
0x8c: {  	[sflag:s18] =	ssyncset.done $0x0  }
0x8d: {  	[sflag:s18] =	ssyncadd.s32 $0xFFFFFD80  }
0x8e: {  	_ =	swait.ge [sflag:s18], $0x280  }
0x8f: {  	[sflag:s18] =	ssyncset.done $0x0  }
0x90: {  	[sflag:s18] =	ssyncadd.s32 $0xFFFFFD80  }
0x91: {  	_ =	swait.ge [sflag:s18], $0x280  }
0x92: {  	[sflag:s18] =	ssyncset.done $0x0  }
0x93: {  	[sflag:s18] =	ssyncadd.s32 $0xFFFFFD80  }
0x94: {  	_ =	swait.ge [sflag:s18], $0x280  }
0x95: {  	[sflag:s18] =	ssyncset.done $0x0  }
0x96: {  	[sflag:s18] =	ssyncadd.s32 $0xFFFFFD80  }
0x97: {  	_ =	swait.ge [sflag:s18], $0x280  }
0x98: {  	[sflag:s18] =	ssyncset.done $0x0  }
0x99: {  	[sflag:s18] =	ssyncadd.s32 $0xFFFFFD80  }
0x9a: {  	_ =	swait.ge [sflag:s18], $0x280  }
0x9b: {  	[sflag:s18] =	ssyncset.done $0x0  }
0x9c: {  	[sflag:s18] =	ssyncadd.s32 $0xFFFFFD80  }
0x9d: {  	_ =	swait.ge [sflag:s18], $0x280  }
0x9e: {  	s8 =	sld [smem:$0x7F7]  }
0x9f: {  	s16 =	sld [smem:$0x7FD];
	_ =	sdelay $0x1  }
0xa0: {  	s2 =	sadd.s32 $0x1, s8  }
0xa1: {  	p0 =	sne.s32 s2, s16  }
.Ltmp1:
0xa2: {  	_ = 	snop;
	(pc) =	sbr.rel @!p0 .LBB2_5-.Ltmp1, $3  }
0xa3: {  	_ =	sdelay $0x1  }
0xa4: {  	[sflag:s18] =	ssyncset.done $0x0  }
0xa5: {  	[sflag:s18] =	ssyncadd.s32 $0xFFFFFD80  }
.LBB2_1:
0xa6: {  	s0 =	simm.s32 $0x0;
	s16 =	rddreg [dreg:$0x15]  }
0xa7: {  	[tilespmem:s0], [sflag:$0xC] =	stream.linear.gather [hbm4b:s16+s0], $0x2710, $0x38;
	[tilespmem:$0x1F220] =	vst v63  }
0xa8: {  	[smem:$0x7F7] =	sst s2;
	s16 =	simm.s32 $0xC  }
0xa9: {  	_ =	swait.ge [sflag:s16], $0x2710  }
0xaa: {  	s8 =	smov.u32 s7;
	s7 =	smov.u32 s6;
	[sflag:s16] =	ssyncset.done $0x0  }
0xab: {  	s6 =	simm.s32 $0x2710;
	s2 =	rddreg [dreg:$0x16];
	[sflag:s16] =	ssyncadd.s32 $0xFFFFD8F0  }
0xac: {  	[tilespmem:s6], [sflag:$0xC] =	stream.linear.gather [hbm4b:s2+s0], $0x2710, $0x38;
	[tilespmem:$0x1F220] =	vst v63  }
0xad: {  	_ =	swait.ge [sflag:s16], $0x2710  }
0xae: {  	[sflag:s16] =	ssyncset.done $0x0  }
0xaf: {  	s6 =	rddreg [dreg:$0x14];
	[sflag:s16] =	ssyncadd.s32 $0xFFFFD8F0  }
0xb0: {  	[tilespmem:s12], [sflag:$0xC] =	stream.linear.gather [hbm4b:s6+s0], $0x1400, $0x38;
	[tilespmem:$0x1F220] =	vst v63  }
0xb1: {  	_ =	swait.ge [sflag:s16], $0x1400  }
0xb2: {  	[sflag:s16] =	ssyncset.done $0x0;
	s2 =	rddreg [dreg:$0x1d]  }
0xb3: {  	[sflag:s16] =	ssyncadd.s32 $0xFFFFEC00;
	s16 =	rddreg [dreg:$0x1a]  }
0xb4: {  	[spmem:s16] =	stream.linear.scatter [tilespmem:s12], [sflag:$0xB], $0x1400, $0x38;
	[tilespmem:$0x1F220] =	vst v63  }
0xb5: {  	s6 =	rddreg [dreg:$0x1f]  }
0xb6: {  	[spmem:s2] =	stream.linear.scatter [tilespmem:s12], [sflag:$0xB], $0x1400, $0x38;
	[tilespmem:$0x1F220] =	vst v63  }
0xb7: {  	s2 =	sld [smem:$0x7F8]  }
0xb8: {  	[spmem:s6] =	stream.linear.scatter [tilespmem:s12], [sflag:$0xB], $0x1400, $0x38;
	[tilespmem:$0x1F220] =	vst v63  }
0xb9: {  	_ = 	snop  }
0xba: {  	[spmem:s2] =	stream.linear.scatter [tilespmem:s12], [sflag:$0xB], $0x1400, $0x38;
	[tilespmem:$0x1F220] =	vst v63  }
0xbb: {  	_ = 	snop  }
0xbc: {  	[spmem:s7] =	stream.linear.scatter [tilespmem:s12], [sflag:$0xB], $0x1400, $0x38;
	[tilespmem:$0x1F220] =	vst v63  }
0xbd: {  	_ = 	snop  }
0xbe: {  	[spmem:s8] =	stream.linear.scatter [tilespmem:s12], [sflag:$0xB], $0x1400, $0x38;
	[tilespmem:$0x1F220] =	vst v63  }
0xbf: {  	_ = 	snop  }
0xc0: {  	[spmem:s31] =	stream.linear.scatter [tilespmem:s12], [sflag:$0xB], $0x1400, $0x38;
	[tilespmem:$0x1F220] =	vst v63  }
0xc1: {  	_ = 	snop  }
0xc2: {  	[spmem:s10] =	stream.linear.scatter [tilespmem:s12], [sflag:$0xB], $0x1400, $0x38;
	[tilespmem:$0x1F220] =	vst v63  }
0xc3: {  	s10 =	sld [smem:$0x7F9];
	_ =	sdelay $0x1  }
0xc4: {  	s16 =	sld [smem:$0x7FA]  }
0xc5: {  	[spmem:s10] =	stream.linear.scatter [tilespmem:s12], [sflag:$0xB], $0x1400, $0x38;
	[tilespmem:$0x1F220] =	vst v63  }
0xc6: {  	_ = 	snop  }
0xc7: {  	[spmem:s16] =	stream.linear.scatter [tilespmem:s12], [sflag:$0xB], $0x1400, $0x38;
	[tilespmem:$0x1F220] =	vst v63  }
0xc8: {  	s6 =	smov.u32 s2;
	s2 =	sld [smem:$0x7FB]  }
0xc9: {  	[spmem:s3] =	stream.linear.scatter [tilespmem:s12], [sflag:$0xB], $0x1400, $0x38;
	[tilespmem:$0x1F220] =	vst v63  }
0xca: {  	_ = 	snop  }
0xcb: {  	[spmem:s2] =	stream.linear.scatter [tilespmem:s12], [sflag:$0xB], $0x1400, $0x38;
	[tilespmem:$0x1F220] =	vst v63  }
0xcc: {  	_ = 	snop  }
0xcd: {  	[spmem:s30] =	stream.linear.scatter [tilespmem:s12], [sflag:$0xB], $0x1400, $0x38;
	[tilespmem:$0x1F220] =	vst v63  }
0xce: {  	_ = 	snop  }
0xcf: {  	[spmem:s4] =	stream.linear.scatter [tilespmem:s12], [sflag:$0xB], $0x1400, $0x38;
	[tilespmem:$0x1F220] =	vst v63  }
0xd0: {  	s4 =	sld [smem:$0x7FC];
	_ =	sdelay $0x2  }
0xd1: {  	[spmem:s4] =	stream.linear.scatter [tilespmem:s12], [sflag:$0xB], $0x1400, $0x38;
	[tilespmem:$0x1F220] =	vst v63  }
0xd2: {  	_ = 	snop  }
0xd3: {  	[spmem:s5] =	stream.linear.scatter [tilespmem:s12], [sflag:$0xB], $0x1400, $0x38;
	[tilespmem:$0x1F220] =	vst v63  }
0xd4: {  	_ = 	snop  }
0xd5: {  	[tilespmem:s14], [sflag:$0x1] =	stream.indirect.gather [hbm4b:s17+s13], $0x80, s0, s13, $0xb8;
	[tilespmem:$0x1F220] =	vst v63  }
0xd6: {  	_ = 	snop  }
0xd7: {  	[tilespmem:s15], [sflag:$0x2] =	stream.indirect.gather [hbm4b:s17+s13], $0x80, s13, s13, $0xb8;
	[tilespmem:$0x1F220] =	vst v63  }
0xd8: {  	_ =	swait.ge [sflag:s18], $0x1400  }
0xd9: {  	[sflag:s18] =	ssyncset.done $0x0  }
0xda: {  	[sflag:s18] =	ssyncadd.s32 $0xFFFFEC00  }
0xdb: {  	_ =	swait.ge [sflag:s18], $0x1400  }
0xdc: {  	[sflag:s18] =	ssyncset.done $0x0  }
0xdd: {  	[sflag:s18] =	ssyncadd.s32 $0xFFFFEC00  }
0xde: {  	_ =	swait.ge [sflag:s18], $0x1400  }
0xdf: {  	[sflag:s18] =	ssyncset.done $0x0  }
0xe0: {  	[sflag:s18] =	ssyncadd.s32 $0xFFFFEC00  }
0xe1: {  	_ =	swait.ge [sflag:s18], $0x1400  }
0xe2: {  	[sflag:s18] =	ssyncset.done $0x0  }
0xe3: {  	[sflag:s18] =	ssyncadd.s32 $0xFFFFEC00  }
0xe4: {  	_ =	swait.ge [sflag:s18], $0x1400  }
0xe5: {  	[sflag:s18] =	ssyncset.done $0x0  }
0xe6: {  	[sflag:s18] =	ssyncadd.s32 $0xFFFFEC00  }
0xe7: {  	_ =	swait.ge [sflag:s18], $0x1400  }
0xe8: {  	[sflag:s18] =	ssyncset.done $0x0  }
0xe9: {  	[sflag:s18] =	ssyncadd.s32 $0xFFFFEC00  }
0xea: {  	_ =	swait.ge [sflag:s18], $0x1400  }
0xeb: {  	[sflag:s18] =	ssyncset.done $0x0  }
0xec: {  	[sflag:s18] =	ssyncadd.s32 $0xFFFFEC00  }
0xed: {  	_ =	swait.ge [sflag:s18], $0x1400  }
0xee: {  	[sflag:s18] =	ssyncset.done $0x0  }
0xef: {  	[sflag:s18] =	ssyncadd.s32 $0xFFFFEC00  }
0xf0: {  	_ =	swait.ge [sflag:s18], $0x1400  }
0xf1: {  	[sflag:s18] =	ssyncset.done $0x0  }
0xf2: {  	[sflag:s18] =	ssyncadd.s32 $0xFFFFEC00  }
0xf3: {  	_ =	swait.ge [sflag:s18], $0x1400  }
0xf4: {  	[sflag:s18] =	ssyncset.done $0x0  }
0xf5: {  	[sflag:s18] =	ssyncadd.s32 $0xFFFFEC00  }
0xf6: {  	_ =	swait.ge [sflag:s18], $0x1400  }
0xf7: {  	[sflag:s18] =	ssyncset.done $0x0  }
0xf8: {  	[sflag:s18] =	ssyncadd.s32 $0xFFFFEC00  }
0xf9: {  	_ =	swait.ge [sflag:s18], $0x1400  }
0xfa: {  	[sflag:s18] =	ssyncset.done $0x0  }
0xfb: {  	[sflag:s18] =	ssyncadd.s32 $0xFFFFEC00  }
0xfc: {  	_ =	swait.ge [sflag:s18], $0x1400  }
0xfd: {  	[sflag:s18] =	ssyncset.done $0x0  }
0xfe: {  	[sflag:s18] =	ssyncadd.s32 $0xFFFFEC00  }
0xff: {  	_ =	swait.ge [sflag:s18], $0x1400  }
0x100: {  	[sflag:s18] =	ssyncset.done $0x0  }
0x101: {  	[sflag:s18] =	ssyncadd.s32 $0xFFFFEC00  }
0x102: {  	_ =	swait.ge [sflag:s18], $0x1400  }
0x103: {  	[sflag:s18] =	ssyncset.done $0x0  }
0x104: {  	[sflag:s18] =	ssyncadd.s32 $0xFFFFEC00  }
0x105: {  	_ =	swait.ge [sflag:s18], $0x1400  }
0x106: {  	[sflag:s18] =	ssyncset.done $0x0  }
0x107: {  	[sflag:s18] =	ssyncadd.s32 $0xFFFFEC00  }
0x108: {  	[bflag:$0x0] =	sbarrier.arrive $0xFFFF  }
0x109: {  	_ =	swait.ge [sflag:s20], $0x1400  }
0x10a: {  	[sflag:s20] =	ssyncset.done $0x0  }
0x10b: {  	s3 =	simm.s32 $0x2710;
	[sflag:s20] =	ssyncadd.s32 $0xFFFFEC00  }
0x10c: {  	[spmem:s19] =	stream.indirect.scatter.add.f32 [tilespmem:s14], [sflag:$0x6], $0x80, s3, s13, $0xb8;
	[tilespmem:$0x1F220] =	vst v63  }
0x10d: {  	s5 =	simm.s32 $0x50  }
0x10e: {  	[tilespmem:s21], [sflag:$0x3] =	stream.indirect.gather [hbm4b:s17+s13], $0x80, s5, s13, $0xb8;
	[tilespmem:$0x1F220] =	vst v63  }
0x10f: {  	_ =	swait.ge [sflag:s22], $0x1400  }
0x110: {  	[sflag:s22] =	ssyncset.done $0x0  }
0x111: {  	s3 =	simm.s32 $0x2738;
	[sflag:s22] =	ssyncadd.s32 $0xFFFFEC00  }
0x112: {  	[spmem:s19] =	stream.indirect.scatter.add.f32 [tilespmem:s15], [sflag:$0x7], $0x80, s3, s13, $0xb8;
	[tilespmem:$0x1F220] =	vst v63  }
0x113: {  	s5 =	simm.s32 $0x78  }
0x114: {  	[tilespmem:s23], [sflag:$0x4] =	stream.indirect.gather [hbm4b:s17+s13], $0x80, s5, s13, $0xb8;
	[tilespmem:$0x1F220] =	vst v63  }
0x115: {  	_ =	swait.ge [sflag:s11], $0x1400  }
0x116: {  	[sflag:s11] =	ssyncset.done $0x0  }
0x117: {  	s3 =	simm.s32 $0x2760;
	[sflag:s11] =	ssyncadd.s32 $0xFFFFEC00  }
0x118: {  	[spmem:s19] =	stream.indirect.scatter.add.f32 [tilespmem:s21], [sflag:$0x8], $0x80, s3, s13, $0xb8;
	[tilespmem:$0x1F220] =	vst v63  }
0x119: {  	s5 =	simm.s32 $0xA0  }
0x11a: {  	[tilespmem:s12], [sflag:$0x5] =	stream.indirect.gather [hbm4b:s17+s13], $0x80, s5, s13, $0xb8;
	[tilespmem:$0x1F220] =	vst v63  }
0x11b: {  	_ =	swait.ge [sflag:s9], $0x1400  }
0x11c: {  	[sflag:s9] =	ssyncset.done $0x0  }
0x11d: {  	s3 =	simm.s32 $0x2788;
	[sflag:s9] =	ssyncadd.s32 $0xFFFFEC00  }
0x11e: {  	[spmem:s19] =	stream.indirect.scatter.add.f32 [tilespmem:s23], [sflag:$0x9], $0x80, s3, s13, $0xb8;
	[tilespmem:$0x1F220] =	vst v63  }
0x11f: {  	_ =	swait.ge [sflag:s1], $0x1400  }
0x120: {  	[sflag:s1] =	ssyncset.done $0x0  }
0x121: {  	s5 =	simm.s32 $0xC8;
	[sflag:s1] =	ssyncadd.s32 $0xFFFFEC00  }
0x122: {  	[tilespmem:s14], [sflag:$0x1] =	stream.indirect.gather [hbm4b:s17+s13], $0x80, s5, s13, $0xb8;
	[tilespmem:$0x1F220] =	vst v63  }
0x123: {  	_ =	swait.ge [sflag:s24], $0x1400  }
0x124: {  	[sflag:s24] =	ssyncset.done $0x0  }
0x125: {  	s3 =	simm.s32 $0x27B0;
	[sflag:s24] =	ssyncadd.s32 $0xFFFFEC00  }
0x126: {  	[spmem:s19] =	stream.indirect.scatter.add.f32 [tilespmem:s12], [sflag:$0xA], $0x80, s3, s13, $0xb8;
	[tilespmem:$0x1F220] =	vst v63  }
0x127: {  	_ =	swait.ge [sflag:s25], $0x1400  }
0x128: {  	s31 =	simm.s32 $0x0;
	s30 =	smov.u32 s2;
	[sflag:s25] =	ssyncset.done $0x0  }
0x129: {  	s5 =	simm.s32 $0xF0;
	s3 =	smov.u32 s16;
	[sflag:s25] =	ssyncadd.s32 $0xFFFFEC00  }
0x12a: {  	[tilespmem:s15], [sflag:$0x2] =	stream.indirect.gather [hbm4b:s17+s13], $0x80, s5, s13, $0xb8;
	[tilespmem:$0x1F220] =	vst v63  }
.LBB2_2:
0x12b: {  	_ =	swait.ge [sflag:s20], $0x1400  }
0x12c: {  	s16 =	sshra.s32 s31, $0x2;
	[sflag:s20] =	ssyncset.done $0x0  }
0x12d: {  	s0 =	sadd.s32 $0x27D8, s16;
	[sflag:s20] =	ssyncadd.s32 $0xFFFFEC00  }
0x12e: {  	[spmem:s19] =	stream.indirect.scatter.add.f32 [tilespmem:s14], [sflag:$0x6], $0x80, s0, s13, $0xb8;
	[tilespmem:$0x1F220] =	vst v63  }
0x12f: {  	_ =	swait.ge [sflag:s26], $0x1400  }
0x130: {  	[sflag:s26] =	ssyncset.done $0x0  }
0x131: {  	s2 =	sadd.s32 $0x118, s16;
	[sflag:s26] =	ssyncadd.s32 $0xFFFFEC00  }
0x132: {  	[tilespmem:s21], [sflag:$0x3] =	stream.indirect.gather [hbm4b:s17+s13], $0x80, s2, s13, $0xb8;
	[tilespmem:$0x1F220] =	vst v63  }
0x133: {  	_ =	swait.ge [sflag:s22], $0x1400  }
0x134: {  	[sflag:s22] =	ssyncset.done $0x0  }
0x135: {  	s5 =	sadd.s32 $0x2800, s16;
	[sflag:s22] =	ssyncadd.s32 $0xFFFFEC00  }
0x136: {  	[spmem:s19] =	stream.indirect.scatter.add.f32 [tilespmem:s15], [sflag:$0x7], $0x80, s5, s13, $0xb8;
	[tilespmem:$0x1F220] =	vst v63  }
0x137: {  	_ =	swait.ge [sflag:s28], $0x1400  }
0x138: {  	[sflag:s28] =	ssyncset.done $0x0  }
0x139: {  	s2 =	sadd.s32 $0x140, s16;
	[sflag:s28] =	ssyncadd.s32 $0xFFFFEC00  }
0x13a: {  	[tilespmem:s23], [sflag:$0x4] =	stream.indirect.gather [hbm4b:s17+s13], $0x80, s2, s13, $0xb8;
	[tilespmem:$0x1F220] =	vst v63  }
0x13b: {  	_ =	swait.ge [sflag:s11], $0x1400  }
0x13c: {  	[sflag:s11] =	ssyncset.done $0x0  }
0x13d: {  	s5 =	sadd.s32 $0x2828, s16;
	[sflag:s11] =	ssyncadd.s32 $0xFFFFEC00  }
0x13e: {  	[spmem:s19] =	stream.indirect.scatter.add.f32 [tilespmem:s21], [sflag:$0x8], $0x80, s5, s13, $0xb8;
	[tilespmem:$0x1F220] =	vst v63  }
0x13f: {  	_ =	swait.ge [sflag:s29], $0x1400  }
0x140: {  	[sflag:s29] =	ssyncset.done $0x0  }
0x141: {  	s2 =	sadd.s32 $0x168, s16;
	[sflag:s29] =	ssyncadd.s32 $0xFFFFEC00  }
0x142: {  	[tilespmem:s12], [sflag:$0x5] =	stream.indirect.gather [hbm4b:s17+s13], $0x80, s2, s13, $0xb8;
	[tilespmem:$0x1F220] =	vst v63  }
0x143: {  	_ =	swait.ge [sflag:s9], $0x1400  }
0x144: {  	p0 =	seq.s32 s31, $0x9600;
	[sflag:s9] =	ssyncset.done $0x0  }
.Ltmp2:
0x145: {  	s5 =	sadd.s32 $0x2850, s16;
	[sflag:s9] =	ssyncadd.s32 $0xFFFFEC00;
	(pc) =	sbr.rel @p0 .LBB2_4-.Ltmp2, $4  }
0x146: {  	[spmem:s19] =	stream.indirect.scatter.add.f32 [tilespmem:s23], [sflag:$0x9], $0x80, s5, s13, $0xb8;
	[tilespmem:$0x1F220] =	vst v63  }
0x147: {  	_ =	swait.ge [sflag:s1], $0x1400  }
0x148: {  	[sflag:s1] =	ssyncset.done $0x0  }
0x149: {  	s0 =	sadd.s32 $0x2878, s16;
	[sflag:s1] =	ssyncadd.s32 $0xFFFFEC00  }
0x14a: {  	s2 =	sadd.s32 $0x190, s16  }
0x14b: {  	[tilespmem:s14], [sflag:$0x1] =	stream.indirect.gather [hbm4b:s17+s13], $0x80, s2, s13, $0xb8;
	[tilespmem:$0x1F220] =	vst v63  }
0x14c: {  	_ =	swait.ge [sflag:s24], $0x1400  }
0x14d: {  	[sflag:s24] =	ssyncset.done $0x0  }
0x14e: {  	[sflag:s24] =	ssyncadd.s32 $0xFFFFEC00  }
0x14f: {  	[spmem:s19] =	stream.indirect.scatter.add.f32 [tilespmem:s12], [sflag:$0xA], $0x80, s0, s13, $0xb8;
	[tilespmem:$0x1F220] =	vst v63  }
.Ltmp3:
0x150: {  	_ = 	snop;
	(pc) =	sbr.rel .LBB2_2-.Ltmp3, $4  }
0x151: {  	_ =	swait.ge [sflag:s25], $0x1400  }
0x152: {  	[sflag:s25] =	ssyncset.done $0x0  }
0x153: {  	s16 =	sadd.s32 $0x1B8, s16;
	s31 =	sadd.s32 $0x320, s31;
	[sflag:s25] =	ssyncadd.s32 $0xFFFFEC00  }
0x154: {  	[tilespmem:s15], [sflag:$0x2] =	stream.indirect.gather [hbm4b:s17+s13], $0x80, s16, s13, $0xb8;
	[tilespmem:$0x1F220] =	vst v63  }
.LBB2_5:
0x155: {  	_ =	sfence.sel $0x180000  }
0x156: {  	[bflag:$0x0] =	sbarrier.arrive $0xFFFF  }
0x157: {  	_ =	strace $0x9000004D  }
0x158: {  	s0 =	stileid.u32;
	[bflag:$0x2] =	sbarrier.arrive $0xFFFF  }
0x159: {  	p0 =	sne.s32 s0, $0x0;
	s0 =	rddreg [dreg:$0x3]  }
0x15a: {  	s0 =	sadd.s32 @!p0 $0x100000, s0  }
0x15b: {  	[sflag:s0] =	ssyncadd.tile.s32 @!p0 $0x1;
	_ =	shalt  }
.Lfunc_end2:
_tile_overlayer_lowered:
.L_overlay_start_2:
0x15c: {  	(tag) =	ssettag $0x2  }
0x15d: {  	s0 =	rddreg [dreg:$0x0];
	s2 =	stileid.u32  }
0x15e: {  	s1 =	rddreg [dreg:$0x1];
	p0 =	sne.s32 s2, $0x0  }
0x15f: {  	s3 =	rddreg [dreg:$0x2];
	[bflag:$0x3] =	sbarrier.arrive $0xFFFF;
	s2 =	simm.s32 @!p0 $0x1C0C  }
0x160: {  	[timem:s3], [sflag:s2] =	dma.local @!p0 [hbm:s0], s1  }
0x161: {  	s0 =	simm.s32 @!p0 $0xC  }
0x162: {  	_ =	swait.ge @!p0 [sflag:s0], s1  }
0x163: {  	s1 =	ssub.s32 @!p0 $0x0, s1;
	[sflag:s0] =	ssyncset.done @!p0 $0x0  }
0x164: {  	[sflag:s0] =	ssyncadd.s32 @!p0 s1  }
0x165: {  	[bflag:$0x3] =	sbarrier.arrive $0xFFFF  }
0x166: {  	_ =	shalt  }

// kernel: kernel.8.cloned.1.call-start
scs
__scs_entry_jumppad:
0x0: {  	(pc) =	sbr.rel $0x88, $3  }
0x1: {  	(tag) =	ssettag $0x0;
	lr =	simm.s32 $0x1  }
0x2: {  	[smem:$0x3F9B] =	sst lr;
	_ =	strace $0xD0000000  }
0x3: {  	_ = 	snop  }
0x4: {  	_ = 	snop  }
0x5: {  	_ = 	snop  }
0x6: {  	_ = 	snop  }
0x7: {  	_ = 	snop  }
__scs_overlays_trampoline_lowered:
0x8: {  	[smem:$0x3FAA] =	sst s0  }
0x9: {  	[smem:$0x3FAB] =	sst s1  }
0xa: {  	[smem:$0x3FAC] =	sst s2  }
0xb: {  	[smem:$0x3FAD] =	sst s3  }
0xc: {  	[smem:$0x3FAE] =	sst s4  }
0xd: {  	[smem:$0x3FAF] =	sst s5  }
0xe: {  	[smem:$0x3FB0] =	sst s6  }
0xf: {  	[smem:$0x3FB1] =	sst s7  }
0x10: {  	[smem:$0x3FB2] =	sst s8  }
0x11: {  	[smem:$0x3FB3] =	sst s9;
	s0 =	simm.s32 @!p0 $0x0  }
0x12: {  	s1 =	sld [smem:$0x3F99];
	s0 =	simm.s32 @p0 $0x1  }
0x13: {  	[smem:$0x3FB4] =	sst s0;
	s0 =	simm.s32 @!p1 $0x0  }
0x14: {  	s2 =	sld [smem:$0x3F98];
	s0 =	simm.s32 @p1 $0x1  }
0x15: {  	[smem:$0x3FB5] =	sst s0;
	s0 =	simm.s32 @!p2 $0x0  }
0x16: {  	s3 =	sld [smem:$0x3FDB];
	s0 =	simm.s32 @p2 $0x1  }
0x17: {  	s4 =	simm.s32 $0x1BF5;
	[smem:$0x3FB7] =	sst s0  }
0x18: {  	s0 =	sld [smem:$0x3F9A];
	_ =	swait.ge [sflag:s4], $0x0  }
0x19: {  	s7 =	sld [smem:$0x3F9B]  }
0x1a: {  	s8 =	sadd.s32 $0xFFFFE003, lr  }
0x1b: {  	s9 =	sadd.s32 $0xFFFFFEF7, lr;
	s5 =	simm.s32 $0xFFFFFFFF;
	p2 =	slt.u32 s8, $0xFFFFF086  }
0x1c: {  	p1 =	slt.u32 s9, $0xF7A;
	s5 =	simm.s32 @!p2 $0x0  }
0x1d: {  	s5 =	simm.s32 @p1 $0x1;
	p0 =	seq.s32 s7, s2  }
0x1e: {  	s7 =	smul.u32 @!p0 $0xF7A, s2;
	p2 =	seq.s32 @!p0 s5, $0x0  }
0x1f: {  	s9 =	smul.u32 $0xF7A, s1;
	s8 =	simm.s32 @!p0 $0x1BF5;
	p2 =	por !p2, p0  }
0x20: {  	[sflag:s8] =	ssyncset.s32 @!p0 $0xFFFFF086;
	s6 =	sadd.s32 @!p0 s3, s7;
	s7 =	simm.s32 @!p0 $0x108  }
0x21: {  	s3 =	sadd.s32 s3, s9;
	s6 =	sadd.s32 @!p0 $0x88, s6;
	s7 =	simm.s32 @p2 $0x1082  }
0x22: {  	[simem:s7], [sflag:s8] =	dma.local @!p0 [hbm:s6], $0xF7A  }
0x23: {  	s9 =	sor.u32 $0xD0000000, s2;
	s6 =	simm.s32 $0x108;
	_ =	swait.ge @!p0 [sflag:s8], $0x0  }
0x24: {  	s3 =	sadd.s32 $0x88, s3;
	s6 =	simm.s32 @!p1 $0x1082;
	[sflag:s4] =	ssyncset.s32 $0xFFFFF086  }
0x25: {  	[simem:s6], [sflag:s4] =	dma.local [hbm:s3], $0xF7A  }
0x26: {  	[smem:$0x3F9B] =	sst s1;
	(tag) =	ssettag s2;
	_ =	strace s9  }
0x27: {  	s1 =	sld [smem:$0x3FAB]  }
0x28: {  	s2 =	sld [smem:$0x3FAC]  }
0x29: {  	s4 =	sld [smem:$0x3FAE]  }
0x2a: {  	p0 =	seq.s32 s5, $0x0;
	s5 =	sld [smem:$0x3FAF]  }
0x2b: {  	s6 =	sld [smem:$0x3FB0]  }
0x2c: {  	s7 =	sld [smem:$0x3FB1]  }
0x2d: {  	s3 =	simm.s32 $0x108;
	s8 =	sld [smem:$0x3FB2]  }
0x2e: {  	s3 =	simm.s32 @!p0 $0x1082;
	s9 =	sld [smem:$0x3FB3]  }
0x2f: {  	lr =	sadd.s32 s0, s3;
	s0 =	sld [smem:$0x3FAA]  }
0x30: {  	s3 =	sld [smem:$0x3FAD]  }
0x31: {  	[smem:$0x3FB6] =	sst s10  }
0x32: {  	s10 =	sld [smem:$0x3FB4];
	_ =	sdelay $0x3  }
0x33: {  	p0 =	seq.s32 s10, $0x1;
	s10 =	sld [smem:$0x3FB6];
	_ =	sdelay $0x3  }
0x34: {  	[smem:$0x3FB6] =	sst s10  }
0x35: {  	s10 =	sld [smem:$0x3FB5];
	_ =	sdelay $0x3  }
0x36: {  	p1 =	seq.s32 s10, $0x1;
	s10 =	sld [smem:$0x3FB6];
	_ =	sdelay $0x3  }
0x37: {  	[smem:$0x3FB6] =	sst s10  }
0x38: {  	s10 =	sld [smem:$0x3FB7]  }
0x39: {  	_ = 	snop;
	(pc) =	sbr.ind lr, $3  }
0x3a: {  	_ = 	snop  }
0x3b: {  	_ = 	snop  }
0x3c: {  	p2 =	seq.s32 s10, $0x1;
	s10 =	sld [smem:$0x3FB6]  }
0x3d: {  	_ =	shalt  }
0x3e: {  	_ =	shalt  }
0x3f: {  	_ =	shalt  }
0x40: {  	_ =	shalt  }
0x41: {  	_ =	shalt  }
0x42: {  	_ =	shalt  }
0x43: {  	_ =	shalt  }
0x44: {  	_ =	shalt  }
0x45: {  	_ =	shalt  }
0x46: {  	_ =	shalt  }
0x47: {  	_ =	shalt  }
0x48: {  	_ =	shalt  }
0x49: {  	_ =	shalt  }
0x4a: {  	_ =	shalt  }
0x4b: {  	_ =	shalt  }
0x4c: {  	_ =	shalt  }
0x4d: {  	_ =	shalt  }
0x4e: {  	_ =	shalt  }
0x4f: {  	_ =	shalt  }
0x50: {  	_ =	shalt  }
0x51: {  	_ =	shalt  }
0x52: {  	_ =	shalt  }
0x53: {  	_ =	shalt  }
0x54: {  	_ =	shalt  }
0x55: {  	_ =	shalt  }
0x56: {  	_ =	shalt  }
0x57: {  	_ =	shalt  }
0x58: {  	_ =	shalt  }
0x59: {  	_ =	shalt  }
0x5a: {  	_ =	shalt  }
0x5b: {  	_ =	shalt  }
0x5c: {  	_ =	shalt  }
0x5d: {  	_ =	shalt  }
0x5e: {  	_ =	shalt  }
0x5f: {  	_ =	shalt  }
0x60: {  	_ =	shalt  }
0x61: {  	_ =	shalt  }
0x62: {  	_ =	shalt  }
0x63: {  	_ =	shalt  }
0x64: {  	_ =	shalt  }
0x65: {  	_ =	shalt  }
0x66: {  	_ =	shalt  }
0x67: {  	_ =	shalt  }
0x68: {  	_ =	shalt  }
0x69: {  	_ =	shalt  }
0x6a: {  	_ =	shalt  }
0x6b: {  	_ =	shalt  }
0x6c: {  	_ =	shalt  }
0x6d: {  	_ =	shalt  }
0x6e: {  	_ =	shalt  }
0x6f: {  	_ =	shalt  }
0x70: {  	_ =	shalt  }
0x71: {  	_ =	shalt  }
0x72: {  	_ =	shalt  }
0x73: {  	_ =	shalt  }
0x74: {  	_ =	shalt  }
0x75: {  	_ =	shalt  }
0x76: {  	_ =	shalt  }
0x77: {  	_ =	shalt  }
0x78: {  	_ =	shalt  }
0x79: {  	_ =	shalt  }
0x7a: {  	_ =	shalt  }
0x7b: {  	_ =	shalt  }
0x7c: {  	_ =	shalt  }
0x7d: {  	_ =	shalt  }
0x7e: {  	_ =	shalt  }
0x7f: {  	_ =	shalt  }
0x80: {  	_ =	shalt  }
0x81: {  	_ =	shalt  }
0x82: {  	_ =	shalt  }
0x83: {  	_ =	shalt  }
0x84: {  	_ =	shalt  }
0x85: {  	_ =	shalt  }
0x86: {  	_ =	shalt  }
0x87: {  	_ =	shalt  }
.Lfunc_end0:
.L_simem_size_0:
called_computation_lowered:
.L_overlay_start_0:
0x88: {  	s2 =	sld [smem:$0x3FD9]  }
0x89: {  	s3 =	sld [smem:$0x3FFE];
	_ =	sdelay $0x1  }
0x8a: {  	s1 =	srdreg.scid  }
0x8b: {  	s0 =	sand.u32 $0x1, s1  }
0x8c: {  	s17 =	sshll.u32 s0, $0xA;
	s2 =	sadd.s32 s3, s2  }
0x8d: {  	s2 =	sadd.s32 s2, s17  }
0x8e: {  	[smem:$0x3FC2] =	sst s2  }
0x8f: {  	_ = 	snop  }
0x90: {  	s2 =	sld [smem:$0x3FD0];
	(tm) =	ssettm $0x1  }
0x91: {  	s18 =	sld [smem:$0x3FFB];
	_ =	sdelay $0x3  }
0x92: {  	_ =	strace s18  }
0x93: {  	s3 =	sld [smem:$0x3FFC];
	_ =	sdelay $0x3  }
0x94: {  	_ =	strace s3  }
0x95: {  	s3 =	sld [smem:$0x3FFD];
	_ =	sdelay $0x3  }
0x96: {  	_ =	strace s3  }
0x97: {  	_ =	strace $0x8FFFFFFF  }
0x98: {  	s19 =	sld [smem:$0x3FDB];
	_ =	sdelay $0x1  }
0x99: {  	s4 =	simm.s32 $_scs_section_size  }
0x9a: {  	s5 =	simm.s32 $_size__tile_overlayer_lowered;
	s6 =	simm.s32 $_tile_overlayer_lowered  }
0x9b: {  	s22 =	simm.s32 $0x1BFF;
	s21 =	sshll.u32 s6, $0x1;
	s3 =	sadd.s32 s4, s19  }
0x9c: {  	s7 =	simm.s32 $0x0;
	s20 =	sshll.u32 s5, $0x1;
	s5 =	sadd.s32 s21, s3  }
0x9d: {  	[timem:s7], [sflag:s22] =	dma.local [hbm:s5], s20  }
0x9e: {  	_ =	swait.ge [sflag:s22], s20  }
0x9f: {  	s4 =	ssub.s32 $0x0, s20;
	[sflag:s22] =	ssyncset.done $0x0  }
0xa0: {  	[sflag:s22] =	ssyncadd.s32 s4;
	_ =	sdelay $0x1  }
0xa1: {  	s23 =	simm.s32 $0x1B8B  }
0xa2: {  	_ =	swait.ge [sflag:s23], $0x1  }
0xa3: {  	[sflag:s23] =	ssyncset.done $0x0  }
0xa4: {  	s25 =	simm.s32 $0x1B8E;
	s24 =	sld [smem:$0x3FFE];
	[sflag:s23] =	ssyncadd.s32 $0xFFFFFFFF  }
0xa5: {  	s26 =	simm.s32 $execute0_lowered;
	[smem:$0x3FD2] =	sst s25  }
0xa6: {  	s5 =	sshll.u32 s26, $0x1;
	_ =	strace $0x80000046;
	[dreg:$0x1] =	wrdreg $0xFFFFFFFF  }
0xa7: {  	s28 =	simm.s32 $_size_execute0_lowered;
	s3 =	sadd.s32 s3, s5;
	[dreg:$0x0] =	wrdreg $0x0  }
0xa8: {  	s5 =	sshll.u32 s28, $0x1;
	[dreg:$0x2] =	wrdreg s3  }
0xa9: {  	[dreg:$0x3] =	wrdreg s5  }
0xaa: {  	[dreg:$0x4] =	wrdreg $0xC0  }
0xab: {  	_ =	task [dreg:s7], $0x5FFFF  }
0xac: {  	[dreg:$0x1] =	wrdreg $0xFFFFFFFF  }
0xad: {  	[dreg:$0x0] =	wrdreg $0x60  }
0xae: {  	[dreg:$0x2] =	wrdreg s24  }
0xaf: {  	[dreg:$0x3] =	wrdreg s2  }
0xb0: {  	[dreg:$0x4] =	wrdreg $0x64A00  }
0xb1: {  	[dreg:$0x5] =	wrdreg $0x9  }
0xb2: {  	_ =	task.clear_ibuf [dreg:s7], $0x6FFFF;
	_ =	strace $0x90000046  }
0xb3: {  	s29 =	simm.s32 $0x9;
	_ =	strace $0x80000048  }
0xb4: {  	_ =	swait.ge [sflag:s29], $0x1  }
0xb5: {  	[sflag:s29] =	ssyncadd.s32 $0xFFFFFFFF  }
0xb6: {  	_ =	strace $0x90000048  }
0xb7: {  	_ =	sfence  }
0xb8: {  	s30 =	sld [smem:$0x0];
	_ =	sdelay $0x2  }
0xb9: {  	s31 =	sshll.u32 s1, $0xD;
	s1 =	sshrl.u32 s1, $0x2  }
0xba: {  	s3 =	sand.u32 $0x4000, s31;
	s1 =	sadd.s32 s1, s30  }
0xbb: {  	s0 =	sor.u32 s3, s0;
	s1 =	sshll.u32 s1, $0x11  }
0xbc: {  	s0 =	sor.u32 s1, s0  }
0xbd: {  	s0 =	sadd.s32 $0x8F2B, s0  }
0xbe: {  	[sflag:s0] =	ssyncadd.remote.s32 $0x1  }
0xbf: {  	_ =	sfence.sel $0xFFFF  }
0xc0: {  	[dreg:$0x0] =	wrdreg $0xFFFFFFFF;
	(pc) =	sbr.abs _section_cstart, $3  }
0xc1: {  	[dreg:$0x1] =	wrdreg $0xFFFFFFFF  }
0xc2: {  	_ =	task.clear_ibuf [dreg:s7], $0x2FFFF;
	_ =	strace $0x9FFFFFFF  }
0xc3: {  	(tm) =	ssettm $0x7FFFFFFF  }
tec
execute0_lowered:
.L_overlay_start_1:
0x0: {  	(tag) =	ssettag $0x1  }
0x1: {  	s1 =	rddreg [dreg:$0x0]  }
0x2: {  	s0 =	srdreg.scid;
	s10 =	rddreg [dreg:$0x1]  }
0x3: {  	s5 =	stileid.u32;
	s2 =	rddreg [dreg:$0x2]  }
0x4: {  	s12 =	simm.s32 $0xB;
	s13 =	simm.s32 $0x2710;
	s14 =	simm.s32 $0x4E20  }
0x5: {  	s15 =	simm.s32 $0x4F60;
	s16 =	simm.s32 $0x50A0;
	s17 =	simm.s32 $0x28  }
0x6: {  	s24 =	simm.s32 $0x27B0;
	s25 =	simm.s32 $0x1;
	s26 =	simm.s32 $0x6  }
0x7: {  	s28 =	simm.s32 $0x2;
	s29 =	simm.s32 $0x7;
	s30 =	simm.s32 $0x3  }
0x8: {  	s31 =	simm.s32 $0x8;
	s18 =	simm.s32 $0x5;
	s19 =	simm.s32 $0xA  }
0x9: {  	s20 =	simm.s32 $0x0;
	s0 =	sand.u32 $0x1, s0;
	s9 =	smul.u32 $0x1400, s5  }
0xa: {  	s3 =	sshll.u32 s0, $0x4;
	s6 =	ssub.s32 $0x2, s0;
	s0 =	smul.u32 $0x14000, s0  }
0xb: {  	s4 =	sor.u32 s5, s3;
	s3 =	simm.s32 $0x0;
	s5 =	sadd.s32 $0x16400, s1  }
0xc: {  	s8 =	sshrl.u32 s6, $0x1;
	s4 =	smul.u32 $0x2710, s4;
	[smem:$0x7FF] =	sst s3  }
0xd: {  	s11 =	ssub.s32 s6, s8;
	s0 =	sadd.s32 s9, s0;
	s8 =	sadd.s32 $0x2828, s1  }
0xe: {  	s9 =	sadd.s32 s9, s2;
	_ =	strace $0x80000047;
	s0 =	sshrl.u32 s0, $0x3  }
0xf: {  	s11 =	smax.u32 s11, $0x1;
	s4 =	sshrl.u32 s4, $0x3;
	s10 =	sadd.s32 s10, s0  }
0x10: {  	s0 =	simm.s32 $0x9;
	s7 =	sadd.s32 s4, s1;
	s4 =	sadd.s32 $0x2800, s1  }
0x11: {  	s1 =	simm.s32 $0x4;
	s6 =	sadd.s32 $0x2A00, s7;
	s7 =	sadd.s32 $0xC640, s7  }
.LBB2_1:
0x12: {  	[tilespmem:s3], [sflag:$0xB] =	stream.linear.gather [hbm4b:s6+s3], $0x2710, $0x38;
	[tilespmem:$0x78A0] =	vst v63  }
0x13: {  	_ =	swait.ge [sflag:s12], $0x2710  }
0x14: {  	[sflag:s12] =	ssyncset.done $0x0  }
0x15: {  	[sflag:s12] =	ssyncadd.s32 $0xFFFFD8F0  }
0x16: {  	[tilespmem:s13], [sflag:$0xB] =	stream.linear.gather [hbm4b:s7+s3], $0x2710, $0x38;
	[tilespmem:$0x78A0] =	vst v63  }
0x17: {  	_ =	swait.ge [sflag:s12], $0x2710  }
0x18: {  	[sflag:s12] =	ssyncset.done $0x0  }
0x19: {  	[sflag:s12] =	ssyncadd.s32 $0xFFFFD8F0  }
0x1a: {  	[tilespmem:s14], [sflag:$0xB] =	stream.linear.gather [hbm4b:s4+s3], $0x140, $0x38;
	[tilespmem:$0x78A0] =	vst v63  }
0x1b: {  	_ =	swait.ge [sflag:s12], $0x140  }
0x1c: {  	[sflag:s12] =	ssyncset.done $0x0  }
0x1d: {  	[sflag:s12] =	ssyncadd.s32 $0xFFFFFEC0  }
0x1e: {  	[tilespmem:s15], [sflag:$0xB] =	stream.linear.gather [hbm4b:s8+s3], $0x140, $0x38;
	[tilespmem:$0x78A0] =	vst v63  }
0x1f: {  	_ =	swait.ge [sflag:s12], $0x140  }
0x20: {  	[sflag:s12] =	ssyncset.done $0x0  }
0x21: {  	[sflag:s12] =	ssyncadd.s32 $0xFFFFFEC0  }
0x22: {  	[tilespmem:s16], [sflag:$0xB] =	stream.linear.gather [hbm4b:s5+s3], $0x1400, $0x38;
	[tilespmem:$0x78A0] =	vst v63  }
0x23: {  	_ =	swait.ge [sflag:s12], $0x1400  }
0x24: {  	[sflag:s12] =	ssyncset.done $0x0  }
0x25: {  	[sflag:s12] =	ssyncadd.s32 $0xFFFFEC00  }
0x26: {  	[spmem:s9] =	stream.linear.scatter [tilespmem:s16], [sflag:$0xB], $0x1400, $0x38;
	[tilespmem:$0x78A0] =	vst v63  }
0x27: {  	_ =	swait.ge [sflag:s12], $0x1400  }
0x28: {  	[sflag:s12] =	ssyncset.done $0x0  }
0x29: {  	[sflag:s12] =	ssyncadd.s32 $0xFFFFEC00  }
0x2a: {  	[bflag:$0x0] =	sbarrier.arrive $0xFFFF  }
0x2b: {  	[spmem:s2] =	stream.indirect.scatter.add.f32 [tilespmem:s14], [sflag:$0x1], $0x8, s3, s17, $0xb8;
	[tilespmem:$0x78A0] =	vst v63  }
0x2c: {  	_ = 	snop  }
0x2d: {  	[spmem:s2] =	stream.indirect.scatter.add.f32 [tilespmem:s15], [sflag:$0x6], $0x8, s13, s17, $0xb8;
	[tilespmem:$0x78A0] =	vst v63  }
0x2e: {  	_ = 	snop  }
0x2f: {  	[spmem:s2] =	stream.indirect.scatter.add.f32 [tilespmem:s14], [sflag:$0x2], $0x8, s17, s17, $0xb8;
	[tilespmem:$0x78A0] =	vst v63  }
0x30: {  	s21 =	simm.s32 $0x2738  }
0x31: {  	[spmem:s2] =	stream.indirect.scatter.add.f32 [tilespmem:s15], [sflag:$0x7], $0x8, s21, s17, $0xb8;
	[tilespmem:$0x78A0] =	vst v63  }
0x32: {  	s22 =	simm.s32 $0x50  }
0x33: {  	[spmem:s2] =	stream.indirect.scatter.add.f32 [tilespmem:s14], [sflag:$0x3], $0x8, s22, s17, $0xb8;
	[tilespmem:$0x78A0] =	vst v63  }
0x34: {  	s23 =	simm.s32 $0x2760  }
0x35: {  	[spmem:s2] =	stream.indirect.scatter.add.f32 [tilespmem:s15], [sflag:$0x8], $0x8, s23, s17, $0xb8;
	[tilespmem:$0x78A0] =	vst v63  }
0x36: {  	s22 =	simm.s32 $0x78  }
0x37: {  	[spmem:s2] =	stream.indirect.scatter.add.f32 [tilespmem:s14], [sflag:$0x4], $0x8, s22, s17, $0xb8;
	[tilespmem:$0x78A0] =	vst v63  }
0x38: {  	s23 =	simm.s32 $0x2788  }
0x39: {  	[spmem:s2] =	stream.indirect.scatter.add.f32 [tilespmem:s15], [sflag:$0x9], $0x8, s23, s17, $0xb8;
	[tilespmem:$0x78A0] =	vst v63  }
0x3a: {  	s22 =	simm.s32 $0xA0  }
0x3b: {  	[spmem:s2] =	stream.indirect.scatter.add.f32 [tilespmem:s14], [sflag:$0x5], $0x8, s22, s17, $0xb8;
	[tilespmem:$0x78A0] =	vst v63  }
0x3c: {  	_ = 	snop  }
0x3d: {  	[spmem:s2] =	stream.indirect.scatter.add.f32 [tilespmem:s15], [sflag:$0xA], $0x8, s24, s17, $0xb8;
	[tilespmem:$0x78A0] =	vst v63  }
0x3e: {  	_ =	swait.ge [sflag:s25], $0x140  }
0x3f: {  	[sflag:s25] =	ssyncset.done $0x0  }
0x40: {  	[sflag:s25] =	ssyncadd.s32 $0xFFFFFEC0  }
0x41: {  	_ =	swait.ge [sflag:s26], $0x140  }
0x42: {  	[sflag:s26] =	ssyncset.done $0x0  }
0x43: {  	s23 =	simm.s32 $0xC8;
	[sflag:s26] =	ssyncadd.s32 $0xFFFFFEC0  }
0x44: {  	[spmem:s2] =	stream.indirect.scatter.add.f32 [tilespmem:s14], [sflag:$0x1], $0x8, s23, s17, $0xb8;
	[tilespmem:$0x78A0] =	vst v63  }
0x45: {  	s22 =	simm.s32 $0x27D8  }
0x46: {  	[spmem:s2] =	stream.indirect.scatter.add.f32 [tilespmem:s15], [sflag:$0x6], $0x8, s22, s17, $0xb8;
	[tilespmem:$0x78A0] =	vst v63  }
0x47: {  	_ =	swait.ge [sflag:s28], $0x140  }
0x48: {  	[sflag:s28] =	ssyncset.done $0x0  }
0x49: {  	[sflag:s28] =	ssyncadd.s32 $0xFFFFFEC0  }
0x4a: {  	_ =	swait.ge [sflag:s29], $0x140  }
0x4b: {  	[sflag:s29] =	ssyncset.done $0x0  }
0x4c: {  	s23 =	simm.s32 $0xF0;
	[sflag:s29] =	ssyncadd.s32 $0xFFFFFEC0  }
0x4d: {  	[spmem:s2] =	stream.indirect.scatter.add.f32 [tilespmem:s14], [sflag:$0x2], $0x8, s23, s17, $0xb8;
	[tilespmem:$0x78A0] =	vst v63  }
0x4e: {  	s22 =	simm.s32 $0x2800  }
0x4f: {  	[spmem:s2] =	stream.indirect.scatter.add.f32 [tilespmem:s15], [sflag:$0x7], $0x8, s22, s17, $0xb8;
	[tilespmem:$0x78A0] =	vst v63  }
0x50: {  	_ =	swait.ge [sflag:s30], $0x140  }
0x51: {  	[sflag:s30] =	ssyncset.done $0x0  }
0x52: {  	[sflag:s30] =	ssyncadd.s32 $0xFFFFFEC0  }
0x53: {  	_ =	swait.ge [sflag:s31], $0x140  }
0x54: {  	[sflag:s31] =	ssyncset.done $0x0  }
0x55: {  	s23 =	simm.s32 $0x118;
	[sflag:s31] =	ssyncadd.s32 $0xFFFFFEC0  }
0x56: {  	[spmem:s2] =	stream.indirect.scatter.add.f32 [tilespmem:s14], [sflag:$0x3], $0x8, s23, s17, $0xb8;
	[tilespmem:$0x78A0] =	vst v63  }
0x57: {  	s22 =	simm.s32 $0x2828  }
0x58: {  	[spmem:s2] =	stream.indirect.scatter.add.f32 [tilespmem:s15], [sflag:$0x8], $0x8, s22, s17, $0xb8;
	[tilespmem:$0x78A0] =	vst v63  }
0x59: {  	_ =	swait.ge [sflag:s1], $0x140  }
0x5a: {  	[sflag:s1] =	ssyncset.done $0x0  }
0x5b: {  	[sflag:s1] =	ssyncadd.s32 $0xFFFFFEC0  }
0x5c: {  	_ =	swait.ge [sflag:s0], $0x140  }
0x5d: {  	[sflag:s0] =	ssyncset.done $0x0  }
0x5e: {  	s23 =	simm.s32 $0x140;
	[sflag:s0] =	ssyncadd.s32 $0xFFFFFEC0  }
0x5f: {  	[spmem:s2] =	stream.indirect.scatter.add.f32 [tilespmem:s14], [sflag:$0x4], $0x8, s23, s17, $0xb8;
	[tilespmem:$0x78A0] =	vst v63  }
0x60: {  	s22 =	simm.s32 $0x2850  }
0x61: {  	[spmem:s2] =	stream.indirect.scatter.add.f32 [tilespmem:s15], [sflag:$0x9], $0x8, s22, s17, $0xb8;
	[tilespmem:$0x78A0] =	vst v63  }
0x62: {  	_ =	swait.ge [sflag:s18], $0x140  }
0x63: {  	[sflag:s18] =	ssyncset.done $0x0  }
0x64: {  	[sflag:s18] =	ssyncadd.s32 $0xFFFFFEC0  }
0x65: {  	_ =	swait.ge [sflag:s19], $0x140  }
0x66: {  	s21 =	simm.s32 $0x320;
	[sflag:s19] =	ssyncset.done $0x0  }
0x67: {  	s23 =	simm.s32 $0x168;
	s22 =	simm.s32 $0x2878;
	[sflag:s19] =	ssyncadd.s32 $0xFFFFFEC0  }
0x68: {  	[spmem:s2] =	stream.indirect.scatter.add.f32 [tilespmem:s14], [sflag:$0x5], $0x8, s23, s17, $0xb8;
	[tilespmem:$0x78A0] =	vst v63  }
.LBB2_2:
0x69: {  	[spmem:s2] =	stream.indirect.scatter.add.f32 [tilespmem:s15], [sflag:$0xA], $0x8, s22, s17, $0xb8;
	[tilespmem:$0x78A0] =	vst v63  }
0x6a: {  	s22 =	smov.u32 s21  }
0x6b: {  	p0 =	sne.s32 s21, $0x9600;
	s21 =	sadd.s32 $0x320, s21;
	_ =	swait.ge [sflag:s25], $0x140  }
0x6c: {  	[sflag:s25] =	ssyncset.done $0x0  }
0x6d: {  	[sflag:s25] =	ssyncadd.s32 $0xFFFFFEC0  }
0x6e: {  	_ =	swait.ge [sflag:s26], $0x140  }
0x6f: {  	s22 =	sshra.s32 s22, $0x2;
	[sflag:s26] =	ssyncset.done $0x0  }
0x70: {  	s23 =	sadd.s32 $0xC8, s22;
	[sflag:s26] =	ssyncadd.s32 $0xFFFFFEC0  }
0x71: {  	[spmem:s2] =	stream.indirect.scatter.add.f32 [tilespmem:s14], [sflag:$0x1], $0x8, s23, s17, $0xb8;
	[tilespmem:$0x78A0] =	vst v63  }
0x72: {  	s23 =	sadd.s32 $0x27D8, s22  }
0x73: {  	[spmem:s2] =	stream.indirect.scatter.add.f32 [tilespmem:s15], [sflag:$0x6], $0x8, s23, s17, $0xb8;
	[tilespmem:$0x78A0] =	vst v63  }
0x74: {  	_ =	swait.ge [sflag:s28], $0x140  }
0x75: {  	[sflag:s28] =	ssyncset.done $0x0  }
0x76: {  	[sflag:s28] =	ssyncadd.s32 $0xFFFFFEC0  }
0x77: {  	_ =	swait.ge [sflag:s29], $0x140  }
0x78: {  	[sflag:s29] =	ssyncset.done $0x0  }
0x79: {  	s23 =	sadd.s32 $0xF0, s22;
	[sflag:s29] =	ssyncadd.s32 $0xFFFFFEC0  }
0x7a: {  	[spmem:s2] =	stream.indirect.scatter.add.f32 [tilespmem:s14], [sflag:$0x2], $0x8, s23, s17, $0xb8;
	[tilespmem:$0x78A0] =	vst v63  }
0x7b: {  	s23 =	sadd.s32 $0x2800, s22  }
0x7c: {  	[spmem:s2] =	stream.indirect.scatter.add.f32 [tilespmem:s15], [sflag:$0x7], $0x8, s23, s17, $0xb8;
	[tilespmem:$0x78A0] =	vst v63  }
0x7d: {  	_ =	swait.ge [sflag:s30], $0x140  }
0x7e: {  	[sflag:s30] =	ssyncset.done $0x0  }
0x7f: {  	[sflag:s30] =	ssyncadd.s32 $0xFFFFFEC0  }
0x80: {  	_ =	swait.ge [sflag:s31], $0x140  }
0x81: {  	[sflag:s31] =	ssyncset.done $0x0  }
0x82: {  	s23 =	sadd.s32 $0x118, s22;
	[sflag:s31] =	ssyncadd.s32 $0xFFFFFEC0  }
0x83: {  	[spmem:s2] =	stream.indirect.scatter.add.f32 [tilespmem:s14], [sflag:$0x3], $0x8, s23, s17, $0xb8;
	[tilespmem:$0x78A0] =	vst v63  }
0x84: {  	s23 =	sadd.s32 $0x2828, s22  }
0x85: {  	[spmem:s2] =	stream.indirect.scatter.add.f32 [tilespmem:s15], [sflag:$0x8], $0x8, s23, s17, $0xb8;
	[tilespmem:$0x78A0] =	vst v63  }
0x86: {  	_ =	swait.ge [sflag:s1], $0x140  }
0x87: {  	[sflag:s1] =	ssyncset.done $0x0  }
0x88: {  	[sflag:s1] =	ssyncadd.s32 $0xFFFFFEC0  }
0x89: {  	_ =	swait.ge [sflag:s0], $0x140  }
0x8a: {  	[sflag:s0] =	ssyncset.done $0x0  }
0x8b: {  	s23 =	sadd.s32 $0x140, s22;
	[sflag:s0] =	ssyncadd.s32 $0xFFFFFEC0  }
0x8c: {  	[spmem:s2] =	stream.indirect.scatter.add.f32 [tilespmem:s14], [sflag:$0x4], $0x8, s23, s17, $0xb8;
	[tilespmem:$0x78A0] =	vst v63  }
0x8d: {  	s23 =	sadd.s32 $0x2850, s22  }
0x8e: {  	[spmem:s2] =	stream.indirect.scatter.add.f32 [tilespmem:s15], [sflag:$0x9], $0x8, s23, s17, $0xb8;
	[tilespmem:$0x78A0] =	vst v63  }
0x8f: {  	_ =	swait.ge [sflag:s18], $0x140  }
0x90: {  	[sflag:s18] =	ssyncset.done $0x0  }
0x91: {  	[sflag:s18] =	ssyncadd.s32 $0xFFFFFEC0  }
.Ltmp0:
0x92: {  	_ =	swait.ge [sflag:s19], $0x140;
	(pc) =	sbr.rel @p0 .LBB2_2-.Ltmp0, $4  }
0x93: {  	[sflag:s19] =	ssyncset.done $0x0  }
0x94: {  	s23 =	sadd.s32 $0x168, s22;
	[sflag:s19] =	ssyncadd.s32 $0xFFFFFEC0  }
0x95: {  	[spmem:s2] =	stream.indirect.scatter.add.f32 [tilespmem:s14], [sflag:$0x5], $0x8, s23, s17, $0xb8;
	[tilespmem:$0x78A0] =	vst v63  }
0x96: {  	s22 =	sadd.s32 $0x2878, s22  }
0x97: {  	[spmem:s2] =	stream.indirect.scatter.add.f32 [tilespmem:s15], [sflag:$0xA], $0x8, s22, s17, $0xb8;
	[tilespmem:$0x78A0] =	vst v63  }
0x98: {  	_ =	swait.ge [sflag:s25], $0x140  }
0x99: {  	[sflag:s25] =	ssyncset.done $0x0  }
0x9a: {  	[sflag:s25] =	ssyncadd.s32 $0xFFFFFEC0  }
0x9b: {  	_ =	swait.ge [sflag:s26], $0x140  }
0x9c: {  	[sflag:s26] =	ssyncset.done $0x0  }
0x9d: {  	[sflag:s26] =	ssyncadd.s32 $0xFFFFFEC0  }
0x9e: {  	_ =	swait.ge [sflag:s28], $0x140  }
0x9f: {  	[sflag:s28] =	ssyncset.done $0x0  }
0xa0: {  	[sflag:s28] =	ssyncadd.s32 $0xFFFFFEC0  }
0xa1: {  	_ =	swait.ge [sflag:s29], $0x140  }
0xa2: {  	[sflag:s29] =	ssyncset.done $0x0  }
0xa3: {  	[sflag:s29] =	ssyncadd.s32 $0xFFFFFEC0  }
0xa4: {  	_ =	swait.ge [sflag:s30], $0x140  }
0xa5: {  	[sflag:s30] =	ssyncset.done $0x0  }
0xa6: {  	[sflag:s30] =	ssyncadd.s32 $0xFFFFFEC0  }
0xa7: {  	_ =	swait.ge [sflag:s31], $0x140  }
0xa8: {  	[sflag:s31] =	ssyncset.done $0x0  }
0xa9: {  	[sflag:s31] =	ssyncadd.s32 $0xFFFFFEC0  }
0xaa: {  	_ =	swait.ge [sflag:s1], $0x140  }
0xab: {  	[sflag:s1] =	ssyncset.done $0x0  }
0xac: {  	[sflag:s1] =	ssyncadd.s32 $0xFFFFFEC0  }
0xad: {  	_ =	swait.ge [sflag:s0], $0x140  }
0xae: {  	[sflag:s0] =	ssyncset.done $0x0  }
0xaf: {  	[sflag:s0] =	ssyncadd.s32 $0xFFFFFEC0  }
0xb0: {  	_ =	swait.ge [sflag:s18], $0x140  }
0xb1: {  	[sflag:s18] =	ssyncset.done $0x0  }
0xb2: {  	[sflag:s18] =	ssyncadd.s32 $0xFFFFFEC0  }
0xb3: {  	_ =	swait.ge [sflag:s19], $0x140  }
0xb4: {  	[sflag:s19] =	ssyncset.done $0x0  }
0xb5: {  	[sflag:s19] =	ssyncadd.s32 $0xFFFFFEC0  }
0xb6: {  	[bflag:$0x0] =	sbarrier.arrive $0xFFFF  }
0xb7: {  	[tilespmem:s16], [sflag:$0xB] =	stream.linear.gather [spmem:s9], $0x1400, $0x38;
	[tilespmem:$0x78A0] =	vst v63  }
0xb8: {  	s20 =	sadd.s32 $0x1, s20;
	_ =	swait.ge [sflag:s12], $0x1400  }
0xb9: {  	p0 =	sne.s32 s20, s11;
	[sflag:s12] =	ssyncset.done $0x0  }
.Ltmp1:
0xba: {  	[sflag:s12] =	ssyncadd.s32 $0xFFFFEC00;
	(pc) =	sbr.rel @p0 .LBB2_1-.Ltmp1, $4  }
0xbb: {  	[hbm4b:s10+s3] =	stream.linear.scatter [tilespmem:s16], [sflag:$0xB], $0x1400, $0x38;
	[tilespmem:$0x78A0] =	vst v63  }
0xbc: {  	_ =	swait.ge [sflag:s12], $0x1400  }
0xbd: {  	[sflag:s12] =	ssyncset.done $0x0  }
0xbe: {  	[sflag:s12] =	ssyncadd.s32 $0xFFFFEC00  }
0xbf: {  	_ =	sfence.sel $0x180000  }
0xc0: {  	[bflag:$0x0] =	sbarrier.arrive $0xFFFF  }
0xc1: {  	_ =	strace $0x90000047  }
0xc2: {  	s0 =	stileid.u32;
	[bflag:$0x2] =	sbarrier.arrive $0xFFFF  }
0xc3: {  	p0 =	sne.s32 s0, $0x0;
	s0 =	rddreg [dreg:$0x3]  }
0xc4: {  	s0 =	sadd.s32 @!p0 $0x100000, s0  }
0xc5: {  	[sflag:s0] =	ssyncadd.tile.s32 @!p0 $0x1;
	_ =	shalt  }
.Lfunc_end2:
_tile_overlayer_lowered:
.L_overlay_start_2:
0xc6: {  	(tag) =	ssettag $0x2  }
0xc7: {  	s0 =	rddreg [dreg:$0x0];
	s2 =	stileid.u32  }
0xc8: {  	s1 =	rddreg [dreg:$0x1];
	p0 =	sne.s32 s2, $0x0  }
0xc9: {  	s3 =	rddreg [dreg:$0x2];
	[bflag:$0x3] =	sbarrier.arrive $0xFFFF;
	s2 =	simm.s32 @!p0 $0x1C0B  }
0xca: {  	[timem:s3], [sflag:s2] =	dma.local @!p0 [hbm:s0], s1  }
0xcb: {  	s0 =	simm.s32 @!p0 $0xB  }
0xcc: {  	_ =	swait.ge @!p0 [sflag:s0], s1  }
0xcd: {  	s1 =	ssub.s32 @!p0 $0x0, s1;
	[sflag:s0] =	ssyncset.done @!p0 $0x0  }
0xce: {  	[sflag:s0] =	ssyncadd.s32 @!p0 s1  }
0xcf: {  	[bflag:$0x3] =	sbarrier.arrive $0xFFFF  }
0xd0: {  	_ =	shalt  }

</sc_bundles>
